<compile_context>
chip_gen: v7x
topology: tpu7x:2x2x1
jax: 0.10.2.dev20260603
libtpu: 0.0.44.dev20260713+nightly
codegen_flags: <defaults>
</compile_context>

<pallas_src>
import functools

import jax
import jax.numpy as jnp
from jax import lax
from jax.experimental import pallas as pl
from jax.experimental.pallas import tpu as pltpu
from jax.experimental.pallas import tpu_sc as plsc

N_NODES = 10000
N_EDGES = 320000
D_IN = 128
D_HID = 128
D_OUT = 64
N_GRAPHS = 64

NC = 2
NS = 16
L = 16
NW = NC * NS
N_PAD = 10240
NODES_PER_W = N_PAD // NW
SEGE = 3200
NSEG = N_EDGES // SEGE
NGRP = SEGE // L
CAP = 3200
NCHUNK = D_HID // L
BLKE = 128


def _proj_body(x_ref, wl_ref, wr_ref, xl_ref, xr_ref):
    x = x_ref[...]
    xl_ref[...] = jnp.dot(x, wl_ref[...], preferred_element_type=jnp.float32)
    xr_ref[...] = jnp.dot(x, wr_ref[...], preferred_element_type=jnp.float32)


_proj = pl.pallas_call(
    _proj_body,
    out_shape=(
        jax.ShapeDtypeStruct((N_NODES, D_HID), jnp.float32),
        jax.ShapeDtypeStruct((N_NODES, D_HID), jnp.float32),
    ),
)


def _edge_body(xl_hbm, xr_hbm, src_hbm, dst_hbm, att_hbm,
               num_out, den_out,
               segs, segd, csrc, cdst, sidx, didx, xlr, xr_l,
               accb, wb, attv, num_l, den_l, sem1, sem2):
    cid = lax.axis_index("c")
    sid = lax.axis_index("s")
    wid = sid * NC + cid
    lo = wid * NODES_PER_W
    zf = jnp.zeros((L,), jnp.float32)
    zi = jnp.zeros((L,), jnp.int32)
    iota = lax.iota(jnp.int32, L)

    def znum_body(i, c0):
        num_l[pl.ds(i * L, L)] = zf
        return c0

    lax.fori_loop(0, NODES_PER_W * NCHUNK, znum_body, 0)

    def zden_body(i, c0):
        den_l[pl.ds(i * L, L)] = zf
        return c0

    lax.fori_loop(0, NODES_PER_W // L, zden_body, 0)

    def zidx_body(i, c0):
        csrc[pl.ds(i * L, L)] = zi
        cdst[pl.ds(i * L, L)] = zi
        return c0

    lax.fori_loop(0, CAP // L, zidx_body, 0)
    pltpu.sync_copy(att_hbm, attv)
    pltpu.sync_copy(xr_hbm.at[pl.ds(lo, NODES_PER_W)], xr_l)

    att_chunks = [attv[pl.ds(c * L, L)] for c in range(NCHUNK)]

    def seg_body(s, carry):
        e0 = s * SEGE
        pltpu.sync_copy(src_hbm.at[pl.ds(e0, SEGE)], segs)
        pltpu.sync_copy(dst_hbm.at[pl.ds(e0, SEGE)], segd)

        def scan_body(g, cnt):
            d16 = segd[pl.ds(g * L, L)]
            s16 = segs[pl.ds(g * L, L)]
            dl = d16 - lo
            mask = (dl >= 0) & (dl < NODES_PER_W)
            ones = jnp.where(mask, 1, 0)
            csum = plsc.cumsum(ones)
            pos = (zi + cnt) + csum - ones
            plsc.store_scatter(csrc, [pos], s16, mask=mask)
            plsc.store_scatter(cdst, [pos], d16, mask=mask)
            return cnt + lax.reduce_max(csum, (0,))

        cnt = lax.fori_loop(0, NGRP, scan_body, 0)

        def blk_body(b, c0):
            for k in range(BLKE // L):
                sidx[pl.ds(k * L, L)] = csrc[pl.ds(b * BLKE + k * L, L)]
                didx[pl.ds(k * L, L)] = jnp.clip(
                    cdst[pl.ds(b * BLKE + k * L, L)] - lo, 0,
                    NODES_PER_W - 1)
            d1 = pltpu.async_copy(xl_hbm.at[sidx], xlr, sem1)
            d1.wait()

            def score_body(i, c1):
                dn16 = plsc.load_gather(didx, [zi + i])
                acc = zf
                for c in range(NCHUNK):
                    rv = plsc.load_gather(xr_l, [dn16, c * L + iota])
                    sv = xlr[i, pl.ds(c * L, L)] + rv
                    acc = acc + att_chunks[c] * jnp.maximum(sv, 0.2 * sv)
                accb[i, :] = acc
                return c1

            lax.fori_loop(0, BLKE, score_body, 0)

            for g in range(BLKE // L):
                rows = g * L + iota
                e16 = zf
                for c in range(L):
                    e16 = e16 + plsc.load_gather(accb, [rows, zi + c])
                u = e16 * (1.0 / 64.0)
                p = 1.0 + u * (1.0 + u * (0.5 + u * (
                    (1.0 / 6.0) + u * ((1.0 / 24.0) + u * (1.0 / 120.0)))))
                for _sq in range(6):
                    p = p * p
                valid = (b * BLKE + rows) < cnt
                wb[pl.ds(g * L, L)] = jnp.where(valid, p, 0.0)

            def acc_body(i, c1):
                wbc = plsc.load_gather(wb, [zi + i])
                dn16 = plsc.load_gather(didx, [zi + i])
                plsc.addupdate_scatter(den_l, [dn16], wbc, mask=iota == 0)
                dbase = dn16 * D_HID
                for c in range(NCHUNK):
                    chunk = wbc * xlr[i, pl.ds(c * L, L)]
                    plsc.addupdate_scatter(num_l, [dbase + c * L + iota],
                                           chunk)
                return c1

            lax.fori_loop(0, BLKE, acc_body, 0)
            return c0

        nblk = (cnt + (BLKE - 1)) // BLKE
        lax.fori_loop(0, nblk, blk_body, 0)
        return carry

    lax.fori_loop(0, NSEG, seg_body, 0)

    pltpu.sync_copy(num_l, num_out.at[pl.ds(lo * D_HID, NODES_PER_W * D_HID)])
    pltpu.sync_copy(den_l, den_out.at[pl.ds(lo, NODES_PER_W)])


_edge_kernel = functools.partial(
    pl.kernel,
    out_type=(
        jax.ShapeDtypeStruct((N_PAD * D_HID,), jnp.float32),
        jax.ShapeDtypeStruct((N_PAD,), jnp.float32),
    ),
    mesh=plsc.VectorSubcoreMesh(core_axis_name="c", subcore_axis_name="s"),
    compiler_params=pltpu.CompilerParams(needs_layout_passes=False),
    scratch_types=[
        pltpu.VMEM((SEGE,), jnp.int32),
        pltpu.VMEM((SEGE,), jnp.int32),
        pltpu.VMEM((CAP,), jnp.int32),
        pltpu.VMEM((CAP,), jnp.int32),
        pltpu.VMEM((BLKE,), jnp.int32),
        pltpu.VMEM((BLKE,), jnp.int32),
        pltpu.VMEM((BLKE, D_HID), jnp.float32),
        pltpu.VMEM((NODES_PER_W, D_HID), jnp.float32),
        pltpu.VMEM((BLKE, L), jnp.float32),
        pltpu.VMEM((BLKE,), jnp.float32),
        pltpu.VMEM((D_HID,), jnp.float32),
        pltpu.VMEM((NODES_PER_W * D_HID,), jnp.float32),
        pltpu.VMEM((NODES_PER_W,), jnp.float32),
        pltpu.SemaphoreType.DMA,
        pltpu.SemaphoreType.DMA,
    ],
)(_edge_body)


def _final_body(num_ref, den_ref, batch_ref, bconv_ref, fcw_ref, fcb_ref,
                out_ref):
    num = num_ref[:N_NODES]
    den = den_ref[:N_NODES]
    out = num / (den + 1e-16) + bconv_ref[...]
    gids = lax.broadcasted_iota(jnp.int32, (N_GRAPHS, N_NODES), 0)
    m = (batch_ref[...] == gids).astype(jnp.float32)
    sums = jnp.dot(m, out, preferred_element_type=jnp.float32)
    counts = jnp.dot(m, jnp.ones((N_NODES, 1), jnp.float32),
                     preferred_element_type=jnp.float32)
    pooled = sums / jnp.maximum(counts, 1.0)
    h = jnp.where(pooled > 0, pooled, 0.01 * pooled)
    out_ref[...] = (jnp.dot(h, fcw_ref[...], preferred_element_type=jnp.float32)
                    + fcb_ref[...])


_final = pl.pallas_call(
    _final_body,
    out_shape=jax.ShapeDtypeStruct((N_GRAPHS, D_OUT), jnp.float32),
)


def kernel(x, edge_index, batch, add_features, W_l, W_r, att, b_conv, fc_W,
           fc_b):
    xl, xr = _proj(x, W_l, W_r)
    xr_pad = jnp.concatenate(
        [xr, jnp.zeros((N_PAD - N_NODES, D_HID), jnp.float32)])
    src = edge_index[0].astype(jnp.int32)
    dst = edge_index[1].astype(jnp.int32)
    numf, denf = _edge_kernel(xl, xr_pad, src, dst, att)
    num2 = numf.reshape(N_PAD, D_HID)
    den2 = denf.reshape(N_PAD, 1)
    batch_row = batch.astype(jnp.int32).reshape(1, N_NODES)
    return _final(num2, den2, batch_row, b_conv.reshape(1, D_HID), fc_W,
                  fc_b.reshape(1, D_OUT))

# --- scband reference (transcript-rebuilt; emitter-appended) ---
"""Pipeline reference for scband-gatmodel-50946902065603 (READ-ONLY COPY).

The authoritative reference and input builder live on the scoring server;
editing this copy changes nothing except your own understanding.
"""

import jax, jax.numpy as jnp
import numpy as np

N_NODES = 10000
N_EDGES = 320000
D_IN = 128
D_HID = 128
D_OUT = 64
N_GRAPHS = 64


def setup_inputs(seed: int = 0) -> dict:
    key = jax.random.key(seed)
    ks = jax.random.split(key, 10)
    x = jax.random.normal(ks[0], (N_NODES, D_IN), dtype=jnp.float32)
    edge_index = jax.random.randint(ks[1], (2, N_EDGES), 0, N_NODES, dtype=jnp.int64)
    batch = jnp.sort(jax.random.randint(ks[2], (N_NODES,), 0, N_GRAPHS, dtype=jnp.int64))
    add_features = jax.random.normal(ks[3], (N_GRAPHS, 16), dtype=jnp.float32)
    # GATv2Conv params (single head, concat): lin_l, lin_r, att, bias
    s_l = 1.0 / np.sqrt(D_IN)
    W_l = jax.random.uniform(ks[4], (D_IN, D_HID), minval=-s_l, maxval=s_l, dtype=jnp.float32)
    W_r = jax.random.uniform(ks[5], (D_IN, D_HID), minval=-s_l, maxval=s_l, dtype=jnp.float32)
    att = jax.random.uniform(ks[6], (D_HID,), minval=-s_l, maxval=s_l, dtype=jnp.float32)
    b_conv = jnp.zeros((D_HID,), dtype=jnp.float32)
    s_f = 1.0 / np.sqrt(D_HID)
    fc_W = jax.random.uniform(ks[7], (D_HID, D_OUT), minval=-s_f, maxval=s_f, dtype=jnp.float32)
    fc_b = jax.random.uniform(ks[8], (D_OUT,), minval=-s_f, maxval=s_f, dtype=jnp.float32)
    return {"x": x, "edge_index": edge_index, "batch": batch, "add_features": add_features,
            "W_l": W_l, "W_r": W_r, "att": att, "b_conv": b_conv, "fc_W": fc_W, "fc_b": fc_b}


def reference(x, edge_index, batch, add_features, W_l, W_r, att, b_conv, fc_W, fc_b):
    # GATv2Conv (heads=1, concat), eval mode (dropout = identity)
    src = edge_index[0]
    dst = edge_index[1]
    xl = x @ W_l  # source transform
    xr = x @ W_r  # target transform
    m = xl[src] + xr[dst]                       # [E, D_HID]
    m_act = jnp.where(m > 0, m, 0.2 * m)        # leaky_relu slope 0.2 (GATv2 default)
    e = m_act @ att                             # [E]
    # softmax over incoming edges per destination node
    emax = jax.ops.segment_max(e, dst, num_segments=N_NODES)
    e_exp = jnp.exp(e - emax[dst])
    denom = jax.ops.segment_sum(e_exp, dst, num_segments=N_NODES)
    alpha = e_exp / (denom[dst] + 1e-16)
    out = jax.ops.segment_sum(alpha[:, None] * xl[src], dst, num_segments=N_NODES) + b_conv
    # global mean pool over graph batch vector
    sums = jax.ops.segment_sum(out, batch, num_segments=N_GRAPHS)
    counts = jax.ops.segment_sum(jnp.ones((N_NODES,), dtype=out.dtype), batch, num_segments=N_GRAPHS)
    pooled = sums / jnp.maximum(counts, 1.0)[:, None]
    h = jnp.where(pooled > 0, pooled, 0.01 * pooled)  # F.leaky_relu default slope 0.01
    # dropout (eval) -> identity; final linear
    return h @ fc_W + fc_b

if __name__ == "__main__":
    import jax
    _d = setup_inputs()
    print(jax.jit(kernel)(*tuple(_d.values())))

</pallas_src>

<mosaic_0001>
#map = affine_map<(d0, d1) -> (0, 0)>
#map1 = affine_map<(d0, d1) -> (0)>
module attributes {stable_mosaic.version = 14 : i64} {
  func.func @_edge_body(%arg0: i32, %arg1: i32, %arg2: memref<10000x128xf32, #tpu.memory_space<hbm>>, %arg3: memref<10240x128xf32, #tpu.memory_space<hbm>>, %arg4: memref<320000xi32, #tpu.memory_space<hbm>>, %arg5: memref<320000xi32, #tpu.memory_space<hbm>>, %arg6: memref<128xf32, #tpu.memory_space<hbm>>, %arg7: memref<1310720xf32, #tpu.memory_space<hbm>>, %arg8: memref<10240xf32, #tpu.memory_space<hbm>>, %arg9: memref<3200xi32, #tpu.memory_space<vmem>>, %arg10: memref<3200xi32, #tpu.memory_space<vmem>>, %arg11: memref<3200xi32, #tpu.memory_space<vmem>>, %arg12: memref<3200xi32, #tpu.memory_space<vmem>>, %arg13: memref<128xi32, #tpu.memory_space<vmem>>, %arg14: memref<128xi32, #tpu.memory_space<vmem>>, %arg15: memref<128x128xf32, #tpu.memory_space<vmem>>, %arg16: memref<320x128xf32, #tpu.memory_space<vmem>>, %arg17: memref<128x16xf32, #tpu.memory_space<vmem>>, %arg18: memref<128xf32, #tpu.memory_space<vmem>>, %arg19: memref<128xf32, #tpu.memory_space<vmem>>, %arg20: memref<40960xf32, #tpu.memory_space<vmem>>, %arg21: memref<320xf32, #tpu.memory_space<vmem>>, %arg22: memref<!tpu.dma_semaphore, #tpu.memory_space<semaphore_mem>>, %arg23: memref<!tpu.dma_semaphore, #tpu.memory_space<semaphore_mem>>) attributes {dimension_semantics = [#tpu.dimension_semantics<core_parallel>, #tpu.dimension_semantics<subcore_parallel>], iteration_bounds = array<i64: 2, 16>, scalar_prefetch = 0 : i64, scratch_operands = 15 : i64, tpu.core_type = #tpu.core_type<sc_vector_subcore>, window_params = [{transform_indices = #map}, {transform_indices = #map}, {transform_indices = #map1}, {transform_indices = #map1}, {transform_indices = #map1}, {transform_indices = #map1}, {transform_indices = #map1}]} {
    %mul3A = arith.constant 2 : i32
    %mul3A_0 = arith.muli %arg1, %mul3A : i32
    %add3A = arith.addi %mul3A_0, %arg0 : i32
    %mul3A_1 = arith.constant 320 : i32
    %mul3A_2 = arith.muli %add3A, %mul3A_1 : i32
    %broadcast_in_dim3A = arith.constant 0.000000e+00 : f32
    %broadcast_in_dim3A_3 = vector.broadcast %broadcast_in_dim3A : f32 to vector<16xf32>
    %broadcast_in_dim3A_4 = arith.constant 0 : i32
    %broadcast_in_dim3A_5 = vector.broadcast %broadcast_in_dim3A_4 : i32 to vector<16xi32>
    %iota3A = tpu.iota {dimensions = array<i32: 0>} : vector<16xi32>
    %scan3A = arith.constant 0 : i32
    %scan3A_6 = arith.constant 0 : i32
    %scan3A_7 = arith.constant 2560 : i32
    %scan3A_8 = arith.addi %scan3A_6, %scan3A_7 : i32
    %scan3A_9 = arith.constant 1 : i32
    scf.for %scan3A_46 = %scan3A_6 to %scan3A_8 step %scan3A_9  : i32 {
      %mul3A_47 = arith.constant 16 : i32
      %mul3A_48 = arith.muli %scan3A_46, %mul3A_47 : i32
      %swap3A = arith.index_cast %mul3A_48 : i32 to index
      %swap3A_49 = tpu.vector_load %arg20[%swap3A] {strides = array<i32>} : memref<40960xf32, #tpu.memory_space<vmem>>, vector<16xf32>,
      tpu.vector_store %arg20[%swap3A], %broadcast_in_dim3A_3 {strides = array<i32>} : memref<40960xf32, #tpu.memory_space<vmem>>, vector<16xf32>,
    }
    %scan3A_10 = arith.constant 2560 : i32
    %scan3A_11 = arith.constant 0 : i32
    %scan3A_12 = arith.constant 0 : i32
    %scan3A_13 = arith.constant 20 : i32
    %scan3A_14 = arith.addi %scan3A_12, %scan3A_13 : i32
    %scan3A_15 = arith.constant 1 : i32
    scf.for %scan3A_46 = %scan3A_12 to %scan3A_14 step %scan3A_15  : i32 {
      %mul3A_47 = arith.constant 16 : i32
      %mul3A_48 = arith.muli %scan3A_46, %mul3A_47 : i32
      %swap3A = arith.index_cast %mul3A_48 : i32 to index
      %swap3A_49 = tpu.vector_load %arg21[%swap3A] {strides = array<i32>} : memref<320xf32, #tpu.memory_space<vmem>>, vector<16xf32>,
      tpu.vector_store %arg21[%swap3A], %broadcast_in_dim3A_3 {strides = array<i32>} : memref<320xf32, #tpu.memory_space<vmem>>, vector<16xf32>,
    }
    %scan3A_16 = arith.constant 20 : i32
    %scan3A_17 = arith.constant 0 : i32
    %scan3A_18 = arith.constant 0 : i32
    %scan3A_19 = arith.constant 200 : i32
    %scan3A_20 = arith.addi %scan3A_18, %scan3A_19 : i32
    %scan3A_21 = arith.constant 1 : i32
    scf.for %scan3A_46 = %scan3A_18 to %scan3A_20 step %scan3A_21  : i32 {
      %mul3A_47 = arith.constant 16 : i32
      %mul3A_48 = arith.muli %scan3A_46, %mul3A_47 : i32
      %swap3A = arith.index_cast %mul3A_48 : i32 to index
      %swap3A_49 = tpu.vector_load %arg11[%swap3A] {strides = array<i32>} : memref<3200xi32, #tpu.memory_space<vmem>>, vector<16xi32>,
      tpu.vector_store %arg11[%swap3A], %broadcast_in_dim3A_5 {strides = array<i32>} : memref<3200xi32, #tpu.memory_space<vmem>>, vector<16xi32>,
      %mul3A_50 = arith.constant 16 : i32
      %mul3A_51 = arith.muli %scan3A_46, %mul3A_50 : i32
      %swap3A_52 = arith.index_cast %mul3A_51 : i32 to index
      %swap3A_53 = tpu.vector_load %arg12[%swap3A_52] {strides = array<i32>} : memref<3200xi32, #tpu.memory_space<vmem>>, vector<16xi32>,
      tpu.vector_store %arg12[%swap3A_52], %broadcast_in_dim3A_5 {strides = array<i32>} : memref<3200xi32, #tpu.memory_space<vmem>>, vector<16xi32>,
    }
    %scan3A_22 = arith.constant 200 : i32
    "tpu.region"() ({
      %run_scoped3A = tpu.sem_alloc : memref<!tpu.dma_semaphore, #tpu.memory_space<semaphore_mem>>
      tpu.enqueue_dma source(%arg6 : memref<128xf32, #tpu.memory_space<hbm>>) target(%arg19 : memref<128xf32, #tpu.memory_space<vmem>>) target_semaphore(%run_scoped3A : memref<!tpu.dma_semaphore, #tpu.memory_space<semaphore_mem>>)
      tpu.wait_dma2 semaphore(%run_scoped3A : memref<!tpu.dma_semaphore, #tpu.memory_space<semaphore_mem>>) src(%arg6 : memref<128xf32, #tpu.memory_space<hbm>>) dst(%arg19 : memref<128xf32, #tpu.memory_space<vmem>>)
      tpu.yield
    }) : () -> ()
    "tpu.region"() ({
      %run_scoped3A = tpu.sem_alloc : memref<!tpu.dma_semaphore, #tpu.memory_space<semaphore_mem>>
      %dma_start3A = arith.constant 0 : i32
      %dma_start3A_46 = tpu.memref_slice %arg3[%mul3A_2, %dma_start3A] : memref<10240x128xf32, #tpu.memory_space<hbm>> -> memref<320x128xf32, #tpu.memory_space<hbm>>
      %dma_start3A_47 = arith.constant 0 : i32
      %dma_start3A_48 = tpu.memref_slice %arg3[%mul3A_2, %dma_start3A_47] : memref<10240x128xf32, #tpu.memory_space<hbm>> -> memref<320x128xf32, #tpu.memory_space<hbm>>
      tpu.enqueue_dma source(%dma_start3A_48 : memref<320x128xf32, #tpu.memory_space<hbm>>) target(%arg16 : memref<320x128xf32, #tpu.memory_space<vmem>>) target_semaphore(%run_scoped3A : memref<!tpu.dma_semaphore, #tpu.memory_space<semaphore_mem>>)
      %dma_wait3A = arith.constant 0 : i32
      %dma_wait3A_49 = tpu.memref_slice %arg3[%mul3A_2, %dma_wait3A] : memref<10240x128xf32, #tpu.memory_space<hbm>> -> memref<320x128xf32, #tpu.memory_space<hbm>>
      %dma_wait3A_50 = arith.constant 0 : i32
      %dma_wait3A_51 = tpu.memref_slice %arg3[%mul3A_2, %dma_wait3A_50] : memref<10240x128xf32, #tpu.memory_space<hbm>> -> memref<320x128xf32, #tpu.memory_space<hbm>>
      tpu.wait_dma2 semaphore(%run_scoped3A : memref<!tpu.dma_semaphore, #tpu.memory_space<semaphore_mem>>) src(%dma_wait3A_51 : memref<320x128xf32, #tpu.memory_space<hbm>>) dst(%arg16 : memref<320x128xf32, #tpu.memory_space<vmem>>)
      tpu.yield
    }) : () -> ()
    %get3A = arith.constant 0 : index
    %get3A_23 = tpu.vector_load %arg19[%get3A] {strides = array<i32>} : memref<128xf32, #tpu.memory_space<vmem>>, vector<16xf32>,
    %get3A_24 = arith.constant 16 : index
    %get3A_25 = tpu.vector_load %arg19[%get3A_24] {strides = array<i32>} : memref<128xf32, #tpu.memory_space<vmem>>, vector<16xf32>,
    %get3A_26 = arith.constant 32 : index
    %get3A_27 = tpu.vector_load %arg19[%get3A_26] {strides = array<i32>} : memref<128xf32, #tpu.memory_space<vmem>>, vector<16xf32>,
    %get3A_28 = arith.constant 48 : index
    %get3A_29 = tpu.vector_load %arg19[%get3A_28] {strides = array<i32>} : memref<128xf32, #tpu.memory_space<vmem>>, vector<16xf32>,
    %get3A_30 = arith.constant 64 : index
    %get3A_31 = tpu.vector_load %arg19[%get3A_30] {strides = array<i32>} : memref<128xf32, #tpu.memory_space<vmem>>, vector<16xf32>,
    %get3A_32 = arith.constant 80 : index
    %get3A_33 = tpu.vector_load %arg19[%get3A_32] {strides = array<i32>} : memref<128xf32, #tpu.memory_space<vmem>>, vector<16xf32>,
    %get3A_34 = arith.constant 96 : index
    %get3A_35 = tpu.vector_load %arg19[%get3A_34] {strides = array<i32>} : memref<128xf32, #tpu.memory_space<vmem>>, vector<16xf32>,
    %get3A_36 = arith.constant 112 : index
    %get3A_37 = tpu.vector_load %arg19[%get3A_36] {strides = array<i32>} : memref<128xf32, #tpu.memory_space<vmem>>, vector<16xf32>,
    %scan3A_38 = arith.constant 0 : i32
    %scan3A_39 = arith.constant 0 : i32
    %scan3A_40 = arith.constant 100 : i32
    %scan3A_41 = arith.addi %scan3A_39, %scan3A_40 : i32
    %scan3A_42 = arith.constant 1 : i32
    scf.for %scan3A_46 = %scan3A_39 to %scan3A_41 step %scan3A_42  : i32 {
      %mul3A_47 = arith.constant 3200 : i32
      %mul3A_48 = arith.muli %scan3A_46, %mul3A_47 : i32
      "tpu.region"() ({
        %run_scoped3A = tpu.sem_alloc : memref<!tpu.dma_semaphore, #tpu.memory_space<semaphore_mem>>
        %dma_start3A = tpu.memref_slice %arg4[%mul3A_48] : memref<320000xi32, #tpu.memory_space<hbm>> -> memref<3200xi32, #tpu.memory_space<hbm>>
        %dma_start3A_83 = tpu.memref_slice %arg4[%mul3A_48] : memref<320000xi32, #tpu.memory_space<hbm>> -> memref<3200xi32, #tpu.memory_space<hbm>>
        tpu.enqueue_dma source(%dma_start3A_83 : memref<3200xi32, #tpu.memory_space<hbm>>) target(%arg9 : memref<3200xi32, #tpu.memory_space<vmem>>) target_semaphore(%run_scoped3A : memref<!tpu.dma_semaphore, #tpu.memory_space<semaphore_mem>>)
        %dma_wait3A = tpu.memref_slice %arg4[%mul3A_48] : memref<320000xi32, #tpu.memory_space<hbm>> -> memref<3200xi32, #tpu.memory_space<hbm>>
        %dma_wait3A_84 = tpu.memref_slice %arg4[%mul3A_48] : memref<320000xi32, #tpu.memory_space<hbm>> -> memref<3200xi32, #tpu.memory_space<hbm>>
        tpu.wait_dma2 semaphore(%run_scoped3A : memref<!tpu.dma_semaphore, #tpu.memory_space<semaphore_mem>>) src(%dma_wait3A_84 : memref<3200xi32, #tpu.memory_space<hbm>>) dst(%arg9 : memref<3200xi32, #tpu.memory_space<vmem>>)
        tpu.yield
      }) : () -> ()
      "tpu.region"() ({
        %run_scoped3A = tpu.sem_alloc : memref<!tpu.dma_semaphore, #tpu.memory_space<semaphore_mem>>
        %dma_start3A = tpu.memref_slice %arg5[%mul3A_48] : memref<320000xi32, #tpu.memory_space<hbm>> -> memref<3200xi32, #tpu.memory_space<hbm>>
        %dma_start3A_83 = tpu.memref_slice %arg5[%mul3A_48] : memref<320000xi32, #tpu.memory_space<hbm>> -> memref<3200xi32, #tpu.memory_space<hbm>>
        tpu.enqueue_dma source(%dma_start3A_83 : memref<3200xi32, #tpu.memory_space<hbm>>) target(%arg10 : memref<3200xi32, #tpu.memory_space<vmem>>) target_semaphore(%run_scoped3A : memref<!tpu.dma_semaphore, #tpu.memory_space<semaphore_mem>>)
        %dma_wait3A = tpu.memref_slice %arg5[%mul3A_48] : memref<320000xi32, #tpu.memory_space<hbm>> -> memref<3200xi32, #tpu.memory_space<hbm>>
        %dma_wait3A_84 = tpu.memref_slice %arg5[%mul3A_48] : memref<320000xi32, #tpu.memory_space<hbm>> -> memref<3200xi32, #tpu.memory_space<hbm>>
        tpu.wait_dma2 semaphore(%run_scoped3A : memref<!tpu.dma_semaphore, #tpu.memory_space<semaphore_mem>>) src(%dma_wait3A_84 : memref<3200xi32, #tpu.memory_space<hbm>>) dst(%arg10 : memref<3200xi32, #tpu.memory_space<vmem>>)
        tpu.yield
      }) : () -> ()
      %scan3A_49 = arith.constant 0 : i32
      %scan3A_50 = arith.constant 0 : i32
      %scan3A_51 = arith.constant 200 : i32
      %scan3A_52 = arith.addi %scan3A_50, %scan3A_51 : i32
      %scan3A_53 = arith.constant 1 : i32
      %scan3A_54 = scf.for %scan3A_83 = %scan3A_50 to %scan3A_52 step %scan3A_53 iter_args(%scan3A_84 = %scan3A_49) -> (i32)  : i32 {
        %mul3A_85 = arith.constant 16 : i32
        %mul3A_86 = arith.muli %scan3A_83, %mul3A_85 : i32
        %get3A_87 = arith.index_cast %mul3A_86 : i32 to index
        %get3A_88 = tpu.vector_load %arg10[%get3A_87] {strides = array<i32>} : memref<3200xi32, #tpu.memory_space<vmem>>, vector<16xi32>,
        %mul3A_89 = arith.constant 16 : i32
        %mul3A_90 = arith.muli %scan3A_83, %mul3A_89 : i32
        %get3A_91 = arith.index_cast %mul3A_90 : i32 to index
        %get3A_92 = tpu.vector_load %arg9[%get3A_91] {strides = array<i32>} : memref<3200xi32, #tpu.memory_space<vmem>>, vector<16xi32>,
        %sub3A_93 = vector.broadcast %mul3A_2 : i32 to vector<16xi32>
        %sub3A_94 = arith.subi %get3A_88, %sub3A_93 : vector<16xi32>
        %ge3A = arith.constant 0 : i32
        %ge3A_95 = vector.broadcast %ge3A : i32 to vector<16xi32>
        %ge3A_96 = arith.cmpi sge, %sub3A_94, %ge3A_95 : vector<16xi32>
        %lt3A = arith.constant 320 : i32
        %lt3A_97 = vector.broadcast %lt3A : i32 to vector<16xi32>
        %lt3A_98 = arith.cmpi slt, %sub3A_94, %lt3A_97 : vector<16xi32>
        %and3A_99 = arith.andi %ge3A_96, %lt3A_98 : vector<16xi1>
        %jit3A_100 = arith.constant 1 : i32
        %jit3A_101 = arith.constant 0 : i32
        %broadcast_in_dim3A_102 = vector.broadcast %jit3A_100 : i32 to vector<16xi32>
        %broadcast_in_dim3A_103 = vector.broadcast %jit3A_101 : i32 to vector<16xi32>
        %select_n3A_104 = arith.select %and3A_99, %broadcast_in_dim3A_102, %broadcast_in_dim3A_103 : vector<16xi1>, vector<16xi32>
        %broadcast_in_dim3A_105 = arith.constant true
        %broadcast_in_dim3A_106 = vector.broadcast %broadcast_in_dim3A_105 : i1 to vector<16xi1>
        %masked_cumsum3A = tpu.scan <sum>, %select_n3A_104 masked %broadcast_in_dim3A_106 : vector<16xi32>, vector<16xi1> -> vector<16xi32>
        %add3A_107 = vector.broadcast %scan3A_84 : i32 to vector<16xi32>
        %add3A_108 = arith.addi %broadcast_in_dim3A_5, %add3A_107 : vector<16xi32>
        %add3A_109 = arith.addi %add3A_108, %masked_cumsum3A : vector<16xi32>
        %sub3A_110 = arith.subi %add3A_109, %select_n3A_104 : vector<16xi32>
        tpu.vector_store_idx %arg11[%sub3A_110], %get3A_92 masked %and3A_99 : memref<3200xi32, #tpu.memory_space<vmem>>[vector<16xi32>], vector<16xi32>, vector<16xi1>
        tpu.vector_store_idx %arg12[%sub3A_110], %get3A_88 masked %and3A_99 : memref<3200xi32, #tpu.memory_space<vmem>>[vector<16xi32>], vector<16xi32>, vector<16xi1>
        %reduce_max3A = arith.constant true
        %reduce_max3A_111 = vector.broadcast %reduce_max3A : i1 to vector<16xi1>
        %reduce_max3A_112 = arith.constant -2147483648 : i32
        %reduce_max3A_113 = vector.broadcast %reduce_max3A_112 : i32 to vector<16xi32>
        %reduce_max3A_114 = arith.xori %masked_cumsum3A, %reduce_max3A_113 : vector<16xi32>
        %reduce_max3A_115 = tpu.scan <max>, %reduce_max3A_114 masked %reduce_max3A_111 : vector<16xi32>, vector<16xi1> -> vector<16xi32>
        %reduce_max3A_116 = arith.xori %reduce_max3A_115, %reduce_max3A_113 : vector<16xi32>
        %reduce_max3A_117 = vector.extract %reduce_max3A_116[15] : i32 from vector<16xi32>
        %add3A_118 = arith.addi %scan3A_84, %reduce_max3A_117 : i32
        scf.yield %add3A_118 : i32
      }
      %scan3A_55 = arith.constant 200 : i32
      %add3A_56 = arith.constant 127 : i32
      %add3A_57 = arith.addi %scan3A_54, %add3A_56 : i32
      %jit3A = arith.constant 128 : i32
      %div3A = arith.divsi %add3A_57, %jit3A : i32
      %sign3A = arith.constant 0 : i32
      %sign3A_58 = arith.cmpi sgt, %add3A_57, %sign3A : i32
      %sign3A_59 = arith.extui %sign3A_58 : i1 to i32
      %sign3A_60 = arith.constant 0 : i32
      %sign3A_61 = arith.cmpi slt, %add3A_57, %sign3A_60 : i32
      %sign3A_62 = arith.extui %sign3A_61 : i1 to i32
      %sign3A_63 = arith.subi %sign3A_59, %sign3A_62 : i32
      %sign3A_64 = arith.constant 0 : i32
      %sign3A_65 = arith.cmpi sgt, %jit3A, %sign3A_64 : i32
      %sign3A_66 = arith.extui %sign3A_65 : i1 to i32
      %sign3A_67 = arith.constant 0 : i32
      %sign3A_68 = arith.cmpi slt, %jit3A, %sign3A_67 : i32
      %sign3A_69 = arith.extui %sign3A_68 : i1 to i32
      %sign3A_70 = arith.subi %sign3A_66, %sign3A_69 : i32
      %ne3A = arith.cmpi ne, %sign3A_63, %sign3A_70 : i32
      %rem3A = arith.remsi %add3A_57, %jit3A : i32
      %ne3A_71 = arith.constant 0 : i32
      %ne3A_72 = arith.cmpi ne, %rem3A, %ne3A_71 : i32
      %and3A = arith.andi %ne3A, %ne3A_72 : i1
      %sub3A = arith.constant 1 : i32
      %sub3A_73 = arith.subi %div3A, %sub3A : i32
      %select_n3A = arith.select %and3A, %sub3A_73, %div3A : i32
      %while3A = arith.constant 0 : i32
      %while3A_74 = arith.constant 0 : i32
      %while3A_75 = arith.subi %select_n3A, %while3A_74 : i32
      %while3A_76 = arith.addi %while3A_74, %while3A_75 : i32
      %while3A_77 = arith.constant 1 : i32
      %while3A_78 = arith.divsi %while3A_75, %while3A_77 : i32
      %while3A_79 = arith.muli %while3A_78, %while3A_77 : i32
      %while3A_80 = arith.addi %while3A_74, %while3A_79 : i32
      %while3A_81 = arith.constant 1 : i32
      scf.for %while3A_83 = %while3A_74 to %while3A_80 step %while3A_81  : i32 {
        %mul3A_84 = arith.constant 128 : i32
        %mul3A_85 = arith.muli %while3A_83, %mul3A_84 : i32
        %add3A_86 = arith.constant 0 : i32
        %add3A_87 = arith.addi %mul3A_85, %add3A_86 : i32
        %get3A_88 = arith.index_cast %add3A_87 : i32 to index
        %get3A_89 = tpu.vector_load %arg11[%get3A_88] {strides = array<i32>} : memref<3200xi32, #tpu.memory_space<vmem>>, vector<16xi32>,
        %swap3A = arith.constant 0 : index
        %swap3A_90 = tpu.vector_load %arg13[%swap3A] {strides = array<i32>} : memref<128xi32, #tpu.memory_space<vmem>>, vector<16xi32>,
        tpu.vector_store %arg13[%swap3A], %get3A_89 {strides = array<i32>} : memref<128xi32, #tpu.memory_space<vmem>>, vector<16xi32>,
        %mul3A_91 = arith.constant 128 : i32
        %mul3A_92 = arith.muli %while3A_83, %mul3A_91 : i32
        %add3A_93 = arith.constant 0 : i32
        %add3A_94 = arith.addi %mul3A_92, %add3A_93 : i32
        %get3A_95 = arith.index_cast %add3A_94 : i32 to index
        %get3A_96 = tpu.vector_load %arg12[%get3A_95] {strides = array<i32>} : memref<3200xi32, #tpu.memory_space<vmem>>, vector<16xi32>,
        %sub3A_97 = vector.broadcast %mul3A_2 : i32 to vector<16xi32>
        %sub3A_98 = arith.subi %get3A_96, %sub3A_97 : vector<16xi32>
        %jit3A_99 = arith.constant 0 : i32
        %jit3A_100 = arith.constant 319 : i32
        %max3A = vector.broadcast %jit3A_99 : i32 to vector<16xi32>
        %max3A_101 = arith.maxsi %max3A, %sub3A_98 : vector<16xi32>
        %min3A = vector.broadcast %jit3A_100 : i32 to vector<16xi32>
        %min3A_102 = arith.minsi %min3A, %max3A_101 : vector<16xi32>
        %swap3A_103 = arith.constant 0 : index
        %swap3A_104 = tpu.vector_load %arg14[%swap3A_103] {strides = array<i32>} : memref<128xi32, #tpu.memory_space<vmem>>, vector<16xi32>,
        tpu.vector_store %arg14[%swap3A_103], %min3A_102 {strides = array<i32>} : memref<128xi32, #tpu.memory_space<vmem>>, vector<16xi32>,
        %mul3A_105 = arith.constant 128 : i32
        %mul3A_106 = arith.muli %while3A_83, %mul3A_105 : i32
        %add3A_107 = arith.constant 16 : i32
        %add3A_108 = arith.addi %mul3A_106, %add3A_107 : i32
        %get3A_109 = arith.index_cast %add3A_108 : i32 to index
        %get3A_110 = tpu.vector_load %arg11[%get3A_109] {strides = array<i32>} : memref<3200xi32, #tpu.memory_space<vmem>>, vector<16xi32>,
        %swap3A_111 = arith.constant 16 : index
        %swap3A_112 = tpu.vector_load %arg13[%swap3A_111] {strides = array<i32>} : memref<128xi32, #tpu.memory_space<vmem>>, vector<16xi32>,
        tpu.vector_store %arg13[%swap3A_111], %get3A_110 {strides = array<i32>} : memref<128xi32, #tpu.memory_space<vmem>>, vector<16xi32>,
        %mul3A_113 = arith.constant 128 : i32
        %mul3A_114 = arith.muli %while3A_83, %mul3A_113 : i32
        %add3A_115 = arith.constant 16 : i32
        %add3A_116 = arith.addi %mul3A_114, %add3A_115 : i32
        %get3A_117 = arith.index_cast %add3A_116 : i32 to index
        %get3A_118 = tpu.vector_load %arg12[%get3A_117] {strides = array<i32>} : memref<3200xi32, #tpu.memory_space<vmem>>, vector<16xi32>,
        %sub3A_119 = vector.broadcast %mul3A_2 : i32 to vector<16xi32>
        %sub3A_120 = arith.subi %get3A_118, %sub3A_119 : vector<16xi32>
        %jit3A_121 = arith.constant 0 : i32
        %jit3A_122 = arith.constant 319 : i32
        %max3A_123 = vector.broadcast %jit3A_121 : i32 to vector<16xi32>
        %max3A_124 = arith.maxsi %max3A_123, %sub3A_120 : vector<16xi32>
        %min3A_125 = vector.broadcast %jit3A_122 : i32 to vector<16xi32>
        %min3A_126 = arith.minsi %min3A_125, %max3A_124 : vector<16xi32>
        %swap3A_127 = arith.constant 16 : index
        %swap3A_128 = tpu.vector_load %arg14[%swap3A_127] {strides = array<i32>} : memref<128xi32, #tpu.memory_space<vmem>>, vector<16xi32>,
        tpu.vector_store %arg14[%swap3A_127], %min3A_126 {strides = array<i32>} : memref<128xi32, #tpu.memory_space<vmem>>, vector<16xi32>,
        %mul3A_129 = arith.constant 128 : i32
        %mul3A_130 = arith.muli %while3A_83, %mul3A_129 : i32
        %add3A_131 = arith.constant 32 : i32
        %add3A_132 = arith.addi %mul3A_130, %add3A_131 : i32
        %get3A_133 = arith.index_cast %add3A_132 : i32 to index
        %get3A_134 = tpu.vector_load %arg11[%get3A_133] {strides = array<i32>} : memref<3200xi32, #tpu.memory_space<vmem>>, vector<16xi32>,
        %swap3A_135 = arith.constant 32 : index
        %swap3A_136 = tpu.vector_load %arg13[%swap3A_135] {strides = array<i32>} : memref<128xi32, #tpu.memory_space<vmem>>, vector<16xi32>,
        tpu.vector_store %arg13[%swap3A_135], %get3A_134 {strides = array<i32>} : memref<128xi32, #tpu.memory_space<vmem>>, vector<16xi32>,
        %mul3A_137 = arith.constant 128 : i32
        %mul3A_138 = arith.muli %while3A_83, %mul3A_137 : i32
        %add3A_139 = arith.constant 32 : i32
        %add3A_140 = arith.addi %mul3A_138, %add3A_139 : i32
        %get3A_141 = arith.index_cast %add3A_140 : i32 to index
        %get3A_142 = tpu.vector_load %arg12[%get3A_141] {strides = array<i32>} : memref<3200xi32, #tpu.memory_space<vmem>>, vector<16xi32>,
        %sub3A_143 = vector.broadcast %mul3A_2 : i32 to vector<16xi32>
        %sub3A_144 = arith.subi %get3A_142, %sub3A_143 : vector<16xi32>
        %jit3A_145 = arith.constant 0 : i32
        %jit3A_146 = arith.constant 319 : i32
        %max3A_147 = vector.broadcast %jit3A_145 : i32 to vector<16xi32>
        %max3A_148 = arith.maxsi %max3A_147, %sub3A_144 : vector<16xi32>
        %min3A_149 = vector.broadcast %jit3A_146 : i32 to vector<16xi32>
        %min3A_150 = arith.minsi %min3A_149, %max3A_148 : vector<16xi32>
        %swap3A_151 = arith.constant 32 : index
        %swap3A_152 = tpu.vector_load %arg14[%swap3A_151] {strides = array<i32>} : memref<128xi32, #tpu.memory_space<vmem>>, vector<16xi32>,
        tpu.vector_store %arg14[%swap3A_151], %min3A_150 {strides = array<i32>} : memref<128xi32, #tpu.memory_space<vmem>>, vector<16xi32>,
        %mul3A_153 = arith.constant 128 : i32
        %mul3A_154 = arith.muli %while3A_83, %mul3A_153 : i32
        %add3A_155 = arith.constant 48 : i32
        %add3A_156 = arith.addi %mul3A_154, %add3A_155 : i32
        %get3A_157 = arith.index_cast %add3A_156 : i32 to index
        %get3A_158 = tpu.vector_load %arg11[%get3A_157] {strides = array<i32>} : memref<3200xi32, #tpu.memory_space<vmem>>, vector<16xi32>,
        %swap3A_159 = arith.constant 48 : index
        %swap3A_160 = tpu.vector_load %arg13[%swap3A_159] {strides = array<i32>} : memref<128xi32, #tpu.memory_space<vmem>>, vector<16xi32>,
        tpu.vector_store %arg13[%swap3A_159], %get3A_158 {strides = array<i32>} : memref<128xi32, #tpu.memory_space<vmem>>, vector<16xi32>,
        %mul3A_161 = arith.constant 128 : i32
        %mul3A_162 = arith.muli %while3A_83, %mul3A_161 : i32
        %add3A_163 = arith.constant 48 : i32
        %add3A_164 = arith.addi %mul3A_162, %add3A_163 : i32
        %get3A_165 = arith.index_cast %add3A_164 : i32 to index
        %get3A_166 = tpu.vector_load %arg12[%get3A_165] {strides = array<i32>} : memref<3200xi32, #tpu.memory_space<vmem>>, vector<16xi32>,
        %sub3A_167 = vector.broadcast %mul3A_2 : i32 to vector<16xi32>
        %sub3A_168 = arith.subi %get3A_166, %sub3A_167 : vector<16xi32>
        %jit3A_169 = arith.constant 0 : i32
        %jit3A_170 = arith.constant 319 : i32
        %max3A_171 = vector.broadcast %jit3A_169 : i32 to vector<16xi32>
        %max3A_172 = arith.maxsi %max3A_171, %sub3A_168 : vector<16xi32>
        %min3A_173 = vector.broadcast %jit3A_170 : i32 to vector<16xi32>
        %min3A_174 = arith.minsi %min3A_173, %max3A_172 : vector<16xi32>
        %swap3A_175 = arith.constant 48 : index
        %swap3A_176 = tpu.vector_load %arg14[%swap3A_175] {strides = array<i32>} : memref<128xi32, #tpu.memory_space<vmem>>, vector<16xi32>,
        tpu.vector_store %arg14[%swap3A_175], %min3A_174 {strides = array<i32>} : memref<128xi32, #tpu.memory_space<vmem>>, vector<16xi32>,
        %mul3A_177 = arith.constant 128 : i32
        %mul3A_178 = arith.muli %while3A_83, %mul3A_177 : i32
        %add3A_179 = arith.constant 64 : i32
        %add3A_180 = arith.addi %mul3A_178, %add3A_179 : i32
        %get3A_181 = arith.index_cast %add3A_180 : i32 to index
        %get3A_182 = tpu.vector_load %arg11[%get3A_181] {strides = array<i32>} : memref<3200xi32, #tpu.memory_space<vmem>>, vector<16xi32>,
        %swap3A_183 = arith.constant 64 : index
        %swap3A_184 = tpu.vector_load %arg13[%swap3A_183] {strides = array<i32>} : memref<128xi32, #tpu.memory_space<vmem>>, vector<16xi32>,
        tpu.vector_store %arg13[%swap3A_183], %get3A_182 {strides = array<i32>} : memref<128xi32, #tpu.memory_space<vmem>>, vector<16xi32>,
        %mul3A_185 = arith.constant 128 : i32
        %mul3A_186 = arith.muli %while3A_83, %mul3A_185 : i32
        %add3A_187 = arith.constant 64 : i32
        %add3A_188 = arith.addi %mul3A_186, %add3A_187 : i32
        %get3A_189 = arith.index_cast %add3A_188 : i32 to index
        %get3A_190 = tpu.vector_load %arg12[%get3A_189] {strides = array<i32>} : memref<3200xi32, #tpu.memory_space<vmem>>, vector<16xi32>,
        %sub3A_191 = vector.broadcast %mul3A_2 : i32 to vector<16xi32>
        %sub3A_192 = arith.subi %get3A_190, %sub3A_191 : vector<16xi32>
        %jit3A_193 = arith.constant 0 : i32
        %jit3A_194 = arith.constant 319 : i32
        %max3A_195 = vector.broadcast %jit3A_193 : i32 to vector<16xi32>
        %max3A_196 = arith.maxsi %max3A_195, %sub3A_192 : vector<16xi32>
        %min3A_197 = vector.broadcast %jit3A_194 : i32 to vector<16xi32>
        %min3A_198 = arith.minsi %min3A_197, %max3A_196 : vector<16xi32>
        %swap3A_199 = arith.constant 64 : index
        %swap3A_200 = tpu.vector_load %arg14[%swap3A_199] {strides = array<i32>} : memref<128xi32, #tpu.memory_space<vmem>>, vector<16xi32>,
        tpu.vector_store %arg14[%swap3A_199], %min3A_198 {strides = array<i32>} : memref<128xi32, #tpu.memory_space<vmem>>, vector<16xi32>,
        %mul3A_201 = arith.constant 128 : i32
        %mul3A_202 = arith.muli %while3A_83, %mul3A_201 : i32
        %add3A_203 = arith.constant 80 : i32
        %add3A_204 = arith.addi %mul3A_202, %add3A_203 : i32
        %get3A_205 = arith.index_cast %add3A_204 : i32 to index
        %get3A_206 = tpu.vector_load %arg11[%get3A_205] {strides = array<i32>} : memref<3200xi32, #tpu.memory_space<vmem>>, vector<16xi32>,
        %swap3A_207 = arith.constant 80 : index
        %swap3A_208 = tpu.vector_load %arg13[%swap3A_207] {strides = array<i32>} : memref<128xi32, #tpu.memory_space<vmem>>, vector<16xi32>,
        tpu.vector_store %arg13[%swap3A_207], %get3A_206 {strides = array<i32>} : memref<128xi32, #tpu.memory_space<vmem>>, vector<16xi32>,
        %mul3A_209 = arith.constant 128 : i32
        %mul3A_210 = arith.muli %while3A_83, %mul3A_209 : i32
        %add3A_211 = arith.constant 80 : i32
        %add3A_212 = arith.addi %mul3A_210, %add3A_211 : i32
        %get3A_213 = arith.index_cast %add3A_212 : i32 to index
        %get3A_214 = tpu.vector_load %arg12[%get3A_213] {strides = array<i32>} : memref<3200xi32, #tpu.memory_space<vmem>>, vector<16xi32>,
        %sub3A_215 = vector.broadcast %mul3A_2 : i32 to vector<16xi32>
        %sub3A_216 = arith.subi %get3A_214, %sub3A_215 : vector<16xi32>
        %jit3A_217 = arith.constant 0 : i32
        %jit3A_218 = arith.constant 319 : i32
        %max3A_219 = vector.broadcast %jit3A_217 : i32 to vector<16xi32>
        %max3A_220 = arith.maxsi %max3A_219, %sub3A_216 : vector<16xi32>
        %min3A_221 = vector.broadcast %jit3A_218 : i32 to vector<16xi32>
        %min3A_222 = arith.minsi %min3A_221, %max3A_220 : vector<16xi32>
        %swap3A_223 = arith.constant 80 : index
        %swap3A_224 = tpu.vector_load %arg14[%swap3A_223] {strides = array<i32>} : memref<128xi32, #tpu.memory_space<vmem>>, vector<16xi32>,
        tpu.vector_store %arg14[%swap3A_223], %min3A_222 {strides = array<i32>} : memref<128xi32, #tpu.memory_space<vmem>>, vector<16xi32>,
        %mul3A_225 = arith.constant 128 : i32
        %mul3A_226 = arith.muli %while3A_83, %mul3A_225 : i32
        %add3A_227 = arith.constant 96 : i32
        %add3A_228 = arith.addi %mul3A_226, %add3A_227 : i32
        %get3A_229 = arith.index_cast %add3A_228 : i32 to index
        %get3A_230 = tpu.vector_load %arg11[%get3A_229] {strides = array<i32>} : memref<3200xi32, #tpu.memory_space<vmem>>, vector<16xi32>,
        %swap3A_231 = arith.constant 96 : index
        %swap3A_232 = tpu.vector_load %arg13[%swap3A_231] {strides = array<i32>} : memref<128xi32, #tpu.memory_space<vmem>>, vector<16xi32>,
        tpu.vector_store %arg13[%swap3A_231], %get3A_230 {strides = array<i32>} : memref<128xi32, #tpu.memory_space<vmem>>, vector<16xi32>,
        %mul3A_233 = arith.constant 128 : i32
        %mul3A_234 = arith.muli %while3A_83, %mul3A_233 : i32
        %add3A_235 = arith.constant 96 : i32
        %add3A_236 = arith.addi %mul3A_234, %add3A_235 : i32
        %get3A_237 = arith.index_cast %add3A_236 : i32 to index
        %get3A_238 = tpu.vector_load %arg12[%get3A_237] {strides = array<i32>} : memref<3200xi32, #tpu.memory_space<vmem>>, vector<16xi32>,
        %sub3A_239 = vector.broadcast %mul3A_2 : i32 to vector<16xi32>
        %sub3A_240 = arith.subi %get3A_238, %sub3A_239 : vector<16xi32>
        %jit3A_241 = arith.constant 0 : i32
        %jit3A_242 = arith.constant 319 : i32
        %max3A_243 = vector.broadcast %jit3A_241 : i32 to vector<16xi32>
        %max3A_244 = arith.maxsi %max3A_243, %sub3A_240 : vector<16xi32>
        %min3A_245 = vector.broadcast %jit3A_242 : i32 to vector<16xi32>
        %min3A_246 = arith.minsi %min3A_245, %max3A_244 : vector<16xi32>
        %swap3A_247 = arith.constant 96 : index
        %swap3A_248 = tpu.vector_load %arg14[%swap3A_247] {strides = array<i32>} : memref<128xi32, #tpu.memory_space<vmem>>, vector<16xi32>,
        tpu.vector_store %arg14[%swap3A_247], %min3A_246 {strides = array<i32>} : memref<128xi32, #tpu.memory_space<vmem>>, vector<16xi32>,
        %mul3A_249 = arith.constant 128 : i32
        %mul3A_250 = arith.muli %while3A_83, %mul3A_249 : i32
        %add3A_251 = arith.constant 112 : i32
        %add3A_252 = arith.addi %mul3A_250, %add3A_251 : i32
        %get3A_253 = arith.index_cast %add3A_252 : i32 to index
        %get3A_254 = tpu.vector_load %arg11[%get3A_253] {strides = array<i32>} : memref<3200xi32, #tpu.memory_space<vmem>>, vector<16xi32>,
        %swap3A_255 = arith.constant 112 : index
        %swap3A_256 = tpu.vector_load %arg13[%swap3A_255] {strides = array<i32>} : memref<128xi32, #tpu.memory_space<vmem>>, vector<16xi32>,
        tpu.vector_store %arg13[%swap3A_255], %get3A_254 {strides = array<i32>} : memref<128xi32, #tpu.memory_space<vmem>>, vector<16xi32>,
        %mul3A_257 = arith.constant 128 : i32
        %mul3A_258 = arith.muli %while3A_83, %mul3A_257 : i32
        %add3A_259 = arith.constant 112 : i32
        %add3A_260 = arith.addi %mul3A_258, %add3A_259 : i32
        %get3A_261 = arith.index_cast %add3A_260 : i32 to index
        %get3A_262 = tpu.vector_load %arg12[%get3A_261] {strides = array<i32>} : memref<3200xi32, #tpu.memory_space<vmem>>, vector<16xi32>,
        %sub3A_263 = vector.broadcast %mul3A_2 : i32 to vector<16xi32>
        %sub3A_264 = arith.subi %get3A_262, %sub3A_263 : vector<16xi32>
        %jit3A_265 = arith.constant 0 : i32
        %jit3A_266 = arith.constant 319 : i32
        %max3A_267 = vector.broadcast %jit3A_265 : i32 to vector<16xi32>
        %max3A_268 = arith.maxsi %max3A_267, %sub3A_264 : vector<16xi32>
        %min3A_269 = vector.broadcast %jit3A_266 : i32 to vector<16xi32>
        %min3A_270 = arith.minsi %min3A_269, %max3A_268 : vector<16xi32>
        %swap3A_271 = arith.constant 112 : index
        %swap3A_272 = tpu.vector_load %arg14[%swap3A_271] {strides = array<i32>} : memref<128xi32, #tpu.memory_space<vmem>>, vector<16xi32>,
        tpu.vector_store %arg14[%swap3A_271], %min3A_270 {strides = array<i32>} : memref<128xi32, #tpu.memory_space<vmem>>, vector<16xi32>,
        %dma_start3A = arith.constant 0 : i32
        %dma_start3A_273 = arith.constant 0 : i32
        %dma_start3A_274 = tpu.memref_slice %arg2[%dma_start3A, %dma_start3A_273] : memref<10000x128xf32, #tpu.memory_space<hbm>> -> memref<10000x128xf32, #tpu.memory_space<hbm>>
        tpu.enqueue_indirect_dma source(%dma_start3A_274 : memref<10000x128xf32, #tpu.memory_space<hbm>>) target(%arg15 : memref<128x128xf32, #tpu.memory_space<vmem>>) offsets(%arg13 : memref<128xi32, #tpu.memory_space<vmem>>) semaphore(%arg22 : memref<!tpu.dma_semaphore, #tpu.memory_space<semaphore_mem>>)
        %dma_wait3A = arith.constant 0 : i32
        %dma_wait3A_275 = arith.constant 0 : i32
        %dma_wait3A_276 = tpu.memref_slice %arg2[%dma_wait3A, %dma_wait3A_275] : memref<10000x128xf32, #tpu.memory_space<hbm>> -> memref<10000x128xf32, #tpu.memory_space<hbm>>
        tpu.wait_indirect_dma semaphore(%arg22 : memref<!tpu.dma_semaphore, #tpu.memory_space<semaphore_mem>>) src(%dma_wait3A_276 : memref<10000x128xf32, #tpu.memory_space<hbm>>) dst(%arg15 : memref<128x128xf32, #tpu.memory_space<vmem>>)
        %scan3A_277 = arith.constant 0 : i32
        %scan3A_278 = arith.constant 0 : i32
        %scan3A_279 = arith.constant 128 : i32
        %scan3A_280 = arith.addi %scan3A_278, %scan3A_279 : i32
        %scan3A_281 = arith.constant 1 : i32
        scf.for %scan3A_1287 = %scan3A_278 to %scan3A_280 step %scan3A_281  : i32 {
          %add3A_1288 = vector.broadcast %scan3A_1287 : i32 to vector<16xi32>
          %add3A_1289 = arith.addi %broadcast_in_dim3A_5, %add3A_1288 : vector<16xi32>
          %gather3A_1290 = tpu.vector_load_idx %arg14[%add3A_1289] : memref<128xi32, #tpu.memory_space<vmem>>[vector<16xi32>], vector<16xi32>,
          %add3A_1291 = arith.constant 0 : i32
          %add3A_1292 = vector.broadcast %add3A_1291 : i32 to vector<16xi32>
          %add3A_1293 = arith.addi %add3A_1292, %iota3A : vector<16xi32>
          %gather3A_1294 = tpu.vector_load_idx %arg16[%gather3A_1290, %add3A_1293] : memref<320x128xf32, #tpu.memory_space<vmem>>[vector<16xi32>, vector<16xi32>], vector<16xf32>,
          %get3A_1295 = arith.index_cast %scan3A_1287 : i32 to index
          %get3A_1296 = arith.constant 0 : index
          %get3A_1297 = tpu.vector_load %arg15[%get3A_1295, %get3A_1296] {strides = array<i32>} : memref<128x128xf32, #tpu.memory_space<vmem>>, vector<16xf32>,
          %add3A_1298 = arith.addf %get3A_1297, %gather3A_1294 : vector<16xf32>
          %mul3A_1299 = arith.constant 2.000000e-01 : f32
          %mul3A_1300 = vector.broadcast %mul3A_1299 : f32 to vector<16xf32>
          %mul3A_1301 = arith.mulf %mul3A_1300, %add3A_1298 : vector<16xf32>
          %max3A_1302 = arith.maximumf %add3A_1298, %mul3A_1301 : vector<16xf32>
          %mul3A_1303 = arith.mulf %get3A_23, %max3A_1302 : vector<16xf32>
          %add3A_1304 = arith.addf %broadcast_in_dim3A_3, %mul3A_1303 : vector<16xf32>
          %add3A_1305 = arith.constant 16 : i32
          %add3A_1306 = vector.broadcast %add3A_1305 : i32 to vector<16xi32>
          %add3A_1307 = arith.addi %add3A_1306, %iota3A : vector<16xi32>
          %gather3A_1308 = tpu.vector_load_idx %arg16[%gather3A_1290, %add3A_1307] : memref<320x128xf32, #tpu.memory_space<vmem>>[vector<16xi32>, vector<16xi32>], vector<16xf32>,
          %get3A_1309 = arith.index_cast %scan3A_1287 : i32 to index
          %get3A_1310 = arith.constant 16 : index
          %get3A_1311 = tpu.vector_load %arg15[%get3A_1309, %get3A_1310] {strides = array<i32>} : memref<128x128xf32, #tpu.memory_space<vmem>>, vector<16xf32>,
          %add3A_1312 = arith.addf %get3A_1311, %gather3A_1308 : vector<16xf32>
          %mul3A_1313 = arith.constant 2.000000e-01 : f32
          %mul3A_1314 = vector.broadcast %mul3A_1313 : f32 to vector<16xf32>
          %mul3A_1315 = arith.mulf %mul3A_1314, %add3A_1312 : vector<16xf32>
          %max3A_1316 = arith.maximumf %add3A_1312, %mul3A_1315 : vector<16xf32>
          %mul3A_1317 = arith.mulf %get3A_25, %max3A_1316 : vector<16xf32>
          %add3A_1318 = arith.addf %add3A_1304, %mul3A_1317 : vector<16xf32>
          %add3A_1319 = arith.constant 32 : i32
          %add3A_1320 = vector.broadcast %add3A_1319 : i32 to vector<16xi32>
          %add3A_1321 = arith.addi %add3A_1320, %iota3A : vector<16xi32>
          %gather3A_1322 = tpu.vector_load_idx %arg16[%gather3A_1290, %add3A_1321] : memref<320x128xf32, #tpu.memory_space<vmem>>[vector<16xi32>, vector<16xi32>], vector<16xf32>,
          %get3A_1323 = arith.index_cast %scan3A_1287 : i32 to index
          %get3A_1324 = arith.constant 32 : index
          %get3A_1325 = tpu.vector_load %arg15[%get3A_1323, %get3A_1324] {strides = array<i32>} : memref<128x128xf32, #tpu.memory_space<vmem>>, vector<16xf32>,
          %add3A_1326 = arith.addf %get3A_1325, %gather3A_1322 : vector<16xf32>
          %mul3A_1327 = arith.constant 2.000000e-01 : f32
          %mul3A_1328 = vector.broadcast %mul3A_1327 : f32 to vector<16xf32>
          %mul3A_1329 = arith.mulf %mul3A_1328, %add3A_1326 : vector<16xf32>
          %max3A_1330 = arith.maximumf %add3A_1326, %mul3A_1329 : vector<16xf32>
          %mul3A_1331 = arith.mulf %get3A_27, %max3A_1330 : vector<16xf32>
          %add3A_1332 = arith.addf %add3A_1318, %mul3A_1331 : vector<16xf32>
          %add3A_1333 = arith.constant 48 : i32
          %add3A_1334 = vector.broadcast %add3A_1333 : i32 to vector<16xi32>
          %add3A_1335 = arith.addi %add3A_1334, %iota3A : vector<16xi32>
          %gather3A_1336 = tpu.vector_load_idx %arg16[%gather3A_1290, %add3A_1335] : memref<320x128xf32, #tpu.memory_space<vmem>>[vector<16xi32>, vector<16xi32>], vector<16xf32>,
          %get3A_1337 = arith.index_cast %scan3A_1287 : i32 to index
          %get3A_1338 = arith.constant 48 : index
          %get3A_1339 = tpu.vector_load %arg15[%get3A_1337, %get3A_1338] {strides = array<i32>} : memref<128x128xf32, #tpu.memory_space<vmem>>, vector<16xf32>,
          %add3A_1340 = arith.addf %get3A_1339, %gather3A_1336 : vector<16xf32>
          %mul3A_1341 = arith.constant 2.000000e-01 : f32
          %mul3A_1342 = vector.broadcast %mul3A_1341 : f32 to vector<16xf32>
          %mul3A_1343 = arith.mulf %mul3A_1342, %add3A_1340 : vector<16xf32>
          %max3A_1344 = arith.maximumf %add3A_1340, %mul3A_1343 : vector<16xf32>
          %mul3A_1345 = arith.mulf %get3A_29, %max3A_1344 : vector<16xf32>
          %add3A_1346 = arith.addf %add3A_1332, %mul3A_1345 : vector<16xf32>
          %add3A_1347 = arith.constant 64 : i32
          %add3A_1348 = vector.broadcast %add3A_1347 : i32 to vector<16xi32>
          %add3A_1349 = arith.addi %add3A_1348, %iota3A : vector<16xi32>
          %gather3A_1350 = tpu.vector_load_idx %arg16[%gather3A_1290, %add3A_1349] : memref<320x128xf32, #tpu.memory_space<vmem>>[vector<16xi32>, vector<16xi32>], vector<16xf32>,
          %get3A_1351 = arith.index_cast %scan3A_1287 : i32 to index
          %get3A_1352 = arith.constant 64 : index
          %get3A_1353 = tpu.vector_load %arg15[%get3A_1351, %get3A_1352] {strides = array<i32>} : memref<128x128xf32, #tpu.memory_space<vmem>>, vector<16xf32>,
          %add3A_1354 = arith.addf %get3A_1353, %gather3A_1350 : vector<16xf32>
          %mul3A_1355 = arith.constant 2.000000e-01 : f32
          %mul3A_1356 = vector.broadcast %mul3A_1355 : f32 to vector<16xf32>
          %mul3A_1357 = arith.mulf %mul3A_1356, %add3A_1354 : vector<16xf32>
          %max3A_1358 = arith.maximumf %add3A_1354, %mul3A_1357 : vector<16xf32>
          %mul3A_1359 = arith.mulf %get3A_31, %max3A_1358 : vector<16xf32>
          %add3A_1360 = arith.addf %add3A_1346, %mul3A_1359 : vector<16xf32>
          %add3A_1361 = arith.constant 80 : i32
          %add3A_1362 = vector.broadcast %add3A_1361 : i32 to vector<16xi32>
          %add3A_1363 = arith.addi %add3A_1362, %iota3A : vector<16xi32>
          %gather3A_1364 = tpu.vector_load_idx %arg16[%gather3A_1290, %add3A_1363] : memref<320x128xf32, #tpu.memory_space<vmem>>[vector<16xi32>, vector<16xi32>], vector<16xf32>,
          %get3A_1365 = arith.index_cast %scan3A_1287 : i32 to index
          %get3A_1366 = arith.constant 80 : index
          %get3A_1367 = tpu.vector_load %arg15[%get3A_1365, %get3A_1366] {strides = array<i32>} : memref<128x128xf32, #tpu.memory_space<vmem>>, vector<16xf32>,
          %add3A_1368 = arith.addf %get3A_1367, %gather3A_1364 : vector<16xf32>
          %mul3A_1369 = arith.constant 2.000000e-01 : f32
          %mul3A_1370 = vector.broadcast %mul3A_1369 : f32 to vector<16xf32>
          %mul3A_1371 = arith.mulf %mul3A_1370, %add3A_1368 : vector<16xf32>
          %max3A_1372 = arith.maximumf %add3A_1368, %mul3A_1371 : vector<16xf32>
          %mul3A_1373 = arith.mulf %get3A_33, %max3A_1372 : vector<16xf32>
          %add3A_1374 = arith.addf %add3A_1360, %mul3A_1373 : vector<16xf32>
          %add3A_1375 = arith.constant 96 : i32
          %add3A_1376 = vector.broadcast %add3A_1375 : i32 to vector<16xi32>
          %add3A_1377 = arith.addi %add3A_1376, %iota3A : vector<16xi32>
          %gather3A_1378 = tpu.vector_load_idx %arg16[%gather3A_1290, %add3A_1377] : memref<320x128xf32, #tpu.memory_space<vmem>>[vector<16xi32>, vector<16xi32>], vector<16xf32>,
          %get3A_1379 = arith.index_cast %scan3A_1287 : i32 to index
          %get3A_1380 = arith.constant 96 : index
          %get3A_1381 = tpu.vector_load %arg15[%get3A_1379, %get3A_1380] {strides = array<i32>} : memref<128x128xf32, #tpu.memory_space<vmem>>, vector<16xf32>,
          %add3A_1382 = arith.addf %get3A_1381, %gather3A_1378 : vector<16xf32>
          %mul3A_1383 = arith.constant 2.000000e-01 : f32
          %mul3A_1384 = vector.broadcast %mul3A_1383 : f32 to vector<16xf32>
          %mul3A_1385 = arith.mulf %mul3A_1384, %add3A_1382 : vector<16xf32>
          %max3A_1386 = arith.maximumf %add3A_1382, %mul3A_1385 : vector<16xf32>
          %mul3A_1387 = arith.mulf %get3A_35, %max3A_1386 : vector<16xf32>
          %add3A_1388 = arith.addf %add3A_1374, %mul3A_1387 : vector<16xf32>
          %add3A_1389 = arith.constant 112 : i32
          %add3A_1390 = vector.broadcast %add3A_1389 : i32 to vector<16xi32>
          %add3A_1391 = arith.addi %add3A_1390, %iota3A : vector<16xi32>
          %gather3A_1392 = tpu.vector_load_idx %arg16[%gather3A_1290, %add3A_1391] : memref<320x128xf32, #tpu.memory_space<vmem>>[vector<16xi32>, vector<16xi32>], vector<16xf32>,
          %get3A_1393 = arith.index_cast %scan3A_1287 : i32 to index
          %get3A_1394 = arith.constant 112 : index
          %get3A_1395 = tpu.vector_load %arg15[%get3A_1393, %get3A_1394] {strides = array<i32>} : memref<128x128xf32, #tpu.memory_space<vmem>>, vector<16xf32>,
          %add3A_1396 = arith.addf %get3A_1395, %gather3A_1392 : vector<16xf32>
          %mul3A_1397 = arith.constant 2.000000e-01 : f32
          %mul3A_1398 = vector.broadcast %mul3A_1397 : f32 to vector<16xf32>
          %mul3A_1399 = arith.mulf %mul3A_1398, %add3A_1396 : vector<16xf32>
          %max3A_1400 = arith.maximumf %add3A_1396, %mul3A_1399 : vector<16xf32>
          %mul3A_1401 = arith.mulf %get3A_37, %max3A_1400 : vector<16xf32>
          %add3A_1402 = arith.addf %add3A_1388, %mul3A_1401 : vector<16xf32>
          %swap3A_1403 = arith.index_cast %scan3A_1287 : i32 to index
          %swap3A_1404 = arith.constant 0 : index
          %swap3A_1405 = tpu.vector_load %arg17[%swap3A_1403, %swap3A_1404] {strides = array<i32>} : memref<128x16xf32, #tpu.memory_space<vmem>>, vector<16xf32>,
          tpu.vector_store %arg17[%swap3A_1403, %swap3A_1404], %add3A_1402 {strides = array<i32>} : memref<128x16xf32, #tpu.memory_space<vmem>>, vector<16xf32>,
        }
        %scan3A_282 = arith.constant 128 : i32
        %add3A_283 = arith.constant 0 : i32
        %add3A_284 = vector.broadcast %add3A_283 : i32 to vector<16xi32>
        %add3A_285 = arith.addi %add3A_284, %iota3A : vector<16xi32>
        %add3A_286 = arith.constant 0 : i32
        %add3A_287 = vector.broadcast %add3A_286 : i32 to vector<16xi32>
        %add3A_288 = arith.addi %broadcast_in_dim3A_5, %add3A_287 : vector<16xi32>
        %gather3A = tpu.vector_load_idx %arg17[%add3A_285, %add3A_288] : memref<128x16xf32, #tpu.memory_space<vmem>>[vector<16xi32>, vector<16xi32>], vector<16xf32>,
        %add3A_289 = arith.addf %broadcast_in_dim3A_3, %gather3A : vector<16xf32>
        %add3A_290 = arith.constant 1 : i32
        %add3A_291 = vector.broadcast %add3A_290 : i32 to vector<16xi32>
        %add3A_292 = arith.addi %broadcast_in_dim3A_5, %add3A_291 : vector<16xi32>
        %gather3A_293 = tpu.vector_load_idx %arg17[%add3A_285, %add3A_292] : memref<128x16xf32, #tpu.memory_space<vmem>>[vector<16xi32>, vector<16xi32>], vector<16xf32>,
        %add3A_294 = arith.addf %add3A_289, %gather3A_293 : vector<16xf32>
        %add3A_295 = arith.constant 2 : i32
        %add3A_296 = vector.broadcast %add3A_295 : i32 to vector<16xi32>
        %add3A_297 = arith.addi %broadcast_in_dim3A_5, %add3A_296 : vector<16xi32>
        %gather3A_298 = tpu.vector_load_idx %arg17[%add3A_285, %add3A_297] : memref<128x16xf32, #tpu.memory_space<vmem>>[vector<16xi32>, vector<16xi32>], vector<16xf32>,
        %add3A_299 = arith.addf %add3A_294, %gather3A_298 : vector<16xf32>
        %add3A_300 = arith.constant 3 : i32
        %add3A_301 = vector.broadcast %add3A_300 : i32 to vector<16xi32>
        %add3A_302 = arith.addi %broadcast_in_dim3A_5, %add3A_301 : vector<16xi32>
        %gather3A_303 = tpu.vector_load_idx %arg17[%add3A_285, %add3A_302] : memref<128x16xf32, #tpu.memory_space<vmem>>[vector<16xi32>, vector<16xi32>], vector<16xf32>,
        %add3A_304 = arith.addf %add3A_299, %gather3A_303 : vector<16xf32>
        %add3A_305 = arith.constant 4 : i32
        %add3A_306 = vector.broadcast %add3A_305 : i32 to vector<16xi32>
        %add3A_307 = arith.addi %broadcast_in_dim3A_5, %add3A_306 : vector<16xi32>
        %gather3A_308 = tpu.vector_load_idx %arg17[%add3A_285, %add3A_307] : memref<128x16xf32, #tpu.memory_space<vmem>>[vector<16xi32>, vector<16xi32>], vector<16xf32>,
        %add3A_309 = arith.addf %add3A_304, %gather3A_308 : vector<16xf32>
        %add3A_310 = arith.constant 5 : i32
        %add3A_311 = vector.broadcast %add3A_310 : i32 to vector<16xi32>
        %add3A_312 = arith.addi %broadcast_in_dim3A_5, %add3A_311 : vector<16xi32>
        %gather3A_313 = tpu.vector_load_idx %arg17[%add3A_285, %add3A_312] : memref<128x16xf32, #tpu.memory_space<vmem>>[vector<16xi32>, vector<16xi32>], vector<16xf32>,
        %add3A_314 = arith.addf %add3A_309, %gather3A_313 : vector<16xf32>
        %add3A_315 = arith.constant 6 : i32
        %add3A_316 = vector.broadcast %add3A_315 : i32 to vector<16xi32>
        %add3A_317 = arith.addi %broadcast_in_dim3A_5, %add3A_316 : vector<16xi32>
        %gather3A_318 = tpu.vector_load_idx %arg17[%add3A_285, %add3A_317] : memref<128x16xf32, #tpu.memory_space<vmem>>[vector<16xi32>, vector<16xi32>], vector<16xf32>,
        %add3A_319 = arith.addf %add3A_314, %gather3A_318 : vector<16xf32>
        %add3A_320 = arith.constant 7 : i32
        %add3A_321 = vector.broadcast %add3A_320 : i32 to vector<16xi32>
        %add3A_322 = arith.addi %broadcast_in_dim3A_5, %add3A_321 : vector<16xi32>
        %gather3A_323 = tpu.vector_load_idx %arg17[%add3A_285, %add3A_322] : memref<128x16xf32, #tpu.memory_space<vmem>>[vector<16xi32>, vector<16xi32>], vector<16xf32>,
        %add3A_324 = arith.addf %add3A_319, %gather3A_323 : vector<16xf32>
        %add3A_325 = arith.constant 8 : i32
        %add3A_326 = vector.broadcast %add3A_325 : i32 to vector<16xi32>
        %add3A_327 = arith.addi %broadcast_in_dim3A_5, %add3A_326 : vector<16xi32>
        %gather3A_328 = tpu.vector_load_idx %arg17[%add3A_285, %add3A_327] : memref<128x16xf32, #tpu.memory_space<vmem>>[vector<16xi32>, vector<16xi32>], vector<16xf32>,
        %add3A_329 = arith.addf %add3A_324, %gather3A_328 : vector<16xf32>
        %add3A_330 = arith.constant 9 : i32
        %add3A_331 = vector.broadcast %add3A_330 : i32 to vector<16xi32>
        %add3A_332 = arith.addi %broadcast_in_dim3A_5, %add3A_331 : vector<16xi32>
        %gather3A_333 = tpu.vector_load_idx %arg17[%add3A_285, %add3A_332] : memref<128x16xf32, #tpu.memory_space<vmem>>[vector<16xi32>, vector<16xi32>], vector<16xf32>,
        %add3A_334 = arith.addf %add3A_329, %gather3A_333 : vector<16xf32>
        %add3A_335 = arith.constant 10 : i32
        %add3A_336 = vector.broadcast %add3A_335 : i32 to vector<16xi32>
        %add3A_337 = arith.addi %broadcast_in_dim3A_5, %add3A_336 : vector<16xi32>
        %gather3A_338 = tpu.vector_load_idx %arg17[%add3A_285, %add3A_337] : memref<128x16xf32, #tpu.memory_space<vmem>>[vector<16xi32>, vector<16xi32>], vector<16xf32>,
        %add3A_339 = arith.addf %add3A_334, %gather3A_338 : vector<16xf32>
        %add3A_340 = arith.constant 11 : i32
        %add3A_341 = vector.broadcast %add3A_340 : i32 to vector<16xi32>
        %add3A_342 = arith.addi %broadcast_in_dim3A_5, %add3A_341 : vector<16xi32>
        %gather3A_343 = tpu.vector_load_idx %arg17[%add3A_285, %add3A_342] : memref<128x16xf32, #tpu.memory_space<vmem>>[vector<16xi32>, vector<16xi32>], vector<16xf32>,
        %add3A_344 = arith.addf %add3A_339, %gather3A_343 : vector<16xf32>
        %add3A_345 = arith.constant 12 : i32
        %add3A_346 = vector.broadcast %add3A_345 : i32 to vector<16xi32>
        %add3A_347 = arith.addi %broadcast_in_dim3A_5, %add3A_346 : vector<16xi32>
        %gather3A_348 = tpu.vector_load_idx %arg17[%add3A_285, %add3A_347] : memref<128x16xf32, #tpu.memory_space<vmem>>[vector<16xi32>, vector<16xi32>], vector<16xf32>,
        %add3A_349 = arith.addf %add3A_344, %gather3A_348 : vector<16xf32>
        %add3A_350 = arith.constant 13 : i32
        %add3A_351 = vector.broadcast %add3A_350 : i32 to vector<16xi32>
        %add3A_352 = arith.addi %broadcast_in_dim3A_5, %add3A_351 : vector<16xi32>
        %gather3A_353 = tpu.vector_load_idx %arg17[%add3A_285, %add3A_352] : memref<128x16xf32, #tpu.memory_space<vmem>>[vector<16xi32>, vector<16xi32>], vector<16xf32>,
        %add3A_354 = arith.addf %add3A_349, %gather3A_353 : vector<16xf32>
        %add3A_355 = arith.constant 14 : i32
        %add3A_356 = vector.broadcast %add3A_355 : i32 to vector<16xi32>
        %add3A_357 = arith.addi %broadcast_in_dim3A_5, %add3A_356 : vector<16xi32>
        %gather3A_358 = tpu.vector_load_idx %arg17[%add3A_285, %add3A_357] : memref<128x16xf32, #tpu.memory_space<vmem>>[vector<16xi32>, vector<16xi32>], vector<16xf32>,
        %add3A_359 = arith.addf %add3A_354, %gather3A_358 : vector<16xf32>
        %add3A_360 = arith.constant 15 : i32
        %add3A_361 = vector.broadcast %add3A_360 : i32 to vector<16xi32>
        %add3A_362 = arith.addi %broadcast_in_dim3A_5, %add3A_361 : vector<16xi32>
        %gather3A_363 = tpu.vector_load_idx %arg17[%add3A_285, %add3A_362] : memref<128x16xf32, #tpu.memory_space<vmem>>[vector<16xi32>, vector<16xi32>], vector<16xf32>,
        %add3A_364 = arith.addf %add3A_359, %gather3A_363 : vector<16xf32>
        %mul3A_365 = arith.constant 1.562500e-02 : f32
        %mul3A_366 = vector.broadcast %mul3A_365 : f32 to vector<16xf32>
        %mul3A_367 = arith.mulf %add3A_364, %mul3A_366 : vector<16xf32>
        %mul3A_368 = arith.constant 0.00833333377 : f32
        %mul3A_369 = vector.broadcast %mul3A_368 : f32 to vector<16xf32>
        %mul3A_370 = arith.mulf %mul3A_367, %mul3A_369 : vector<16xf32>
        %add3A_371 = arith.constant 0.0416666679 : f32
        %add3A_372 = vector.broadcast %add3A_371 : f32 to vector<16xf32>
        %add3A_373 = arith.addf %add3A_372, %mul3A_370 : vector<16xf32>
        %mul3A_374 = arith.mulf %mul3A_367, %add3A_373 : vector<16xf32>
        %add3A_375 = arith.constant 0.166666672 : f32
        %add3A_376 = vector.broadcast %add3A_375 : f32 to vector<16xf32>
        %add3A_377 = arith.addf %add3A_376, %mul3A_374 : vector<16xf32>
        %mul3A_378 = arith.mulf %mul3A_367, %add3A_377 : vector<16xf32>
        %add3A_379 = arith.constant 5.000000e-01 : f32
        %add3A_380 = vector.broadcast %add3A_379 : f32 to vector<16xf32>
        %add3A_381 = arith.addf %add3A_380, %mul3A_378 : vector<16xf32>
        %mul3A_382 = arith.mulf %mul3A_367, %add3A_381 : vector<16xf32>
        %add3A_383 = arith.constant 1.000000e+00 : f32
        %add3A_384 = vector.broadcast %add3A_383 : f32 to vector<16xf32>
        %add3A_385 = arith.addf %add3A_384, %mul3A_382 : vector<16xf32>
        %mul3A_386 = arith.mulf %mul3A_367, %add3A_385 : vector<16xf32>
        %add3A_387 = arith.constant 1.000000e+00 : f32
        %add3A_388 = vector.broadcast %add3A_387 : f32 to vector<16xf32>
        %add3A_389 = arith.addf %add3A_388, %mul3A_386 : vector<16xf32>
        %mul3A_390 = arith.mulf %add3A_389, %add3A_389 : vector<16xf32>
        %mul3A_391 = arith.mulf %mul3A_390, %mul3A_390 : vector<16xf32>
        %mul3A_392 = arith.mulf %mul3A_391, %mul3A_391 : vector<16xf32>
        %mul3A_393 = arith.mulf %mul3A_392, %mul3A_392 : vector<16xf32>
        %mul3A_394 = arith.mulf %mul3A_393, %mul3A_393 : vector<16xf32>
        %mul3A_395 = arith.mulf %mul3A_394, %mul3A_394 : vector<16xf32>
        %mul3A_396 = arith.constant 128 : i32
        %mul3A_397 = arith.muli %while3A_83, %mul3A_396 : i32
        %add3A_398 = vector.broadcast %mul3A_397 : i32 to vector<16xi32>
        %add3A_399 = arith.addi %add3A_398, %add3A_285 : vector<16xi32>
        %lt3A = vector.broadcast %scan3A_54 : i32 to vector<16xi32>
        %lt3A_400 = arith.cmpi slt, %add3A_399, %lt3A : vector<16xi32>
        %jit3A_401 = arith.constant 0.000000e+00 : f32
        %broadcast_in_dim3A_402 = vector.broadcast %jit3A_401 : f32 to vector<16xf32>
        %select_n3A_403 = arith.select %lt3A_400, %mul3A_395, %broadcast_in_dim3A_402 : vector<16xi1>, vector<16xf32>
        %swap3A_404 = arith.constant 0 : index
        %swap3A_405 = tpu.vector_load %arg18[%swap3A_404] {strides = array<i32>} : memref<128xf32, #tpu.memory_space<vmem>>, vector<16xf32>,
        tpu.vector_store %arg18[%swap3A_404], %select_n3A_403 {strides = array<i32>} : memref<128xf32, #tpu.memory_space<vmem>>, vector<16xf32>,
        %add3A_406 = arith.constant 16 : i32
        %add3A_407 = vector.broadcast %add3A_406 : i32 to vector<16xi32>
        %add3A_408 = arith.addi %add3A_407, %iota3A : vector<16xi32>
        %add3A_409 = arith.constant 0 : i32
        %add3A_410 = vector.broadcast %add3A_409 : i32 to vector<16xi32>
        %add3A_411 = arith.addi %broadcast_in_dim3A_5, %add3A_410 : vector<16xi32>
        %gather3A_412 = tpu.vector_load_idx %arg17[%add3A_408, %add3A_411] : memref<128x16xf32, #tpu.memory_space<vmem>>[vector<16xi32>, vector<16xi32>], vector<16xf32>,
        %add3A_413 = arith.addf %broadcast_in_dim3A_3, %gather3A_412 : vector<16xf32>
        %add3A_414 = arith.constant 1 : i32
        %add3A_415 = vector.broadcast %add3A_414 : i32 to vector<16xi32>
        %add3A_416 = arith.addi %broadcast_in_dim3A_5, %add3A_415 : vector<16xi32>
        %gather3A_417 = tpu.vector_load_idx %arg17[%add3A_408, %add3A_416] : memref<128x16xf32, #tpu.memory_space<vmem>>[vector<16xi32>, vector<16xi32>], vector<16xf32>,
        %add3A_418 = arith.addf %add3A_413, %gather3A_417 : vector<16xf32>
        %add3A_419 = arith.constant 2 : i32
        %add3A_420 = vector.broadcast %add3A_419 : i32 to vector<16xi32>
        %add3A_421 = arith.addi %broadcast_in_dim3A_5, %add3A_420 : vector<16xi32>
        %gather3A_422 = tpu.vector_load_idx %arg17[%add3A_408, %add3A_421] : memref<128x16xf32, #tpu.memory_space<vmem>>[vector<16xi32>, vector<16xi32>], vector<16xf32>,
        %add3A_423 = arith.addf %add3A_418, %gather3A_422 : vector<16xf32>
        %add3A_424 = arith.constant 3 : i32
        %add3A_425 = vector.broadcast %add3A_424 : i32 to vector<16xi32>
        %add3A_426 = arith.addi %broadcast_in_dim3A_5, %add3A_425 : vector<16xi32>
        %gather3A_427 = tpu.vector_load_idx %arg17[%add3A_408, %add3A_426] : memref<128x16xf32, #tpu.memory_space<vmem>>[vector<16xi32>, vector<16xi32>], vector<16xf32>,
        %add3A_428 = arith.addf %add3A_423, %gather3A_427 : vector<16xf32>
        %add3A_429 = arith.constant 4 : i32
        %add3A_430 = vector.broadcast %add3A_429 : i32 to vector<16xi32>
        %add3A_431 = arith.addi %broadcast_in_dim3A_5, %add3A_430 : vector<16xi32>
        %gather3A_432 = tpu.vector_load_idx %arg17[%add3A_408, %add3A_431] : memref<128x16xf32, #tpu.memory_space<vmem>>[vector<16xi32>, vector<16xi32>], vector<16xf32>,
        %add3A_433 = arith.addf %add3A_428, %gather3A_432 : vector<16xf32>
        %add3A_434 = arith.constant 5 : i32
        %add3A_435 = vector.broadcast %add3A_434 : i32 to vector<16xi32>
        %add3A_436 = arith.addi %broadcast_in_dim3A_5, %add3A_435 : vector<16xi32>
        %gather3A_437 = tpu.vector_load_idx %arg17[%add3A_408, %add3A_436] : memref<128x16xf32, #tpu.memory_space<vmem>>[vector<16xi32>, vector<16xi32>], vector<16xf32>,
        %add3A_438 = arith.addf %add3A_433, %gather3A_437 : vector<16xf32>
        %add3A_439 = arith.constant 6 : i32
        %add3A_440 = vector.broadcast %add3A_439 : i32 to vector<16xi32>
        %add3A_441 = arith.addi %broadcast_in_dim3A_5, %add3A_440 : vector<16xi32>
        %gather3A_442 = tpu.vector_load_idx %arg17[%add3A_408, %add3A_441] : memref<128x16xf32, #tpu.memory_space<vmem>>[vector<16xi32>, vector<16xi32>], vector<16xf32>,
        %add3A_443 = arith.addf %add3A_438, %gather3A_442 : vector<16xf32>
        %add3A_444 = arith.constant 7 : i32
        %add3A_445 = vector.broadcast %add3A_444 : i32 to vector<16xi32>
        %add3A_446 = arith.addi %broadcast_in_dim3A_5, %add3A_445 : vector<16xi32>
        %gather3A_447 = tpu.vector_load_idx %arg17[%add3A_408, %add3A_446] : memref<128x16xf32, #tpu.memory_space<vmem>>[vector<16xi32>, vector<16xi32>], vector<16xf32>,
        %add3A_448 = arith.addf %add3A_443, %gather3A_447 : vector<16xf32>
        %add3A_449 = arith.constant 8 : i32
        %add3A_450 = vector.broadcast %add3A_449 : i32 to vector<16xi32>
        %add3A_451 = arith.addi %broadcast_in_dim3A_5, %add3A_450 : vector<16xi32>
        %gather3A_452 = tpu.vector_load_idx %arg17[%add3A_408, %add3A_451] : memref<128x16xf32, #tpu.memory_space<vmem>>[vector<16xi32>, vector<16xi32>], vector<16xf32>,
        %add3A_453 = arith.addf %add3A_448, %gather3A_452 : vector<16xf32>
        %add3A_454 = arith.constant 9 : i32
        %add3A_455 = vector.broadcast %add3A_454 : i32 to vector<16xi32>
        %add3A_456 = arith.addi %broadcast_in_dim3A_5, %add3A_455 : vector<16xi32>
        %gather3A_457 = tpu.vector_load_idx %arg17[%add3A_408, %add3A_456] : memref<128x16xf32, #tpu.memory_space<vmem>>[vector<16xi32>, vector<16xi32>], vector<16xf32>,
        %add3A_458 = arith.addf %add3A_453, %gather3A_457 : vector<16xf32>
        %add3A_459 = arith.constant 10 : i32
        %add3A_460 = vector.broadcast %add3A_459 : i32 to vector<16xi32>
        %add3A_461 = arith.addi %broadcast_in_dim3A_5, %add3A_460 : vector<16xi32>
        %gather3A_462 = tpu.vector_load_idx %arg17[%add3A_408, %add3A_461] : memref<128x16xf32, #tpu.memory_space<vmem>>[vector<16xi32>, vector<16xi32>], vector<16xf32>,
        %add3A_463 = arith.addf %add3A_458, %gather3A_462 : vector<16xf32>
        %add3A_464 = arith.constant 11 : i32
        %add3A_465 = vector.broadcast %add3A_464 : i32 to vector<16xi32>
        %add3A_466 = arith.addi %broadcast_in_dim3A_5, %add3A_465 : vector<16xi32>
        %gather3A_467 = tpu.vector_load_idx %arg17[%add3A_408, %add3A_466] : memref<128x16xf32, #tpu.memory_space<vmem>>[vector<16xi32>, vector<16xi32>], vector<16xf32>,
        %add3A_468 = arith.addf %add3A_463, %gather3A_467 : vector<16xf32>
        %add3A_469 = arith.constant 12 : i32
        %add3A_470 = vector.broadcast %add3A_469 : i32 to vector<16xi32>
        %add3A_471 = arith.addi %broadcast_in_dim3A_5, %add3A_470 : vector<16xi32>
        %gather3A_472 = tpu.vector_load_idx %arg17[%add3A_408, %add3A_471] : memref<128x16xf32, #tpu.memory_space<vmem>>[vector<16xi32>, vector<16xi32>], vector<16xf32>,
        %add3A_473 = arith.addf %add3A_468, %gather3A_472 : vector<16xf32>
        %add3A_474 = arith.constant 13 : i32
        %add3A_475 = vector.broadcast %add3A_474 : i32 to vector<16xi32>
        %add3A_476 = arith.addi %broadcast_in_dim3A_5, %add3A_475 : vector<16xi32>
        %gather3A_477 = tpu.vector_load_idx %arg17[%add3A_408, %add3A_476] : memref<128x16xf32, #tpu.memory_space<vmem>>[vector<16xi32>, vector<16xi32>], vector<16xf32>,
        %add3A_478 = arith.addf %add3A_473, %gather3A_477 : vector<16xf32>
        %add3A_479 = arith.constant 14 : i32
        %add3A_480 = vector.broadcast %add3A_479 : i32 to vector<16xi32>
        %add3A_481 = arith.addi %broadcast_in_dim3A_5, %add3A_480 : vector<16xi32>
        %gather3A_482 = tpu.vector_load_idx %arg17[%add3A_408, %add3A_481] : memref<128x16xf32, #tpu.memory_space<vmem>>[vector<16xi32>, vector<16xi32>], vector<16xf32>,
        %add3A_483 = arith.addf %add3A_478, %gather3A_482 : vector<16xf32>
        %add3A_484 = arith.constant 15 : i32
        %add3A_485 = vector.broadcast %add3A_484 : i32 to vector<16xi32>
        %add3A_486 = arith.addi %broadcast_in_dim3A_5, %add3A_485 : vector<16xi32>
        %gather3A_487 = tpu.vector_load_idx %arg17[%add3A_408, %add3A_486] : memref<128x16xf32, #tpu.memory_space<vmem>>[vector<16xi32>, vector<16xi32>], vector<16xf32>,
        %add3A_488 = arith.addf %add3A_483, %gather3A_487 : vector<16xf32>
        %mul3A_489 = arith.constant 1.562500e-02 : f32
        %mul3A_490 = vector.broadcast %mul3A_489 : f32 to vector<16xf32>
        %mul3A_491 = arith.mulf %add3A_488, %mul3A_490 : vector<16xf32>
        %mul3A_492 = arith.constant 0.00833333377 : f32
        %mul3A_493 = vector.broadcast %mul3A_492 : f32 to vector<16xf32>
        %mul3A_494 = arith.mulf %mul3A_491, %mul3A_493 : vector<16xf32>
        %add3A_495 = arith.constant 0.0416666679 : f32
        %add3A_496 = vector.broadcast %add3A_495 : f32 to vector<16xf32>
        %add3A_497 = arith.addf %add3A_496, %mul3A_494 : vector<16xf32>
        %mul3A_498 = arith.mulf %mul3A_491, %add3A_497 : vector<16xf32>
        %add3A_499 = arith.constant 0.166666672 : f32
        %add3A_500 = vector.broadcast %add3A_499 : f32 to vector<16xf32>
        %add3A_501 = arith.addf %add3A_500, %mul3A_498 : vector<16xf32>
        %mul3A_502 = arith.mulf %mul3A_491, %add3A_501 : vector<16xf32>
        %add3A_503 = arith.constant 5.000000e-01 : f32
        %add3A_504 = vector.broadcast %add3A_503 : f32 to vector<16xf32>
        %add3A_505 = arith.addf %add3A_504, %mul3A_502 : vector<16xf32>
        %mul3A_506 = arith.mulf %mul3A_491, %add3A_505 : vector<16xf32>
        %add3A_507 = arith.constant 1.000000e+00 : f32
        %add3A_508 = vector.broadcast %add3A_507 : f32 to vector<16xf32>
        %add3A_509 = arith.addf %add3A_508, %mul3A_506 : vector<16xf32>
        %mul3A_510 = arith.mulf %mul3A_491, %add3A_509 : vector<16xf32>
        %add3A_511 = arith.constant 1.000000e+00 : f32
        %add3A_512 = vector.broadcast %add3A_511 : f32 to vector<16xf32>
        %add3A_513 = arith.addf %add3A_512, %mul3A_510 : vector<16xf32>
        %mul3A_514 = arith.mulf %add3A_513, %add3A_513 : vector<16xf32>
        %mul3A_515 = arith.mulf %mul3A_514, %mul3A_514 : vector<16xf32>
        %mul3A_516 = arith.mulf %mul3A_515, %mul3A_515 : vector<16xf32>
        %mul3A_517 = arith.mulf %mul3A_516, %mul3A_516 : vector<16xf32>
        %mul3A_518 = arith.mulf %mul3A_517, %mul3A_517 : vector<16xf32>
        %mul3A_519 = arith.mulf %mul3A_518, %mul3A_518 : vector<16xf32>
        %mul3A_520 = arith.constant 128 : i32
        %mul3A_521 = arith.muli %while3A_83, %mul3A_520 : i32
        %add3A_522 = vector.broadcast %mul3A_521 : i32 to vector<16xi32>
        %add3A_523 = arith.addi %add3A_522, %add3A_408 : vector<16xi32>
        %lt3A_524 = vector.broadcast %scan3A_54 : i32 to vector<16xi32>
        %lt3A_525 = arith.cmpi slt, %add3A_523, %lt3A_524 : vector<16xi32>
        %jit3A_526 = arith.constant 0.000000e+00 : f32
        %broadcast_in_dim3A_527 = vector.broadcast %jit3A_526 : f32 to vector<16xf32>
        %select_n3A_528 = arith.select %lt3A_525, %mul3A_519, %broadcast_in_dim3A_527 : vector<16xi1>, vector<16xf32>
        %swap3A_529 = arith.constant 16 : index
        %swap3A_530 = tpu.vector_load %arg18[%swap3A_529] {strides = array<i32>} : memref<128xf32, #tpu.memory_space<vmem>>, vector<16xf32>,
        tpu.vector_store %arg18[%swap3A_529], %select_n3A_528 {strides = array<i32>} : memref<128xf32, #tpu.memory_space<vmem>>, vector<16xf32>,
        %add3A_531 = arith.constant 32 : i32
        %add3A_532 = vector.broadcast %add3A_531 : i32 to vector<16xi32>
        %add3A_533 = arith.addi %add3A_532, %iota3A : vector<16xi32>
        %add3A_534 = arith.constant 0 : i32
        %add3A_535 = vector.broadcast %add3A_534 : i32 to vector<16xi32>
        %add3A_536 = arith.addi %broadcast_in_dim3A_5, %add3A_535 : vector<16xi32>
        %gather3A_537 = tpu.vector_load_idx %arg17[%add3A_533, %add3A_536] : memref<128x16xf32, #tpu.memory_space<vmem>>[vector<16xi32>, vector<16xi32>], vector<16xf32>,
        %add3A_538 = arith.addf %broadcast_in_dim3A_3, %gather3A_537 : vector<16xf32>
        %add3A_539 = arith.constant 1 : i32
        %add3A_540 = vector.broadcast %add3A_539 : i32 to vector<16xi32>
        %add3A_541 = arith.addi %broadcast_in_dim3A_5, %add3A_540 : vector<16xi32>
        %gather3A_542 = tpu.vector_load_idx %arg17[%add3A_533, %add3A_541] : memref<128x16xf32, #tpu.memory_space<vmem>>[vector<16xi32>, vector<16xi32>], vector<16xf32>,
        %add3A_543 = arith.addf %add3A_538, %gather3A_542 : vector<16xf32>
        %add3A_544 = arith.constant 2 : i32
        %add3A_545 = vector.broadcast %add3A_544 : i32 to vector<16xi32>
        %add3A_546 = arith.addi %broadcast_in_dim3A_5, %add3A_545 : vector<16xi32>
        %gather3A_547 = tpu.vector_load_idx %arg17[%add3A_533, %add3A_546] : memref<128x16xf32, #tpu.memory_space<vmem>>[vector<16xi32>, vector<16xi32>], vector<16xf32>,
        %add3A_548 = arith.addf %add3A_543, %gather3A_547 : vector<16xf32>
        %add3A_549 = arith.constant 3 : i32
        %add3A_550 = vector.broadcast %add3A_549 : i32 to vector<16xi32>
        %add3A_551 = arith.addi %broadcast_in_dim3A_5, %add3A_550 : vector<16xi32>
        %gather3A_552 = tpu.vector_load_idx %arg17[%add3A_533, %add3A_551] : memref<128x16xf32, #tpu.memory_space<vmem>>[vector<16xi32>, vector<16xi32>], vector<16xf32>,
        %add3A_553 = arith.addf %add3A_548, %gather3A_552 : vector<16xf32>
        %add3A_554 = arith.constant 4 : i32
        %add3A_555 = vector.broadcast %add3A_554 : i32 to vector<16xi32>
        %add3A_556 = arith.addi %broadcast_in_dim3A_5, %add3A_555 : vector<16xi32>
        %gather3A_557 = tpu.vector_load_idx %arg17[%add3A_533, %add3A_556] : memref<128x16xf32, #tpu.memory_space<vmem>>[vector<16xi32>, vector<16xi32>], vector<16xf32>,
        %add3A_558 = arith.addf %add3A_553, %gather3A_557 : vector<16xf32>
        %add3A_559 = arith.constant 5 : i32
        %add3A_560 = vector.broadcast %add3A_559 : i32 to vector<16xi32>
        %add3A_561 = arith.addi %broadcast_in_dim3A_5, %add3A_560 : vector<16xi32>
        %gather3A_562 = tpu.vector_load_idx %arg17[%add3A_533, %add3A_561] : memref<128x16xf32, #tpu.memory_space<vmem>>[vector<16xi32>, vector<16xi32>], vector<16xf32>,
        %add3A_563 = arith.addf %add3A_558, %gather3A_562 : vector<16xf32>
        %add3A_564 = arith.constant 6 : i32
        %add3A_565 = vector.broadcast %add3A_564 : i32 to vector<16xi32>
        %add3A_566 = arith.addi %broadcast_in_dim3A_5, %add3A_565 : vector<16xi32>
        %gather3A_567 = tpu.vector_load_idx %arg17[%add3A_533, %add3A_566] : memref<128x16xf32, #tpu.memory_space<vmem>>[vector<16xi32>, vector<16xi32>], vector<16xf32>,
        %add3A_568 = arith.addf %add3A_563, %gather3A_567 : vector<16xf32>
        %add3A_569 = arith.constant 7 : i32
        %add3A_570 = vector.broadcast %add3A_569 : i32 to vector<16xi32>
        %add3A_571 = arith.addi %broadcast_in_dim3A_5, %add3A_570 : vector<16xi32>
        %gather3A_572 = tpu.vector_load_idx %arg17[%add3A_533, %add3A_571] : memref<128x16xf32, #tpu.memory_space<vmem>>[vector<16xi32>, vector<16xi32>], vector<16xf32>,
        %add3A_573 = arith.addf %add3A_568, %gather3A_572 : vector<16xf32>
        %add3A_574 = arith.constant 8 : i32
        %add3A_575 = vector.broadcast %add3A_574 : i32 to vector<16xi32>
        %add3A_576 = arith.addi %broadcast_in_dim3A_5, %add3A_575 : vector<16xi32>
        %gather3A_577 = tpu.vector_load_idx %arg17[%add3A_533, %add3A_576] : memref<128x16xf32, #tpu.memory_space<vmem>>[vector<16xi32>, vector<16xi32>], vector<16xf32>,
        %add3A_578 = arith.addf %add3A_573, %gather3A_577 : vector<16xf32>
        %add3A_579 = arith.constant 9 : i32
        %add3A_580 = vector.broadcast %add3A_579 : i32 to vector<16xi32>
        %add3A_581 = arith.addi %broadcast_in_dim3A_5, %add3A_580 : vector<16xi32>
        %gather3A_582 = tpu.vector_load_idx %arg17[%add3A_533, %add3A_581] : memref<128x16xf32, #tpu.memory_space<vmem>>[vector<16xi32>, vector<16xi32>], vector<16xf32>,
        %add3A_583 = arith.addf %add3A_578, %gather3A_582 : vector<16xf32>
        %add3A_584 = arith.constant 10 : i32
        %add3A_585 = vector.broadcast %add3A_584 : i32 to vector<16xi32>
        %add3A_586 = arith.addi %broadcast_in_dim3A_5, %add3A_585 : vector<16xi32>
        %gather3A_587 = tpu.vector_load_idx %arg17[%add3A_533, %add3A_586] : memref<128x16xf32, #tpu.memory_space<vmem>>[vector<16xi32>, vector<16xi32>], vector<16xf32>,
        %add3A_588 = arith.addf %add3A_583, %gather3A_587 : vector<16xf32>
        %add3A_589 = arith.constant 11 : i32
        %add3A_590 = vector.broadcast %add3A_589 : i32 to vector<16xi32>
        %add3A_591 = arith.addi %broadcast_in_dim3A_5, %add3A_590 : vector<16xi32>
        %gather3A_592 = tpu.vector_load_idx %arg17[%add3A_533, %add3A_591] : memref<128x16xf32, #tpu.memory_space<vmem>>[vector<16xi32>, vector<16xi32>], vector<16xf32>,
        %add3A_593 = arith.addf %add3A_588, %gather3A_592 : vector<16xf32>
        %add3A_594 = arith.constant 12 : i32
        %add3A_595 = vector.broadcast %add3A_594 : i32 to vector<16xi32>
        %add3A_596 = arith.addi %broadcast_in_dim3A_5, %add3A_595 : vector<16xi32>
        %gather3A_597 = tpu.vector_load_idx %arg17[%add3A_533, %add3A_596] : memref<128x16xf32, #tpu.memory_space<vmem>>[vector<16xi32>, vector<16xi32>], vector<16xf32>,
        %add3A_598 = arith.addf %add3A_593, %gather3A_597 : vector<16xf32>
        %add3A_599 = arith.constant 13 : i32
        %add3A_600 = vector.broadcast %add3A_599 : i32 to vector<16xi32>
        %add3A_601 = arith.addi %broadcast_in_dim3A_5, %add3A_600 : vector<16xi32>
        %gather3A_602 = tpu.vector_load_idx %arg17[%add3A_533, %add3A_601] : memref<128x16xf32, #tpu.memory_space<vmem>>[vector<16xi32>, vector<16xi32>], vector<16xf32>,
        %add3A_603 = arith.addf %add3A_598, %gather3A_602 : vector<16xf32>
        %add3A_604 = arith.constant 14 : i32
        %add3A_605 = vector.broadcast %add3A_604 : i32 to vector<16xi32>
        %add3A_606 = arith.addi %broadcast_in_dim3A_5, %add3A_605 : vector<16xi32>
        %gather3A_607 = tpu.vector_load_idx %arg17[%add3A_533, %add3A_606] : memref<128x16xf32, #tpu.memory_space<vmem>>[vector<16xi32>, vector<16xi32>], vector<16xf32>,
        %add3A_608 = arith.addf %add3A_603, %gather3A_607 : vector<16xf32>
        %add3A_609 = arith.constant 15 : i32
        %add3A_610 = vector.broadcast %add3A_609 : i32 to vector<16xi32>
        %add3A_611 = arith.addi %broadcast_in_dim3A_5, %add3A_610 : vector<16xi32>
        %gather3A_612 = tpu.vector_load_idx %arg17[%add3A_533, %add3A_611] : memref<128x16xf32, #tpu.memory_space<vmem>>[vector<16xi32>, vector<16xi32>], vector<16xf32>,
        %add3A_613 = arith.addf %add3A_608, %gather3A_612 : vector<16xf32>
        %mul3A_614 = arith.constant 1.562500e-02 : f32
        %mul3A_615 = vector.broadcast %mul3A_614 : f32 to vector<16xf32>
        %mul3A_616 = arith.mulf %add3A_613, %mul3A_615 : vector<16xf32>
        %mul3A_617 = arith.constant 0.00833333377 : f32
        %mul3A_618 = vector.broadcast %mul3A_617 : f32 to vector<16xf32>
        %mul3A_619 = arith.mulf %mul3A_616, %mul3A_618 : vector<16xf32>
        %add3A_620 = arith.constant 0.0416666679 : f32
        %add3A_621 = vector.broadcast %add3A_620 : f32 to vector<16xf32>
        %add3A_622 = arith.addf %add3A_621, %mul3A_619 : vector<16xf32>
        %mul3A_623 = arith.mulf %mul3A_616, %add3A_622 : vector<16xf32>
        %add3A_624 = arith.constant 0.166666672 : f32
        %add3A_625 = vector.broadcast %add3A_624 : f32 to vector<16xf32>
        %add3A_626 = arith.addf %add3A_625, %mul3A_623 : vector<16xf32>
        %mul3A_627 = arith.mulf %mul3A_616, %add3A_626 : vector<16xf32>
        %add3A_628 = arith.constant 5.000000e-01 : f32
        %add3A_629 = vector.broadcast %add3A_628 : f32 to vector<16xf32>
        %add3A_630 = arith.addf %add3A_629, %mul3A_627 : vector<16xf32>
        %mul3A_631 = arith.mulf %mul3A_616, %add3A_630 : vector<16xf32>
        %add3A_632 = arith.constant 1.000000e+00 : f32
        %add3A_633 = vector.broadcast %add3A_632 : f32 to vector<16xf32>
        %add3A_634 = arith.addf %add3A_633, %mul3A_631 : vector<16xf32>
        %mul3A_635 = arith.mulf %mul3A_616, %add3A_634 : vector<16xf32>
        %add3A_636 = arith.constant 1.000000e+00 : f32
        %add3A_637 = vector.broadcast %add3A_636 : f32 to vector<16xf32>
        %add3A_638 = arith.addf %add3A_637, %mul3A_635 : vector<16xf32>
        %mul3A_639 = arith.mulf %add3A_638, %add3A_638 : vector<16xf32>
        %mul3A_640 = arith.mulf %mul3A_639, %mul3A_639 : vector<16xf32>
        %mul3A_641 = arith.mulf %mul3A_640, %mul3A_640 : vector<16xf32>
        %mul3A_642 = arith.mulf %mul3A_641, %mul3A_641 : vector<16xf32>
        %mul3A_643 = arith.mulf %mul3A_642, %mul3A_642 : vector<16xf32>
        %mul3A_644 = arith.mulf %mul3A_643, %mul3A_643 : vector<16xf32>
        %mul3A_645 = arith.constant 128 : i32
        %mul3A_646 = arith.muli %while3A_83, %mul3A_645 : i32
        %add3A_647 = vector.broadcast %mul3A_646 : i32 to vector<16xi32>
        %add3A_648 = arith.addi %add3A_647, %add3A_533 : vector<16xi32>
        %lt3A_649 = vector.broadcast %scan3A_54 : i32 to vector<16xi32>
        %lt3A_650 = arith.cmpi slt, %add3A_648, %lt3A_649 : vector<16xi32>
        %jit3A_651 = arith.constant 0.000000e+00 : f32
        %broadcast_in_dim3A_652 = vector.broadcast %jit3A_651 : f32 to vector<16xf32>
        %select_n3A_653 = arith.select %lt3A_650, %mul3A_644, %broadcast_in_dim3A_652 : vector<16xi1>, vector<16xf32>
        %swap3A_654 = arith.constant 32 : index
        %swap3A_655 = tpu.vector_load %arg18[%swap3A_654] {strides = array<i32>} : memref<128xf32, #tpu.memory_space<vmem>>, vector<16xf32>,
        tpu.vector_store %arg18[%swap3A_654], %select_n3A_653 {strides = array<i32>} : memref<128xf32, #tpu.memory_space<vmem>>, vector<16xf32>,
        %add3A_656 = arith.constant 48 : i32
        %add3A_657 = vector.broadcast %add3A_656 : i32 to vector<16xi32>
        %add3A_658 = arith.addi %add3A_657, %iota3A : vector<16xi32>
        %add3A_659 = arith.constant 0 : i32
        %add3A_660 = vector.broadcast %add3A_659 : i32 to vector<16xi32>
        %add3A_661 = arith.addi %broadcast_in_dim3A_5, %add3A_660 : vector<16xi32>
        %gather3A_662 = tpu.vector_load_idx %arg17[%add3A_658, %add3A_661] : memref<128x16xf32, #tpu.memory_space<vmem>>[vector<16xi32>, vector<16xi32>], vector<16xf32>,
        %add3A_663 = arith.addf %broadcast_in_dim3A_3, %gather3A_662 : vector<16xf32>
        %add3A_664 = arith.constant 1 : i32
        %add3A_665 = vector.broadcast %add3A_664 : i32 to vector<16xi32>
        %add3A_666 = arith.addi %broadcast_in_dim3A_5, %add3A_665 : vector<16xi32>
        %gather3A_667 = tpu.vector_load_idx %arg17[%add3A_658, %add3A_666] : memref<128x16xf32, #tpu.memory_space<vmem>>[vector<16xi32>, vector<16xi32>], vector<16xf32>,
        %add3A_668 = arith.addf %add3A_663, %gather3A_667 : vector<16xf32>
        %add3A_669 = arith.constant 2 : i32
        %add3A_670 = vector.broadcast %add3A_669 : i32 to vector<16xi32>
        %add3A_671 = arith.addi %broadcast_in_dim3A_5, %add3A_670 : vector<16xi32>
        %gather3A_672 = tpu.vector_load_idx %arg17[%add3A_658, %add3A_671] : memref<128x16xf32, #tpu.memory_space<vmem>>[vector<16xi32>, vector<16xi32>], vector<16xf32>,
        %add3A_673 = arith.addf %add3A_668, %gather3A_672 : vector<16xf32>
        %add3A_674 = arith.constant 3 : i32
        %add3A_675 = vector.broadcast %add3A_674 : i32 to vector<16xi32>
        %add3A_676 = arith.addi %broadcast_in_dim3A_5, %add3A_675 : vector<16xi32>
        %gather3A_677 = tpu.vector_load_idx %arg17[%add3A_658, %add3A_676] : memref<128x16xf32, #tpu.memory_space<vmem>>[vector<16xi32>, vector<16xi32>], vector<16xf32>,
        %add3A_678 = arith.addf %add3A_673, %gather3A_677 : vector<16xf32>
        %add3A_679 = arith.constant 4 : i32
        %add3A_680 = vector.broadcast %add3A_679 : i32 to vector<16xi32>
        %add3A_681 = arith.addi %broadcast_in_dim3A_5, %add3A_680 : vector<16xi32>
        %gather3A_682 = tpu.vector_load_idx %arg17[%add3A_658, %add3A_681] : memref<128x16xf32, #tpu.memory_space<vmem>>[vector<16xi32>, vector<16xi32>], vector<16xf32>,
        %add3A_683 = arith.addf %add3A_678, %gather3A_682 : vector<16xf32>
        %add3A_684 = arith.constant 5 : i32
        %add3A_685 = vector.broadcast %add3A_684 : i32 to vector<16xi32>
        %add3A_686 = arith.addi %broadcast_in_dim3A_5, %add3A_685 : vector<16xi32>
        %gather3A_687 = tpu.vector_load_idx %arg17[%add3A_658, %add3A_686] : memref<128x16xf32, #tpu.memory_space<vmem>>[vector<16xi32>, vector<16xi32>], vector<16xf32>,
        %add3A_688 = arith.addf %add3A_683, %gather3A_687 : vector<16xf32>
        %add3A_689 = arith.constant 6 : i32
        %add3A_690 = vector.broadcast %add3A_689 : i32 to vector<16xi32>
        %add3A_691 = arith.addi %broadcast_in_dim3A_5, %add3A_690 : vector<16xi32>
        %gather3A_692 = tpu.vector_load_idx %arg17[%add3A_658, %add3A_691] : memref<128x16xf32, #tpu.memory_space<vmem>>[vector<16xi32>, vector<16xi32>], vector<16xf32>,
        %add3A_693 = arith.addf %add3A_688, %gather3A_692 : vector<16xf32>
        %add3A_694 = arith.constant 7 : i32
        %add3A_695 = vector.broadcast %add3A_694 : i32 to vector<16xi32>
        %add3A_696 = arith.addi %broadcast_in_dim3A_5, %add3A_695 : vector<16xi32>
        %gather3A_697 = tpu.vector_load_idx %arg17[%add3A_658, %add3A_696] : memref<128x16xf32, #tpu.memory_space<vmem>>[vector<16xi32>, vector<16xi32>], vector<16xf32>,
        %add3A_698 = arith.addf %add3A_693, %gather3A_697 : vector<16xf32>
        %add3A_699 = arith.constant 8 : i32
        %add3A_700 = vector.broadcast %add3A_699 : i32 to vector<16xi32>
        %add3A_701 = arith.addi %broadcast_in_dim3A_5, %add3A_700 : vector<16xi32>
        %gather3A_702 = tpu.vector_load_idx %arg17[%add3A_658, %add3A_701] : memref<128x16xf32, #tpu.memory_space<vmem>>[vector<16xi32>, vector<16xi32>], vector<16xf32>,
        %add3A_703 = arith.addf %add3A_698, %gather3A_702 : vector<16xf32>
        %add3A_704 = arith.constant 9 : i32
        %add3A_705 = vector.broadcast %add3A_704 : i32 to vector<16xi32>
        %add3A_706 = arith.addi %broadcast_in_dim3A_5, %add3A_705 : vector<16xi32>
        %gather3A_707 = tpu.vector_load_idx %arg17[%add3A_658, %add3A_706] : memref<128x16xf32, #tpu.memory_space<vmem>>[vector<16xi32>, vector<16xi32>], vector<16xf32>,
        %add3A_708 = arith.addf %add3A_703, %gather3A_707 : vector<16xf32>
        %add3A_709 = arith.constant 10 : i32
        %add3A_710 = vector.broadcast %add3A_709 : i32 to vector<16xi32>
        %add3A_711 = arith.addi %broadcast_in_dim3A_5, %add3A_710 : vector<16xi32>
        %gather3A_712 = tpu.vector_load_idx %arg17[%add3A_658, %add3A_711] : memref<128x16xf32, #tpu.memory_space<vmem>>[vector<16xi32>, vector<16xi32>], vector<16xf32>,
        %add3A_713 = arith.addf %add3A_708, %gather3A_712 : vector<16xf32>
        %add3A_714 = arith.constant 11 : i32
        %add3A_715 = vector.broadcast %add3A_714 : i32 to vector<16xi32>
        %add3A_716 = arith.addi %broadcast_in_dim3A_5, %add3A_715 : vector<16xi32>
        %gather3A_717 = tpu.vector_load_idx %arg17[%add3A_658, %add3A_716] : memref<128x16xf32, #tpu.memory_space<vmem>>[vector<16xi32>, vector<16xi32>], vector<16xf32>,
        %add3A_718 = arith.addf %add3A_713, %gather3A_717 : vector<16xf32>
        %add3A_719 = arith.constant 12 : i32
        %add3A_720 = vector.broadcast %add3A_719 : i32 to vector<16xi32>
        %add3A_721 = arith.addi %broadcast_in_dim3A_5, %add3A_720 : vector<16xi32>
        %gather3A_722 = tpu.vector_load_idx %arg17[%add3A_658, %add3A_721] : memref<128x16xf32, #tpu.memory_space<vmem>>[vector<16xi32>, vector<16xi32>], vector<16xf32>,
        %add3A_723 = arith.addf %add3A_718, %gather3A_722 : vector<16xf32>
        %add3A_724 = arith.constant 13 : i32
        %add3A_725 = vector.broadcast %add3A_724 : i32 to vector<16xi32>
        %add3A_726 = arith.addi %broadcast_in_dim3A_5, %add3A_725 : vector<16xi32>
        %gather3A_727 = tpu.vector_load_idx %arg17[%add3A_658, %add3A_726] : memref<128x16xf32, #tpu.memory_space<vmem>>[vector<16xi32>, vector<16xi32>], vector<16xf32>,
        %add3A_728 = arith.addf %add3A_723, %gather3A_727 : vector<16xf32>
        %add3A_729 = arith.constant 14 : i32
        %add3A_730 = vector.broadcast %add3A_729 : i32 to vector<16xi32>
        %add3A_731 = arith.addi %broadcast_in_dim3A_5, %add3A_730 : vector<16xi32>
        %gather3A_732 = tpu.vector_load_idx %arg17[%add3A_658, %add3A_731] : memref<128x16xf32, #tpu.memory_space<vmem>>[vector<16xi32>, vector<16xi32>], vector<16xf32>,
        %add3A_733 = arith.addf %add3A_728, %gather3A_732 : vector<16xf32>
        %add3A_734 = arith.constant 15 : i32
        %add3A_735 = vector.broadcast %add3A_734 : i32 to vector<16xi32>
        %add3A_736 = arith.addi %broadcast_in_dim3A_5, %add3A_735 : vector<16xi32>
        %gather3A_737 = tpu.vector_load_idx %arg17[%add3A_658, %add3A_736] : memref<128x16xf32, #tpu.memory_space<vmem>>[vector<16xi32>, vector<16xi32>], vector<16xf32>,
        %add3A_738 = arith.addf %add3A_733, %gather3A_737 : vector<16xf32>
        %mul3A_739 = arith.constant 1.562500e-02 : f32
        %mul3A_740 = vector.broadcast %mul3A_739 : f32 to vector<16xf32>
        %mul3A_741 = arith.mulf %add3A_738, %mul3A_740 : vector<16xf32>
        %mul3A_742 = arith.constant 0.00833333377 : f32
        %mul3A_743 = vector.broadcast %mul3A_742 : f32 to vector<16xf32>
        %mul3A_744 = arith.mulf %mul3A_741, %mul3A_743 : vector<16xf32>
        %add3A_745 = arith.constant 0.0416666679 : f32
        %add3A_746 = vector.broadcast %add3A_745 : f32 to vector<16xf32>
        %add3A_747 = arith.addf %add3A_746, %mul3A_744 : vector<16xf32>
        %mul3A_748 = arith.mulf %mul3A_741, %add3A_747 : vector<16xf32>
        %add3A_749 = arith.constant 0.166666672 : f32
        %add3A_750 = vector.broadcast %add3A_749 : f32 to vector<16xf32>
        %add3A_751 = arith.addf %add3A_750, %mul3A_748 : vector<16xf32>
        %mul3A_752 = arith.mulf %mul3A_741, %add3A_751 : vector<16xf32>
        %add3A_753 = arith.constant 5.000000e-01 : f32
        %add3A_754 = vector.broadcast %add3A_753 : f32 to vector<16xf32>
        %add3A_755 = arith.addf %add3A_754, %mul3A_752 : vector<16xf32>
        %mul3A_756 = arith.mulf %mul3A_741, %add3A_755 : vector<16xf32>
        %add3A_757 = arith.constant 1.000000e+00 : f32
        %add3A_758 = vector.broadcast %add3A_757 : f32 to vector<16xf32>
        %add3A_759 = arith.addf %add3A_758, %mul3A_756 : vector<16xf32>
        %mul3A_760 = arith.mulf %mul3A_741, %add3A_759 : vector<16xf32>
        %add3A_761 = arith.constant 1.000000e+00 : f32
        %add3A_762 = vector.broadcast %add3A_761 : f32 to vector<16xf32>
        %add3A_763 = arith.addf %add3A_762, %mul3A_760 : vector<16xf32>
        %mul3A_764 = arith.mulf %add3A_763, %add3A_763 : vector<16xf32>
        %mul3A_765 = arith.mulf %mul3A_764, %mul3A_764 : vector<16xf32>
        %mul3A_766 = arith.mulf %mul3A_765, %mul3A_765 : vector<16xf32>
        %mul3A_767 = arith.mulf %mul3A_766, %mul3A_766 : vector<16xf32>
        %mul3A_768 = arith.mulf %mul3A_767, %mul3A_767 : vector<16xf32>
        %mul3A_769 = arith.mulf %mul3A_768, %mul3A_768 : vector<16xf32>
        %mul3A_770 = arith.constant 128 : i32
        %mul3A_771 = arith.muli %while3A_83, %mul3A_770 : i32
        %add3A_772 = vector.broadcast %mul3A_771 : i32 to vector<16xi32>
        %add3A_773 = arith.addi %add3A_772, %add3A_658 : vector<16xi32>
        %lt3A_774 = vector.broadcast %scan3A_54 : i32 to vector<16xi32>
        %lt3A_775 = arith.cmpi slt, %add3A_773, %lt3A_774 : vector<16xi32>
        %jit3A_776 = arith.constant 0.000000e+00 : f32
        %broadcast_in_dim3A_777 = vector.broadcast %jit3A_776 : f32 to vector<16xf32>
        %select_n3A_778 = arith.select %lt3A_775, %mul3A_769, %broadcast_in_dim3A_777 : vector<16xi1>, vector<16xf32>
        %swap3A_779 = arith.constant 48 : index
        %swap3A_780 = tpu.vector_load %arg18[%swap3A_779] {strides = array<i32>} : memref<128xf32, #tpu.memory_space<vmem>>, vector<16xf32>,
        tpu.vector_store %arg18[%swap3A_779], %select_n3A_778 {strides = array<i32>} : memref<128xf32, #tpu.memory_space<vmem>>, vector<16xf32>,
        %add3A_781 = arith.constant 64 : i32
        %add3A_782 = vector.broadcast %add3A_781 : i32 to vector<16xi32>
        %add3A_783 = arith.addi %add3A_782, %iota3A : vector<16xi32>
        %add3A_784 = arith.constant 0 : i32
        %add3A_785 = vector.broadcast %add3A_784 : i32 to vector<16xi32>
        %add3A_786 = arith.addi %broadcast_in_dim3A_5, %add3A_785 : vector<16xi32>
        %gather3A_787 = tpu.vector_load_idx %arg17[%add3A_783, %add3A_786] : memref<128x16xf32, #tpu.memory_space<vmem>>[vector<16xi32>, vector<16xi32>], vector<16xf32>,
        %add3A_788 = arith.addf %broadcast_in_dim3A_3, %gather3A_787 : vector<16xf32>
        %add3A_789 = arith.constant 1 : i32
        %add3A_790 = vector.broadcast %add3A_789 : i32 to vector<16xi32>
        %add3A_791 = arith.addi %broadcast_in_dim3A_5, %add3A_790 : vector<16xi32>
        %gather3A_792 = tpu.vector_load_idx %arg17[%add3A_783, %add3A_791] : memref<128x16xf32, #tpu.memory_space<vmem>>[vector<16xi32>, vector<16xi32>], vector<16xf32>,
        %add3A_793 = arith.addf %add3A_788, %gather3A_792 : vector<16xf32>
        %add3A_794 = arith.constant 2 : i32
        %add3A_795 = vector.broadcast %add3A_794 : i32 to vector<16xi32>
        %add3A_796 = arith.addi %broadcast_in_dim3A_5, %add3A_795 : vector<16xi32>
        %gather3A_797 = tpu.vector_load_idx %arg17[%add3A_783, %add3A_796] : memref<128x16xf32, #tpu.memory_space<vmem>>[vector<16xi32>, vector<16xi32>], vector<16xf32>,
        %add3A_798 = arith.addf %add3A_793, %gather3A_797 : vector<16xf32>
        %add3A_799 = arith.constant 3 : i32
        %add3A_800 = vector.broadcast %add3A_799 : i32 to vector<16xi32>
        %add3A_801 = arith.addi %broadcast_in_dim3A_5, %add3A_800 : vector<16xi32>
        %gather3A_802 = tpu.vector_load_idx %arg17[%add3A_783, %add3A_801] : memref<128x16xf32, #tpu.memory_space<vmem>>[vector<16xi32>, vector<16xi32>], vector<16xf32>,
        %add3A_803 = arith.addf %add3A_798, %gather3A_802 : vector<16xf32>
        %add3A_804 = arith.constant 4 : i32
        %add3A_805 = vector.broadcast %add3A_804 : i32 to vector<16xi32>
        %add3A_806 = arith.addi %broadcast_in_dim3A_5, %add3A_805 : vector<16xi32>
        %gather3A_807 = tpu.vector_load_idx %arg17[%add3A_783, %add3A_806] : memref<128x16xf32, #tpu.memory_space<vmem>>[vector<16xi32>, vector<16xi32>], vector<16xf32>,
        %add3A_808 = arith.addf %add3A_803, %gather3A_807 : vector<16xf32>
        %add3A_809 = arith.constant 5 : i32
        %add3A_810 = vector.broadcast %add3A_809 : i32 to vector<16xi32>
        %add3A_811 = arith.addi %broadcast_in_dim3A_5, %add3A_810 : vector<16xi32>
        %gather3A_812 = tpu.vector_load_idx %arg17[%add3A_783, %add3A_811] : memref<128x16xf32, #tpu.memory_space<vmem>>[vector<16xi32>, vector<16xi32>], vector<16xf32>,
        %add3A_813 = arith.addf %add3A_808, %gather3A_812 : vector<16xf32>
        %add3A_814 = arith.constant 6 : i32
        %add3A_815 = vector.broadcast %add3A_814 : i32 to vector<16xi32>
        %add3A_816 = arith.addi %broadcast_in_dim3A_5, %add3A_815 : vector<16xi32>
        %gather3A_817 = tpu.vector_load_idx %arg17[%add3A_783, %add3A_816] : memref<128x16xf32, #tpu.memory_space<vmem>>[vector<16xi32>, vector<16xi32>], vector<16xf32>,
        %add3A_818 = arith.addf %add3A_813, %gather3A_817 : vector<16xf32>
        %add3A_819 = arith.constant 7 : i32
        %add3A_820 = vector.broadcast %add3A_819 : i32 to vector<16xi32>
        %add3A_821 = arith.addi %broadcast_in_dim3A_5, %add3A_820 : vector<16xi32>
        %gather3A_822 = tpu.vector_load_idx %arg17[%add3A_783, %add3A_821] : memref<128x16xf32, #tpu.memory_space<vmem>>[vector<16xi32>, vector<16xi32>], vector<16xf32>,
        %add3A_823 = arith.addf %add3A_818, %gather3A_822 : vector<16xf32>
        %add3A_824 = arith.constant 8 : i32
        %add3A_825 = vector.broadcast %add3A_824 : i32 to vector<16xi32>
        %add3A_826 = arith.addi %broadcast_in_dim3A_5, %add3A_825 : vector<16xi32>
        %gather3A_827 = tpu.vector_load_idx %arg17[%add3A_783, %add3A_826] : memref<128x16xf32, #tpu.memory_space<vmem>>[vector<16xi32>, vector<16xi32>], vector<16xf32>,
        %add3A_828 = arith.addf %add3A_823, %gather3A_827 : vector<16xf32>
        %add3A_829 = arith.constant 9 : i32
        %add3A_830 = vector.broadcast %add3A_829 : i32 to vector<16xi32>
        %add3A_831 = arith.addi %broadcast_in_dim3A_5, %add3A_830 : vector<16xi32>
        %gather3A_832 = tpu.vector_load_idx %arg17[%add3A_783, %add3A_831] : memref<128x16xf32, #tpu.memory_space<vmem>>[vector<16xi32>, vector<16xi32>], vector<16xf32>,
        %add3A_833 = arith.addf %add3A_828, %gather3A_832 : vector<16xf32>
        %add3A_834 = arith.constant 10 : i32
        %add3A_835 = vector.broadcast %add3A_834 : i32 to vector<16xi32>
        %add3A_836 = arith.addi %broadcast_in_dim3A_5, %add3A_835 : vector<16xi32>
        %gather3A_837 = tpu.vector_load_idx %arg17[%add3A_783, %add3A_836] : memref<128x16xf32, #tpu.memory_space<vmem>>[vector<16xi32>, vector<16xi32>], vector<16xf32>,
        %add3A_838 = arith.addf %add3A_833, %gather3A_837 : vector<16xf32>
        %add3A_839 = arith.constant 11 : i32
        %add3A_840 = vector.broadcast %add3A_839 : i32 to vector<16xi32>
        %add3A_841 = arith.addi %broadcast_in_dim3A_5, %add3A_840 : vector<16xi32>
        %gather3A_842 = tpu.vector_load_idx %arg17[%add3A_783, %add3A_841] : memref<128x16xf32, #tpu.memory_space<vmem>>[vector<16xi32>, vector<16xi32>], vector<16xf32>,
        %add3A_843 = arith.addf %add3A_838, %gather3A_842 : vector<16xf32>
        %add3A_844 = arith.constant 12 : i32
        %add3A_845 = vector.broadcast %add3A_844 : i32 to vector<16xi32>
        %add3A_846 = arith.addi %broadcast_in_dim3A_5, %add3A_845 : vector<16xi32>
        %gather3A_847 = tpu.vector_load_idx %arg17[%add3A_783, %add3A_846] : memref<128x16xf32, #tpu.memory_space<vmem>>[vector<16xi32>, vector<16xi32>], vector<16xf32>,
        %add3A_848 = arith.addf %add3A_843, %gather3A_847 : vector<16xf32>
        %add3A_849 = arith.constant 13 : i32
        %add3A_850 = vector.broadcast %add3A_849 : i32 to vector<16xi32>
        %add3A_851 = arith.addi %broadcast_in_dim3A_5, %add3A_850 : vector<16xi32>
        %gather3A_852 = tpu.vector_load_idx %arg17[%add3A_783, %add3A_851] : memref<128x16xf32, #tpu.memory_space<vmem>>[vector<16xi32>, vector<16xi32>], vector<16xf32>,
        %add3A_853 = arith.addf %add3A_848, %gather3A_852 : vector<16xf32>
        %add3A_854 = arith.constant 14 : i32
        %add3A_855 = vector.broadcast %add3A_854 : i32 to vector<16xi32>
        %add3A_856 = arith.addi %broadcast_in_dim3A_5, %add3A_855 : vector<16xi32>
        %gather3A_857 = tpu.vector_load_idx %arg17[%add3A_783, %add3A_856] : memref<128x16xf32, #tpu.memory_space<vmem>>[vector<16xi32>, vector<16xi32>], vector<16xf32>,
        %add3A_858 = arith.addf %add3A_853, %gather3A_857 : vector<16xf32>
        %add3A_859 = arith.constant 15 : i32
        %add3A_860 = vector.broadcast %add3A_859 : i32 to vector<16xi32>
        %add3A_861 = arith.addi %broadcast_in_dim3A_5, %add3A_860 : vector<16xi32>
        %gather3A_862 = tpu.vector_load_idx %arg17[%add3A_783, %add3A_861] : memref<128x16xf32, #tpu.memory_space<vmem>>[vector<16xi32>, vector<16xi32>], vector<16xf32>,
        %add3A_863 = arith.addf %add3A_858, %gather3A_862 : vector<16xf32>
        %mul3A_864 = arith.constant 1.562500e-02 : f32
        %mul3A_865 = vector.broadcast %mul3A_864 : f32 to vector<16xf32>
        %mul3A_866 = arith.mulf %add3A_863, %mul3A_865 : vector<16xf32>
        %mul3A_867 = arith.constant 0.00833333377 : f32
        %mul3A_868 = vector.broadcast %mul3A_867 : f32 to vector<16xf32>
        %mul3A_869 = arith.mulf %mul3A_866, %mul3A_868 : vector<16xf32>
        %add3A_870 = arith.constant 0.0416666679 : f32
        %add3A_871 = vector.broadcast %add3A_870 : f32 to vector<16xf32>
        %add3A_872 = arith.addf %add3A_871, %mul3A_869 : vector<16xf32>
        %mul3A_873 = arith.mulf %mul3A_866, %add3A_872 : vector<16xf32>
        %add3A_874 = arith.constant 0.166666672 : f32
        %add3A_875 = vector.broadcast %add3A_874 : f32 to vector<16xf32>
        %add3A_876 = arith.addf %add3A_875, %mul3A_873 : vector<16xf32>
        %mul3A_877 = arith.mulf %mul3A_866, %add3A_876 : vector<16xf32>
        %add3A_878 = arith.constant 5.000000e-01 : f32
        %add3A_879 = vector.broadcast %add3A_878 : f32 to vector<16xf32>
        %add3A_880 = arith.addf %add3A_879, %mul3A_877 : vector<16xf32>
        %mul3A_881 = arith.mulf %mul3A_866, %add3A_880 : vector<16xf32>
        %add3A_882 = arith.constant 1.000000e+00 : f32
        %add3A_883 = vector.broadcast %add3A_882 : f32 to vector<16xf32>
        %add3A_884 = arith.addf %add3A_883, %mul3A_881 : vector<16xf32>
        %mul3A_885 = arith.mulf %mul3A_866, %add3A_884 : vector<16xf32>
        %add3A_886 = arith.constant 1.000000e+00 : f32
        %add3A_887 = vector.broadcast %add3A_886 : f32 to vector<16xf32>
        %add3A_888 = arith.addf %add3A_887, %mul3A_885 : vector<16xf32>
        %mul3A_889 = arith.mulf %add3A_888, %add3A_888 : vector<16xf32>
        %mul3A_890 = arith.mulf %mul3A_889, %mul3A_889 : vector<16xf32>
        %mul3A_891 = arith.mulf %mul3A_890, %mul3A_890 : vector<16xf32>
        %mul3A_892 = arith.mulf %mul3A_891, %mul3A_891 : vector<16xf32>
        %mul3A_893 = arith.mulf %mul3A_892, %mul3A_892 : vector<16xf32>
        %mul3A_894 = arith.mulf %mul3A_893, %mul3A_893 : vector<16xf32>
        %mul3A_895 = arith.constant 128 : i32
        %mul3A_896 = arith.muli %while3A_83, %mul3A_895 : i32
        %add3A_897 = vector.broadcast %mul3A_896 : i32 to vector<16xi32>
        %add3A_898 = arith.addi %add3A_897, %add3A_783 : vector<16xi32>
        %lt3A_899 = vector.broadcast %scan3A_54 : i32 to vector<16xi32>
        %lt3A_900 = arith.cmpi slt, %add3A_898, %lt3A_899 : vector<16xi32>
        %jit3A_901 = arith.constant 0.000000e+00 : f32
        %broadcast_in_dim3A_902 = vector.broadcast %jit3A_901 : f32 to vector<16xf32>
        %select_n3A_903 = arith.select %lt3A_900, %mul3A_894, %broadcast_in_dim3A_902 : vector<16xi1>, vector<16xf32>
        %swap3A_904 = arith.constant 64 : index
        %swap3A_905 = tpu.vector_load %arg18[%swap3A_904] {strides = array<i32>} : memref<128xf32, #tpu.memory_space<vmem>>, vector<16xf32>,
        tpu.vector_store %arg18[%swap3A_904], %select_n3A_903 {strides = array<i32>} : memref<128xf32, #tpu.memory_space<vmem>>, vector<16xf32>,
        %add3A_906 = arith.constant 80 : i32
        %add3A_907 = vector.broadcast %add3A_906 : i32 to vector<16xi32>
        %add3A_908 = arith.addi %add3A_907, %iota3A : vector<16xi32>
        %add3A_909 = arith.constant 0 : i32
        %add3A_910 = vector.broadcast %add3A_909 : i32 to vector<16xi32>
        %add3A_911 = arith.addi %broadcast_in_dim3A_5, %add3A_910 : vector<16xi32>
        %gather3A_912 = tpu.vector_load_idx %arg17[%add3A_908, %add3A_911] : memref<128x16xf32, #tpu.memory_space<vmem>>[vector<16xi32>, vector<16xi32>], vector<16xf32>,
        %add3A_913 = arith.addf %broadcast_in_dim3A_3, %gather3A_912 : vector<16xf32>
        %add3A_914 = arith.constant 1 : i32
        %add3A_915 = vector.broadcast %add3A_914 : i32 to vector<16xi32>
        %add3A_916 = arith.addi %broadcast_in_dim3A_5, %add3A_915 : vector<16xi32>
        %gather3A_917 = tpu.vector_load_idx %arg17[%add3A_908, %add3A_916] : memref<128x16xf32, #tpu.memory_space<vmem>>[vector<16xi32>, vector<16xi32>], vector<16xf32>,
        %add3A_918 = arith.addf %add3A_913, %gather3A_917 : vector<16xf32>
        %add3A_919 = arith.constant 2 : i32
        %add3A_920 = vector.broadcast %add3A_919 : i32 to vector<16xi32>
        %add3A_921 = arith.addi %broadcast_in_dim3A_5, %add3A_920 : vector<16xi32>
        %gather3A_922 = tpu.vector_load_idx %arg17[%add3A_908, %add3A_921] : memref<128x16xf32, #tpu.memory_space<vmem>>[vector<16xi32>, vector<16xi32>], vector<16xf32>,
        %add3A_923 = arith.addf %add3A_918, %gather3A_922 : vector<16xf32>
        %add3A_924 = arith.constant 3 : i32
        %add3A_925 = vector.broadcast %add3A_924 : i32 to vector<16xi32>
        %add3A_926 = arith.addi %broadcast_in_dim3A_5, %add3A_925 : vector<16xi32>
        %gather3A_927 = tpu.vector_load_idx %arg17[%add3A_908, %add3A_926] : memref<128x16xf32, #tpu.memory_space<vmem>>[vector<16xi32>, vector<16xi32>], vector<16xf32>,
        %add3A_928 = arith.addf %add3A_923, %gather3A_927 : vector<16xf32>
        %add3A_929 = arith.constant 4 : i32
        %add3A_930 = vector.broadcast %add3A_929 : i32 to vector<16xi32>
        %add3A_931 = arith.addi %broadcast_in_dim3A_5, %add3A_930 : vector<16xi32>
        %gather3A_932 = tpu.vector_load_idx %arg17[%add3A_908, %add3A_931] : memref<128x16xf32, #tpu.memory_space<vmem>>[vector<16xi32>, vector<16xi32>], vector<16xf32>,
        %add3A_933 = arith.addf %add3A_928, %gather3A_932 : vector<16xf32>
        %add3A_934 = arith.constant 5 : i32
        %add3A_935 = vector.broadcast %add3A_934 : i32 to vector<16xi32>
        %add3A_936 = arith.addi %broadcast_in_dim3A_5, %add3A_935 : vector<16xi32>
        %gather3A_937 = tpu.vector_load_idx %arg17[%add3A_908, %add3A_936] : memref<128x16xf32, #tpu.memory_space<vmem>>[vector<16xi32>, vector<16xi32>], vector<16xf32>,
        %add3A_938 = arith.addf %add3A_933, %gather3A_937 : vector<16xf32>
        %add3A_939 = arith.constant 6 : i32
        %add3A_940 = vector.broadcast %add3A_939 : i32 to vector<16xi32>
        %add3A_941 = arith.addi %broadcast_in_dim3A_5, %add3A_940 : vector<16xi32>
        %gather3A_942 = tpu.vector_load_idx %arg17[%add3A_908, %add3A_941] : memref<128x16xf32, #tpu.memory_space<vmem>>[vector<16xi32>, vector<16xi32>], vector<16xf32>,
        %add3A_943 = arith.addf %add3A_938, %gather3A_942 : vector<16xf32>
        %add3A_944 = arith.constant 7 : i32
        %add3A_945 = vector.broadcast %add3A_944 : i32 to vector<16xi32>
        %add3A_946 = arith.addi %broadcast_in_dim3A_5, %add3A_945 : vector<16xi32>
        %gather3A_947 = tpu.vector_load_idx %arg17[%add3A_908, %add3A_946] : memref<128x16xf32, #tpu.memory_space<vmem>>[vector<16xi32>, vector<16xi32>], vector<16xf32>,
        %add3A_948 = arith.addf %add3A_943, %gather3A_947 : vector<16xf32>
        %add3A_949 = arith.constant 8 : i32
        %add3A_950 = vector.broadcast %add3A_949 : i32 to vector<16xi32>
        %add3A_951 = arith.addi %broadcast_in_dim3A_5, %add3A_950 : vector<16xi32>
        %gather3A_952 = tpu.vector_load_idx %arg17[%add3A_908, %add3A_951] : memref<128x16xf32, #tpu.memory_space<vmem>>[vector<16xi32>, vector<16xi32>], vector<16xf32>,
        %add3A_953 = arith.addf %add3A_948, %gather3A_952 : vector<16xf32>
        %add3A_954 = arith.constant 9 : i32
        %add3A_955 = vector.broadcast %add3A_954 : i32 to vector<16xi32>
        %add3A_956 = arith.addi %broadcast_in_dim3A_5, %add3A_955 : vector<16xi32>
        %gather3A_957 = tpu.vector_load_idx %arg17[%add3A_908, %add3A_956] : memref<128x16xf32, #tpu.memory_space<vmem>>[vector<16xi32>, vector<16xi32>], vector<16xf32>,
        %add3A_958 = arith.addf %add3A_953, %gather3A_957 : vector<16xf32>
        %add3A_959 = arith.constant 10 : i32
        %add3A_960 = vector.broadcast %add3A_959 : i32 to vector<16xi32>
        %add3A_961 = arith.addi %broadcast_in_dim3A_5, %add3A_960 : vector<16xi32>
        %gather3A_962 = tpu.vector_load_idx %arg17[%add3A_908, %add3A_961] : memref<128x16xf32, #tpu.memory_space<vmem>>[vector<16xi32>, vector<16xi32>], vector<16xf32>,
        %add3A_963 = arith.addf %add3A_958, %gather3A_962 : vector<16xf32>
        %add3A_964 = arith.constant 11 : i32
        %add3A_965 = vector.broadcast %add3A_964 : i32 to vector<16xi32>
        %add3A_966 = arith.addi %broadcast_in_dim3A_5, %add3A_965 : vector<16xi32>
        %gather3A_967 = tpu.vector_load_idx %arg17[%add3A_908, %add3A_966] : memref<128x16xf32, #tpu.memory_space<vmem>>[vector<16xi32>, vector<16xi32>], vector<16xf32>,
        %add3A_968 = arith.addf %add3A_963, %gather3A_967 : vector<16xf32>
        %add3A_969 = arith.constant 12 : i32
        %add3A_970 = vector.broadcast %add3A_969 : i32 to vector<16xi32>
        %add3A_971 = arith.addi %broadcast_in_dim3A_5, %add3A_970 : vector<16xi32>
        %gather3A_972 = tpu.vector_load_idx %arg17[%add3A_908, %add3A_971] : memref<128x16xf32, #tpu.memory_space<vmem>>[vector<16xi32>, vector<16xi32>], vector<16xf32>,
        %add3A_973 = arith.addf %add3A_968, %gather3A_972 : vector<16xf32>
        %add3A_974 = arith.constant 13 : i32
        %add3A_975 = vector.broadcast %add3A_974 : i32 to vector<16xi32>
        %add3A_976 = arith.addi %broadcast_in_dim3A_5, %add3A_975 : vector<16xi32>
        %gather3A_977 = tpu.vector_load_idx %arg17[%add3A_908, %add3A_976] : memref<128x16xf32, #tpu.memory_space<vmem>>[vector<16xi32>, vector<16xi32>], vector<16xf32>,
        %add3A_978 = arith.addf %add3A_973, %gather3A_977 : vector<16xf32>
        %add3A_979 = arith.constant 14 : i32
        %add3A_980 = vector.broadcast %add3A_979 : i32 to vector<16xi32>
        %add3A_981 = arith.addi %broadcast_in_dim3A_5, %add3A_980 : vector<16xi32>
        %gather3A_982 = tpu.vector_load_idx %arg17[%add3A_908, %add3A_981] : memref<128x16xf32, #tpu.memory_space<vmem>>[vector<16xi32>, vector<16xi32>], vector<16xf32>,
        %add3A_983 = arith.addf %add3A_978, %gather3A_982 : vector<16xf32>
        %add3A_984 = arith.constant 15 : i32
        %add3A_985 = vector.broadcast %add3A_984 : i32 to vector<16xi32>
        %add3A_986 = arith.addi %broadcast_in_dim3A_5, %add3A_985 : vector<16xi32>
        %gather3A_987 = tpu.vector_load_idx %arg17[%add3A_908, %add3A_986] : memref<128x16xf32, #tpu.memory_space<vmem>>[vector<16xi32>, vector<16xi32>], vector<16xf32>,
        %add3A_988 = arith.addf %add3A_983, %gather3A_987 : vector<16xf32>
        %mul3A_989 = arith.constant 1.562500e-02 : f32
        %mul3A_990 = vector.broadcast %mul3A_989 : f32 to vector<16xf32>
        %mul3A_991 = arith.mulf %add3A_988, %mul3A_990 : vector<16xf32>
        %mul3A_992 = arith.constant 0.00833333377 : f32
        %mul3A_993 = vector.broadcast %mul3A_992 : f32 to vector<16xf32>
        %mul3A_994 = arith.mulf %mul3A_991, %mul3A_993 : vector<16xf32>
        %add3A_995 = arith.constant 0.0416666679 : f32
        %add3A_996 = vector.broadcast %add3A_995 : f32 to vector<16xf32>
        %add3A_997 = arith.addf %add3A_996, %mul3A_994 : vector<16xf32>
        %mul3A_998 = arith.mulf %mul3A_991, %add3A_997 : vector<16xf32>
        %add3A_999 = arith.constant 0.166666672 : f32
        %add3A_1000 = vector.broadcast %add3A_999 : f32 to vector<16xf32>
        %add3A_1001 = arith.addf %add3A_1000, %mul3A_998 : vector<16xf32>
        %mul3A_1002 = arith.mulf %mul3A_991, %add3A_1001 : vector<16xf32>
        %add3A_1003 = arith.constant 5.000000e-01 : f32
        %add3A_1004 = vector.broadcast %add3A_1003 : f32 to vector<16xf32>
        %add3A_1005 = arith.addf %add3A_1004, %mul3A_1002 : vector<16xf32>
        %mul3A_1006 = arith.mulf %mul3A_991, %add3A_1005 : vector<16xf32>
        %add3A_1007 = arith.constant 1.000000e+00 : f32
        %add3A_1008 = vector.broadcast %add3A_1007 : f32 to vector<16xf32>
        %add3A_1009 = arith.addf %add3A_1008, %mul3A_1006 : vector<16xf32>
        %mul3A_1010 = arith.mulf %mul3A_991, %add3A_1009 : vector<16xf32>
        %add3A_1011 = arith.constant 1.000000e+00 : f32
        %add3A_1012 = vector.broadcast %add3A_1011 : f32 to vector<16xf32>
        %add3A_1013 = arith.addf %add3A_1012, %mul3A_1010 : vector<16xf32>
        %mul3A_1014 = arith.mulf %add3A_1013, %add3A_1013 : vector<16xf32>
        %mul3A_1015 = arith.mulf %mul3A_1014, %mul3A_1014 : vector<16xf32>
        %mul3A_1016 = arith.mulf %mul3A_1015, %mul3A_1015 : vector<16xf32>
        %mul3A_1017 = arith.mulf %mul3A_1016, %mul3A_1016 : vector<16xf32>
        %mul3A_1018 = arith.mulf %mul3A_1017, %mul3A_1017 : vector<16xf32>
        %mul3A_1019 = arith.mulf %mul3A_1018, %mul3A_1018 : vector<16xf32>
        %mul3A_1020 = arith.constant 128 : i32
        %mul3A_1021 = arith.muli %while3A_83, %mul3A_1020 : i32
        %add3A_1022 = vector.broadcast %mul3A_1021 : i32 to vector<16xi32>
        %add3A_1023 = arith.addi %add3A_1022, %add3A_908 : vector<16xi32>
        %lt3A_1024 = vector.broadcast %scan3A_54 : i32 to vector<16xi32>
        %lt3A_1025 = arith.cmpi slt, %add3A_1023, %lt3A_1024 : vector<16xi32>
        %jit3A_1026 = arith.constant 0.000000e+00 : f32
        %broadcast_in_dim3A_1027 = vector.broadcast %jit3A_1026 : f32 to vector<16xf32>
        %select_n3A_1028 = arith.select %lt3A_1025, %mul3A_1019, %broadcast_in_dim3A_1027 : vector<16xi1>, vector<16xf32>
        %swap3A_1029 = arith.constant 80 : index
        %swap3A_1030 = tpu.vector_load %arg18[%swap3A_1029] {strides = array<i32>} : memref<128xf32, #tpu.memory_space<vmem>>, vector<16xf32>,
        tpu.vector_store %arg18[%swap3A_1029], %select_n3A_1028 {strides = array<i32>} : memref<128xf32, #tpu.memory_space<vmem>>, vector<16xf32>,
        %add3A_1031 = arith.constant 96 : i32
        %add3A_1032 = vector.broadcast %add3A_1031 : i32 to vector<16xi32>
        %add3A_1033 = arith.addi %add3A_1032, %iota3A : vector<16xi32>
        %add3A_1034 = arith.constant 0 : i32
        %add3A_1035 = vector.broadcast %add3A_1034 : i32 to vector<16xi32>
        %add3A_1036 = arith.addi %broadcast_in_dim3A_5, %add3A_1035 : vector<16xi32>
        %gather3A_1037 = tpu.vector_load_idx %arg17[%add3A_1033, %add3A_1036] : memref<128x16xf32, #tpu.memory_space<vmem>>[vector<16xi32>, vector<16xi32>], vector<16xf32>,
        %add3A_1038 = arith.addf %broadcast_in_dim3A_3, %gather3A_1037 : vector<16xf32>
        %add3A_1039 = arith.constant 1 : i32
        %add3A_1040 = vector.broadcast %add3A_1039 : i32 to vector<16xi32>
        %add3A_1041 = arith.addi %broadcast_in_dim3A_5, %add3A_1040 : vector<16xi32>
        %gather3A_1042 = tpu.vector_load_idx %arg17[%add3A_1033, %add3A_1041] : memref<128x16xf32, #tpu.memory_space<vmem>>[vector<16xi32>, vector<16xi32>], vector<16xf32>,
        %add3A_1043 = arith.addf %add3A_1038, %gather3A_1042 : vector<16xf32>
        %add3A_1044 = arith.constant 2 : i32
        %add3A_1045 = vector.broadcast %add3A_1044 : i32 to vector<16xi32>
        %add3A_1046 = arith.addi %broadcast_in_dim3A_5, %add3A_1045 : vector<16xi32>
        %gather3A_1047 = tpu.vector_load_idx %arg17[%add3A_1033, %add3A_1046] : memref<128x16xf32, #tpu.memory_space<vmem>>[vector<16xi32>, vector<16xi32>], vector<16xf32>,
        %add3A_1048 = arith.addf %add3A_1043, %gather3A_1047 : vector<16xf32>
        %add3A_1049 = arith.constant 3 : i32
        %add3A_1050 = vector.broadcast %add3A_1049 : i32 to vector<16xi32>
        %add3A_1051 = arith.addi %broadcast_in_dim3A_5, %add3A_1050 : vector<16xi32>
        %gather3A_1052 = tpu.vector_load_idx %arg17[%add3A_1033, %add3A_1051] : memref<128x16xf32, #tpu.memory_space<vmem>>[vector<16xi32>, vector<16xi32>], vector<16xf32>,
        %add3A_1053 = arith.addf %add3A_1048, %gather3A_1052 : vector<16xf32>
        %add3A_1054 = arith.constant 4 : i32
        %add3A_1055 = vector.broadcast %add3A_1054 : i32 to vector<16xi32>
        %add3A_1056 = arith.addi %broadcast_in_dim3A_5, %add3A_1055 : vector<16xi32>
        %gather3A_1057 = tpu.vector_load_idx %arg17[%add3A_1033, %add3A_1056] : memref<128x16xf32, #tpu.memory_space<vmem>>[vector<16xi32>, vector<16xi32>], vector<16xf32>,
        %add3A_1058 = arith.addf %add3A_1053, %gather3A_1057 : vector<16xf32>
        %add3A_1059 = arith.constant 5 : i32
        %add3A_1060 = vector.broadcast %add3A_1059 : i32 to vector<16xi32>
        %add3A_1061 = arith.addi %broadcast_in_dim3A_5, %add3A_1060 : vector<16xi32>
        %gather3A_1062 = tpu.vector_load_idx %arg17[%add3A_1033, %add3A_1061] : memref<128x16xf32, #tpu.memory_space<vmem>>[vector<16xi32>, vector<16xi32>], vector<16xf32>,
        %add3A_1063 = arith.addf %add3A_1058, %gather3A_1062 : vector<16xf32>
        %add3A_1064 = arith.constant 6 : i32
        %add3A_1065 = vector.broadcast %add3A_1064 : i32 to vector<16xi32>
        %add3A_1066 = arith.addi %broadcast_in_dim3A_5, %add3A_1065 : vector<16xi32>
        %gather3A_1067 = tpu.vector_load_idx %arg17[%add3A_1033, %add3A_1066] : memref<128x16xf32, #tpu.memory_space<vmem>>[vector<16xi32>, vector<16xi32>], vector<16xf32>,
        %add3A_1068 = arith.addf %add3A_1063, %gather3A_1067 : vector<16xf32>
        %add3A_1069 = arith.constant 7 : i32
        %add3A_1070 = vector.broadcast %add3A_1069 : i32 to vector<16xi32>
        %add3A_1071 = arith.addi %broadcast_in_dim3A_5, %add3A_1070 : vector<16xi32>
        %gather3A_1072 = tpu.vector_load_idx %arg17[%add3A_1033, %add3A_1071] : memref<128x16xf32, #tpu.memory_space<vmem>>[vector<16xi32>, vector<16xi32>], vector<16xf32>,
        %add3A_1073 = arith.addf %add3A_1068, %gather3A_1072 : vector<16xf32>
        %add3A_1074 = arith.constant 8 : i32
        %add3A_1075 = vector.broadcast %add3A_1074 : i32 to vector<16xi32>
        %add3A_1076 = arith.addi %broadcast_in_dim3A_5, %add3A_1075 : vector<16xi32>
        %gather3A_1077 = tpu.vector_load_idx %arg17[%add3A_1033, %add3A_1076] : memref<128x16xf32, #tpu.memory_space<vmem>>[vector<16xi32>, vector<16xi32>], vector<16xf32>,
        %add3A_1078 = arith.addf %add3A_1073, %gather3A_1077 : vector<16xf32>
        %add3A_1079 = arith.constant 9 : i32
        %add3A_1080 = vector.broadcast %add3A_1079 : i32 to vector<16xi32>
        %add3A_1081 = arith.addi %broadcast_in_dim3A_5, %add3A_1080 : vector<16xi32>
        %gather3A_1082 = tpu.vector_load_idx %arg17[%add3A_1033, %add3A_1081] : memref<128x16xf32, #tpu.memory_space<vmem>>[vector<16xi32>, vector<16xi32>], vector<16xf32>,
        %add3A_1083 = arith.addf %add3A_1078, %gather3A_1082 : vector<16xf32>
        %add3A_1084 = arith.constant 10 : i32
        %add3A_1085 = vector.broadcast %add3A_1084 : i32 to vector<16xi32>
        %add3A_1086 = arith.addi %broadcast_in_dim3A_5, %add3A_1085 : vector<16xi32>
        %gather3A_1087 = tpu.vector_load_idx %arg17[%add3A_1033, %add3A_1086] : memref<128x16xf32, #tpu.memory_space<vmem>>[vector<16xi32>, vector<16xi32>], vector<16xf32>,
        %add3A_1088 = arith.addf %add3A_1083, %gather3A_1087 : vector<16xf32>
        %add3A_1089 = arith.constant 11 : i32
        %add3A_1090 = vector.broadcast %add3A_1089 : i32 to vector<16xi32>
        %add3A_1091 = arith.addi %broadcast_in_dim3A_5, %add3A_1090 : vector<16xi32>
        %gather3A_1092 = tpu.vector_load_idx %arg17[%add3A_1033, %add3A_1091] : memref<128x16xf32, #tpu.memory_space<vmem>>[vector<16xi32>, vector<16xi32>], vector<16xf32>,
        %add3A_1093 = arith.addf %add3A_1088, %gather3A_1092 : vector<16xf32>
        %add3A_1094 = arith.constant 12 : i32
        %add3A_1095 = vector.broadcast %add3A_1094 : i32 to vector<16xi32>
        %add3A_1096 = arith.addi %broadcast_in_dim3A_5, %add3A_1095 : vector<16xi32>
        %gather3A_1097 = tpu.vector_load_idx %arg17[%add3A_1033, %add3A_1096] : memref<128x16xf32, #tpu.memory_space<vmem>>[vector<16xi32>, vector<16xi32>], vector<16xf32>,
        %add3A_1098 = arith.addf %add3A_1093, %gather3A_1097 : vector<16xf32>
        %add3A_1099 = arith.constant 13 : i32
        %add3A_1100 = vector.broadcast %add3A_1099 : i32 to vector<16xi32>
        %add3A_1101 = arith.addi %broadcast_in_dim3A_5, %add3A_1100 : vector<16xi32>
        %gather3A_1102 = tpu.vector_load_idx %arg17[%add3A_1033, %add3A_1101] : memref<128x16xf32, #tpu.memory_space<vmem>>[vector<16xi32>, vector<16xi32>], vector<16xf32>,
        %add3A_1103 = arith.addf %add3A_1098, %gather3A_1102 : vector<16xf32>
        %add3A_1104 = arith.constant 14 : i32
        %add3A_1105 = vector.broadcast %add3A_1104 : i32 to vector<16xi32>
        %add3A_1106 = arith.addi %broadcast_in_dim3A_5, %add3A_1105 : vector<16xi32>
        %gather3A_1107 = tpu.vector_load_idx %arg17[%add3A_1033, %add3A_1106] : memref<128x16xf32, #tpu.memory_space<vmem>>[vector<16xi32>, vector<16xi32>], vector<16xf32>,
        %add3A_1108 = arith.addf %add3A_1103, %gather3A_1107 : vector<16xf32>
        %add3A_1109 = arith.constant 15 : i32
        %add3A_1110 = vector.broadcast %add3A_1109 : i32 to vector<16xi32>
        %add3A_1111 = arith.addi %broadcast_in_dim3A_5, %add3A_1110 : vector<16xi32>
        %gather3A_1112 = tpu.vector_load_idx %arg17[%add3A_1033, %add3A_1111] : memref<128x16xf32, #tpu.memory_space<vmem>>[vector<16xi32>, vector<16xi32>], vector<16xf32>,
        %add3A_1113 = arith.addf %add3A_1108, %gather3A_1112 : vector<16xf32>
        %mul3A_1114 = arith.constant 1.562500e-02 : f32
        %mul3A_1115 = vector.broadcast %mul3A_1114 : f32 to vector<16xf32>
        %mul3A_1116 = arith.mulf %add3A_1113, %mul3A_1115 : vector<16xf32>
        %mul3A_1117 = arith.constant 0.00833333377 : f32
        %mul3A_1118 = vector.broadcast %mul3A_1117 : f32 to vector<16xf32>
        %mul3A_1119 = arith.mulf %mul3A_1116, %mul3A_1118 : vector<16xf32>
        %add3A_1120 = arith.constant 0.0416666679 : f32
        %add3A_1121 = vector.broadcast %add3A_1120 : f32 to vector<16xf32>
        %add3A_1122 = arith.addf %add3A_1121, %mul3A_1119 : vector<16xf32>
        %mul3A_1123 = arith.mulf %mul3A_1116, %add3A_1122 : vector<16xf32>
        %add3A_1124 = arith.constant 0.166666672 : f32
        %add3A_1125 = vector.broadcast %add3A_1124 : f32 to vector<16xf32>
        %add3A_1126 = arith.addf %add3A_1125, %mul3A_1123 : vector<16xf32>
        %mul3A_1127 = arith.mulf %mul3A_1116, %add3A_1126 : vector<16xf32>
        %add3A_1128 = arith.constant 5.000000e-01 : f32
        %add3A_1129 = vector.broadcast %add3A_1128 : f32 to vector<16xf32>
        %add3A_1130 = arith.addf %add3A_1129, %mul3A_1127 : vector<16xf32>
        %mul3A_1131 = arith.mulf %mul3A_1116, %add3A_1130 : vector<16xf32>
        %add3A_1132 = arith.constant 1.000000e+00 : f32
        %add3A_1133 = vector.broadcast %add3A_1132 : f32 to vector<16xf32>
        %add3A_1134 = arith.addf %add3A_1133, %mul3A_1131 : vector<16xf32>
        %mul3A_1135 = arith.mulf %mul3A_1116, %add3A_1134 : vector<16xf32>
        %add3A_1136 = arith.constant 1.000000e+00 : f32
        %add3A_1137 = vector.broadcast %add3A_1136 : f32 to vector<16xf32>
        %add3A_1138 = arith.addf %add3A_1137, %mul3A_1135 : vector<16xf32>
        %mul3A_1139 = arith.mulf %add3A_1138, %add3A_1138 : vector<16xf32>
        %mul3A_1140 = arith.mulf %mul3A_1139, %mul3A_1139 : vector<16xf32>
        %mul3A_1141 = arith.mulf %mul3A_1140, %mul3A_1140 : vector<16xf32>
        %mul3A_1142 = arith.mulf %mul3A_1141, %mul3A_1141 : vector<16xf32>
        %mul3A_1143 = arith.mulf %mul3A_1142, %mul3A_1142 : vector<16xf32>
        %mul3A_1144 = arith.mulf %mul3A_1143, %mul3A_1143 : vector<16xf32>
        %mul3A_1145 = arith.constant 128 : i32
        %mul3A_1146 = arith.muli %while3A_83, %mul3A_1145 : i32
        %add3A_1147 = vector.broadcast %mul3A_1146 : i32 to vector<16xi32>
        %add3A_1148 = arith.addi %add3A_1147, %add3A_1033 : vector<16xi32>
        %lt3A_1149 = vector.broadcast %scan3A_54 : i32 to vector<16xi32>
        %lt3A_1150 = arith.cmpi slt, %add3A_1148, %lt3A_1149 : vector<16xi32>
        %jit3A_1151 = arith.constant 0.000000e+00 : f32
        %broadcast_in_dim3A_1152 = vector.broadcast %jit3A_1151 : f32 to vector<16xf32>
        %select_n3A_1153 = arith.select %lt3A_1150, %mul3A_1144, %broadcast_in_dim3A_1152 : vector<16xi1>, vector<16xf32>
        %swap3A_1154 = arith.constant 96 : index
        %swap3A_1155 = tpu.vector_load %arg18[%swap3A_1154] {strides = array<i32>} : memref<128xf32, #tpu.memory_space<vmem>>, vector<16xf32>,
        tpu.vector_store %arg18[%swap3A_1154], %select_n3A_1153 {strides = array<i32>} : memref<128xf32, #tpu.memory_space<vmem>>, vector<16xf32>,
        %add3A_1156 = arith.constant 112 : i32
        %add3A_1157 = vector.broadcast %add3A_1156 : i32 to vector<16xi32>
        %add3A_1158 = arith.addi %add3A_1157, %iota3A : vector<16xi32>
        %add3A_1159 = arith.constant 0 : i32
        %add3A_1160 = vector.broadcast %add3A_1159 : i32 to vector<16xi32>
        %add3A_1161 = arith.addi %broadcast_in_dim3A_5, %add3A_1160 : vector<16xi32>
        %gather3A_1162 = tpu.vector_load_idx %arg17[%add3A_1158, %add3A_1161] : memref<128x16xf32, #tpu.memory_space<vmem>>[vector<16xi32>, vector<16xi32>], vector<16xf32>,
        %add3A_1163 = arith.addf %broadcast_in_dim3A_3, %gather3A_1162 : vector<16xf32>
        %add3A_1164 = arith.constant 1 : i32
        %add3A_1165 = vector.broadcast %add3A_1164 : i32 to vector<16xi32>
        %add3A_1166 = arith.addi %broadcast_in_dim3A_5, %add3A_1165 : vector<16xi32>
        %gather3A_1167 = tpu.vector_load_idx %arg17[%add3A_1158, %add3A_1166] : memref<128x16xf32, #tpu.memory_space<vmem>>[vector<16xi32>, vector<16xi32>], vector<16xf32>,
        %add3A_1168 = arith.addf %add3A_1163, %gather3A_1167 : vector<16xf32>
        %add3A_1169 = arith.constant 2 : i32
        %add3A_1170 = vector.broadcast %add3A_1169 : i32 to vector<16xi32>
        %add3A_1171 = arith.addi %broadcast_in_dim3A_5, %add3A_1170 : vector<16xi32>
        %gather3A_1172 = tpu.vector_load_idx %arg17[%add3A_1158, %add3A_1171] : memref<128x16xf32, #tpu.memory_space<vmem>>[vector<16xi32>, vector<16xi32>], vector<16xf32>,
        %add3A_1173 = arith.addf %add3A_1168, %gather3A_1172 : vector<16xf32>
        %add3A_1174 = arith.constant 3 : i32
        %add3A_1175 = vector.broadcast %add3A_1174 : i32 to vector<16xi32>
        %add3A_1176 = arith.addi %broadcast_in_dim3A_5, %add3A_1175 : vector<16xi32>
        %gather3A_1177 = tpu.vector_load_idx %arg17[%add3A_1158, %add3A_1176] : memref<128x16xf32, #tpu.memory_space<vmem>>[vector<16xi32>, vector<16xi32>], vector<16xf32>,
        %add3A_1178 = arith.addf %add3A_1173, %gather3A_1177 : vector<16xf32>
        %add3A_1179 = arith.constant 4 : i32
        %add3A_1180 = vector.broadcast %add3A_1179 : i32 to vector<16xi32>
        %add3A_1181 = arith.addi %broadcast_in_dim3A_5, %add3A_1180 : vector<16xi32>
        %gather3A_1182 = tpu.vector_load_idx %arg17[%add3A_1158, %add3A_1181] : memref<128x16xf32, #tpu.memory_space<vmem>>[vector<16xi32>, vector<16xi32>], vector<16xf32>,
        %add3A_1183 = arith.addf %add3A_1178, %gather3A_1182 : vector<16xf32>
        %add3A_1184 = arith.constant 5 : i32
        %add3A_1185 = vector.broadcast %add3A_1184 : i32 to vector<16xi32>
        %add3A_1186 = arith.addi %broadcast_in_dim3A_5, %add3A_1185 : vector<16xi32>
        %gather3A_1187 = tpu.vector_load_idx %arg17[%add3A_1158, %add3A_1186] : memref<128x16xf32, #tpu.memory_space<vmem>>[vector<16xi32>, vector<16xi32>], vector<16xf32>,
        %add3A_1188 = arith.addf %add3A_1183, %gather3A_1187 : vector<16xf32>
        %add3A_1189 = arith.constant 6 : i32
        %add3A_1190 = vector.broadcast %add3A_1189 : i32 to vector<16xi32>
        %add3A_1191 = arith.addi %broadcast_in_dim3A_5, %add3A_1190 : vector<16xi32>
        %gather3A_1192 = tpu.vector_load_idx %arg17[%add3A_1158, %add3A_1191] : memref<128x16xf32, #tpu.memory_space<vmem>>[vector<16xi32>, vector<16xi32>], vector<16xf32>,
        %add3A_1193 = arith.addf %add3A_1188, %gather3A_1192 : vector<16xf32>
        %add3A_1194 = arith.constant 7 : i32
        %add3A_1195 = vector.broadcast %add3A_1194 : i32 to vector<16xi32>
        %add3A_1196 = arith.addi %broadcast_in_dim3A_5, %add3A_1195 : vector<16xi32>
        %gather3A_1197 = tpu.vector_load_idx %arg17[%add3A_1158, %add3A_1196] : memref<128x16xf32, #tpu.memory_space<vmem>>[vector<16xi32>, vector<16xi32>], vector<16xf32>,
        %add3A_1198 = arith.addf %add3A_1193, %gather3A_1197 : vector<16xf32>
        %add3A_1199 = arith.constant 8 : i32
        %add3A_1200 = vector.broadcast %add3A_1199 : i32 to vector<16xi32>
        %add3A_1201 = arith.addi %broadcast_in_dim3A_5, %add3A_1200 : vector<16xi32>
        %gather3A_1202 = tpu.vector_load_idx %arg17[%add3A_1158, %add3A_1201] : memref<128x16xf32, #tpu.memory_space<vmem>>[vector<16xi32>, vector<16xi32>], vector<16xf32>,
        %add3A_1203 = arith.addf %add3A_1198, %gather3A_1202 : vector<16xf32>
        %add3A_1204 = arith.constant 9 : i32
        %add3A_1205 = vector.broadcast %add3A_1204 : i32 to vector<16xi32>
        %add3A_1206 = arith.addi %broadcast_in_dim3A_5, %add3A_1205 : vector<16xi32>
        %gather3A_1207 = tpu.vector_load_idx %arg17[%add3A_1158, %add3A_1206] : memref<128x16xf32, #tpu.memory_space<vmem>>[vector<16xi32>, vector<16xi32>], vector<16xf32>,
        %add3A_1208 = arith.addf %add3A_1203, %gather3A_1207 : vector<16xf32>
        %add3A_1209 = arith.constant 10 : i32
        %add3A_1210 = vector.broadcast %add3A_1209 : i32 to vector<16xi32>
        %add3A_1211 = arith.addi %broadcast_in_dim3A_5, %add3A_1210 : vector<16xi32>
        %gather3A_1212 = tpu.vector_load_idx %arg17[%add3A_1158, %add3A_1211] : memref<128x16xf32, #tpu.memory_space<vmem>>[vector<16xi32>, vector<16xi32>], vector<16xf32>,
        %add3A_1213 = arith.addf %add3A_1208, %gather3A_1212 : vector<16xf32>
        %add3A_1214 = arith.constant 11 : i32
        %add3A_1215 = vector.broadcast %add3A_1214 : i32 to vector<16xi32>
        %add3A_1216 = arith.addi %broadcast_in_dim3A_5, %add3A_1215 : vector<16xi32>
        %gather3A_1217 = tpu.vector_load_idx %arg17[%add3A_1158, %add3A_1216] : memref<128x16xf32, #tpu.memory_space<vmem>>[vector<16xi32>, vector<16xi32>], vector<16xf32>,
        %add3A_1218 = arith.addf %add3A_1213, %gather3A_1217 : vector<16xf32>
        %add3A_1219 = arith.constant 12 : i32
        %add3A_1220 = vector.broadcast %add3A_1219 : i32 to vector<16xi32>
        %add3A_1221 = arith.addi %broadcast_in_dim3A_5, %add3A_1220 : vector<16xi32>
        %gather3A_1222 = tpu.vector_load_idx %arg17[%add3A_1158, %add3A_1221] : memref<128x16xf32, #tpu.memory_space<vmem>>[vector<16xi32>, vector<16xi32>], vector<16xf32>,
        %add3A_1223 = arith.addf %add3A_1218, %gather3A_1222 : vector<16xf32>
        %add3A_1224 = arith.constant 13 : i32
        %add3A_1225 = vector.broadcast %add3A_1224 : i32 to vector<16xi32>
        %add3A_1226 = arith.addi %broadcast_in_dim3A_5, %add3A_1225 : vector<16xi32>
        %gather3A_1227 = tpu.vector_load_idx %arg17[%add3A_1158, %add3A_1226] : memref<128x16xf32, #tpu.memory_space<vmem>>[vector<16xi32>, vector<16xi32>], vector<16xf32>,
        %add3A_1228 = arith.addf %add3A_1223, %gather3A_1227 : vector<16xf32>
        %add3A_1229 = arith.constant 14 : i32
        %add3A_1230 = vector.broadcast %add3A_1229 : i32 to vector<16xi32>
        %add3A_1231 = arith.addi %broadcast_in_dim3A_5, %add3A_1230 : vector<16xi32>
        %gather3A_1232 = tpu.vector_load_idx %arg17[%add3A_1158, %add3A_1231] : memref<128x16xf32, #tpu.memory_space<vmem>>[vector<16xi32>, vector<16xi32>], vector<16xf32>,
        %add3A_1233 = arith.addf %add3A_1228, %gather3A_1232 : vector<16xf32>
        %add3A_1234 = arith.constant 15 : i32
        %add3A_1235 = vector.broadcast %add3A_1234 : i32 to vector<16xi32>
        %add3A_1236 = arith.addi %broadcast_in_dim3A_5, %add3A_1235 : vector<16xi32>
        %gather3A_1237 = tpu.vector_load_idx %arg17[%add3A_1158, %add3A_1236] : memref<128x16xf32, #tpu.memory_space<vmem>>[vector<16xi32>, vector<16xi32>], vector<16xf32>,
        %add3A_1238 = arith.addf %add3A_1233, %gather3A_1237 : vector<16xf32>
        %mul3A_1239 = arith.constant 1.562500e-02 : f32
        %mul3A_1240 = vector.broadcast %mul3A_1239 : f32 to vector<16xf32>
        %mul3A_1241 = arith.mulf %add3A_1238, %mul3A_1240 : vector<16xf32>
        %mul3A_1242 = arith.constant 0.00833333377 : f32
        %mul3A_1243 = vector.broadcast %mul3A_1242 : f32 to vector<16xf32>
        %mul3A_1244 = arith.mulf %mul3A_1241, %mul3A_1243 : vector<16xf32>
        %add3A_1245 = arith.constant 0.0416666679 : f32
        %add3A_1246 = vector.broadcast %add3A_1245 : f32 to vector<16xf32>
        %add3A_1247 = arith.addf %add3A_1246, %mul3A_1244 : vector<16xf32>
        %mul3A_1248 = arith.mulf %mul3A_1241, %add3A_1247 : vector<16xf32>
        %add3A_1249 = arith.constant 0.166666672 : f32
        %add3A_1250 = vector.broadcast %add3A_1249 : f32 to vector<16xf32>
        %add3A_1251 = arith.addf %add3A_1250, %mul3A_1248 : vector<16xf32>
        %mul3A_1252 = arith.mulf %mul3A_1241, %add3A_1251 : vector<16xf32>
        %add3A_1253 = arith.constant 5.000000e-01 : f32
        %add3A_1254 = vector.broadcast %add3A_1253 : f32 to vector<16xf32>
        %add3A_1255 = arith.addf %add3A_1254, %mul3A_1252 : vector<16xf32>
        %mul3A_1256 = arith.mulf %mul3A_1241, %add3A_1255 : vector<16xf32>
        %add3A_1257 = arith.constant 1.000000e+00 : f32
        %add3A_1258 = vector.broadcast %add3A_1257 : f32 to vector<16xf32>
        %add3A_1259 = arith.addf %add3A_1258, %mul3A_1256 : vector<16xf32>
        %mul3A_1260 = arith.mulf %mul3A_1241, %add3A_1259 : vector<16xf32>
        %add3A_1261 = arith.constant 1.000000e+00 : f32
        %add3A_1262 = vector.broadcast %add3A_1261 : f32 to vector<16xf32>
        %add3A_1263 = arith.addf %add3A_1262, %mul3A_1260 : vector<16xf32>
        %mul3A_1264 = arith.mulf %add3A_1263, %add3A_1263 : vector<16xf32>
        %mul3A_1265 = arith.mulf %mul3A_1264, %mul3A_1264 : vector<16xf32>
        %mul3A_1266 = arith.mulf %mul3A_1265, %mul3A_1265 : vector<16xf32>
        %mul3A_1267 = arith.mulf %mul3A_1266, %mul3A_1266 : vector<16xf32>
        %mul3A_1268 = arith.mulf %mul3A_1267, %mul3A_1267 : vector<16xf32>
        %mul3A_1269 = arith.mulf %mul3A_1268, %mul3A_1268 : vector<16xf32>
        %mul3A_1270 = arith.constant 128 : i32
        %mul3A_1271 = arith.muli %while3A_83, %mul3A_1270 : i32
        %add3A_1272 = vector.broadcast %mul3A_1271 : i32 to vector<16xi32>
        %add3A_1273 = arith.addi %add3A_1272, %add3A_1158 : vector<16xi32>
        %lt3A_1274 = vector.broadcast %scan3A_54 : i32 to vector<16xi32>
        %lt3A_1275 = arith.cmpi slt, %add3A_1273, %lt3A_1274 : vector<16xi32>
        %jit3A_1276 = arith.constant 0.000000e+00 : f32
        %broadcast_in_dim3A_1277 = vector.broadcast %jit3A_1276 : f32 to vector<16xf32>
        %select_n3A_1278 = arith.select %lt3A_1275, %mul3A_1269, %broadcast_in_dim3A_1277 : vector<16xi1>, vector<16xf32>
        %swap3A_1279 = arith.constant 112 : index
        %swap3A_1280 = tpu.vector_load %arg18[%swap3A_1279] {strides = array<i32>} : memref<128xf32, #tpu.memory_space<vmem>>, vector<16xf32>,
        tpu.vector_store %arg18[%swap3A_1279], %select_n3A_1278 {strides = array<i32>} : memref<128xf32, #tpu.memory_space<vmem>>, vector<16xf32>,
        %scan3A_1281 = arith.constant 0 : i32
        %scan3A_1282 = arith.constant 0 : i32
        %scan3A_1283 = arith.constant 128 : i32
        %scan3A_1284 = arith.addi %scan3A_1282, %scan3A_1283 : i32
        %scan3A_1285 = arith.constant 1 : i32
        scf.for %scan3A_1287 = %scan3A_1282 to %scan3A_1284 step %scan3A_1285  : i32 {
          %add3A_1288 = vector.broadcast %scan3A_1287 : i32 to vector<16xi32>
          %add3A_1289 = arith.addi %broadcast_in_dim3A_5, %add3A_1288 : vector<16xi32>
          %gather3A_1290 = tpu.vector_load_idx %arg18[%add3A_1289] : memref<128xf32, #tpu.memory_space<vmem>>[vector<16xi32>], vector<16xf32>,
          %add3A_1291 = vector.broadcast %scan3A_1287 : i32 to vector<16xi32>
          %add3A_1292 = arith.addi %broadcast_in_dim3A_5, %add3A_1291 : vector<16xi32>
          %gather3A_1293 = tpu.vector_load_idx %arg14[%add3A_1292] : memref<128xi32, #tpu.memory_space<vmem>>[vector<16xi32>], vector<16xi32>,
          %eq3A = arith.constant 0 : i32
          %eq3A_1294 = vector.broadcast %eq3A : i32 to vector<16xi32>
          %eq3A_1295 = arith.cmpi eq, %iota3A, %eq3A_1294 : vector<16xi32>
          tpu.vector_store_idx %arg21[%gather3A_1293], %gather3A_1290 masked %eq3A_1295 {add = true} : memref<320xf32, #tpu.memory_space<vmem>>[vector<16xi32>], vector<16xf32>, vector<16xi1>
          %mul3A_1296 = arith.constant 128 : i32
          %mul3A_1297 = vector.broadcast %mul3A_1296 : i32 to vector<16xi32>
          %mul3A_1298 = arith.muli %gather3A_1293, %mul3A_1297 : vector<16xi32>
          %get3A_1299 = arith.index_cast %scan3A_1287 : i32 to index
          %get3A_1300 = arith.constant 0 : index
          %get3A_1301 = tpu.vector_load %arg15[%get3A_1299, %get3A_1300] {strides = array<i32>} : memref<128x128xf32, #tpu.memory_space<vmem>>, vector<16xf32>,
          %mul3A_1302 = arith.mulf %gather3A_1290, %get3A_1301 : vector<16xf32>
          %add3A_1303 = arith.constant 0 : i32
          %add3A_1304 = vector.broadcast %add3A_1303 : i32 to vector<16xi32>
          %add3A_1305 = arith.addi %mul3A_1298, %add3A_1304 : vector<16xi32>
          %add3A_1306 = arith.addi %add3A_1305, %iota3A : vector<16xi32>
          tpu.vector_store_idx %arg20[%add3A_1306], %mul3A_1302 {add = true} : memref<40960xf32, #tpu.memory_space<vmem>>[vector<16xi32>], vector<16xf32>,
          %get3A_1307 = arith.index_cast %scan3A_1287 : i32 to index
          %get3A_1308 = arith.constant 16 : index
          %get3A_1309 = tpu.vector_load %arg15[%get3A_1307, %get3A_1308] {strides = array<i32>} : memref<128x128xf32, #tpu.memory_space<vmem>>, vector<16xf32>,
          %mul3A_1310 = arith.mulf %gather3A_1290, %get3A_1309 : vector<16xf32>
          %add3A_1311 = arith.constant 16 : i32
          %add3A_1312 = vector.broadcast %add3A_1311 : i32 to vector<16xi32>
          %add3A_1313 = arith.addi %mul3A_1298, %add3A_1312 : vector<16xi32>
          %add3A_1314 = arith.addi %add3A_1313, %iota3A : vector<16xi32>
          tpu.vector_store_idx %arg20[%add3A_1314], %mul3A_1310 {add = true} : memref<40960xf32, #tpu.memory_space<vmem>>[vector<16xi32>], vector<16xf32>,
          %get3A_1315 = arith.index_cast %scan3A_1287 : i32 to index
          %get3A_1316 = arith.constant 32 : index
          %get3A_1317 = tpu.vector_load %arg15[%get3A_1315, %get3A_1316] {strides = array<i32>} : memref<128x128xf32, #tpu.memory_space<vmem>>, vector<16xf32>,
          %mul3A_1318 = arith.mulf %gather3A_1290, %get3A_1317 : vector<16xf32>
          %add3A_1319 = arith.constant 32 : i32
          %add3A_1320 = vector.broadcast %add3A_1319 : i32 to vector<16xi32>
          %add3A_1321 = arith.addi %mul3A_1298, %add3A_1320 : vector<16xi32>
          %add3A_1322 = arith.addi %add3A_1321, %iota3A : vector<16xi32>
          tpu.vector_store_idx %arg20[%add3A_1322], %mul3A_1318 {add = true} : memref<40960xf32, #tpu.memory_space<vmem>>[vector<16xi32>], vector<16xf32>,
          %get3A_1323 = arith.index_cast %scan3A_1287 : i32 to index
          %get3A_1324 = arith.constant 48 : index
          %get3A_1325 = tpu.vector_load %arg15[%get3A_1323, %get3A_1324] {strides = array<i32>} : memref<128x128xf32, #tpu.memory_space<vmem>>, vector<16xf32>,
          %mul3A_1326 = arith.mulf %gather3A_1290, %get3A_1325 : vector<16xf32>
          %add3A_1327 = arith.constant 48 : i32
          %add3A_1328 = vector.broadcast %add3A_1327 : i32 to vector<16xi32>
          %add3A_1329 = arith.addi %mul3A_1298, %add3A_1328 : vector<16xi32>
          %add3A_1330 = arith.addi %add3A_1329, %iota3A : vector<16xi32>
          tpu.vector_store_idx %arg20[%add3A_1330], %mul3A_1326 {add = true} : memref<40960xf32, #tpu.memory_space<vmem>>[vector<16xi32>], vector<16xf32>,
          %get3A_1331 = arith.index_cast %scan3A_1287 : i32 to index
          %get3A_1332 = arith.constant 64 : index
          %get3A_1333 = tpu.vector_load %arg15[%get3A_1331, %get3A_1332] {strides = array<i32>} : memref<128x128xf32, #tpu.memory_space<vmem>>, vector<16xf32>,
          %mul3A_1334 = arith.mulf %gather3A_1290, %get3A_1333 : vector<16xf32>
          %add3A_1335 = arith.constant 64 : i32
          %add3A_1336 = vector.broadcast %add3A_1335 : i32 to vector<16xi32>
          %add3A_1337 = arith.addi %mul3A_1298, %add3A_1336 : vector<16xi32>
          %add3A_1338 = arith.addi %add3A_1337, %iota3A : vector<16xi32>
          tpu.vector_store_idx %arg20[%add3A_1338], %mul3A_1334 {add = true} : memref<40960xf32, #tpu.memory_space<vmem>>[vector<16xi32>], vector<16xf32>,
          %get3A_1339 = arith.index_cast %scan3A_1287 : i32 to index
          %get3A_1340 = arith.constant 80 : index
          %get3A_1341 = tpu.vector_load %arg15[%get3A_1339, %get3A_1340] {strides = array<i32>} : memref<128x128xf32, #tpu.memory_space<vmem>>, vector<16xf32>,
          %mul3A_1342 = arith.mulf %gather3A_1290, %get3A_1341 : vector<16xf32>
          %add3A_1343 = arith.constant 80 : i32
          %add3A_1344 = vector.broadcast %add3A_1343 : i32 to vector<16xi32>
          %add3A_1345 = arith.addi %mul3A_1298, %add3A_1344 : vector<16xi32>
          %add3A_1346 = arith.addi %add3A_1345, %iota3A : vector<16xi32>
          tpu.vector_store_idx %arg20[%add3A_1346], %mul3A_1342 {add = true} : memref<40960xf32, #tpu.memory_space<vmem>>[vector<16xi32>], vector<16xf32>,
          %get3A_1347 = arith.index_cast %scan3A_1287 : i32 to index
          %get3A_1348 = arith.constant 96 : index
          %get3A_1349 = tpu.vector_load %arg15[%get3A_1347, %get3A_1348] {strides = array<i32>} : memref<128x128xf32, #tpu.memory_space<vmem>>, vector<16xf32>,
          %mul3A_1350 = arith.mulf %gather3A_1290, %get3A_1349 : vector<16xf32>
          %add3A_1351 = arith.constant 96 : i32
          %add3A_1352 = vector.broadcast %add3A_1351 : i32 to vector<16xi32>
          %add3A_1353 = arith.addi %mul3A_1298, %add3A_1352 : vector<16xi32>
          %add3A_1354 = arith.addi %add3A_1353, %iota3A : vector<16xi32>
          tpu.vector_store_idx %arg20[%add3A_1354], %mul3A_1350 {add = true} : memref<40960xf32, #tpu.memory_space<vmem>>[vector<16xi32>], vector<16xf32>,
          %get3A_1355 = arith.index_cast %scan3A_1287 : i32 to index
          %get3A_1356 = arith.constant 112 : index
          %get3A_1357 = tpu.vector_load %arg15[%get3A_1355, %get3A_1356] {strides = array<i32>} : memref<128x128xf32, #tpu.memory_space<vmem>>, vector<16xf32>,
          %mul3A_1358 = arith.mulf %gather3A_1290, %get3A_1357 : vector<16xf32>
          %add3A_1359 = arith.constant 112 : i32
          %add3A_1360 = vector.broadcast %add3A_1359 : i32 to vector<16xi32>
          %add3A_1361 = arith.addi %mul3A_1298, %add3A_1360 : vector<16xi32>
          %add3A_1362 = arith.addi %add3A_1361, %iota3A : vector<16xi32>
          tpu.vector_store_idx %arg20[%add3A_1362], %mul3A_1358 {add = true} : memref<40960xf32, #tpu.memory_space<vmem>>[vector<16xi32>], vector<16xf32>,
        }
        %scan3A_1286 = arith.constant 128 : i32
      }
      %while3A_82 = arith.constant 1 : i32
      scf.for %while3A_83 = %while3A_80 to %while3A_76 step %while3A_82  : i32 {
        %mul3A_84 = arith.constant 128 : i32
        %mul3A_85 = arith.muli %while3A_83, %mul3A_84 : i32
        %add3A_86 = arith.constant 0 : i32
        %add3A_87 = arith.addi %mul3A_85, %add3A_86 : i32
        %get3A_88 = arith.index_cast %add3A_87 : i32 to index
        %get3A_89 = tpu.vector_load %arg11[%get3A_88] {strides = array<i32>} : memref<3200xi32, #tpu.memory_space<vmem>>, vector<16xi32>,
        %swap3A = arith.constant 0 : index
        %swap3A_90 = tpu.vector_load %arg13[%swap3A] {strides = array<i32>} : memref<128xi32, #tpu.memory_space<vmem>>, vector<16xi32>,
        tpu.vector_store %arg13[%swap3A], %get3A_89 {strides = array<i32>} : memref<128xi32, #tpu.memory_space<vmem>>, vector<16xi32>,
        %mul3A_91 = arith.constant 128 : i32
        %mul3A_92 = arith.muli %while3A_83, %mul3A_91 : i32
        %add3A_93 = arith.constant 0 : i32
        %add3A_94 = arith.addi %mul3A_92, %add3A_93 : i32
        %get3A_95 = arith.index_cast %add3A_94 : i32 to index
        %get3A_96 = tpu.vector_load %arg12[%get3A_95] {strides = array<i32>} : memref<3200xi32, #tpu.memory_space<vmem>>, vector<16xi32>,
        %sub3A_97 = vector.broadcast %mul3A_2 : i32 to vector<16xi32>
        %sub3A_98 = arith.subi %get3A_96, %sub3A_97 : vector<16xi32>
        %jit3A_99 = arith.constant 0 : i32
        %jit3A_100 = arith.constant 319 : i32
        %max3A = vector.broadcast %jit3A_99 : i32 to vector<16xi32>
        %max3A_101 = arith.maxsi %max3A, %sub3A_98 : vector<16xi32>
        %min3A = vector.broadcast %jit3A_100 : i32 to vector<16xi32>
        %min3A_102 = arith.minsi %min3A, %max3A_101 : vector<16xi32>
        %swap3A_103 = arith.constant 0 : index
        %swap3A_104 = tpu.vector_load %arg14[%swap3A_103] {strides = array<i32>} : memref<128xi32, #tpu.memory_space<vmem>>, vector<16xi32>,
        tpu.vector_store %arg14[%swap3A_103], %min3A_102 {strides = array<i32>} : memref<128xi32, #tpu.memory_space<vmem>>, vector<16xi32>,
        %mul3A_105 = arith.constant 128 : i32
        %mul3A_106 = arith.muli %while3A_83, %mul3A_105 : i32
        %add3A_107 = arith.constant 16 : i32
        %add3A_108 = arith.addi %mul3A_106, %add3A_107 : i32
        %get3A_109 = arith.index_cast %add3A_108 : i32 to index
        %get3A_110 = tpu.vector_load %arg11[%get3A_109] {strides = array<i32>} : memref<3200xi32, #tpu.memory_space<vmem>>, vector<16xi32>,
        %swap3A_111 = arith.constant 16 : index
        %swap3A_112 = tpu.vector_load %arg13[%swap3A_111] {strides = array<i32>} : memref<128xi32, #tpu.memory_space<vmem>>, vector<16xi32>,
        tpu.vector_store %arg13[%swap3A_111], %get3A_110 {strides = array<i32>} : memref<128xi32, #tpu.memory_space<vmem>>, vector<16xi32>,
        %mul3A_113 = arith.constant 128 : i32
        %mul3A_114 = arith.muli %while3A_83, %mul3A_113 : i32
        %add3A_115 = arith.constant 16 : i32
        %add3A_116 = arith.addi %mul3A_114, %add3A_115 : i32
        %get3A_117 = arith.index_cast %add3A_116 : i32 to index
        %get3A_118 = tpu.vector_load %arg12[%get3A_117] {strides = array<i32>} : memref<3200xi32, #tpu.memory_space<vmem>>, vector<16xi32>,
        %sub3A_119 = vector.broadcast %mul3A_2 : i32 to vector<16xi32>
        %sub3A_120 = arith.subi %get3A_118, %sub3A_119 : vector<16xi32>
        %jit3A_121 = arith.constant 0 : i32
        %jit3A_122 = arith.constant 319 : i32
        %max3A_123 = vector.broadcast %jit3A_121 : i32 to vector<16xi32>
        %max3A_124 = arith.maxsi %max3A_123, %sub3A_120 : vector<16xi32>
        %min3A_125 = vector.broadcast %jit3A_122 : i32 to vector<16xi32>
        %min3A_126 = arith.minsi %min3A_125, %max3A_124 : vector<16xi32>
        %swap3A_127 = arith.constant 16 : index
        %swap3A_128 = tpu.vector_load %arg14[%swap3A_127] {strides = array<i32>} : memref<128xi32, #tpu.memory_space<vmem>>, vector<16xi32>,
        tpu.vector_store %arg14[%swap3A_127], %min3A_126 {strides = array<i32>} : memref<128xi32, #tpu.memory_space<vmem>>, vector<16xi32>,
        %mul3A_129 = arith.constant 128 : i32
        %mul3A_130 = arith.muli %while3A_83, %mul3A_129 : i32
        %add3A_131 = arith.constant 32 : i32
        %add3A_132 = arith.addi %mul3A_130, %add3A_131 : i32
        %get3A_133 = arith.index_cast %add3A_132 : i32 to index
        %get3A_134 = tpu.vector_load %arg11[%get3A_133] {strides = array<i32>} : memref<3200xi32, #tpu.memory_space<vmem>>, vector<16xi32>,
        %swap3A_135 = arith.constant 32 : index
        %swap3A_136 = tpu.vector_load %arg13[%swap3A_135] {strides = array<i32>} : memref<128xi32, #tpu.memory_space<vmem>>, vector<16xi32>,
        tpu.vector_store %arg13[%swap3A_135], %get3A_134 {strides = array<i32>} : memref<128xi32, #tpu.memory_space<vmem>>, vector<16xi32>,
        %mul3A_137 = arith.constant 128 : i32
        %mul3A_138 = arith.muli %while3A_83, %mul3A_137 : i32
        %add3A_139 = arith.constant 32 : i32
        %add3A_140 = arith.addi %mul3A_138, %add3A_139 : i32
        %get3A_141 = arith.index_cast %add3A_140 : i32 to index
        %get3A_142 = tpu.vector_load %arg12[%get3A_141] {strides = array<i32>} : memref<3200xi32, #tpu.memory_space<vmem>>, vector<16xi32>,
        %sub3A_143 = vector.broadcast %mul3A_2 : i32 to vector<16xi32>
        %sub3A_144 = arith.subi %get3A_142, %sub3A_143 : vector<16xi32>
        %jit3A_145 = arith.constant 0 : i32
        %jit3A_146 = arith.constant 319 : i32
        %max3A_147 = vector.broadcast %jit3A_145 : i32 to vector<16xi32>
        %max3A_148 = arith.maxsi %max3A_147, %sub3A_144 : vector<16xi32>
        %min3A_149 = vector.broadcast %jit3A_146 : i32 to vector<16xi32>
        %min3A_150 = arith.minsi %min3A_149, %max3A_148 : vector<16xi32>
        %swap3A_151 = arith.constant 32 : index
        %swap3A_152 = tpu.vector_load %arg14[%swap3A_151] {strides = array<i32>} : memref<128xi32, #tpu.memory_space<vmem>>, vector<16xi32>,
        tpu.vector_store %arg14[%swap3A_151], %min3A_150 {strides = array<i32>} : memref<128xi32, #tpu.memory_space<vmem>>, vector<16xi32>,
        %mul3A_153 = arith.constant 128 : i32
        %mul3A_154 = arith.muli %while3A_83, %mul3A_153 : i32
        %add3A_155 = arith.constant 48 : i32
        %add3A_156 = arith.addi %mul3A_154, %add3A_155 : i32
        %get3A_157 = arith.index_cast %add3A_156 : i32 to index
        %get3A_158 = tpu.vector_load %arg11[%get3A_157] {strides = array<i32>} : memref<3200xi32, #tpu.memory_space<vmem>>, vector<16xi32>,
        %swap3A_159 = arith.constant 48 : index
        %swap3A_160 = tpu.vector_load %arg13[%swap3A_159] {strides = array<i32>} : memref<128xi32, #tpu.memory_space<vmem>>, vector<16xi32>,
        tpu.vector_store %arg13[%swap3A_159], %get3A_158 {strides = array<i32>} : memref<128xi32, #tpu.memory_space<vmem>>, vector<16xi32>,
        %mul3A_161 = arith.constant 128 : i32
        %mul3A_162 = arith.muli %while3A_83, %mul3A_161 : i32
        %add3A_163 = arith.constant 48 : i32
        %add3A_164 = arith.addi %mul3A_162, %add3A_163 : i32
        %get3A_165 = arith.index_cast %add3A_164 : i32 to index
        %get3A_166 = tpu.vector_load %arg12[%get3A_165] {strides = array<i32>} : memref<3200xi32, #tpu.memory_space<vmem>>, vector<16xi32>,
        %sub3A_167 = vector.broadcast %mul3A_2 : i32 to vector<16xi32>
        %sub3A_168 = arith.subi %get3A_166, %sub3A_167 : vector<16xi32>
        %jit3A_169 = arith.constant 0 : i32
        %jit3A_170 = arith.constant 319 : i32
        %max3A_171 = vector.broadcast %jit3A_169 : i32 to vector<16xi32>
        %max3A_172 = arith.maxsi %max3A_171, %sub3A_168 : vector<16xi32>
        %min3A_173 = vector.broadcast %jit3A_170 : i32 to vector<16xi32>
        %min3A_174 = arith.minsi %min3A_173, %max3A_172 : vector<16xi32>
        %swap3A_175 = arith.constant 48 : index
        %swap3A_176 = tpu.vector_load %arg14[%swap3A_175] {strides = array<i32>} : memref<128xi32, #tpu.memory_space<vmem>>, vector<16xi32>,
        tpu.vector_store %arg14[%swap3A_175], %min3A_174 {strides = array<i32>} : memref<128xi32, #tpu.memory_space<vmem>>, vector<16xi32>,
        %mul3A_177 = arith.constant 128 : i32
        %mul3A_178 = arith.muli %while3A_83, %mul3A_177 : i32
        %add3A_179 = arith.constant 64 : i32
        %add3A_180 = arith.addi %mul3A_178, %add3A_179 : i32
        %get3A_181 = arith.index_cast %add3A_180 : i32 to index
        %get3A_182 = tpu.vector_load %arg11[%get3A_181] {strides = array<i32>} : memref<3200xi32, #tpu.memory_space<vmem>>, vector<16xi32>,
        %swap3A_183 = arith.constant 64 : index
        %swap3A_184 = tpu.vector_load %arg13[%swap3A_183] {strides = array<i32>} : memref<128xi32, #tpu.memory_space<vmem>>, vector<16xi32>,
        tpu.vector_store %arg13[%swap3A_183], %get3A_182 {strides = array<i32>} : memref<128xi32, #tpu.memory_space<vmem>>, vector<16xi32>,
        %mul3A_185 = arith.constant 128 : i32
        %mul3A_186 = arith.muli %while3A_83, %mul3A_185 : i32
        %add3A_187 = arith.constant 64 : i32
        %add3A_188 = arith.addi %mul3A_186, %add3A_187 : i32
        %get3A_189 = arith.index_cast %add3A_188 : i32 to index
        %get3A_190 = tpu.vector_load %arg12[%get3A_189] {strides = array<i32>} : memref<3200xi32, #tpu.memory_space<vmem>>, vector<16xi32>,
        %sub3A_191 = vector.broadcast %mul3A_2 : i32 to vector<16xi32>
        %sub3A_192 = arith.subi %get3A_190, %sub3A_191 : vector<16xi32>
        %jit3A_193 = arith.constant 0 : i32
        %jit3A_194 = arith.constant 319 : i32
        %max3A_195 = vector.broadcast %jit3A_193 : i32 to vector<16xi32>
        %max3A_196 = arith.maxsi %max3A_195, %sub3A_192 : vector<16xi32>
        %min3A_197 = vector.broadcast %jit3A_194 : i32 to vector<16xi32>
        %min3A_198 = arith.minsi %min3A_197, %max3A_196 : vector<16xi32>
        %swap3A_199 = arith.constant 64 : index
        %swap3A_200 = tpu.vector_load %arg14[%swap3A_199] {strides = array<i32>} : memref<128xi32, #tpu.memory_space<vmem>>, vector<16xi32>,
        tpu.vector_store %arg14[%swap3A_199], %min3A_198 {strides = array<i32>} : memref<128xi32, #tpu.memory_space<vmem>>, vector<16xi32>,
        %mul3A_201 = arith.constant 128 : i32
        %mul3A_202 = arith.muli %while3A_83, %mul3A_201 : i32
        %add3A_203 = arith.constant 80 : i32
        %add3A_204 = arith.addi %mul3A_202, %add3A_203 : i32
        %get3A_205 = arith.index_cast %add3A_204 : i32 to index
        %get3A_206 = tpu.vector_load %arg11[%get3A_205] {strides = array<i32>} : memref<3200xi32, #tpu.memory_space<vmem>>, vector<16xi32>,
        %swap3A_207 = arith.constant 80 : index
        %swap3A_208 = tpu.vector_load %arg13[%swap3A_207] {strides = array<i32>} : memref<128xi32, #tpu.memory_space<vmem>>, vector<16xi32>,
        tpu.vector_store %arg13[%swap3A_207], %get3A_206 {strides = array<i32>} : memref<128xi32, #tpu.memory_space<vmem>>, vector<16xi32>,
        %mul3A_209 = arith.constant 128 : i32
        %mul3A_210 = arith.muli %while3A_83, %mul3A_209 : i32
        %add3A_211 = arith.constant 80 : i32
        %add3A_212 = arith.addi %mul3A_210, %add3A_211 : i32
        %get3A_213 = arith.index_cast %add3A_212 : i32 to index
        %get3A_214 = tpu.vector_load %arg12[%get3A_213] {strides = array<i32>} : memref<3200xi32, #tpu.memory_space<vmem>>, vector<16xi32>,
        %sub3A_215 = vector.broadcast %mul3A_2 : i32 to vector<16xi32>
        %sub3A_216 = arith.subi %get3A_214, %sub3A_215 : vector<16xi32>
        %jit3A_217 = arith.constant 0 : i32
        %jit3A_218 = arith.constant 319 : i32
        %max3A_219 = vector.broadcast %jit3A_217 : i32 to vector<16xi32>
        %max3A_220 = arith.maxsi %max3A_219, %sub3A_216 : vector<16xi32>
        %min3A_221 = vector.broadcast %jit3A_218 : i32 to vector<16xi32>
        %min3A_222 = arith.minsi %min3A_221, %max3A_220 : vector<16xi32>
        %swap3A_223 = arith.constant 80 : index
        %swap3A_224 = tpu.vector_load %arg14[%swap3A_223] {strides = array<i32>} : memref<128xi32, #tpu.memory_space<vmem>>, vector<16xi32>,
        tpu.vector_store %arg14[%swap3A_223], %min3A_222 {strides = array<i32>} : memref<128xi32, #tpu.memory_space<vmem>>, vector<16xi32>,
        %mul3A_225 = arith.constant 128 : i32
        %mul3A_226 = arith.muli %while3A_83, %mul3A_225 : i32
        %add3A_227 = arith.constant 96 : i32
        %add3A_228 = arith.addi %mul3A_226, %add3A_227 : i32
        %get3A_229 = arith.index_cast %add3A_228 : i32 to index
        %get3A_230 = tpu.vector_load %arg11[%get3A_229] {strides = array<i32>} : memref<3200xi32, #tpu.memory_space<vmem>>, vector<16xi32>,
        %swap3A_231 = arith.constant 96 : index
        %swap3A_232 = tpu.vector_load %arg13[%swap3A_231] {strides = array<i32>} : memref<128xi32, #tpu.memory_space<vmem>>, vector<16xi32>,
        tpu.vector_store %arg13[%swap3A_231], %get3A_230 {strides = array<i32>} : memref<128xi32, #tpu.memory_space<vmem>>, vector<16xi32>,
        %mul3A_233 = arith.constant 128 : i32
        %mul3A_234 = arith.muli %while3A_83, %mul3A_233 : i32
        %add3A_235 = arith.constant 96 : i32
        %add3A_236 = arith.addi %mul3A_234, %add3A_235 : i32
        %get3A_237 = arith.index_cast %add3A_236 : i32 to index
        %get3A_238 = tpu.vector_load %arg12[%get3A_237] {strides = array<i32>} : memref<3200xi32, #tpu.memory_space<vmem>>, vector<16xi32>,
        %sub3A_239 = vector.broadcast %mul3A_2 : i32 to vector<16xi32>
        %sub3A_240 = arith.subi %get3A_238, %sub3A_239 : vector<16xi32>
        %jit3A_241 = arith.constant 0 : i32
        %jit3A_242 = arith.constant 319 : i32
        %max3A_243 = vector.broadcast %jit3A_241 : i32 to vector<16xi32>
        %max3A_244 = arith.maxsi %max3A_243, %sub3A_240 : vector<16xi32>
        %min3A_245 = vector.broadcast %jit3A_242 : i32 to vector<16xi32>
        %min3A_246 = arith.minsi %min3A_245, %max3A_244 : vector<16xi32>
        %swap3A_247 = arith.constant 96 : index
        %swap3A_248 = tpu.vector_load %arg14[%swap3A_247] {strides = array<i32>} : memref<128xi32, #tpu.memory_space<vmem>>, vector<16xi32>,
        tpu.vector_store %arg14[%swap3A_247], %min3A_246 {strides = array<i32>} : memref<128xi32, #tpu.memory_space<vmem>>, vector<16xi32>,
        %mul3A_249 = arith.constant 128 : i32
        %mul3A_250 = arith.muli %while3A_83, %mul3A_249 : i32
        %add3A_251 = arith.constant 112 : i32
        %add3A_252 = arith.addi %mul3A_250, %add3A_251 : i32
        %get3A_253 = arith.index_cast %add3A_252 : i32 to index
        %get3A_254 = tpu.vector_load %arg11[%get3A_253] {strides = array<i32>} : memref<3200xi32, #tpu.memory_space<vmem>>, vector<16xi32>,
        %swap3A_255 = arith.constant 112 : index
        %swap3A_256 = tpu.vector_load %arg13[%swap3A_255] {strides = array<i32>} : memref<128xi32, #tpu.memory_space<vmem>>, vector<16xi32>,
        tpu.vector_store %arg13[%swap3A_255], %get3A_254 {strides = array<i32>} : memref<128xi32, #tpu.memory_space<vmem>>, vector<16xi32>,
        %mul3A_257 = arith.constant 128 : i32
        %mul3A_258 = arith.muli %while3A_83, %mul3A_257 : i32
        %add3A_259 = arith.constant 112 : i32
        %add3A_260 = arith.addi %mul3A_258, %add3A_259 : i32
        %get3A_261 = arith.index_cast %add3A_260 : i32 to index
        %get3A_262 = tpu.vector_load %arg12[%get3A_261] {strides = array<i32>} : memref<3200xi32, #tpu.memory_space<vmem>>, vector<16xi32>,
        %sub3A_263 = vector.broadcast %mul3A_2 : i32 to vector<16xi32>
        %sub3A_264 = arith.subi %get3A_262, %sub3A_263 : vector<16xi32>
        %jit3A_265 = arith.constant 0 : i32
        %jit3A_266 = arith.constant 319 : i32
        %max3A_267 = vector.broadcast %jit3A_265 : i32 to vector<16xi32>
        %max3A_268 = arith.maxsi %max3A_267, %sub3A_264 : vector<16xi32>
        %min3A_269 = vector.broadcast %jit3A_266 : i32 to vector<16xi32>
        %min3A_270 = arith.minsi %min3A_269, %max3A_268 : vector<16xi32>
        %swap3A_271 = arith.constant 112 : index
        %swap3A_272 = tpu.vector_load %arg14[%swap3A_271] {strides = array<i32>} : memref<128xi32, #tpu.memory_space<vmem>>, vector<16xi32>,
        tpu.vector_store %arg14[%swap3A_271], %min3A_270 {strides = array<i32>} : memref<128xi32, #tpu.memory_space<vmem>>, vector<16xi32>,
        %dma_start3A = arith.constant 0 : i32
        %dma_start3A_273 = arith.constant 0 : i32
        %dma_start3A_274 = tpu.memref_slice %arg2[%dma_start3A, %dma_start3A_273] : memref<10000x128xf32, #tpu.memory_space<hbm>> -> memref<10000x128xf32, #tpu.memory_space<hbm>>
        tpu.enqueue_indirect_dma source(%dma_start3A_274 : memref<10000x128xf32, #tpu.memory_space<hbm>>) target(%arg15 : memref<128x128xf32, #tpu.memory_space<vmem>>) offsets(%arg13 : memref<128xi32, #tpu.memory_space<vmem>>) semaphore(%arg22 : memref<!tpu.dma_semaphore, #tpu.memory_space<semaphore_mem>>)
        %dma_wait3A = arith.constant 0 : i32
        %dma_wait3A_275 = arith.constant 0 : i32
        %dma_wait3A_276 = tpu.memref_slice %arg2[%dma_wait3A, %dma_wait3A_275] : memref<10000x128xf32, #tpu.memory_space<hbm>> -> memref<10000x128xf32, #tpu.memory_space<hbm>>
        tpu.wait_indirect_dma semaphore(%arg22 : memref<!tpu.dma_semaphore, #tpu.memory_space<semaphore_mem>>) src(%dma_wait3A_276 : memref<10000x128xf32, #tpu.memory_space<hbm>>) dst(%arg15 : memref<128x128xf32, #tpu.memory_space<vmem>>)
        %scan3A_277 = arith.constant 0 : i32
        %scan3A_278 = arith.constant 0 : i32
        %scan3A_279 = arith.constant 128 : i32
        %scan3A_280 = arith.addi %scan3A_278, %scan3A_279 : i32
        %scan3A_281 = arith.constant 1 : i32
        scf.for %scan3A_1287 = %scan3A_278 to %scan3A_280 step %scan3A_281  : i32 {
          %add3A_1288 = vector.broadcast %scan3A_1287 : i32 to vector<16xi32>
          %add3A_1289 = arith.addi %broadcast_in_dim3A_5, %add3A_1288 : vector<16xi32>
          %gather3A_1290 = tpu.vector_load_idx %arg14[%add3A_1289] : memref<128xi32, #tpu.memory_space<vmem>>[vector<16xi32>], vector<16xi32>,
          %add3A_1291 = arith.constant 0 : i32
          %add3A_1292 = vector.broadcast %add3A_1291 : i32 to vector<16xi32>
          %add3A_1293 = arith.addi %add3A_1292, %iota3A : vector<16xi32>
          %gather3A_1294 = tpu.vector_load_idx %arg16[%gather3A_1290, %add3A_1293] : memref<320x128xf32, #tpu.memory_space<vmem>>[vector<16xi32>, vector<16xi32>], vector<16xf32>,
          %get3A_1295 = arith.index_cast %scan3A_1287 : i32 to index
          %get3A_1296 = arith.constant 0 : index
          %get3A_1297 = tpu.vector_load %arg15[%get3A_1295, %get3A_1296] {strides = array<i32>} : memref<128x128xf32, #tpu.memory_space<vmem>>, vector<16xf32>,
          %add3A_1298 = arith.addf %get3A_1297, %gather3A_1294 : vector<16xf32>
          %mul3A_1299 = arith.constant 2.000000e-01 : f32
          %mul3A_1300 = vector.broadcast %mul3A_1299 : f32 to vector<16xf32>
          %mul3A_1301 = arith.mulf %mul3A_1300, %add3A_1298 : vector<16xf32>
          %max3A_1302 = arith.maximumf %add3A_1298, %mul3A_1301 : vector<16xf32>
          %mul3A_1303 = arith.mulf %get3A_23, %max3A_1302 : vector<16xf32>
          %add3A_1304 = arith.addf %broadcast_in_dim3A_3, %mul3A_1303 : vector<16xf32>
          %add3A_1305 = arith.constant 16 : i32
          %add3A_1306 = vector.broadcast %add3A_1305 : i32 to vector<16xi32>
          %add3A_1307 = arith.addi %add3A_1306, %iota3A : vector<16xi32>
          %gather3A_1308 = tpu.vector_load_idx %arg16[%gather3A_1290, %add3A_1307] : memref<320x128xf32, #tpu.memory_space<vmem>>[vector<16xi32>, vector<16xi32>], vector<16xf32>,
          %get3A_1309 = arith.index_cast %scan3A_1287 : i32 to index
          %get3A_1310 = arith.constant 16 : index
          %get3A_1311 = tpu.vector_load %arg15[%get3A_1309, %get3A_1310] {strides = array<i32>} : memref<128x128xf32, #tpu.memory_space<vmem>>, vector<16xf32>,
          %add3A_1312 = arith.addf %get3A_1311, %gather3A_1308 : vector<16xf32>
          %mul3A_1313 = arith.constant 2.000000e-01 : f32
          %mul3A_1314 = vector.broadcast %mul3A_1313 : f32 to vector<16xf32>
          %mul3A_1315 = arith.mulf %mul3A_1314, %add3A_1312 : vector<16xf32>
          %max3A_1316 = arith.maximumf %add3A_1312, %mul3A_1315 : vector<16xf32>
          %mul3A_1317 = arith.mulf %get3A_25, %max3A_1316 : vector<16xf32>
          %add3A_1318 = arith.addf %add3A_1304, %mul3A_1317 : vector<16xf32>
          %add3A_1319 = arith.constant 32 : i32
          %add3A_1320 = vector.broadcast %add3A_1319 : i32 to vector<16xi32>
          %add3A_1321 = arith.addi %add3A_1320, %iota3A : vector<16xi32>
          %gather3A_1322 = tpu.vector_load_idx %arg16[%gather3A_1290, %add3A_1321] : memref<320x128xf32, #tpu.memory_space<vmem>>[vector<16xi32>, vector<16xi32>], vector<16xf32>,
          %get3A_1323 = arith.index_cast %scan3A_1287 : i32 to index
          %get3A_1324 = arith.constant 32 : index
          %get3A_1325 = tpu.vector_load %arg15[%get3A_1323, %get3A_1324] {strides = array<i32>} : memref<128x128xf32, #tpu.memory_space<vmem>>, vector<16xf32>,
          %add3A_1326 = arith.addf %get3A_1325, %gather3A_1322 : vector<16xf32>
          %mul3A_1327 = arith.constant 2.000000e-01 : f32
          %mul3A_1328 = vector.broadcast %mul3A_1327 : f32 to vector<16xf32>
          %mul3A_1329 = arith.mulf %mul3A_1328, %add3A_1326 : vector<16xf32>
          %max3A_1330 = arith.maximumf %add3A_1326, %mul3A_1329 : vector<16xf32>
          %mul3A_1331 = arith.mulf %get3A_27, %max3A_1330 : vector<16xf32>
          %add3A_1332 = arith.addf %add3A_1318, %mul3A_1331 : vector<16xf32>
          %add3A_1333 = arith.constant 48 : i32
          %add3A_1334 = vector.broadcast %add3A_1333 : i32 to vector<16xi32>
          %add3A_1335 = arith.addi %add3A_1334, %iota3A : vector<16xi32>
          %gather3A_1336 = tpu.vector_load_idx %arg16[%gather3A_1290, %add3A_1335] : memref<320x128xf32, #tpu.memory_space<vmem>>[vector<16xi32>, vector<16xi32>], vector<16xf32>,
          %get3A_1337 = arith.index_cast %scan3A_1287 : i32 to index
          %get3A_1338 = arith.constant 48 : index
          %get3A_1339 = tpu.vector_load %arg15[%get3A_1337, %get3A_1338] {strides = array<i32>} : memref<128x128xf32, #tpu.memory_space<vmem>>, vector<16xf32>,
          %add3A_1340 = arith.addf %get3A_1339, %gather3A_1336 : vector<16xf32>
          %mul3A_1341 = arith.constant 2.000000e-01 : f32
          %mul3A_1342 = vector.broadcast %mul3A_1341 : f32 to vector<16xf32>
          %mul3A_1343 = arith.mulf %mul3A_1342, %add3A_1340 : vector<16xf32>
          %max3A_1344 = arith.maximumf %add3A_1340, %mul3A_1343 : vector<16xf32>
          %mul3A_1345 = arith.mulf %get3A_29, %max3A_1344 : vector<16xf32>
          %add3A_1346 = arith.addf %add3A_1332, %mul3A_1345 : vector<16xf32>
          %add3A_1347 = arith.constant 64 : i32
          %add3A_1348 = vector.broadcast %add3A_1347 : i32 to vector<16xi32>
          %add3A_1349 = arith.addi %add3A_1348, %iota3A : vector<16xi32>
          %gather3A_1350 = tpu.vector_load_idx %arg16[%gather3A_1290, %add3A_1349] : memref<320x128xf32, #tpu.memory_space<vmem>>[vector<16xi32>, vector<16xi32>], vector<16xf32>,
          %get3A_1351 = arith.index_cast %scan3A_1287 : i32 to index
          %get3A_1352 = arith.constant 64 : index
          %get3A_1353 = tpu.vector_load %arg15[%get3A_1351, %get3A_1352] {strides = array<i32>} : memref<128x128xf32, #tpu.memory_space<vmem>>, vector<16xf32>,
          %add3A_1354 = arith.addf %get3A_1353, %gather3A_1350 : vector<16xf32>
          %mul3A_1355 = arith.constant 2.000000e-01 : f32
          %mul3A_1356 = vector.broadcast %mul3A_1355 : f32 to vector<16xf32>
          %mul3A_1357 = arith.mulf %mul3A_1356, %add3A_1354 : vector<16xf32>
          %max3A_1358 = arith.maximumf %add3A_1354, %mul3A_1357 : vector<16xf32>
          %mul3A_1359 = arith.mulf %get3A_31, %max3A_1358 : vector<16xf32>
          %add3A_1360 = arith.addf %add3A_1346, %mul3A_1359 : vector<16xf32>
          %add3A_1361 = arith.constant 80 : i32
          %add3A_1362 = vector.broadcast %add3A_1361 : i32 to vector<16xi32>
          %add3A_1363 = arith.addi %add3A_1362, %iota3A : vector<16xi32>
          %gather3A_1364 = tpu.vector_load_idx %arg16[%gather3A_1290, %add3A_1363] : memref<320x128xf32, #tpu.memory_space<vmem>>[vector<16xi32>, vector<16xi32>], vector<16xf32>,
          %get3A_1365 = arith.index_cast %scan3A_1287 : i32 to index
          %get3A_1366 = arith.constant 80 : index
          %get3A_1367 = tpu.vector_load %arg15[%get3A_1365, %get3A_1366] {strides = array<i32>} : memref<128x128xf32, #tpu.memory_space<vmem>>, vector<16xf32>,
          %add3A_1368 = arith.addf %get3A_1367, %gather3A_1364 : vector<16xf32>
          %mul3A_1369 = arith.constant 2.000000e-01 : f32
          %mul3A_1370 = vector.broadcast %mul3A_1369 : f32 to vector<16xf32>
          %mul3A_1371 = arith.mulf %mul3A_1370, %add3A_1368 : vector<16xf32>
          %max3A_1372 = arith.maximumf %add3A_1368, %mul3A_1371 : vector<16xf32>
          %mul3A_1373 = arith.mulf %get3A_33, %max3A_1372 : vector<16xf32>
          %add3A_1374 = arith.addf %add3A_1360, %mul3A_1373 : vector<16xf32>
          %add3A_1375 = arith.constant 96 : i32
          %add3A_1376 = vector.broadcast %add3A_1375 : i32 to vector<16xi32>
          %add3A_1377 = arith.addi %add3A_1376, %iota3A : vector<16xi32>
          %gather3A_1378 = tpu.vector_load_idx %arg16[%gather3A_1290, %add3A_1377] : memref<320x128xf32, #tpu.memory_space<vmem>>[vector<16xi32>, vector<16xi32>], vector<16xf32>,
          %get3A_1379 = arith.index_cast %scan3A_1287 : i32 to index
          %get3A_1380 = arith.constant 96 : index
          %get3A_1381 = tpu.vector_load %arg15[%get3A_1379, %get3A_1380] {strides = array<i32>} : memref<128x128xf32, #tpu.memory_space<vmem>>, vector<16xf32>,
          %add3A_1382 = arith.addf %get3A_1381, %gather3A_1378 : vector<16xf32>
          %mul3A_1383 = arith.constant 2.000000e-01 : f32
          %mul3A_1384 = vector.broadcast %mul3A_1383 : f32 to vector<16xf32>
          %mul3A_1385 = arith.mulf %mul3A_1384, %add3A_1382 : vector<16xf32>
          %max3A_1386 = arith.maximumf %add3A_1382, %mul3A_1385 : vector<16xf32>
          %mul3A_1387 = arith.mulf %get3A_35, %max3A_1386 : vector<16xf32>
          %add3A_1388 = arith.addf %add3A_1374, %mul3A_1387 : vector<16xf32>
          %add3A_1389 = arith.constant 112 : i32
          %add3A_1390 = vector.broadcast %add3A_1389 : i32 to vector<16xi32>
          %add3A_1391 = arith.addi %add3A_1390, %iota3A : vector<16xi32>
          %gather3A_1392 = tpu.vector_load_idx %arg16[%gather3A_1290, %add3A_1391] : memref<320x128xf32, #tpu.memory_space<vmem>>[vector<16xi32>, vector<16xi32>], vector<16xf32>,
          %get3A_1393 = arith.index_cast %scan3A_1287 : i32 to index
          %get3A_1394 = arith.constant 112 : index
          %get3A_1395 = tpu.vector_load %arg15[%get3A_1393, %get3A_1394] {strides = array<i32>} : memref<128x128xf32, #tpu.memory_space<vmem>>, vector<16xf32>,
          %add3A_1396 = arith.addf %get3A_1395, %gather3A_1392 : vector<16xf32>
          %mul3A_1397 = arith.constant 2.000000e-01 : f32
          %mul3A_1398 = vector.broadcast %mul3A_1397 : f32 to vector<16xf32>
          %mul3A_1399 = arith.mulf %mul3A_1398, %add3A_1396 : vector<16xf32>
          %max3A_1400 = arith.maximumf %add3A_1396, %mul3A_1399 : vector<16xf32>
          %mul3A_1401 = arith.mulf %get3A_37, %max3A_1400 : vector<16xf32>
          %add3A_1402 = arith.addf %add3A_1388, %mul3A_1401 : vector<16xf32>
          %swap3A_1403 = arith.index_cast %scan3A_1287 : i32 to index
          %swap3A_1404 = arith.constant 0 : index
          %swap3A_1405 = tpu.vector_load %arg17[%swap3A_1403, %swap3A_1404] {strides = array<i32>} : memref<128x16xf32, #tpu.memory_space<vmem>>, vector<16xf32>,
          tpu.vector_store %arg17[%swap3A_1403, %swap3A_1404], %add3A_1402 {strides = array<i32>} : memref<128x16xf32, #tpu.memory_space<vmem>>, vector<16xf32>,
        }
        %scan3A_282 = arith.constant 128 : i32
        %add3A_283 = arith.constant 0 : i32
        %add3A_284 = vector.broadcast %add3A_283 : i32 to vector<16xi32>
        %add3A_285 = arith.addi %add3A_284, %iota3A : vector<16xi32>
        %add3A_286 = arith.constant 0 : i32
        %add3A_287 = vector.broadcast %add3A_286 : i32 to vector<16xi32>
        %add3A_288 = arith.addi %broadcast_in_dim3A_5, %add3A_287 : vector<16xi32>
        %gather3A = tpu.vector_load_idx %arg17[%add3A_285, %add3A_288] : memref<128x16xf32, #tpu.memory_space<vmem>>[vector<16xi32>, vector<16xi32>], vector<16xf32>,
        %add3A_289 = arith.addf %broadcast_in_dim3A_3, %gather3A : vector<16xf32>
        %add3A_290 = arith.constant 1 : i32
        %add3A_291 = vector.broadcast %add3A_290 : i32 to vector<16xi32>
        %add3A_292 = arith.addi %broadcast_in_dim3A_5, %add3A_291 : vector<16xi32>
        %gather3A_293 = tpu.vector_load_idx %arg17[%add3A_285, %add3A_292] : memref<128x16xf32, #tpu.memory_space<vmem>>[vector<16xi32>, vector<16xi32>], vector<16xf32>,
        %add3A_294 = arith.addf %add3A_289, %gather3A_293 : vector<16xf32>
        %add3A_295 = arith.constant 2 : i32
        %add3A_296 = vector.broadcast %add3A_295 : i32 to vector<16xi32>
        %add3A_297 = arith.addi %broadcast_in_dim3A_5, %add3A_296 : vector<16xi32>
        %gather3A_298 = tpu.vector_load_idx %arg17[%add3A_285, %add3A_297] : memref<128x16xf32, #tpu.memory_space<vmem>>[vector<16xi32>, vector<16xi32>], vector<16xf32>,
        %add3A_299 = arith.addf %add3A_294, %gather3A_298 : vector<16xf32>
        %add3A_300 = arith.constant 3 : i32
        %add3A_301 = vector.broadcast %add3A_300 : i32 to vector<16xi32>
        %add3A_302 = arith.addi %broadcast_in_dim3A_5, %add3A_301 : vector<16xi32>
        %gather3A_303 = tpu.vector_load_idx %arg17[%add3A_285, %add3A_302] : memref<128x16xf32, #tpu.memory_space<vmem>>[vector<16xi32>, vector<16xi32>], vector<16xf32>,
        %add3A_304 = arith.addf %add3A_299, %gather3A_303 : vector<16xf32>
        %add3A_305 = arith.constant 4 : i32
        %add3A_306 = vector.broadcast %add3A_305 : i32 to vector<16xi32>
        %add3A_307 = arith.addi %broadcast_in_dim3A_5, %add3A_306 : vector<16xi32>
        %gather3A_308 = tpu.vector_load_idx %arg17[%add3A_285, %add3A_307] : memref<128x16xf32, #tpu.memory_space<vmem>>[vector<16xi32>, vector<16xi32>], vector<16xf32>,
        %add3A_309 = arith.addf %add3A_304, %gather3A_308 : vector<16xf32>
        %add3A_310 = arith.constant 5 : i32
        %add3A_311 = vector.broadcast %add3A_310 : i32 to vector<16xi32>
        %add3A_312 = arith.addi %broadcast_in_dim3A_5, %add3A_311 : vector<16xi32>
        %gather3A_313 = tpu.vector_load_idx %arg17[%add3A_285, %add3A_312] : memref<128x16xf32, #tpu.memory_space<vmem>>[vector<16xi32>, vector<16xi32>], vector<16xf32>,
        %add3A_314 = arith.addf %add3A_309, %gather3A_313 : vector<16xf32>
        %add3A_315 = arith.constant 6 : i32
        %add3A_316 = vector.broadcast %add3A_315 : i32 to vector<16xi32>
        %add3A_317 = arith.addi %broadcast_in_dim3A_5, %add3A_316 : vector<16xi32>
        %gather3A_318 = tpu.vector_load_idx %arg17[%add3A_285, %add3A_317] : memref<128x16xf32, #tpu.memory_space<vmem>>[vector<16xi32>, vector<16xi32>], vector<16xf32>,
        %add3A_319 = arith.addf %add3A_314, %gather3A_318 : vector<16xf32>
        %add3A_320 = arith.constant 7 : i32
        %add3A_321 = vector.broadcast %add3A_320 : i32 to vector<16xi32>
        %add3A_322 = arith.addi %broadcast_in_dim3A_5, %add3A_321 : vector<16xi32>
        %gather3A_323 = tpu.vector_load_idx %arg17[%add3A_285, %add3A_322] : memref<128x16xf32, #tpu.memory_space<vmem>>[vector<16xi32>, vector<16xi32>], vector<16xf32>,
        %add3A_324 = arith.addf %add3A_319, %gather3A_323 : vector<16xf32>
        %add3A_325 = arith.constant 8 : i32
        %add3A_326 = vector.broadcast %add3A_325 : i32 to vector<16xi32>
        %add3A_327 = arith.addi %broadcast_in_dim3A_5, %add3A_326 : vector<16xi32>
        %gather3A_328 = tpu.vector_load_idx %arg17[%add3A_285, %add3A_327] : memref<128x16xf32, #tpu.memory_space<vmem>>[vector<16xi32>, vector<16xi32>], vector<16xf32>,
        %add3A_329 = arith.addf %add3A_324, %gather3A_328 : vector<16xf32>
        %add3A_330 = arith.constant 9 : i32
        %add3A_331 = vector.broadcast %add3A_330 : i32 to vector<16xi32>
        %add3A_332 = arith.addi %broadcast_in_dim3A_5, %add3A_331 : vector<16xi32>
        %gather3A_333 = tpu.vector_load_idx %arg17[%add3A_285, %add3A_332] : memref<128x16xf32, #tpu.memory_space<vmem>>[vector<16xi32>, vector<16xi32>], vector<16xf32>,
        %add3A_334 = arith.addf %add3A_329, %gather3A_333 : vector<16xf32>
        %add3A_335 = arith.constant 10 : i32
        %add3A_336 = vector.broadcast %add3A_335 : i32 to vector<16xi32>
        %add3A_337 = arith.addi %broadcast_in_dim3A_5, %add3A_336 : vector<16xi32>
        %gather3A_338 = tpu.vector_load_idx %arg17[%add3A_285, %add3A_337] : memref<128x16xf32, #tpu.memory_space<vmem>>[vector<16xi32>, vector<16xi32>], vector<16xf32>,
        %add3A_339 = arith.addf %add3A_334, %gather3A_338 : vector<16xf32>
        %add3A_340 = arith.constant 11 : i32
        %add3A_341 = vector.broadcast %add3A_340 : i32 to vector<16xi32>
        %add3A_342 = arith.addi %broadcast_in_dim3A_5, %add3A_341 : vector<16xi32>
        %gather3A_343 = tpu.vector_load_idx %arg17[%add3A_285, %add3A_342] : memref<128x16xf32, #tpu.memory_space<vmem>>[vector<16xi32>, vector<16xi32>], vector<16xf32>,
        %add3A_344 = arith.addf %add3A_339, %gather3A_343 : vector<16xf32>
        %add3A_345 = arith.constant 12 : i32
        %add3A_346 = vector.broadcast %add3A_345 : i32 to vector<16xi32>
        %add3A_347 = arith.addi %broadcast_in_dim3A_5, %add3A_346 : vector<16xi32>
        %gather3A_348 = tpu.vector_load_idx %arg17[%add3A_285, %add3A_347] : memref<128x16xf32, #tpu.memory_space<vmem>>[vector<16xi32>, vector<16xi32>], vector<16xf32>,
        %add3A_349 = arith.addf %add3A_344, %gather3A_348 : vector<16xf32>
        %add3A_350 = arith.constant 13 : i32
        %add3A_351 = vector.broadcast %add3A_350 : i32 to vector<16xi32>
        %add3A_352 = arith.addi %broadcast_in_dim3A_5, %add3A_351 : vector<16xi32>
        %gather3A_353 = tpu.vector_load_idx %arg17[%add3A_285, %add3A_352] : memref<128x16xf32, #tpu.memory_space<vmem>>[vector<16xi32>, vector<16xi32>], vector<16xf32>,
        %add3A_354 = arith.addf %add3A_349, %gather3A_353 : vector<16xf32>
        %add3A_355 = arith.constant 14 : i32
        %add3A_356 = vector.broadcast %add3A_355 : i32 to vector<16xi32>
        %add3A_357 = arith.addi %broadcast_in_dim3A_5, %add3A_356 : vector<16xi32>
        %gather3A_358 = tpu.vector_load_idx %arg17[%add3A_285, %add3A_357] : memref<128x16xf32, #tpu.memory_space<vmem>>[vector<16xi32>, vector<16xi32>], vector<16xf32>,
        %add3A_359 = arith.addf %add3A_354, %gather3A_358 : vector<16xf32>
        %add3A_360 = arith.constant 15 : i32
        %add3A_361 = vector.broadcast %add3A_360 : i32 to vector<16xi32>
        %add3A_362 = arith.addi %broadcast_in_dim3A_5, %add3A_361 : vector<16xi32>
        %gather3A_363 = tpu.vector_load_idx %arg17[%add3A_285, %add3A_362] : memref<128x16xf32, #tpu.memory_space<vmem>>[vector<16xi32>, vector<16xi32>], vector<16xf32>,
        %add3A_364 = arith.addf %add3A_359, %gather3A_363 : vector<16xf32>
        %mul3A_365 = arith.constant 1.562500e-02 : f32
        %mul3A_366 = vector.broadcast %mul3A_365 : f32 to vector<16xf32>
        %mul3A_367 = arith.mulf %add3A_364, %mul3A_366 : vector<16xf32>
        %mul3A_368 = arith.constant 0.00833333377 : f32
        %mul3A_369 = vector.broadcast %mul3A_368 : f32 to vector<16xf32>
        %mul3A_370 = arith.mulf %mul3A_367, %mul3A_369 : vector<16xf32>
        %add3A_371 = arith.constant 0.0416666679 : f32
        %add3A_372 = vector.broadcast %add3A_371 : f32 to vector<16xf32>
        %add3A_373 = arith.addf %add3A_372, %mul3A_370 : vector<16xf32>
        %mul3A_374 = arith.mulf %mul3A_367, %add3A_373 : vector<16xf32>
        %add3A_375 = arith.constant 0.166666672 : f32
        %add3A_376 = vector.broadcast %add3A_375 : f32 to vector<16xf32>
        %add3A_377 = arith.addf %add3A_376, %mul3A_374 : vector<16xf32>
        %mul3A_378 = arith.mulf %mul3A_367, %add3A_377 : vector<16xf32>
        %add3A_379 = arith.constant 5.000000e-01 : f32
        %add3A_380 = vector.broadcast %add3A_379 : f32 to vector<16xf32>
        %add3A_381 = arith.addf %add3A_380, %mul3A_378 : vector<16xf32>
        %mul3A_382 = arith.mulf %mul3A_367, %add3A_381 : vector<16xf32>
        %add3A_383 = arith.constant 1.000000e+00 : f32
        %add3A_384 = vector.broadcast %add3A_383 : f32 to vector<16xf32>
        %add3A_385 = arith.addf %add3A_384, %mul3A_382 : vector<16xf32>
        %mul3A_386 = arith.mulf %mul3A_367, %add3A_385 : vector<16xf32>
        %add3A_387 = arith.constant 1.000000e+00 : f32
        %add3A_388 = vector.broadcast %add3A_387 : f32 to vector<16xf32>
        %add3A_389 = arith.addf %add3A_388, %mul3A_386 : vector<16xf32>
        %mul3A_390 = arith.mulf %add3A_389, %add3A_389 : vector<16xf32>
        %mul3A_391 = arith.mulf %mul3A_390, %mul3A_390 : vector<16xf32>
        %mul3A_392 = arith.mulf %mul3A_391, %mul3A_391 : vector<16xf32>
        %mul3A_393 = arith.mulf %mul3A_392, %mul3A_392 : vector<16xf32>
        %mul3A_394 = arith.mulf %mul3A_393, %mul3A_393 : vector<16xf32>
        %mul3A_395 = arith.mulf %mul3A_394, %mul3A_394 : vector<16xf32>
        %mul3A_396 = arith.constant 128 : i32
        %mul3A_397 = arith.muli %while3A_83, %mul3A_396 : i32
        %add3A_398 = vector.broadcast %mul3A_397 : i32 to vector<16xi32>
        %add3A_399 = arith.addi %add3A_398, %add3A_285 : vector<16xi32>
        %lt3A = vector.broadcast %scan3A_54 : i32 to vector<16xi32>
        %lt3A_400 = arith.cmpi slt, %add3A_399, %lt3A : vector<16xi32>
        %jit3A_401 = arith.constant 0.000000e+00 : f32
        %broadcast_in_dim3A_402 = vector.broadcast %jit3A_401 : f32 to vector<16xf32>
        %select_n3A_403 = arith.select %lt3A_400, %mul3A_395, %broadcast_in_dim3A_402 : vector<16xi1>, vector<16xf32>
        %swap3A_404 = arith.constant 0 : index
        %swap3A_405 = tpu.vector_load %arg18[%swap3A_404] {strides = array<i32>} : memref<128xf32, #tpu.memory_space<vmem>>, vector<16xf32>,
        tpu.vector_store %arg18[%swap3A_404], %select_n3A_403 {strides = array<i32>} : memref<128xf32, #tpu.memory_space<vmem>>, vector<16xf32>,
        %add3A_406 = arith.constant 16 : i32
        %add3A_407 = vector.broadcast %add3A_406 : i32 to vector<16xi32>
        %add3A_408 = arith.addi %add3A_407, %iota3A : vector<16xi32>
        %add3A_409 = arith.constant 0 : i32
        %add3A_410 = vector.broadcast %add3A_409 : i32 to vector<16xi32>
        %add3A_411 = arith.addi %broadcast_in_dim3A_5, %add3A_410 : vector<16xi32>
        %gather3A_412 = tpu.vector_load_idx %arg17[%add3A_408, %add3A_411] : memref<128x16xf32, #tpu.memory_space<vmem>>[vector<16xi32>, vector<16xi32>], vector<16xf32>,
        %add3A_413 = arith.addf %broadcast_in_dim3A_3, %gather3A_412 : vector<16xf32>
        %add3A_414 = arith.constant 1 : i32
        %add3A_415 = vector.broadcast %add3A_414 : i32 to vector<16xi32>
        %add3A_416 = arith.addi %broadcast_in_dim3A_5, %add3A_415 : vector<16xi32>
        %gather3A_417 = tpu.vector_load_idx %arg17[%add3A_408, %add3A_416] : memref<128x16xf32, #tpu.memory_space<vmem>>[vector<16xi32>, vector<16xi32>], vector<16xf32>,
        %add3A_418 = arith.addf %add3A_413, %gather3A_417 : vector<16xf32>
        %add3A_419 = arith.constant 2 : i32
        %add3A_420 = vector.broadcast %add3A_419 : i32 to vector<16xi32>
        %add3A_421 = arith.addi %broadcast_in_dim3A_5, %add3A_420 : vector<16xi32>
        %gather3A_422 = tpu.vector_load_idx %arg17[%add3A_408, %add3A_421] : memref<128x16xf32, #tpu.memory_space<vmem>>[vector<16xi32>, vector<16xi32>], vector<16xf32>,
        %add3A_423 = arith.addf %add3A_418, %gather3A_422 : vector<16xf32>
        %add3A_424 = arith.constant 3 : i32
        %add3A_425 = vector.broadcast %add3A_424 : i32 to vector<16xi32>
        %add3A_426 = arith.addi %broadcast_in_dim3A_5, %add3A_425 : vector<16xi32>
        %gather3A_427 = tpu.vector_load_idx %arg17[%add3A_408, %add3A_426] : memref<128x16xf32, #tpu.memory_space<vmem>>[vector<16xi32>, vector<16xi32>], vector<16xf32>,
        %add3A_428 = arith.addf %add3A_423, %gather3A_427 : vector<16xf32>
        %add3A_429 = arith.constant 4 : i32
        %add3A_430 = vector.broadcast %add3A_429 : i32 to vector<16xi32>
        %add3A_431 = arith.addi %broadcast_in_dim3A_5, %add3A_430 : vector<16xi32>
        %gather3A_432 = tpu.vector_load_idx %arg17[%add3A_408, %add3A_431] : memref<128x16xf32, #tpu.memory_space<vmem>>[vector<16xi32>, vector<16xi32>], vector<16xf32>,
        %add3A_433 = arith.addf %add3A_428, %gather3A_432 : vector<16xf32>
        %add3A_434 = arith.constant 5 : i32
        %add3A_435 = vector.broadcast %add3A_434 : i32 to vector<16xi32>
        %add3A_436 = arith.addi %broadcast_in_dim3A_5, %add3A_435 : vector<16xi32>
        %gather3A_437 = tpu.vector_load_idx %arg17[%add3A_408, %add3A_436] : memref<128x16xf32, #tpu.memory_space<vmem>>[vector<16xi32>, vector<16xi32>], vector<16xf32>,
        %add3A_438 = arith.addf %add3A_433, %gather3A_437 : vector<16xf32>
        %add3A_439 = arith.constant 6 : i32
        %add3A_440 = vector.broadcast %add3A_439 : i32 to vector<16xi32>
        %add3A_441 = arith.addi %broadcast_in_dim3A_5, %add3A_440 : vector<16xi32>
        %gather3A_442 = tpu.vector_load_idx %arg17[%add3A_408, %add3A_441] : memref<128x16xf32, #tpu.memory_space<vmem>>[vector<16xi32>, vector<16xi32>], vector<16xf32>,
        %add3A_443 = arith.addf %add3A_438, %gather3A_442 : vector<16xf32>
        %add3A_444 = arith.constant 7 : i32
        %add3A_445 = vector.broadcast %add3A_444 : i32 to vector<16xi32>
        %add3A_446 = arith.addi %broadcast_in_dim3A_5, %add3A_445 : vector<16xi32>
        %gather3A_447 = tpu.vector_load_idx %arg17[%add3A_408, %add3A_446] : memref<128x16xf32, #tpu.memory_space<vmem>>[vector<16xi32>, vector<16xi32>], vector<16xf32>,
        %add3A_448 = arith.addf %add3A_443, %gather3A_447 : vector<16xf32>
        %add3A_449 = arith.constant 8 : i32
        %add3A_450 = vector.broadcast %add3A_449 : i32 to vector<16xi32>
        %add3A_451 = arith.addi %broadcast_in_dim3A_5, %add3A_450 : vector<16xi32>
        %gather3A_452 = tpu.vector_load_idx %arg17[%add3A_408, %add3A_451] : memref<128x16xf32, #tpu.memory_space<vmem>>[vector<16xi32>, vector<16xi32>], vector<16xf32>,
        %add3A_453 = arith.addf %add3A_448, %gather3A_452 : vector<16xf32>
        %add3A_454 = arith.constant 9 : i32
        %add3A_455 = vector.broadcast %add3A_454 : i32 to vector<16xi32>
        %add3A_456 = arith.addi %broadcast_in_dim3A_5, %add3A_455 : vector<16xi32>
        %gather3A_457 = tpu.vector_load_idx %arg17[%add3A_408, %add3A_456] : memref<128x16xf32, #tpu.memory_space<vmem>>[vector<16xi32>, vector<16xi32>], vector<16xf32>,
        %add3A_458 = arith.addf %add3A_453, %gather3A_457 : vector<16xf32>
        %add3A_459 = arith.constant 10 : i32
        %add3A_460 = vector.broadcast %add3A_459 : i32 to vector<16xi32>
        %add3A_461 = arith.addi %broadcast_in_dim3A_5, %add3A_460 : vector<16xi32>
        %gather3A_462 = tpu.vector_load_idx %arg17[%add3A_408, %add3A_461] : memref<128x16xf32, #tpu.memory_space<vmem>>[vector<16xi32>, vector<16xi32>], vector<16xf32>,
        %add3A_463 = arith.addf %add3A_458, %gather3A_462 : vector<16xf32>
        %add3A_464 = arith.constant 11 : i32
        %add3A_465 = vector.broadcast %add3A_464 : i32 to vector<16xi32>
        %add3A_466 = arith.addi %broadcast_in_dim3A_5, %add3A_465 : vector<16xi32>
        %gather3A_467 = tpu.vector_load_idx %arg17[%add3A_408, %add3A_466] : memref<128x16xf32, #tpu.memory_space<vmem>>[vector<16xi32>, vector<16xi32>], vector<16xf32>,
        %add3A_468 = arith.addf %add3A_463, %gather3A_467 : vector<16xf32>
        %add3A_469 = arith.constant 12 : i32
        %add3A_470 = vector.broadcast %add3A_469 : i32 to vector<16xi32>
        %add3A_471 = arith.addi %broadcast_in_dim3A_5, %add3A_470 : vector<16xi32>
        %gather3A_472 = tpu.vector_load_idx %arg17[%add3A_408, %add3A_471] : memref<128x16xf32, #tpu.memory_space<vmem>>[vector<16xi32>, vector<16xi32>], vector<16xf32>,
        %add3A_473 = arith.addf %add3A_468, %gather3A_472 : vector<16xf32>
        %add3A_474 = arith.constant 13 : i32
        %add3A_475 = vector.broadcast %add3A_474 : i32 to vector<16xi32>
        %add3A_476 = arith.addi %broadcast_in_dim3A_5, %add3A_475 : vector<16xi32>
        %gather3A_477 = tpu.vector_load_idx %arg17[%add3A_408, %add3A_476] : memref<128x16xf32, #tpu.memory_space<vmem>>[vector<16xi32>, vector<16xi32>], vector<16xf32>,
        %add3A_478 = arith.addf %add3A_473, %gather3A_477 : vector<16xf32>
        %add3A_479 = arith.constant 14 : i32
        %add3A_480 = vector.broadcast %add3A_479 : i32 to vector<16xi32>
        %add3A_481 = arith.addi %broadcast_in_dim3A_5, %add3A_480 : vector<16xi32>
        %gather3A_482 = tpu.vector_load_idx %arg17[%add3A_408, %add3A_481] : memref<128x16xf32, #tpu.memory_space<vmem>>[vector<16xi32>, vector<16xi32>], vector<16xf32>,
        %add3A_483 = arith.addf %add3A_478, %gather3A_482 : vector<16xf32>
        %add3A_484 = arith.constant 15 : i32
        %add3A_485 = vector.broadcast %add3A_484 : i32 to vector<16xi32>
        %add3A_486 = arith.addi %broadcast_in_dim3A_5, %add3A_485 : vector<16xi32>
        %gather3A_487 = tpu.vector_load_idx %arg17[%add3A_408, %add3A_486] : memref<128x16xf32, #tpu.memory_space<vmem>>[vector<16xi32>, vector<16xi32>], vector<16xf32>,
        %add3A_488 = arith.addf %add3A_483, %gather3A_487 : vector<16xf32>
        %mul3A_489 = arith.constant 1.562500e-02 : f32
        %mul3A_490 = vector.broadcast %mul3A_489 : f32 to vector<16xf32>
        %mul3A_491 = arith.mulf %add3A_488, %mul3A_490 : vector<16xf32>
        %mul3A_492 = arith.constant 0.00833333377 : f32
        %mul3A_493 = vector.broadcast %mul3A_492 : f32 to vector<16xf32>
        %mul3A_494 = arith.mulf %mul3A_491, %mul3A_493 : vector<16xf32>
        %add3A_495 = arith.constant 0.0416666679 : f32
        %add3A_496 = vector.broadcast %add3A_495 : f32 to vector<16xf32>
        %add3A_497 = arith.addf %add3A_496, %mul3A_494 : vector<16xf32>
        %mul3A_498 = arith.mulf %mul3A_491, %add3A_497 : vector<16xf32>
        %add3A_499 = arith.constant 0.166666672 : f32
        %add3A_500 = vector.broadcast %add3A_499 : f32 to vector<16xf32>
        %add3A_501 = arith.addf %add3A_500, %mul3A_498 : vector<16xf32>
        %mul3A_502 = arith.mulf %mul3A_491, %add3A_501 : vector<16xf32>
        %add3A_503 = arith.constant 5.000000e-01 : f32
        %add3A_504 = vector.broadcast %add3A_503 : f32 to vector<16xf32>
        %add3A_505 = arith.addf %add3A_504, %mul3A_502 : vector<16xf32>
        %mul3A_506 = arith.mulf %mul3A_491, %add3A_505 : vector<16xf32>
        %add3A_507 = arith.constant 1.000000e+00 : f32
        %add3A_508 = vector.broadcast %add3A_507 : f32 to vector<16xf32>
        %add3A_509 = arith.addf %add3A_508, %mul3A_506 : vector<16xf32>
        %mul3A_510 = arith.mulf %mul3A_491, %add3A_509 : vector<16xf32>
        %add3A_511 = arith.constant 1.000000e+00 : f32
        %add3A_512 = vector.broadcast %add3A_511 : f32 to vector<16xf32>
        %add3A_513 = arith.addf %add3A_512, %mul3A_510 : vector<16xf32>
        %mul3A_514 = arith.mulf %add3A_513, %add3A_513 : vector<16xf32>
        %mul3A_515 = arith.mulf %mul3A_514, %mul3A_514 : vector<16xf32>
        %mul3A_516 = arith.mulf %mul3A_515, %mul3A_515 : vector<16xf32>
        %mul3A_517 = arith.mulf %mul3A_516, %mul3A_516 : vector<16xf32>
        %mul3A_518 = arith.mulf %mul3A_517, %mul3A_517 : vector<16xf32>
        %mul3A_519 = arith.mulf %mul3A_518, %mul3A_518 : vector<16xf32>
        %mul3A_520 = arith.constant 128 : i32
        %mul3A_521 = arith.muli %while3A_83, %mul3A_520 : i32
        %add3A_522 = vector.broadcast %mul3A_521 : i32 to vector<16xi32>
        %add3A_523 = arith.addi %add3A_522, %add3A_408 : vector<16xi32>
        %lt3A_524 = vector.broadcast %scan3A_54 : i32 to vector<16xi32>
        %lt3A_525 = arith.cmpi slt, %add3A_523, %lt3A_524 : vector<16xi32>
        %jit3A_526 = arith.constant 0.000000e+00 : f32
        %broadcast_in_dim3A_527 = vector.broadcast %jit3A_526 : f32 to vector<16xf32>
        %select_n3A_528 = arith.select %lt3A_525, %mul3A_519, %broadcast_in_dim3A_527 : vector<16xi1>, vector<16xf32>
        %swap3A_529 = arith.constant 16 : index
        %swap3A_530 = tpu.vector_load %arg18[%swap3A_529] {strides = array<i32>} : memref<128xf32, #tpu.memory_space<vmem>>, vector<16xf32>,
        tpu.vector_store %arg18[%swap3A_529], %select_n3A_528 {strides = array<i32>} : memref<128xf32, #tpu.memory_space<vmem>>, vector<16xf32>,
        %add3A_531 = arith.constant 32 : i32
        %add3A_532 = vector.broadcast %add3A_531 : i32 to vector<16xi32>
        %add3A_533 = arith.addi %add3A_532, %iota3A : vector<16xi32>
        %add3A_534 = arith.constant 0 : i32
        %add3A_535 = vector.broadcast %add3A_534 : i32 to vector<16xi32>
        %add3A_536 = arith.addi %broadcast_in_dim3A_5, %add3A_535 : vector<16xi32>
        %gather3A_537 = tpu.vector_load_idx %arg17[%add3A_533, %add3A_536] : memref<128x16xf32, #tpu.memory_space<vmem>>[vector<16xi32>, vector<16xi32>], vector<16xf32>,
        %add3A_538 = arith.addf %broadcast_in_dim3A_3, %gather3A_537 : vector<16xf32>
        %add3A_539 = arith.constant 1 : i32
        %add3A_540 = vector.broadcast %add3A_539 : i32 to vector<16xi32>
        %add3A_541 = arith.addi %broadcast_in_dim3A_5, %add3A_540 : vector<16xi32>
        %gather3A_542 = tpu.vector_load_idx %arg17[%add3A_533, %add3A_541] : memref<128x16xf32, #tpu.memory_space<vmem>>[vector<16xi32>, vector<16xi32>], vector<16xf32>,
        %add3A_543 = arith.addf %add3A_538, %gather3A_542 : vector<16xf32>
        %add3A_544 = arith.constant 2 : i32
        %add3A_545 = vector.broadcast %add3A_544 : i32 to vector<16xi32>
        %add3A_546 = arith.addi %broadcast_in_dim3A_5, %add3A_545 : vector<16xi32>
        %gather3A_547 = tpu.vector_load_idx %arg17[%add3A_533, %add3A_546] : memref<128x16xf32, #tpu.memory_space<vmem>>[vector<16xi32>, vector<16xi32>], vector<16xf32>,
        %add3A_548 = arith.addf %add3A_543, %gather3A_547 : vector<16xf32>
        %add3A_549 = arith.constant 3 : i32
        %add3A_550 = vector.broadcast %add3A_549 : i32 to vector<16xi32>
        %add3A_551 = arith.addi %broadcast_in_dim3A_5, %add3A_550 : vector<16xi32>
        %gather3A_552 = tpu.vector_load_idx %arg17[%add3A_533, %add3A_551] : memref<128x16xf32, #tpu.memory_space<vmem>>[vector<16xi32>, vector<16xi32>], vector<16xf32>,
        %add3A_553 = arith.addf %add3A_548, %gather3A_552 : vector<16xf32>
        %add3A_554 = arith.constant 4 : i32
        %add3A_555 = vector.broadcast %add3A_554 : i32 to vector<16xi32>
        %add3A_556 = arith.addi %broadcast_in_dim3A_5, %add3A_555 : vector<16xi32>
        %gather3A_557 = tpu.vector_load_idx %arg17[%add3A_533, %add3A_556] : memref<128x16xf32, #tpu.memory_space<vmem>>[vector<16xi32>, vector<16xi32>], vector<16xf32>,
        %add3A_558 = arith.addf %add3A_553, %gather3A_557 : vector<16xf32>
        %add3A_559 = arith.constant 5 : i32
        %add3A_560 = vector.broadcast %add3A_559 : i32 to vector<16xi32>
        %add3A_561 = arith.addi %broadcast_in_dim3A_5, %add3A_560 : vector<16xi32>
        %gather3A_562 = tpu.vector_load_idx %arg17[%add3A_533, %add3A_561] : memref<128x16xf32, #tpu.memory_space<vmem>>[vector<16xi32>, vector<16xi32>], vector<16xf32>,
        %add3A_563 = arith.addf %add3A_558, %gather3A_562 : vector<16xf32>
        %add3A_564 = arith.constant 6 : i32
        %add3A_565 = vector.broadcast %add3A_564 : i32 to vector<16xi32>
        %add3A_566 = arith.addi %broadcast_in_dim3A_5, %add3A_565 : vector<16xi32>
        %gather3A_567 = tpu.vector_load_idx %arg17[%add3A_533, %add3A_566] : memref<128x16xf32, #tpu.memory_space<vmem>>[vector<16xi32>, vector<16xi32>], vector<16xf32>,
        %add3A_568 = arith.addf %add3A_563, %gather3A_567 : vector<16xf32>
        %add3A_569 = arith.constant 7 : i32
        %add3A_570 = vector.broadcast %add3A_569 : i32 to vector<16xi32>
        %add3A_571 = arith.addi %broadcast_in_dim3A_5, %add3A_570 : vector<16xi32>
        %gather3A_572 = tpu.vector_load_idx %arg17[%add3A_533, %add3A_571] : memref<128x16xf32, #tpu.memory_space<vmem>>[vector<16xi32>, vector<16xi32>], vector<16xf32>,
        %add3A_573 = arith.addf %add3A_568, %gather3A_572 : vector<16xf32>
        %add3A_574 = arith.constant 8 : i32
        %add3A_575 = vector.broadcast %add3A_574 : i32 to vector<16xi32>
        %add3A_576 = arith.addi %broadcast_in_dim3A_5, %add3A_575 : vector<16xi32>
        %gather3A_577 = tpu.vector_load_idx %arg17[%add3A_533, %add3A_576] : memref<128x16xf32, #tpu.memory_space<vmem>>[vector<16xi32>, vector<16xi32>], vector<16xf32>,
        %add3A_578 = arith.addf %add3A_573, %gather3A_577 : vector<16xf32>
        %add3A_579 = arith.constant 9 : i32
        %add3A_580 = vector.broadcast %add3A_579 : i32 to vector<16xi32>
        %add3A_581 = arith.addi %broadcast_in_dim3A_5, %add3A_580 : vector<16xi32>
        %gather3A_582 = tpu.vector_load_idx %arg17[%add3A_533, %add3A_581] : memref<128x16xf32, #tpu.memory_space<vmem>>[vector<16xi32>, vector<16xi32>], vector<16xf32>,
        %add3A_583 = arith.addf %add3A_578, %gather3A_582 : vector<16xf32>
        %add3A_584 = arith.constant 10 : i32
        %add3A_585 = vector.broadcast %add3A_584 : i32 to vector<16xi32>
        %add3A_586 = arith.addi %broadcast_in_dim3A_5, %add3A_585 : vector<16xi32>
        %gather3A_587 = tpu.vector_load_idx %arg17[%add3A_533, %add3A_586] : memref<128x16xf32, #tpu.memory_space<vmem>>[vector<16xi32>, vector<16xi32>], vector<16xf32>,
        %add3A_588 = arith.addf %add3A_583, %gather3A_587 : vector<16xf32>
        %add3A_589 = arith.constant 11 : i32
        %add3A_590 = vector.broadcast %add3A_589 : i32 to vector<16xi32>
        %add3A_591 = arith.addi %broadcast_in_dim3A_5, %add3A_590 : vector<16xi32>
        %gather3A_592 = tpu.vector_load_idx %arg17[%add3A_533, %add3A_591] : memref<128x16xf32, #tpu.memory_space<vmem>>[vector<16xi32>, vector<16xi32>], vector<16xf32>,
        %add3A_593 = arith.addf %add3A_588, %gather3A_592 : vector<16xf32>
        %add3A_594 = arith.constant 12 : i32
        %add3A_595 = vector.broadcast %add3A_594 : i32 to vector<16xi32>
        %add3A_596 = arith.addi %broadcast_in_dim3A_5, %add3A_595 : vector<16xi32>
        %gather3A_597 = tpu.vector_load_idx %arg17[%add3A_533, %add3A_596] : memref<128x16xf32, #tpu.memory_space<vmem>>[vector<16xi32>, vector<16xi32>], vector<16xf32>,
        %add3A_598 = arith.addf %add3A_593, %gather3A_597 : vector<16xf32>
        %add3A_599 = arith.constant 13 : i32
        %add3A_600 = vector.broadcast %add3A_599 : i32 to vector<16xi32>
        %add3A_601 = arith.addi %broadcast_in_dim3A_5, %add3A_600 : vector<16xi32>
        %gather3A_602 = tpu.vector_load_idx %arg17[%add3A_533, %add3A_601] : memref<128x16xf32, #tpu.memory_space<vmem>>[vector<16xi32>, vector<16xi32>], vector<16xf32>,
        %add3A_603 = arith.addf %add3A_598, %gather3A_602 : vector<16xf32>
        %add3A_604 = arith.constant 14 : i32
        %add3A_605 = vector.broadcast %add3A_604 : i32 to vector<16xi32>
        %add3A_606 = arith.addi %broadcast_in_dim3A_5, %add3A_605 : vector<16xi32>
        %gather3A_607 = tpu.vector_load_idx %arg17[%add3A_533, %add3A_606] : memref<128x16xf32, #tpu.memory_space<vmem>>[vector<16xi32>, vector<16xi32>], vector<16xf32>,
        %add3A_608 = arith.addf %add3A_603, %gather3A_607 : vector<16xf32>
        %add3A_609 = arith.constant 15 : i32
        %add3A_610 = vector.broadcast %add3A_609 : i32 to vector<16xi32>
        %add3A_611 = arith.addi %broadcast_in_dim3A_5, %add3A_610 : vector<16xi32>
        %gather3A_612 = tpu.vector_load_idx %arg17[%add3A_533, %add3A_611] : memref<128x16xf32, #tpu.memory_space<vmem>>[vector<16xi32>, vector<16xi32>], vector<16xf32>,
        %add3A_613 = arith.addf %add3A_608, %gather3A_612 : vector<16xf32>
        %mul3A_614 = arith.constant 1.562500e-02 : f32
        %mul3A_615 = vector.broadcast %mul3A_614 : f32 to vector<16xf32>
        %mul3A_616 = arith.mulf %add3A_613, %mul3A_615 : vector<16xf32>
        %mul3A_617 = arith.constant 0.00833333377 : f32
        %mul3A_618 = vector.broadcast %mul3A_617 : f32 to vector<16xf32>
        %mul3A_619 = arith.mulf %mul3A_616, %mul3A_618 : vector<16xf32>
        %add3A_620 = arith.constant 0.0416666679 : f32
        %add3A_621 = vector.broadcast %add3A_620 : f32 to vector<16xf32>
        %add3A_622 = arith.addf %add3A_621, %mul3A_619 : vector<16xf32>
        %mul3A_623 = arith.mulf %mul3A_616, %add3A_622 : vector<16xf32>
        %add3A_624 = arith.constant 0.166666672 : f32
        %add3A_625 = vector.broadcast %add3A_624 : f32 to vector<16xf32>
        %add3A_626 = arith.addf %add3A_625, %mul3A_623 : vector<16xf32>
        %mul3A_627 = arith.mulf %mul3A_616, %add3A_626 : vector<16xf32>
        %add3A_628 = arith.constant 5.000000e-01 : f32
        %add3A_629 = vector.broadcast %add3A_628 : f32 to vector<16xf32>
        %add3A_630 = arith.addf %add3A_629, %mul3A_627 : vector<16xf32>
        %mul3A_631 = arith.mulf %mul3A_616, %add3A_630 : vector<16xf32>
        %add3A_632 = arith.constant 1.000000e+00 : f32
        %add3A_633 = vector.broadcast %add3A_632 : f32 to vector<16xf32>
        %add3A_634 = arith.addf %add3A_633, %mul3A_631 : vector<16xf32>
        %mul3A_635 = arith.mulf %mul3A_616, %add3A_634 : vector<16xf32>
        %add3A_636 = arith.constant 1.000000e+00 : f32
        %add3A_637 = vector.broadcast %add3A_636 : f32 to vector<16xf32>
        %add3A_638 = arith.addf %add3A_637, %mul3A_635 : vector<16xf32>
        %mul3A_639 = arith.mulf %add3A_638, %add3A_638 : vector<16xf32>
        %mul3A_640 = arith.mulf %mul3A_639, %mul3A_639 : vector<16xf32>
        %mul3A_641 = arith.mulf %mul3A_640, %mul3A_640 : vector<16xf32>
        %mul3A_642 = arith.mulf %mul3A_641, %mul3A_641 : vector<16xf32>
        %mul3A_643 = arith.mulf %mul3A_642, %mul3A_642 : vector<16xf32>
        %mul3A_644 = arith.mulf %mul3A_643, %mul3A_643 : vector<16xf32>
        %mul3A_645 = arith.constant 128 : i32
        %mul3A_646 = arith.muli %while3A_83, %mul3A_645 : i32
        %add3A_647 = vector.broadcast %mul3A_646 : i32 to vector<16xi32>
        %add3A_648 = arith.addi %add3A_647, %add3A_533 : vector<16xi32>
        %lt3A_649 = vector.broadcast %scan3A_54 : i32 to vector<16xi32>
        %lt3A_650 = arith.cmpi slt, %add3A_648, %lt3A_649 : vector<16xi32>
        %jit3A_651 = arith.constant 0.000000e+00 : f32
        %broadcast_in_dim3A_652 = vector.broadcast %jit3A_651 : f32 to vector<16xf32>
        %select_n3A_653 = arith.select %lt3A_650, %mul3A_644, %broadcast_in_dim3A_652 : vector<16xi1>, vector<16xf32>
        %swap3A_654 = arith.constant 32 : index
        %swap3A_655 = tpu.vector_load %arg18[%swap3A_654] {strides = array<i32>} : memref<128xf32, #tpu.memory_space<vmem>>, vector<16xf32>,
        tpu.vector_store %arg18[%swap3A_654], %select_n3A_653 {strides = array<i32>} : memref<128xf32, #tpu.memory_space<vmem>>, vector<16xf32>,
        %add3A_656 = arith.constant 48 : i32
        %add3A_657 = vector.broadcast %add3A_656 : i32 to vector<16xi32>
        %add3A_658 = arith.addi %add3A_657, %iota3A : vector<16xi32>
        %add3A_659 = arith.constant 0 : i32
        %add3A_660 = vector.broadcast %add3A_659 : i32 to vector<16xi32>
        %add3A_661 = arith.addi %broadcast_in_dim3A_5, %add3A_660 : vector<16xi32>
        %gather3A_662 = tpu.vector_load_idx %arg17[%add3A_658, %add3A_661] : memref<128x16xf32, #tpu.memory_space<vmem>>[vector<16xi32>, vector<16xi32>], vector<16xf32>,
        %add3A_663 = arith.addf %broadcast_in_dim3A_3, %gather3A_662 : vector<16xf32>
        %add3A_664 = arith.constant 1 : i32
        %add3A_665 = vector.broadcast %add3A_664 : i32 to vector<16xi32>
        %add3A_666 = arith.addi %broadcast_in_dim3A_5, %add3A_665 : vector<16xi32>
        %gather3A_667 = tpu.vector_load_idx %arg17[%add3A_658, %add3A_666] : memref<128x16xf32, #tpu.memory_space<vmem>>[vector<16xi32>, vector<16xi32>], vector<16xf32>,
        %add3A_668 = arith.addf %add3A_663, %gather3A_667 : vector<16xf32>
        %add3A_669 = arith.constant 2 : i32
        %add3A_670 = vector.broadcast %add3A_669 : i32 to vector<16xi32>
        %add3A_671 = arith.addi %broadcast_in_dim3A_5, %add3A_670 : vector<16xi32>
        %gather3A_672 = tpu.vector_load_idx %arg17[%add3A_658, %add3A_671] : memref<128x16xf32, #tpu.memory_space<vmem>>[vector<16xi32>, vector<16xi32>], vector<16xf32>,
        %add3A_673 = arith.addf %add3A_668, %gather3A_672 : vector<16xf32>
        %add3A_674 = arith.constant 3 : i32
        %add3A_675 = vector.broadcast %add3A_674 : i32 to vector<16xi32>
        %add3A_676 = arith.addi %broadcast_in_dim3A_5, %add3A_675 : vector<16xi32>
        %gather3A_677 = tpu.vector_load_idx %arg17[%add3A_658, %add3A_676] : memref<128x16xf32, #tpu.memory_space<vmem>>[vector<16xi32>, vector<16xi32>], vector<16xf32>,
        %add3A_678 = arith.addf %add3A_673, %gather3A_677 : vector<16xf32>
        %add3A_679 = arith.constant 4 : i32
        %add3A_680 = vector.broadcast %add3A_679 : i32 to vector<16xi32>
        %add3A_681 = arith.addi %broadcast_in_dim3A_5, %add3A_680 : vector<16xi32>
        %gather3A_682 = tpu.vector_load_idx %arg17[%add3A_658, %add3A_681] : memref<128x16xf32, #tpu.memory_space<vmem>>[vector<16xi32>, vector<16xi32>], vector<16xf32>,
        %add3A_683 = arith.addf %add3A_678, %gather3A_682 : vector<16xf32>
        %add3A_684 = arith.constant 5 : i32
        %add3A_685 = vector.broadcast %add3A_684 : i32 to vector<16xi32>
        %add3A_686 = arith.addi %broadcast_in_dim3A_5, %add3A_685 : vector<16xi32>
        %gather3A_687 = tpu.vector_load_idx %arg17[%add3A_658, %add3A_686] : memref<128x16xf32, #tpu.memory_space<vmem>>[vector<16xi32>, vector<16xi32>], vector<16xf32>,
        %add3A_688 = arith.addf %add3A_683, %gather3A_687 : vector<16xf32>
        %add3A_689 = arith.constant 6 : i32
        %add3A_690 = vector.broadcast %add3A_689 : i32 to vector<16xi32>
        %add3A_691 = arith.addi %broadcast_in_dim3A_5, %add3A_690 : vector<16xi32>
        %gather3A_692 = tpu.vector_load_idx %arg17[%add3A_658, %add3A_691] : memref<128x16xf32, #tpu.memory_space<vmem>>[vector<16xi32>, vector<16xi32>], vector<16xf32>,
        %add3A_693 = arith.addf %add3A_688, %gather3A_692 : vector<16xf32>
        %add3A_694 = arith.constant 7 : i32
        %add3A_695 = vector.broadcast %add3A_694 : i32 to vector<16xi32>
        %add3A_696 = arith.addi %broadcast_in_dim3A_5, %add3A_695 : vector<16xi32>
        %gather3A_697 = tpu.vector_load_idx %arg17[%add3A_658, %add3A_696] : memref<128x16xf32, #tpu.memory_space<vmem>>[vector<16xi32>, vector<16xi32>], vector<16xf32>,
        %add3A_698 = arith.addf %add3A_693, %gather3A_697 : vector<16xf32>
        %add3A_699 = arith.constant 8 : i32
        %add3A_700 = vector.broadcast %add3A_699 : i32 to vector<16xi32>
        %add3A_701 = arith.addi %broadcast_in_dim3A_5, %add3A_700 : vector<16xi32>
        %gather3A_702 = tpu.vector_load_idx %arg17[%add3A_658, %add3A_701] : memref<128x16xf32, #tpu.memory_space<vmem>>[vector<16xi32>, vector<16xi32>], vector<16xf32>,
        %add3A_703 = arith.addf %add3A_698, %gather3A_702 : vector<16xf32>
        %add3A_704 = arith.constant 9 : i32
        %add3A_705 = vector.broadcast %add3A_704 : i32 to vector<16xi32>
        %add3A_706 = arith.addi %broadcast_in_dim3A_5, %add3A_705 : vector<16xi32>
        %gather3A_707 = tpu.vector_load_idx %arg17[%add3A_658, %add3A_706] : memref<128x16xf32, #tpu.memory_space<vmem>>[vector<16xi32>, vector<16xi32>], vector<16xf32>,
        %add3A_708 = arith.addf %add3A_703, %gather3A_707 : vector<16xf32>
        %add3A_709 = arith.constant 10 : i32
        %add3A_710 = vector.broadcast %add3A_709 : i32 to vector<16xi32>
        %add3A_711 = arith.addi %broadcast_in_dim3A_5, %add3A_710 : vector<16xi32>
        %gather3A_712 = tpu.vector_load_idx %arg17[%add3A_658, %add3A_711] : memref<128x16xf32, #tpu.memory_space<vmem>>[vector<16xi32>, vector<16xi32>], vector<16xf32>,
        %add3A_713 = arith.addf %add3A_708, %gather3A_712 : vector<16xf32>
        %add3A_714 = arith.constant 11 : i32
        %add3A_715 = vector.broadcast %add3A_714 : i32 to vector<16xi32>
        %add3A_716 = arith.addi %broadcast_in_dim3A_5, %add3A_715 : vector<16xi32>
        %gather3A_717 = tpu.vector_load_idx %arg17[%add3A_658, %add3A_716] : memref<128x16xf32, #tpu.memory_space<vmem>>[vector<16xi32>, vector<16xi32>], vector<16xf32>,
        %add3A_718 = arith.addf %add3A_713, %gather3A_717 : vector<16xf32>
        %add3A_719 = arith.constant 12 : i32
        %add3A_720 = vector.broadcast %add3A_719 : i32 to vector<16xi32>
        %add3A_721 = arith.addi %broadcast_in_dim3A_5, %add3A_720 : vector<16xi32>
        %gather3A_722 = tpu.vector_load_idx %arg17[%add3A_658, %add3A_721] : memref<128x16xf32, #tpu.memory_space<vmem>>[vector<16xi32>, vector<16xi32>], vector<16xf32>,
        %add3A_723 = arith.addf %add3A_718, %gather3A_722 : vector<16xf32>
        %add3A_724 = arith.constant 13 : i32
        %add3A_725 = vector.broadcast %add3A_724 : i32 to vector<16xi32>
        %add3A_726 = arith.addi %broadcast_in_dim3A_5, %add3A_725 : vector<16xi32>
        %gather3A_727 = tpu.vector_load_idx %arg17[%add3A_658, %add3A_726] : memref<128x16xf32, #tpu.memory_space<vmem>>[vector<16xi32>, vector<16xi32>], vector<16xf32>,
        %add3A_728 = arith.addf %add3A_723, %gather3A_727 : vector<16xf32>
        %add3A_729 = arith.constant 14 : i32
        %add3A_730 = vector.broadcast %add3A_729 : i32 to vector<16xi32>
        %add3A_731 = arith.addi %broadcast_in_dim3A_5, %add3A_730 : vector<16xi32>
        %gather3A_732 = tpu.vector_load_idx %arg17[%add3A_658, %add3A_731] : memref<128x16xf32, #tpu.memory_space<vmem>>[vector<16xi32>, vector<16xi32>], vector<16xf32>,
        %add3A_733 = arith.addf %add3A_728, %gather3A_732 : vector<16xf32>
        %add3A_734 = arith.constant 15 : i32
        %add3A_735 = vector.broadcast %add3A_734 : i32 to vector<16xi32>
        %add3A_736 = arith.addi %broadcast_in_dim3A_5, %add3A_735 : vector<16xi32>
        %gather3A_737 = tpu.vector_load_idx %arg17[%add3A_658, %add3A_736] : memref<128x16xf32, #tpu.memory_space<vmem>>[vector<16xi32>, vector<16xi32>], vector<16xf32>,
        %add3A_738 = arith.addf %add3A_733, %gather3A_737 : vector<16xf32>
        %mul3A_739 = arith.constant 1.562500e-02 : f32
        %mul3A_740 = vector.broadcast %mul3A_739 : f32 to vector<16xf32>
        %mul3A_741 = arith.mulf %add3A_738, %mul3A_740 : vector<16xf32>
        %mul3A_742 = arith.constant 0.00833333377 : f32
        %mul3A_743 = vector.broadcast %mul3A_742 : f32 to vector<16xf32>
        %mul3A_744 = arith.mulf %mul3A_741, %mul3A_743 : vector<16xf32>
        %add3A_745 = arith.constant 0.0416666679 : f32
        %add3A_746 = vector.broadcast %add3A_745 : f32 to vector<16xf32>
        %add3A_747 = arith.addf %add3A_746, %mul3A_744 : vector<16xf32>
        %mul3A_748 = arith.mulf %mul3A_741, %add3A_747 : vector<16xf32>
        %add3A_749 = arith.constant 0.166666672 : f32
        %add3A_750 = vector.broadcast %add3A_749 : f32 to vector<16xf32>
        %add3A_751 = arith.addf %add3A_750, %mul3A_748 : vector<16xf32>
        %mul3A_752 = arith.mulf %mul3A_741, %add3A_751 : vector<16xf32>
        %add3A_753 = arith.constant 5.000000e-01 : f32
        %add3A_754 = vector.broadcast %add3A_753 : f32 to vector<16xf32>
        %add3A_755 = arith.addf %add3A_754, %mul3A_752 : vector<16xf32>
        %mul3A_756 = arith.mulf %mul3A_741, %add3A_755 : vector<16xf32>
        %add3A_757 = arith.constant 1.000000e+00 : f32
        %add3A_758 = vector.broadcast %add3A_757 : f32 to vector<16xf32>
        %add3A_759 = arith.addf %add3A_758, %mul3A_756 : vector<16xf32>
        %mul3A_760 = arith.mulf %mul3A_741, %add3A_759 : vector<16xf32>
        %add3A_761 = arith.constant 1.000000e+00 : f32
        %add3A_762 = vector.broadcast %add3A_761 : f32 to vector<16xf32>
        %add3A_763 = arith.addf %add3A_762, %mul3A_760 : vector<16xf32>
        %mul3A_764 = arith.mulf %add3A_763, %add3A_763 : vector<16xf32>
        %mul3A_765 = arith.mulf %mul3A_764, %mul3A_764 : vector<16xf32>
        %mul3A_766 = arith.mulf %mul3A_765, %mul3A_765 : vector<16xf32>
        %mul3A_767 = arith.mulf %mul3A_766, %mul3A_766 : vector<16xf32>
        %mul3A_768 = arith.mulf %mul3A_767, %mul3A_767 : vector<16xf32>
        %mul3A_769 = arith.mulf %mul3A_768, %mul3A_768 : vector<16xf32>
        %mul3A_770 = arith.constant 128 : i32
        %mul3A_771 = arith.muli %while3A_83, %mul3A_770 : i32
        %add3A_772 = vector.broadcast %mul3A_771 : i32 to vector<16xi32>
        %add3A_773 = arith.addi %add3A_772, %add3A_658 : vector<16xi32>
        %lt3A_774 = vector.broadcast %scan3A_54 : i32 to vector<16xi32>
        %lt3A_775 = arith.cmpi slt, %add3A_773, %lt3A_774 : vector<16xi32>
        %jit3A_776 = arith.constant 0.000000e+00 : f32
        %broadcast_in_dim3A_777 = vector.broadcast %jit3A_776 : f32 to vector<16xf32>
        %select_n3A_778 = arith.select %lt3A_775, %mul3A_769, %broadcast_in_dim3A_777 : vector<16xi1>, vector<16xf32>
        %swap3A_779 = arith.constant 48 : index
        %swap3A_780 = tpu.vector_load %arg18[%swap3A_779] {strides = array<i32>} : memref<128xf32, #tpu.memory_space<vmem>>, vector<16xf32>,
        tpu.vector_store %arg18[%swap3A_779], %select_n3A_778 {strides = array<i32>} : memref<128xf32, #tpu.memory_space<vmem>>, vector<16xf32>,
        %add3A_781 = arith.constant 64 : i32
        %add3A_782 = vector.broadcast %add3A_781 : i32 to vector<16xi32>
        %add3A_783 = arith.addi %add3A_782, %iota3A : vector<16xi32>
        %add3A_784 = arith.constant 0 : i32
        %add3A_785 = vector.broadcast %add3A_784 : i32 to vector<16xi32>
        %add3A_786 = arith.addi %broadcast_in_dim3A_5, %add3A_785 : vector<16xi32>
        %gather3A_787 = tpu.vector_load_idx %arg17[%add3A_783, %add3A_786] : memref<128x16xf32, #tpu.memory_space<vmem>>[vector<16xi32>, vector<16xi32>], vector<16xf32>,
        %add3A_788 = arith.addf %broadcast_in_dim3A_3, %gather3A_787 : vector<16xf32>
        %add3A_789 = arith.constant 1 : i32
        %add3A_790 = vector.broadcast %add3A_789 : i32 to vector<16xi32>
        %add3A_791 = arith.addi %broadcast_in_dim3A_5, %add3A_790 : vector<16xi32>
        %gather3A_792 = tpu.vector_load_idx %arg17[%add3A_783, %add3A_791] : memref<128x16xf32, #tpu.memory_space<vmem>>[vector<16xi32>, vector<16xi32>], vector<16xf32>,
        %add3A_793 = arith.addf %add3A_788, %gather3A_792 : vector<16xf32>
        %add3A_794 = arith.constant 2 : i32
        %add3A_795 = vector.broadcast %add3A_794 : i32 to vector<16xi32>
        %add3A_796 = arith.addi %broadcast_in_dim3A_5, %add3A_795 : vector<16xi32>
        %gather3A_797 = tpu.vector_load_idx %arg17[%add3A_783, %add3A_796] : memref<128x16xf32, #tpu.memory_space<vmem>>[vector<16xi32>, vector<16xi32>], vector<16xf32>,
        %add3A_798 = arith.addf %add3A_793, %gather3A_797 : vector<16xf32>
        %add3A_799 = arith.constant 3 : i32
        %add3A_800 = vector.broadcast %add3A_799 : i32 to vector<16xi32>
        %add3A_801 = arith.addi %broadcast_in_dim3A_5, %add3A_800 : vector<16xi32>
        %gather3A_802 = tpu.vector_load_idx %arg17[%add3A_783, %add3A_801] : memref<128x16xf32, #tpu.memory_space<vmem>>[vector<16xi32>, vector<16xi32>], vector<16xf32>,
        %add3A_803 = arith.addf %add3A_798, %gather3A_802 : vector<16xf32>
        %add3A_804 = arith.constant 4 : i32
        %add3A_805 = vector.broadcast %add3A_804 : i32 to vector<16xi32>
        %add3A_806 = arith.addi %broadcast_in_dim3A_5, %add3A_805 : vector<16xi32>
        %gather3A_807 = tpu.vector_load_idx %arg17[%add3A_783, %add3A_806] : memref<128x16xf32, #tpu.memory_space<vmem>>[vector<16xi32>, vector<16xi32>], vector<16xf32>,
        %add3A_808 = arith.addf %add3A_803, %gather3A_807 : vector<16xf32>
        %add3A_809 = arith.constant 5 : i32
        %add3A_810 = vector.broadcast %add3A_809 : i32 to vector<16xi32>
        %add3A_811 = arith.addi %broadcast_in_dim3A_5, %add3A_810 : vector<16xi32>
        %gather3A_812 = tpu.vector_load_idx %arg17[%add3A_783, %add3A_811] : memref<128x16xf32, #tpu.memory_space<vmem>>[vector<16xi32>, vector<16xi32>], vector<16xf32>,
        %add3A_813 = arith.addf %add3A_808, %gather3A_812 : vector<16xf32>
        %add3A_814 = arith.constant 6 : i32
        %add3A_815 = vector.broadcast %add3A_814 : i32 to vector<16xi32>
        %add3A_816 = arith.addi %broadcast_in_dim3A_5, %add3A_815 : vector<16xi32>
        %gather3A_817 = tpu.vector_load_idx %arg17[%add3A_783, %add3A_816] : memref<128x16xf32, #tpu.memory_space<vmem>>[vector<16xi32>, vector<16xi32>], vector<16xf32>,
        %add3A_818 = arith.addf %add3A_813, %gather3A_817 : vector<16xf32>
        %add3A_819 = arith.constant 7 : i32
        %add3A_820 = vector.broadcast %add3A_819 : i32 to vector<16xi32>
        %add3A_821 = arith.addi %broadcast_in_dim3A_5, %add3A_820 : vector<16xi32>
        %gather3A_822 = tpu.vector_load_idx %arg17[%add3A_783, %add3A_821] : memref<128x16xf32, #tpu.memory_space<vmem>>[vector<16xi32>, vector<16xi32>], vector<16xf32>,
        %add3A_823 = arith.addf %add3A_818, %gather3A_822 : vector<16xf32>
        %add3A_824 = arith.constant 8 : i32
        %add3A_825 = vector.broadcast %add3A_824 : i32 to vector<16xi32>
        %add3A_826 = arith.addi %broadcast_in_dim3A_5, %add3A_825 : vector<16xi32>
        %gather3A_827 = tpu.vector_load_idx %arg17[%add3A_783, %add3A_826] : memref<128x16xf32, #tpu.memory_space<vmem>>[vector<16xi32>, vector<16xi32>], vector<16xf32>,
        %add3A_828 = arith.addf %add3A_823, %gather3A_827 : vector<16xf32>
        %add3A_829 = arith.constant 9 : i32
        %add3A_830 = vector.broadcast %add3A_829 : i32 to vector<16xi32>
        %add3A_831 = arith.addi %broadcast_in_dim3A_5, %add3A_830 : vector<16xi32>
        %gather3A_832 = tpu.vector_load_idx %arg17[%add3A_783, %add3A_831] : memref<128x16xf32, #tpu.memory_space<vmem>>[vector<16xi32>, vector<16xi32>], vector<16xf32>,
        %add3A_833 = arith.addf %add3A_828, %gather3A_832 : vector<16xf32>
        %add3A_834 = arith.constant 10 : i32
        %add3A_835 = vector.broadcast %add3A_834 : i32 to vector<16xi32>
        %add3A_836 = arith.addi %broadcast_in_dim3A_5, %add3A_835 : vector<16xi32>
        %gather3A_837 = tpu.vector_load_idx %arg17[%add3A_783, %add3A_836] : memref<128x16xf32, #tpu.memory_space<vmem>>[vector<16xi32>, vector<16xi32>], vector<16xf32>,
        %add3A_838 = arith.addf %add3A_833, %gather3A_837 : vector<16xf32>
        %add3A_839 = arith.constant 11 : i32
        %add3A_840 = vector.broadcast %add3A_839 : i32 to vector<16xi32>
        %add3A_841 = arith.addi %broadcast_in_dim3A_5, %add3A_840 : vector<16xi32>
        %gather3A_842 = tpu.vector_load_idx %arg17[%add3A_783, %add3A_841] : memref<128x16xf32, #tpu.memory_space<vmem>>[vector<16xi32>, vector<16xi32>], vector<16xf32>,
        %add3A_843 = arith.addf %add3A_838, %gather3A_842 : vector<16xf32>
        %add3A_844 = arith.constant 12 : i32
        %add3A_845 = vector.broadcast %add3A_844 : i32 to vector<16xi32>
        %add3A_846 = arith.addi %broadcast_in_dim3A_5, %add3A_845 : vector<16xi32>
        %gather3A_847 = tpu.vector_load_idx %arg17[%add3A_783, %add3A_846] : memref<128x16xf32, #tpu.memory_space<vmem>>[vector<16xi32>, vector<16xi32>], vector<16xf32>,
        %add3A_848 = arith.addf %add3A_843, %gather3A_847 : vector<16xf32>
        %add3A_849 = arith.constant 13 : i32
        %add3A_850 = vector.broadcast %add3A_849 : i32 to vector<16xi32>
        %add3A_851 = arith.addi %broadcast_in_dim3A_5, %add3A_850 : vector<16xi32>
        %gather3A_852 = tpu.vector_load_idx %arg17[%add3A_783, %add3A_851] : memref<128x16xf32, #tpu.memory_space<vmem>>[vector<16xi32>, vector<16xi32>], vector<16xf32>,
        %add3A_853 = arith.addf %add3A_848, %gather3A_852 : vector<16xf32>
        %add3A_854 = arith.constant 14 : i32
        %add3A_855 = vector.broadcast %add3A_854 : i32 to vector<16xi32>
        %add3A_856 = arith.addi %broadcast_in_dim3A_5, %add3A_855 : vector<16xi32>
        %gather3A_857 = tpu.vector_load_idx %arg17[%add3A_783, %add3A_856] : memref<128x16xf32, #tpu.memory_space<vmem>>[vector<16xi32>, vector<16xi32>], vector<16xf32>,
        %add3A_858 = arith.addf %add3A_853, %gather3A_857 : vector<16xf32>
        %add3A_859 = arith.constant 15 : i32
        %add3A_860 = vector.broadcast %add3A_859 : i32 to vector<16xi32>
        %add3A_861 = arith.addi %broadcast_in_dim3A_5, %add3A_860 : vector<16xi32>
        %gather3A_862 = tpu.vector_load_idx %arg17[%add3A_783, %add3A_861] : memref<128x16xf32, #tpu.memory_space<vmem>>[vector<16xi32>, vector<16xi32>], vector<16xf32>,
        %add3A_863 = arith.addf %add3A_858, %gather3A_862 : vector<16xf32>
        %mul3A_864 = arith.constant 1.562500e-02 : f32
        %mul3A_865 = vector.broadcast %mul3A_864 : f32 to vector<16xf32>
        %mul3A_866 = arith.mulf %add3A_863, %mul3A_865 : vector<16xf32>
        %mul3A_867 = arith.constant 0.00833333377 : f32
        %mul3A_868 = vector.broadcast %mul3A_867 : f32 to vector<16xf32>
        %mul3A_869 = arith.mulf %mul3A_866, %mul3A_868 : vector<16xf32>
        %add3A_870 = arith.constant 0.0416666679 : f32
        %add3A_871 = vector.broadcast %add3A_870 : f32 to vector<16xf32>
        %add3A_872 = arith.addf %add3A_871, %mul3A_869 : vector<16xf32>
        %mul3A_873 = arith.mulf %mul3A_866, %add3A_872 : vector<16xf32>
        %add3A_874 = arith.constant 0.166666672 : f32
        %add3A_875 = vector.broadcast %add3A_874 : f32 to vector<16xf32>
        %add3A_876 = arith.addf %add3A_875, %mul3A_873 : vector<16xf32>
        %mul3A_877 = arith.mulf %mul3A_866, %add3A_876 : vector<16xf32>
        %add3A_878 = arith.constant 5.000000e-01 : f32
        %add3A_879 = vector.broadcast %add3A_878 : f32 to vector<16xf32>
        %add3A_880 = arith.addf %add3A_879, %mul3A_877 : vector<16xf32>
        %mul3A_881 = arith.mulf %mul3A_866, %add3A_880 : vector<16xf32>
        %add3A_882 = arith.constant 1.000000e+00 : f32
        %add3A_883 = vector.broadcast %add3A_882 : f32 to vector<16xf32>
        %add3A_884 = arith.addf %add3A_883, %mul3A_881 : vector<16xf32>
        %mul3A_885 = arith.mulf %mul3A_866, %add3A_884 : vector<16xf32>
        %add3A_886 = arith.constant 1.000000e+00 : f32
        %add3A_887 = vector.broadcast %add3A_886 : f32 to vector<16xf32>
        %add3A_888 = arith.addf %add3A_887, %mul3A_885 : vector<16xf32>
        %mul3A_889 = arith.mulf %add3A_888, %add3A_888 : vector<16xf32>
        %mul3A_890 = arith.mulf %mul3A_889, %mul3A_889 : vector<16xf32>
        %mul3A_891 = arith.mulf %mul3A_890, %mul3A_890 : vector<16xf32>
        %mul3A_892 = arith.mulf %mul3A_891, %mul3A_891 : vector<16xf32>
        %mul3A_893 = arith.mulf %mul3A_892, %mul3A_892 : vector<16xf32>
        %mul3A_894 = arith.mulf %mul3A_893, %mul3A_893 : vector<16xf32>
        %mul3A_895 = arith.constant 128 : i32
        %mul3A_896 = arith.muli %while3A_83, %mul3A_895 : i32
        %add3A_897 = vector.broadcast %mul3A_896 : i32 to vector<16xi32>
        %add3A_898 = arith.addi %add3A_897, %add3A_783 : vector<16xi32>
        %lt3A_899 = vector.broadcast %scan3A_54 : i32 to vector<16xi32>
        %lt3A_900 = arith.cmpi slt, %add3A_898, %lt3A_899 : vector<16xi32>
        %jit3A_901 = arith.constant 0.000000e+00 : f32
        %broadcast_in_dim3A_902 = vector.broadcast %jit3A_901 : f32 to vector<16xf32>
        %select_n3A_903 = arith.select %lt3A_900, %mul3A_894, %broadcast_in_dim3A_902 : vector<16xi1>, vector<16xf32>
        %swap3A_904 = arith.constant 64 : index
        %swap3A_905 = tpu.vector_load %arg18[%swap3A_904] {strides = array<i32>} : memref<128xf32, #tpu.memory_space<vmem>>, vector<16xf32>,
        tpu.vector_store %arg18[%swap3A_904], %select_n3A_903 {strides = array<i32>} : memref<128xf32, #tpu.memory_space<vmem>>, vector<16xf32>,
        %add3A_906 = arith.constant 80 : i32
        %add3A_907 = vector.broadcast %add3A_906 : i32 to vector<16xi32>
        %add3A_908 = arith.addi %add3A_907, %iota3A : vector<16xi32>
        %add3A_909 = arith.constant 0 : i32
        %add3A_910 = vector.broadcast %add3A_909 : i32 to vector<16xi32>
        %add3A_911 = arith.addi %broadcast_in_dim3A_5, %add3A_910 : vector<16xi32>
        %gather3A_912 = tpu.vector_load_idx %arg17[%add3A_908, %add3A_911] : memref<128x16xf32, #tpu.memory_space<vmem>>[vector<16xi32>, vector<16xi32>], vector<16xf32>,
        %add3A_913 = arith.addf %broadcast_in_dim3A_3, %gather3A_912 : vector<16xf32>
        %add3A_914 = arith.constant 1 : i32
        %add3A_915 = vector.broadcast %add3A_914 : i32 to vector<16xi32>
        %add3A_916 = arith.addi %broadcast_in_dim3A_5, %add3A_915 : vector<16xi32>
        %gather3A_917 = tpu.vector_load_idx %arg17[%add3A_908, %add3A_916] : memref<128x16xf32, #tpu.memory_space<vmem>>[vector<16xi32>, vector<16xi32>], vector<16xf32>,
        %add3A_918 = arith.addf %add3A_913, %gather3A_917 : vector<16xf32>
        %add3A_919 = arith.constant 2 : i32
        %add3A_920 = vector.broadcast %add3A_919 : i32 to vector<16xi32>
        %add3A_921 = arith.addi %broadcast_in_dim3A_5, %add3A_920 : vector<16xi32>
        %gather3A_922 = tpu.vector_load_idx %arg17[%add3A_908, %add3A_921] : memref<128x16xf32, #tpu.memory_space<vmem>>[vector<16xi32>, vector<16xi32>], vector<16xf32>,
        %add3A_923 = arith.addf %add3A_918, %gather3A_922 : vector<16xf32>
        %add3A_924 = arith.constant 3 : i32
        %add3A_925 = vector.broadcast %add3A_924 : i32 to vector<16xi32>
        %add3A_926 = arith.addi %broadcast_in_dim3A_5, %add3A_925 : vector<16xi32>
        %gather3A_927 = tpu.vector_load_idx %arg17[%add3A_908, %add3A_926] : memref<128x16xf32, #tpu.memory_space<vmem>>[vector<16xi32>, vector<16xi32>], vector<16xf32>,
        %add3A_928 = arith.addf %add3A_923, %gather3A_927 : vector<16xf32>
        %add3A_929 = arith.constant 4 : i32
        %add3A_930 = vector.broadcast %add3A_929 : i32 to vector<16xi32>
        %add3A_931 = arith.addi %broadcast_in_dim3A_5, %add3A_930 : vector<16xi32>
        %gather3A_932 = tpu.vector_load_idx %arg17[%add3A_908, %add3A_931] : memref<128x16xf32, #tpu.memory_space<vmem>>[vector<16xi32>, vector<16xi32>], vector<16xf32>,
        %add3A_933 = arith.addf %add3A_928, %gather3A_932 : vector<16xf32>
        %add3A_934 = arith.constant 5 : i32
        %add3A_935 = vector.broadcast %add3A_934 : i32 to vector<16xi32>
        %add3A_936 = arith.addi %broadcast_in_dim3A_5, %add3A_935 : vector<16xi32>
        %gather3A_937 = tpu.vector_load_idx %arg17[%add3A_908, %add3A_936] : memref<128x16xf32, #tpu.memory_space<vmem>>[vector<16xi32>, vector<16xi32>], vector<16xf32>,
        %add3A_938 = arith.addf %add3A_933, %gather3A_937 : vector<16xf32>
        %add3A_939 = arith.constant 6 : i32
        %add3A_940 = vector.broadcast %add3A_939 : i32 to vector<16xi32>
        %add3A_941 = arith.addi %broadcast_in_dim3A_5, %add3A_940 : vector<16xi32>
        %gather3A_942 = tpu.vector_load_idx %arg17[%add3A_908, %add3A_941] : memref<128x16xf32, #tpu.memory_space<vmem>>[vector<16xi32>, vector<16xi32>], vector<16xf32>,
        %add3A_943 = arith.addf %add3A_938, %gather3A_942 : vector<16xf32>
        %add3A_944 = arith.constant 7 : i32
        %add3A_945 = vector.broadcast %add3A_944 : i32 to vector<16xi32>
        %add3A_946 = arith.addi %broadcast_in_dim3A_5, %add3A_945 : vector<16xi32>
        %gather3A_947 = tpu.vector_load_idx %arg17[%add3A_908, %add3A_946] : memref<128x16xf32, #tpu.memory_space<vmem>>[vector<16xi32>, vector<16xi32>], vector<16xf32>,
        %add3A_948 = arith.addf %add3A_943, %gather3A_947 : vector<16xf32>
        %add3A_949 = arith.constant 8 : i32
        %add3A_950 = vector.broadcast %add3A_949 : i32 to vector<16xi32>
        %add3A_951 = arith.addi %broadcast_in_dim3A_5, %add3A_950 : vector<16xi32>
        %gather3A_952 = tpu.vector_load_idx %arg17[%add3A_908, %add3A_951] : memref<128x16xf32, #tpu.memory_space<vmem>>[vector<16xi32>, vector<16xi32>], vector<16xf32>,
        %add3A_953 = arith.addf %add3A_948, %gather3A_952 : vector<16xf32>
        %add3A_954 = arith.constant 9 : i32
        %add3A_955 = vector.broadcast %add3A_954 : i32 to vector<16xi32>
        %add3A_956 = arith.addi %broadcast_in_dim3A_5, %add3A_955 : vector<16xi32>
        %gather3A_957 = tpu.vector_load_idx %arg17[%add3A_908, %add3A_956] : memref<128x16xf32, #tpu.memory_space<vmem>>[vector<16xi32>, vector<16xi32>], vector<16xf32>,
        %add3A_958 = arith.addf %add3A_953, %gather3A_957 : vector<16xf32>
        %add3A_959 = arith.constant 10 : i32
        %add3A_960 = vector.broadcast %add3A_959 : i32 to vector<16xi32>
        %add3A_961 = arith.addi %broadcast_in_dim3A_5, %add3A_960 : vector<16xi32>
        %gather3A_962 = tpu.vector_load_idx %arg17[%add3A_908, %add3A_961] : memref<128x16xf32, #tpu.memory_space<vmem>>[vector<16xi32>, vector<16xi32>], vector<16xf32>,
        %add3A_963 = arith.addf %add3A_958, %gather3A_962 : vector<16xf32>
        %add3A_964 = arith.constant 11 : i32
        %add3A_965 = vector.broadcast %add3A_964 : i32 to vector<16xi32>
        %add3A_966 = arith.addi %broadcast_in_dim3A_5, %add3A_965 : vector<16xi32>
        %gather3A_967 = tpu.vector_load_idx %arg17[%add3A_908, %add3A_966] : memref<128x16xf32, #tpu.memory_space<vmem>>[vector<16xi32>, vector<16xi32>], vector<16xf32>,
        %add3A_968 = arith.addf %add3A_963, %gather3A_967 : vector<16xf32>
        %add3A_969 = arith.constant 12 : i32
        %add3A_970 = vector.broadcast %add3A_969 : i32 to vector<16xi32>
        %add3A_971 = arith.addi %broadcast_in_dim3A_5, %add3A_970 : vector<16xi32>
        %gather3A_972 = tpu.vector_load_idx %arg17[%add3A_908, %add3A_971] : memref<128x16xf32, #tpu.memory_space<vmem>>[vector<16xi32>, vector<16xi32>], vector<16xf32>,
        %add3A_973 = arith.addf %add3A_968, %gather3A_972 : vector<16xf32>
        %add3A_974 = arith.constant 13 : i32
        %add3A_975 = vector.broadcast %add3A_974 : i32 to vector<16xi32>
        %add3A_976 = arith.addi %broadcast_in_dim3A_5, %add3A_975 : vector<16xi32>
        %gather3A_977 = tpu.vector_load_idx %arg17[%add3A_908, %add3A_976] : memref<128x16xf32, #tpu.memory_space<vmem>>[vector<16xi32>, vector<16xi32>], vector<16xf32>,
        %add3A_978 = arith.addf %add3A_973, %gather3A_977 : vector<16xf32>
        %add3A_979 = arith.constant 14 : i32
        %add3A_980 = vector.broadcast %add3A_979 : i32 to vector<16xi32>
        %add3A_981 = arith.addi %broadcast_in_dim3A_5, %add3A_980 : vector<16xi32>
        %gather3A_982 = tpu.vector_load_idx %arg17[%add3A_908, %add3A_981] : memref<128x16xf32, #tpu.memory_space<vmem>>[vector<16xi32>, vector<16xi32>], vector<16xf32>,
        %add3A_983 = arith.addf %add3A_978, %gather3A_982 : vector<16xf32>
        %add3A_984 = arith.constant 15 : i32
        %add3A_985 = vector.broadcast %add3A_984 : i32 to vector<16xi32>
        %add3A_986 = arith.addi %broadcast_in_dim3A_5, %add3A_985 : vector<16xi32>
        %gather3A_987 = tpu.vector_load_idx %arg17[%add3A_908, %add3A_986] : memref<128x16xf32, #tpu.memory_space<vmem>>[vector<16xi32>, vector<16xi32>], vector<16xf32>,
        %add3A_988 = arith.addf %add3A_983, %gather3A_987 : vector<16xf32>
        %mul3A_989 = arith.constant 1.562500e-02 : f32
        %mul3A_990 = vector.broadcast %mul3A_989 : f32 to vector<16xf32>
        %mul3A_991 = arith.mulf %add3A_988, %mul3A_990 : vector<16xf32>
        %mul3A_992 = arith.constant 0.00833333377 : f32
        %mul3A_993 = vector.broadcast %mul3A_992 : f32 to vector<16xf32>
        %mul3A_994 = arith.mulf %mul3A_991, %mul3A_993 : vector<16xf32>
        %add3A_995 = arith.constant 0.0416666679 : f32
        %add3A_996 = vector.broadcast %add3A_995 : f32 to vector<16xf32>
        %add3A_997 = arith.addf %add3A_996, %mul3A_994 : vector<16xf32>
        %mul3A_998 = arith.mulf %mul3A_991, %add3A_997 : vector<16xf32>
        %add3A_999 = arith.constant 0.166666672 : f32
        %add3A_1000 = vector.broadcast %add3A_999 : f32 to vector<16xf32>
        %add3A_1001 = arith.addf %add3A_1000, %mul3A_998 : vector<16xf32>
        %mul3A_1002 = arith.mulf %mul3A_991, %add3A_1001 : vector<16xf32>
        %add3A_1003 = arith.constant 5.000000e-01 : f32
        %add3A_1004 = vector.broadcast %add3A_1003 : f32 to vector<16xf32>
        %add3A_1005 = arith.addf %add3A_1004, %mul3A_1002 : vector<16xf32>
        %mul3A_1006 = arith.mulf %mul3A_991, %add3A_1005 : vector<16xf32>
        %add3A_1007 = arith.constant 1.000000e+00 : f32
        %add3A_1008 = vector.broadcast %add3A_1007 : f32 to vector<16xf32>
        %add3A_1009 = arith.addf %add3A_1008, %mul3A_1006 : vector<16xf32>
        %mul3A_1010 = arith.mulf %mul3A_991, %add3A_1009 : vector<16xf32>
        %add3A_1011 = arith.constant 1.000000e+00 : f32
        %add3A_1012 = vector.broadcast %add3A_1011 : f32 to vector<16xf32>
        %add3A_1013 = arith.addf %add3A_1012, %mul3A_1010 : vector<16xf32>
        %mul3A_1014 = arith.mulf %add3A_1013, %add3A_1013 : vector<16xf32>
        %mul3A_1015 = arith.mulf %mul3A_1014, %mul3A_1014 : vector<16xf32>
        %mul3A_1016 = arith.mulf %mul3A_1015, %mul3A_1015 : vector<16xf32>
        %mul3A_1017 = arith.mulf %mul3A_1016, %mul3A_1016 : vector<16xf32>
        %mul3A_1018 = arith.mulf %mul3A_1017, %mul3A_1017 : vector<16xf32>
        %mul3A_1019 = arith.mulf %mul3A_1018, %mul3A_1018 : vector<16xf32>
        %mul3A_1020 = arith.constant 128 : i32
        %mul3A_1021 = arith.muli %while3A_83, %mul3A_1020 : i32
        %add3A_1022 = vector.broadcast %mul3A_1021 : i32 to vector<16xi32>
        %add3A_1023 = arith.addi %add3A_1022, %add3A_908 : vector<16xi32>
        %lt3A_1024 = vector.broadcast %scan3A_54 : i32 to vector<16xi32>
        %lt3A_1025 = arith.cmpi slt, %add3A_1023, %lt3A_1024 : vector<16xi32>
        %jit3A_1026 = arith.constant 0.000000e+00 : f32
        %broadcast_in_dim3A_1027 = vector.broadcast %jit3A_1026 : f32 to vector<16xf32>
        %select_n3A_1028 = arith.select %lt3A_1025, %mul3A_1019, %broadcast_in_dim3A_1027 : vector<16xi1>, vector<16xf32>
        %swap3A_1029 = arith.constant 80 : index
        %swap3A_1030 = tpu.vector_load %arg18[%swap3A_1029] {strides = array<i32>} : memref<128xf32, #tpu.memory_space<vmem>>, vector<16xf32>,
        tpu.vector_store %arg18[%swap3A_1029], %select_n3A_1028 {strides = array<i32>} : memref<128xf32, #tpu.memory_space<vmem>>, vector<16xf32>,
        %add3A_1031 = arith.constant 96 : i32
        %add3A_1032 = vector.broadcast %add3A_1031 : i32 to vector<16xi32>
        %add3A_1033 = arith.addi %add3A_1032, %iota3A : vector<16xi32>
        %add3A_1034 = arith.constant 0 : i32
        %add3A_1035 = vector.broadcast %add3A_1034 : i32 to vector<16xi32>
        %add3A_1036 = arith.addi %broadcast_in_dim3A_5, %add3A_1035 : vector<16xi32>
        %gather3A_1037 = tpu.vector_load_idx %arg17[%add3A_1033, %add3A_1036] : memref<128x16xf32, #tpu.memory_space<vmem>>[vector<16xi32>, vector<16xi32>], vector<16xf32>,
        %add3A_1038 = arith.addf %broadcast_in_dim3A_3, %gather3A_1037 : vector<16xf32>
        %add3A_1039 = arith.constant 1 : i32
        %add3A_1040 = vector.broadcast %add3A_1039 : i32 to vector<16xi32>
        %add3A_1041 = arith.addi %broadcast_in_dim3A_5, %add3A_1040 : vector<16xi32>
        %gather3A_1042 = tpu.vector_load_idx %arg17[%add3A_1033, %add3A_1041] : memref<128x16xf32, #tpu.memory_space<vmem>>[vector<16xi32>, vector<16xi32>], vector<16xf32>,
        %add3A_1043 = arith.addf %add3A_1038, %gather3A_1042 : vector<16xf32>
        %add3A_1044 = arith.constant 2 : i32
        %add3A_1045 = vector.broadcast %add3A_1044 : i32 to vector<16xi32>
        %add3A_1046 = arith.addi %broadcast_in_dim3A_5, %add3A_1045 : vector<16xi32>
        %gather3A_1047 = tpu.vector_load_idx %arg17[%add3A_1033, %add3A_1046] : memref<128x16xf32, #tpu.memory_space<vmem>>[vector<16xi32>, vector<16xi32>], vector<16xf32>,
        %add3A_1048 = arith.addf %add3A_1043, %gather3A_1047 : vector<16xf32>
        %add3A_1049 = arith.constant 3 : i32
        %add3A_1050 = vector.broadcast %add3A_1049 : i32 to vector<16xi32>
        %add3A_1051 = arith.addi %broadcast_in_dim3A_5, %add3A_1050 : vector<16xi32>
        %gather3A_1052 = tpu.vector_load_idx %arg17[%add3A_1033, %add3A_1051] : memref<128x16xf32, #tpu.memory_space<vmem>>[vector<16xi32>, vector<16xi32>], vector<16xf32>,
        %add3A_1053 = arith.addf %add3A_1048, %gather3A_1052 : vector<16xf32>
        %add3A_1054 = arith.constant 4 : i32
        %add3A_1055 = vector.broadcast %add3A_1054 : i32 to vector<16xi32>
        %add3A_1056 = arith.addi %broadcast_in_dim3A_5, %add3A_1055 : vector<16xi32>
        %gather3A_1057 = tpu.vector_load_idx %arg17[%add3A_1033, %add3A_1056] : memref<128x16xf32, #tpu.memory_space<vmem>>[vector<16xi32>, vector<16xi32>], vector<16xf32>,
        %add3A_1058 = arith.addf %add3A_1053, %gather3A_1057 : vector<16xf32>
        %add3A_1059 = arith.constant 5 : i32
        %add3A_1060 = vector.broadcast %add3A_1059 : i32 to vector<16xi32>
        %add3A_1061 = arith.addi %broadcast_in_dim3A_5, %add3A_1060 : vector<16xi32>
        %gather3A_1062 = tpu.vector_load_idx %arg17[%add3A_1033, %add3A_1061] : memref<128x16xf32, #tpu.memory_space<vmem>>[vector<16xi32>, vector<16xi32>], vector<16xf32>,
        %add3A_1063 = arith.addf %add3A_1058, %gather3A_1062 : vector<16xf32>
        %add3A_1064 = arith.constant 6 : i32
        %add3A_1065 = vector.broadcast %add3A_1064 : i32 to vector<16xi32>
        %add3A_1066 = arith.addi %broadcast_in_dim3A_5, %add3A_1065 : vector<16xi32>
        %gather3A_1067 = tpu.vector_load_idx %arg17[%add3A_1033, %add3A_1066] : memref<128x16xf32, #tpu.memory_space<vmem>>[vector<16xi32>, vector<16xi32>], vector<16xf32>,
        %add3A_1068 = arith.addf %add3A_1063, %gather3A_1067 : vector<16xf32>
        %add3A_1069 = arith.constant 7 : i32
        %add3A_1070 = vector.broadcast %add3A_1069 : i32 to vector<16xi32>
        %add3A_1071 = arith.addi %broadcast_in_dim3A_5, %add3A_1070 : vector<16xi32>
        %gather3A_1072 = tpu.vector_load_idx %arg17[%add3A_1033, %add3A_1071] : memref<128x16xf32, #tpu.memory_space<vmem>>[vector<16xi32>, vector<16xi32>], vector<16xf32>,
        %add3A_1073 = arith.addf %add3A_1068, %gather3A_1072 : vector<16xf32>
        %add3A_1074 = arith.constant 8 : i32
        %add3A_1075 = vector.broadcast %add3A_1074 : i32 to vector<16xi32>
        %add3A_1076 = arith.addi %broadcast_in_dim3A_5, %add3A_1075 : vector<16xi32>
        %gather3A_1077 = tpu.vector_load_idx %arg17[%add3A_1033, %add3A_1076] : memref<128x16xf32, #tpu.memory_space<vmem>>[vector<16xi32>, vector<16xi32>], vector<16xf32>,
        %add3A_1078 = arith.addf %add3A_1073, %gather3A_1077 : vector<16xf32>
        %add3A_1079 = arith.constant 9 : i32
        %add3A_1080 = vector.broadcast %add3A_1079 : i32 to vector<16xi32>
        %add3A_1081 = arith.addi %broadcast_in_dim3A_5, %add3A_1080 : vector<16xi32>
        %gather3A_1082 = tpu.vector_load_idx %arg17[%add3A_1033, %add3A_1081] : memref<128x16xf32, #tpu.memory_space<vmem>>[vector<16xi32>, vector<16xi32>], vector<16xf32>,
        %add3A_1083 = arith.addf %add3A_1078, %gather3A_1082 : vector<16xf32>
        %add3A_1084 = arith.constant 10 : i32
        %add3A_1085 = vector.broadcast %add3A_1084 : i32 to vector<16xi32>
        %add3A_1086 = arith.addi %broadcast_in_dim3A_5, %add3A_1085 : vector<16xi32>
        %gather3A_1087 = tpu.vector_load_idx %arg17[%add3A_1033, %add3A_1086] : memref<128x16xf32, #tpu.memory_space<vmem>>[vector<16xi32>, vector<16xi32>], vector<16xf32>,
        %add3A_1088 = arith.addf %add3A_1083, %gather3A_1087 : vector<16xf32>
        %add3A_1089 = arith.constant 11 : i32
        %add3A_1090 = vector.broadcast %add3A_1089 : i32 to vector<16xi32>
        %add3A_1091 = arith.addi %broadcast_in_dim3A_5, %add3A_1090 : vector<16xi32>
        %gather3A_1092 = tpu.vector_load_idx %arg17[%add3A_1033, %add3A_1091] : memref<128x16xf32, #tpu.memory_space<vmem>>[vector<16xi32>, vector<16xi32>], vector<16xf32>,
        %add3A_1093 = arith.addf %add3A_1088, %gather3A_1092 : vector<16xf32>
        %add3A_1094 = arith.constant 12 : i32
        %add3A_1095 = vector.broadcast %add3A_1094 : i32 to vector<16xi32>
        %add3A_1096 = arith.addi %broadcast_in_dim3A_5, %add3A_1095 : vector<16xi32>
        %gather3A_1097 = tpu.vector_load_idx %arg17[%add3A_1033, %add3A_1096] : memref<128x16xf32, #tpu.memory_space<vmem>>[vector<16xi32>, vector<16xi32>], vector<16xf32>,
        %add3A_1098 = arith.addf %add3A_1093, %gather3A_1097 : vector<16xf32>
        %add3A_1099 = arith.constant 13 : i32
        %add3A_1100 = vector.broadcast %add3A_1099 : i32 to vector<16xi32>
        %add3A_1101 = arith.addi %broadcast_in_dim3A_5, %add3A_1100 : vector<16xi32>
        %gather3A_1102 = tpu.vector_load_idx %arg17[%add3A_1033, %add3A_1101] : memref<128x16xf32, #tpu.memory_space<vmem>>[vector<16xi32>, vector<16xi32>], vector<16xf32>,
        %add3A_1103 = arith.addf %add3A_1098, %gather3A_1102 : vector<16xf32>
        %add3A_1104 = arith.constant 14 : i32
        %add3A_1105 = vector.broadcast %add3A_1104 : i32 to vector<16xi32>
        %add3A_1106 = arith.addi %broadcast_in_dim3A_5, %add3A_1105 : vector<16xi32>
        %gather3A_1107 = tpu.vector_load_idx %arg17[%add3A_1033, %add3A_1106] : memref<128x16xf32, #tpu.memory_space<vmem>>[vector<16xi32>, vector<16xi32>], vector<16xf32>,
        %add3A_1108 = arith.addf %add3A_1103, %gather3A_1107 : vector<16xf32>
        %add3A_1109 = arith.constant 15 : i32
        %add3A_1110 = vector.broadcast %add3A_1109 : i32 to vector<16xi32>
        %add3A_1111 = arith.addi %broadcast_in_dim3A_5, %add3A_1110 : vector<16xi32>
        %gather3A_1112 = tpu.vector_load_idx %arg17[%add3A_1033, %add3A_1111] : memref<128x16xf32, #tpu.memory_space<vmem>>[vector<16xi32>, vector<16xi32>], vector<16xf32>,
        %add3A_1113 = arith.addf %add3A_1108, %gather3A_1112 : vector<16xf32>
        %mul3A_1114 = arith.constant 1.562500e-02 : f32
        %mul3A_1115 = vector.broadcast %mul3A_1114 : f32 to vector<16xf32>
        %mul3A_1116 = arith.mulf %add3A_1113, %mul3A_1115 : vector<16xf32>
        %mul3A_1117 = arith.constant 0.00833333377 : f32
        %mul3A_1118 = vector.broadcast %mul3A_1117 : f32 to vector<16xf32>
        %mul3A_1119 = arith.mulf %mul3A_1116, %mul3A_1118 : vector<16xf32>
        %add3A_1120 = arith.constant 0.0416666679 : f32
        %add3A_1121 = vector.broadcast %add3A_1120 : f32 to vector<16xf32>
        %add3A_1122 = arith.addf %add3A_1121, %mul3A_1119 : vector<16xf32>
        %mul3A_1123 = arith.mulf %mul3A_1116, %add3A_1122 : vector<16xf32>
        %add3A_1124 = arith.constant 0.166666672 : f32
        %add3A_1125 = vector.broadcast %add3A_1124 : f32 to vector<16xf32>
        %add3A_1126 = arith.addf %add3A_1125, %mul3A_1123 : vector<16xf32>
        %mul3A_1127 = arith.mulf %mul3A_1116, %add3A_1126 : vector<16xf32>
        %add3A_1128 = arith.constant 5.000000e-01 : f32
        %add3A_1129 = vector.broadcast %add3A_1128 : f32 to vector<16xf32>
        %add3A_1130 = arith.addf %add3A_1129, %mul3A_1127 : vector<16xf32>
        %mul3A_1131 = arith.mulf %mul3A_1116, %add3A_1130 : vector<16xf32>
        %add3A_1132 = arith.constant 1.000000e+00 : f32
        %add3A_1133 = vector.broadcast %add3A_1132 : f32 to vector<16xf32>
        %add3A_1134 = arith.addf %add3A_1133, %mul3A_1131 : vector<16xf32>
        %mul3A_1135 = arith.mulf %mul3A_1116, %add3A_1134 : vector<16xf32>
        %add3A_1136 = arith.constant 1.000000e+00 : f32
        %add3A_1137 = vector.broadcast %add3A_1136 : f32 to vector<16xf32>
        %add3A_1138 = arith.addf %add3A_1137, %mul3A_1135 : vector<16xf32>
        %mul3A_1139 = arith.mulf %add3A_1138, %add3A_1138 : vector<16xf32>
        %mul3A_1140 = arith.mulf %mul3A_1139, %mul3A_1139 : vector<16xf32>
        %mul3A_1141 = arith.mulf %mul3A_1140, %mul3A_1140 : vector<16xf32>
        %mul3A_1142 = arith.mulf %mul3A_1141, %mul3A_1141 : vector<16xf32>
        %mul3A_1143 = arith.mulf %mul3A_1142, %mul3A_1142 : vector<16xf32>
        %mul3A_1144 = arith.mulf %mul3A_1143, %mul3A_1143 : vector<16xf32>
        %mul3A_1145 = arith.constant 128 : i32
        %mul3A_1146 = arith.muli %while3A_83, %mul3A_1145 : i32
        %add3A_1147 = vector.broadcast %mul3A_1146 : i32 to vector<16xi32>
        %add3A_1148 = arith.addi %add3A_1147, %add3A_1033 : vector<16xi32>
        %lt3A_1149 = vector.broadcast %scan3A_54 : i32 to vector<16xi32>
        %lt3A_1150 = arith.cmpi slt, %add3A_1148, %lt3A_1149 : vector<16xi32>
        %jit3A_1151 = arith.constant 0.000000e+00 : f32
        %broadcast_in_dim3A_1152 = vector.broadcast %jit3A_1151 : f32 to vector<16xf32>
        %select_n3A_1153 = arith.select %lt3A_1150, %mul3A_1144, %broadcast_in_dim3A_1152 : vector<16xi1>, vector<16xf32>
        %swap3A_1154 = arith.constant 96 : index
        %swap3A_1155 = tpu.vector_load %arg18[%swap3A_1154] {strides = array<i32>} : memref<128xf32, #tpu.memory_space<vmem>>, vector<16xf32>,
        tpu.vector_store %arg18[%swap3A_1154], %select_n3A_1153 {strides = array<i32>} : memref<128xf32, #tpu.memory_space<vmem>>, vector<16xf32>,
        %add3A_1156 = arith.constant 112 : i32
        %add3A_1157 = vector.broadcast %add3A_1156 : i32 to vector<16xi32>
        %add3A_1158 = arith.addi %add3A_1157, %iota3A : vector<16xi32>
        %add3A_1159 = arith.constant 0 : i32
        %add3A_1160 = vector.broadcast %add3A_1159 : i32 to vector<16xi32>
        %add3A_1161 = arith.addi %broadcast_in_dim3A_5, %add3A_1160 : vector<16xi32>
        %gather3A_1162 = tpu.vector_load_idx %arg17[%add3A_1158, %add3A_1161] : memref<128x16xf32, #tpu.memory_space<vmem>>[vector<16xi32>, vector<16xi32>], vector<16xf32>,
        %add3A_1163 = arith.addf %broadcast_in_dim3A_3, %gather3A_1162 : vector<16xf32>
        %add3A_1164 = arith.constant 1 : i32
        %add3A_1165 = vector.broadcast %add3A_1164 : i32 to vector<16xi32>
        %add3A_1166 = arith.addi %broadcast_in_dim3A_5, %add3A_1165 : vector<16xi32>
        %gather3A_1167 = tpu.vector_load_idx %arg17[%add3A_1158, %add3A_1166] : memref<128x16xf32, #tpu.memory_space<vmem>>[vector<16xi32>, vector<16xi32>], vector<16xf32>,
        %add3A_1168 = arith.addf %add3A_1163, %gather3A_1167 : vector<16xf32>
        %add3A_1169 = arith.constant 2 : i32
        %add3A_1170 = vector.broadcast %add3A_1169 : i32 to vector<16xi32>
        %add3A_1171 = arith.addi %broadcast_in_dim3A_5, %add3A_1170 : vector<16xi32>
        %gather3A_1172 = tpu.vector_load_idx %arg17[%add3A_1158, %add3A_1171] : memref<128x16xf32, #tpu.memory_space<vmem>>[vector<16xi32>, vector<16xi32>], vector<16xf32>,
        %add3A_1173 = arith.addf %add3A_1168, %gather3A_1172 : vector<16xf32>
        %add3A_1174 = arith.constant 3 : i32
        %add3A_1175 = vector.broadcast %add3A_1174 : i32 to vector<16xi32>
        %add3A_1176 = arith.addi %broadcast_in_dim3A_5, %add3A_1175 : vector<16xi32>
        %gather3A_1177 = tpu.vector_load_idx %arg17[%add3A_1158, %add3A_1176] : memref<128x16xf32, #tpu.memory_space<vmem>>[vector<16xi32>, vector<16xi32>], vector<16xf32>,
        %add3A_1178 = arith.addf %add3A_1173, %gather3A_1177 : vector<16xf32>
        %add3A_1179 = arith.constant 4 : i32
        %add3A_1180 = vector.broadcast %add3A_1179 : i32 to vector<16xi32>
        %add3A_1181 = arith.addi %broadcast_in_dim3A_5, %add3A_1180 : vector<16xi32>
        %gather3A_1182 = tpu.vector_load_idx %arg17[%add3A_1158, %add3A_1181] : memref<128x16xf32, #tpu.memory_space<vmem>>[vector<16xi32>, vector<16xi32>], vector<16xf32>,
        %add3A_1183 = arith.addf %add3A_1178, %gather3A_1182 : vector<16xf32>
        %add3A_1184 = arith.constant 5 : i32
        %add3A_1185 = vector.broadcast %add3A_1184 : i32 to vector<16xi32>
        %add3A_1186 = arith.addi %broadcast_in_dim3A_5, %add3A_1185 : vector<16xi32>
        %gather3A_1187 = tpu.vector_load_idx %arg17[%add3A_1158, %add3A_1186] : memref<128x16xf32, #tpu.memory_space<vmem>>[vector<16xi32>, vector<16xi32>], vector<16xf32>,
        %add3A_1188 = arith.addf %add3A_1183, %gather3A_1187 : vector<16xf32>
        %add3A_1189 = arith.constant 6 : i32
        %add3A_1190 = vector.broadcast %add3A_1189 : i32 to vector<16xi32>
        %add3A_1191 = arith.addi %broadcast_in_dim3A_5, %add3A_1190 : vector<16xi32>
        %gather3A_1192 = tpu.vector_load_idx %arg17[%add3A_1158, %add3A_1191] : memref<128x16xf32, #tpu.memory_space<vmem>>[vector<16xi32>, vector<16xi32>], vector<16xf32>,
        %add3A_1193 = arith.addf %add3A_1188, %gather3A_1192 : vector<16xf32>
        %add3A_1194 = arith.constant 7 : i32
        %add3A_1195 = vector.broadcast %add3A_1194 : i32 to vector<16xi32>
        %add3A_1196 = arith.addi %broadcast_in_dim3A_5, %add3A_1195 : vector<16xi32>
        %gather3A_1197 = tpu.vector_load_idx %arg17[%add3A_1158, %add3A_1196] : memref<128x16xf32, #tpu.memory_space<vmem>>[vector<16xi32>, vector<16xi32>], vector<16xf32>,
        %add3A_1198 = arith.addf %add3A_1193, %gather3A_1197 : vector<16xf32>
        %add3A_1199 = arith.constant 8 : i32
        %add3A_1200 = vector.broadcast %add3A_1199 : i32 to vector<16xi32>
        %add3A_1201 = arith.addi %broadcast_in_dim3A_5, %add3A_1200 : vector<16xi32>
        %gather3A_1202 = tpu.vector_load_idx %arg17[%add3A_1158, %add3A_1201] : memref<128x16xf32, #tpu.memory_space<vmem>>[vector<16xi32>, vector<16xi32>], vector<16xf32>,
        %add3A_1203 = arith.addf %add3A_1198, %gather3A_1202 : vector<16xf32>
        %add3A_1204 = arith.constant 9 : i32
        %add3A_1205 = vector.broadcast %add3A_1204 : i32 to vector<16xi32>
        %add3A_1206 = arith.addi %broadcast_in_dim3A_5, %add3A_1205 : vector<16xi32>
        %gather3A_1207 = tpu.vector_load_idx %arg17[%add3A_1158, %add3A_1206] : memref<128x16xf32, #tpu.memory_space<vmem>>[vector<16xi32>, vector<16xi32>], vector<16xf32>,
        %add3A_1208 = arith.addf %add3A_1203, %gather3A_1207 : vector<16xf32>
        %add3A_1209 = arith.constant 10 : i32
        %add3A_1210 = vector.broadcast %add3A_1209 : i32 to vector<16xi32>
        %add3A_1211 = arith.addi %broadcast_in_dim3A_5, %add3A_1210 : vector<16xi32>
        %gather3A_1212 = tpu.vector_load_idx %arg17[%add3A_1158, %add3A_1211] : memref<128x16xf32, #tpu.memory_space<vmem>>[vector<16xi32>, vector<16xi32>], vector<16xf32>,
        %add3A_1213 = arith.addf %add3A_1208, %gather3A_1212 : vector<16xf32>
        %add3A_1214 = arith.constant 11 : i32
        %add3A_1215 = vector.broadcast %add3A_1214 : i32 to vector<16xi32>
        %add3A_1216 = arith.addi %broadcast_in_dim3A_5, %add3A_1215 : vector<16xi32>
        %gather3A_1217 = tpu.vector_load_idx %arg17[%add3A_1158, %add3A_1216] : memref<128x16xf32, #tpu.memory_space<vmem>>[vector<16xi32>, vector<16xi32>], vector<16xf32>,
        %add3A_1218 = arith.addf %add3A_1213, %gather3A_1217 : vector<16xf32>
        %add3A_1219 = arith.constant 12 : i32
        %add3A_1220 = vector.broadcast %add3A_1219 : i32 to vector<16xi32>
        %add3A_1221 = arith.addi %broadcast_in_dim3A_5, %add3A_1220 : vector<16xi32>
        %gather3A_1222 = tpu.vector_load_idx %arg17[%add3A_1158, %add3A_1221] : memref<128x16xf32, #tpu.memory_space<vmem>>[vector<16xi32>, vector<16xi32>], vector<16xf32>,
        %add3A_1223 = arith.addf %add3A_1218, %gather3A_1222 : vector<16xf32>
        %add3A_1224 = arith.constant 13 : i32
        %add3A_1225 = vector.broadcast %add3A_1224 : i32 to vector<16xi32>
        %add3A_1226 = arith.addi %broadcast_in_dim3A_5, %add3A_1225 : vector<16xi32>
        %gather3A_1227 = tpu.vector_load_idx %arg17[%add3A_1158, %add3A_1226] : memref<128x16xf32, #tpu.memory_space<vmem>>[vector<16xi32>, vector<16xi32>], vector<16xf32>,
        %add3A_1228 = arith.addf %add3A_1223, %gather3A_1227 : vector<16xf32>
        %add3A_1229 = arith.constant 14 : i32
        %add3A_1230 = vector.broadcast %add3A_1229 : i32 to vector<16xi32>
        %add3A_1231 = arith.addi %broadcast_in_dim3A_5, %add3A_1230 : vector<16xi32>
        %gather3A_1232 = tpu.vector_load_idx %arg17[%add3A_1158, %add3A_1231] : memref<128x16xf32, #tpu.memory_space<vmem>>[vector<16xi32>, vector<16xi32>], vector<16xf32>,
        %add3A_1233 = arith.addf %add3A_1228, %gather3A_1232 : vector<16xf32>
        %add3A_1234 = arith.constant 15 : i32
        %add3A_1235 = vector.broadcast %add3A_1234 : i32 to vector<16xi32>
        %add3A_1236 = arith.addi %broadcast_in_dim3A_5, %add3A_1235 : vector<16xi32>
        %gather3A_1237 = tpu.vector_load_idx %arg17[%add3A_1158, %add3A_1236] : memref<128x16xf32, #tpu.memory_space<vmem>>[vector<16xi32>, vector<16xi32>], vector<16xf32>,
        %add3A_1238 = arith.addf %add3A_1233, %gather3A_1237 : vector<16xf32>
        %mul3A_1239 = arith.constant 1.562500e-02 : f32
        %mul3A_1240 = vector.broadcast %mul3A_1239 : f32 to vector<16xf32>
        %mul3A_1241 = arith.mulf %add3A_1238, %mul3A_1240 : vector<16xf32>
        %mul3A_1242 = arith.constant 0.00833333377 : f32
        %mul3A_1243 = vector.broadcast %mul3A_1242 : f32 to vector<16xf32>
        %mul3A_1244 = arith.mulf %mul3A_1241, %mul3A_1243 : vector<16xf32>
        %add3A_1245 = arith.constant 0.0416666679 : f32
        %add3A_1246 = vector.broadcast %add3A_1245 : f32 to vector<16xf32>
        %add3A_1247 = arith.addf %add3A_1246, %mul3A_1244 : vector<16xf32>
        %mul3A_1248 = arith.mulf %mul3A_1241, %add3A_1247 : vector<16xf32>
        %add3A_1249 = arith.constant 0.166666672 : f32
        %add3A_1250 = vector.broadcast %add3A_1249 : f32 to vector<16xf32>
        %add3A_1251 = arith.addf %add3A_1250, %mul3A_1248 : vector<16xf32>
        %mul3A_1252 = arith.mulf %mul3A_1241, %add3A_1251 : vector<16xf32>
        %add3A_1253 = arith.constant 5.000000e-01 : f32
        %add3A_1254 = vector.broadcast %add3A_1253 : f32 to vector<16xf32>
        %add3A_1255 = arith.addf %add3A_1254, %mul3A_1252 : vector<16xf32>
        %mul3A_1256 = arith.mulf %mul3A_1241, %add3A_1255 : vector<16xf32>
        %add3A_1257 = arith.constant 1.000000e+00 : f32
        %add3A_1258 = vector.broadcast %add3A_1257 : f32 to vector<16xf32>
        %add3A_1259 = arith.addf %add3A_1258, %mul3A_1256 : vector<16xf32>
        %mul3A_1260 = arith.mulf %mul3A_1241, %add3A_1259 : vector<16xf32>
        %add3A_1261 = arith.constant 1.000000e+00 : f32
        %add3A_1262 = vector.broadcast %add3A_1261 : f32 to vector<16xf32>
        %add3A_1263 = arith.addf %add3A_1262, %mul3A_1260 : vector<16xf32>
        %mul3A_1264 = arith.mulf %add3A_1263, %add3A_1263 : vector<16xf32>
        %mul3A_1265 = arith.mulf %mul3A_1264, %mul3A_1264 : vector<16xf32>
        %mul3A_1266 = arith.mulf %mul3A_1265, %mul3A_1265 : vector<16xf32>
        %mul3A_1267 = arith.mulf %mul3A_1266, %mul3A_1266 : vector<16xf32>
        %mul3A_1268 = arith.mulf %mul3A_1267, %mul3A_1267 : vector<16xf32>
        %mul3A_1269 = arith.mulf %mul3A_1268, %mul3A_1268 : vector<16xf32>
        %mul3A_1270 = arith.constant 128 : i32
        %mul3A_1271 = arith.muli %while3A_83, %mul3A_1270 : i32
        %add3A_1272 = vector.broadcast %mul3A_1271 : i32 to vector<16xi32>
        %add3A_1273 = arith.addi %add3A_1272, %add3A_1158 : vector<16xi32>
        %lt3A_1274 = vector.broadcast %scan3A_54 : i32 to vector<16xi32>
        %lt3A_1275 = arith.cmpi slt, %add3A_1273, %lt3A_1274 : vector<16xi32>
        %jit3A_1276 = arith.constant 0.000000e+00 : f32
        %broadcast_in_dim3A_1277 = vector.broadcast %jit3A_1276 : f32 to vector<16xf32>
        %select_n3A_1278 = arith.select %lt3A_1275, %mul3A_1269, %broadcast_in_dim3A_1277 : vector<16xi1>, vector<16xf32>
        %swap3A_1279 = arith.constant 112 : index
        %swap3A_1280 = tpu.vector_load %arg18[%swap3A_1279] {strides = array<i32>} : memref<128xf32, #tpu.memory_space<vmem>>, vector<16xf32>,
        tpu.vector_store %arg18[%swap3A_1279], %select_n3A_1278 {strides = array<i32>} : memref<128xf32, #tpu.memory_space<vmem>>, vector<16xf32>,
        %scan3A_1281 = arith.constant 0 : i32
        %scan3A_1282 = arith.constant 0 : i32
        %scan3A_1283 = arith.constant 128 : i32
        %scan3A_1284 = arith.addi %scan3A_1282, %scan3A_1283 : i32
        %scan3A_1285 = arith.constant 1 : i32
        scf.for %scan3A_1287 = %scan3A_1282 to %scan3A_1284 step %scan3A_1285  : i32 {
          %add3A_1288 = vector.broadcast %scan3A_1287 : i32 to vector<16xi32>
          %add3A_1289 = arith.addi %broadcast_in_dim3A_5, %add3A_1288 : vector<16xi32>
          %gather3A_1290 = tpu.vector_load_idx %arg18[%add3A_1289] : memref<128xf32, #tpu.memory_space<vmem>>[vector<16xi32>], vector<16xf32>,
          %add3A_1291 = vector.broadcast %scan3A_1287 : i32 to vector<16xi32>
          %add3A_1292 = arith.addi %broadcast_in_dim3A_5, %add3A_1291 : vector<16xi32>
          %gather3A_1293 = tpu.vector_load_idx %arg14[%add3A_1292] : memref<128xi32, #tpu.memory_space<vmem>>[vector<16xi32>], vector<16xi32>,
          %eq3A = arith.constant 0 : i32
          %eq3A_1294 = vector.broadcast %eq3A : i32 to vector<16xi32>
          %eq3A_1295 = arith.cmpi eq, %iota3A, %eq3A_1294 : vector<16xi32>
          tpu.vector_store_idx %arg21[%gather3A_1293], %gather3A_1290 masked %eq3A_1295 {add = true} : memref<320xf32, #tpu.memory_space<vmem>>[vector<16xi32>], vector<16xf32>, vector<16xi1>
          %mul3A_1296 = arith.constant 128 : i32
          %mul3A_1297 = vector.broadcast %mul3A_1296 : i32 to vector<16xi32>
          %mul3A_1298 = arith.muli %gather3A_1293, %mul3A_1297 : vector<16xi32>
          %get3A_1299 = arith.index_cast %scan3A_1287 : i32 to index
          %get3A_1300 = arith.constant 0 : index
          %get3A_1301 = tpu.vector_load %arg15[%get3A_1299, %get3A_1300] {strides = array<i32>} : memref<128x128xf32, #tpu.memory_space<vmem>>, vector<16xf32>,
          %mul3A_1302 = arith.mulf %gather3A_1290, %get3A_1301 : vector<16xf32>
          %add3A_1303 = arith.constant 0 : i32
          %add3A_1304 = vector.broadcast %add3A_1303 : i32 to vector<16xi32>
          %add3A_1305 = arith.addi %mul3A_1298, %add3A_1304 : vector<16xi32>
          %add3A_1306 = arith.addi %add3A_1305, %iota3A : vector<16xi32>
          tpu.vector_store_idx %arg20[%add3A_1306], %mul3A_1302 {add = true} : memref<40960xf32, #tpu.memory_space<vmem>>[vector<16xi32>], vector<16xf32>,
          %get3A_1307 = arith.index_cast %scan3A_1287 : i32 to index
          %get3A_1308 = arith.constant 16 : index
          %get3A_1309 = tpu.vector_load %arg15[%get3A_1307, %get3A_1308] {strides = array<i32>} : memref<128x128xf32, #tpu.memory_space<vmem>>, vector<16xf32>,
          %mul3A_1310 = arith.mulf %gather3A_1290, %get3A_1309 : vector<16xf32>
          %add3A_1311 = arith.constant 16 : i32
          %add3A_1312 = vector.broadcast %add3A_1311 : i32 to vector<16xi32>
          %add3A_1313 = arith.addi %mul3A_1298, %add3A_1312 : vector<16xi32>
          %add3A_1314 = arith.addi %add3A_1313, %iota3A : vector<16xi32>
          tpu.vector_store_idx %arg20[%add3A_1314], %mul3A_1310 {add = true} : memref<40960xf32, #tpu.memory_space<vmem>>[vector<16xi32>], vector<16xf32>,
          %get3A_1315 = arith.index_cast %scan3A_1287 : i32 to index
          %get3A_1316 = arith.constant 32 : index
          %get3A_1317 = tpu.vector_load %arg15[%get3A_1315, %get3A_1316] {strides = array<i32>} : memref<128x128xf32, #tpu.memory_space<vmem>>, vector<16xf32>,
          %mul3A_1318 = arith.mulf %gather3A_1290, %get3A_1317 : vector<16xf32>
          %add3A_1319 = arith.constant 32 : i32
          %add3A_1320 = vector.broadcast %add3A_1319 : i32 to vector<16xi32>
          %add3A_1321 = arith.addi %mul3A_1298, %add3A_1320 : vector<16xi32>
          %add3A_1322 = arith.addi %add3A_1321, %iota3A : vector<16xi32>
          tpu.vector_store_idx %arg20[%add3A_1322], %mul3A_1318 {add = true} : memref<40960xf32, #tpu.memory_space<vmem>>[vector<16xi32>], vector<16xf32>,
          %get3A_1323 = arith.index_cast %scan3A_1287 : i32 to index
          %get3A_1324 = arith.constant 48 : index
          %get3A_1325 = tpu.vector_load %arg15[%get3A_1323, %get3A_1324] {strides = array<i32>} : memref<128x128xf32, #tpu.memory_space<vmem>>, vector<16xf32>,
          %mul3A_1326 = arith.mulf %gather3A_1290, %get3A_1325 : vector<16xf32>
          %add3A_1327 = arith.constant 48 : i32
          %add3A_1328 = vector.broadcast %add3A_1327 : i32 to vector<16xi32>
          %add3A_1329 = arith.addi %mul3A_1298, %add3A_1328 : vector<16xi32>
          %add3A_1330 = arith.addi %add3A_1329, %iota3A : vector<16xi32>
          tpu.vector_store_idx %arg20[%add3A_1330], %mul3A_1326 {add = true} : memref<40960xf32, #tpu.memory_space<vmem>>[vector<16xi32>], vector<16xf32>,
          %get3A_1331 = arith.index_cast %scan3A_1287 : i32 to index
          %get3A_1332 = arith.constant 64 : index
          %get3A_1333 = tpu.vector_load %arg15[%get3A_1331, %get3A_1332] {strides = array<i32>} : memref<128x128xf32, #tpu.memory_space<vmem>>, vector<16xf32>,
          %mul3A_1334 = arith.mulf %gather3A_1290, %get3A_1333 : vector<16xf32>
          %add3A_1335 = arith.constant 64 : i32
          %add3A_1336 = vector.broadcast %add3A_1335 : i32 to vector<16xi32>
          %add3A_1337 = arith.addi %mul3A_1298, %add3A_1336 : vector<16xi32>
          %add3A_1338 = arith.addi %add3A_1337, %iota3A : vector<16xi32>
          tpu.vector_store_idx %arg20[%add3A_1338], %mul3A_1334 {add = true} : memref<40960xf32, #tpu.memory_space<vmem>>[vector<16xi32>], vector<16xf32>,
          %get3A_1339 = arith.index_cast %scan3A_1287 : i32 to index
          %get3A_1340 = arith.constant 80 : index
          %get3A_1341 = tpu.vector_load %arg15[%get3A_1339, %get3A_1340] {strides = array<i32>} : memref<128x128xf32, #tpu.memory_space<vmem>>, vector<16xf32>,
          %mul3A_1342 = arith.mulf %gather3A_1290, %get3A_1341 : vector<16xf32>
          %add3A_1343 = arith.constant 80 : i32
          %add3A_1344 = vector.broadcast %add3A_1343 : i32 to vector<16xi32>
          %add3A_1345 = arith.addi %mul3A_1298, %add3A_1344 : vector<16xi32>
          %add3A_1346 = arith.addi %add3A_1345, %iota3A : vector<16xi32>
          tpu.vector_store_idx %arg20[%add3A_1346], %mul3A_1342 {add = true} : memref<40960xf32, #tpu.memory_space<vmem>>[vector<16xi32>], vector<16xf32>,
          %get3A_1347 = arith.index_cast %scan3A_1287 : i32 to index
          %get3A_1348 = arith.constant 96 : index
          %get3A_1349 = tpu.vector_load %arg15[%get3A_1347, %get3A_1348] {strides = array<i32>} : memref<128x128xf32, #tpu.memory_space<vmem>>, vector<16xf32>,
          %mul3A_1350 = arith.mulf %gather3A_1290, %get3A_1349 : vector<16xf32>
          %add3A_1351 = arith.constant 96 : i32
          %add3A_1352 = vector.broadcast %add3A_1351 : i32 to vector<16xi32>
          %add3A_1353 = arith.addi %mul3A_1298, %add3A_1352 : vector<16xi32>
          %add3A_1354 = arith.addi %add3A_1353, %iota3A : vector<16xi32>
          tpu.vector_store_idx %arg20[%add3A_1354], %mul3A_1350 {add = true} : memref<40960xf32, #tpu.memory_space<vmem>>[vector<16xi32>], vector<16xf32>,
          %get3A_1355 = arith.index_cast %scan3A_1287 : i32 to index
          %get3A_1356 = arith.constant 112 : index
          %get3A_1357 = tpu.vector_load %arg15[%get3A_1355, %get3A_1356] {strides = array<i32>} : memref<128x128xf32, #tpu.memory_space<vmem>>, vector<16xf32>,
          %mul3A_1358 = arith.mulf %gather3A_1290, %get3A_1357 : vector<16xf32>
          %add3A_1359 = arith.constant 112 : i32
          %add3A_1360 = vector.broadcast %add3A_1359 : i32 to vector<16xi32>
          %add3A_1361 = arith.addi %mul3A_1298, %add3A_1360 : vector<16xi32>
          %add3A_1362 = arith.addi %add3A_1361, %iota3A : vector<16xi32>
          tpu.vector_store_idx %arg20[%add3A_1362], %mul3A_1358 {add = true} : memref<40960xf32, #tpu.memory_space<vmem>>[vector<16xi32>], vector<16xf32>,
        }
        %scan3A_1286 = arith.constant 128 : i32
      }
    }
    %scan3A_43 = arith.constant 100 : i32
    %mul3A_44 = arith.constant 128 : i32
    %mul3A_45 = arith.muli %mul3A_2, %mul3A_44 : i32
    "tpu.region"() ({
      %run_scoped3A = tpu.sem_alloc : memref<!tpu.dma_semaphore, #tpu.memory_space<semaphore_mem>>
      %dma_start3A = tpu.memref_slice %arg7[%mul3A_45] : memref<1310720xf32, #tpu.memory_space<hbm>> -> memref<40960xf32, #tpu.memory_space<hbm>>
      %dma_start3A_46 = tpu.memref_slice %arg7[%mul3A_45] : memref<1310720xf32, #tpu.memory_space<hbm>> -> memref<40960xf32, #tpu.memory_space<hbm>>
      tpu.enqueue_dma source(%arg20 : memref<40960xf32, #tpu.memory_space<vmem>>) target(%dma_start3A_46 : memref<40960xf32, #tpu.memory_space<hbm>>) target_semaphore(%run_scoped3A : memref<!tpu.dma_semaphore, #tpu.memory_space<semaphore_mem>>)
      %dma_wait3A = tpu.memref_slice %arg7[%mul3A_45] : memref<1310720xf32, #tpu.memory_space<hbm>> -> memref<40960xf32, #tpu.memory_space<hbm>>
      %dma_wait3A_47 = tpu.memref_slice %arg7[%mul3A_45] : memref<1310720xf32, #tpu.memory_space<hbm>> -> memref<40960xf32, #tpu.memory_space<hbm>>
      tpu.wait_dma2 semaphore(%run_scoped3A : memref<!tpu.dma_semaphore, #tpu.memory_space<semaphore_mem>>) src(%arg20 : memref<40960xf32, #tpu.memory_space<vmem>>) dst(%dma_wait3A_47 : memref<40960xf32, #tpu.memory_space<hbm>>)
      tpu.yield
    }) : () -> ()
    "tpu.region"() ({
      %run_scoped3A = tpu.sem_alloc : memref<!tpu.dma_semaphore, #tpu.memory_space<semaphore_mem>>
      %dma_start3A = tpu.memref_slice %arg8[%mul3A_2] : memref<10240xf32, #tpu.memory_space<hbm>> -> memref<320xf32, #tpu.memory_space<hbm>>
      %dma_start3A_46 = tpu.memref_slice %arg8[%mul3A_2] : memref<10240xf32, #tpu.memory_space<hbm>> -> memref<320xf32, #tpu.memory_space<hbm>>
      tpu.enqueue_dma source(%arg21 : memref<320xf32, #tpu.memory_space<vmem>>) target(%dma_start3A_46 : memref<320xf32, #tpu.memory_space<hbm>>) target_semaphore(%run_scoped3A : memref<!tpu.dma_semaphore, #tpu.memory_space<semaphore_mem>>)
      %dma_wait3A = tpu.memref_slice %arg8[%mul3A_2] : memref<10240xf32, #tpu.memory_space<hbm>> -> memref<320xf32, #tpu.memory_space<hbm>>
      %dma_wait3A_47 = tpu.memref_slice %arg8[%mul3A_2] : memref<10240xf32, #tpu.memory_space<hbm>> -> memref<320xf32, #tpu.memory_space<hbm>>
      tpu.wait_dma2 semaphore(%run_scoped3A : memref<!tpu.dma_semaphore, #tpu.memory_space<semaphore_mem>>) src(%arg21 : memref<320xf32, #tpu.memory_space<vmem>>) dst(%dma_wait3A_47 : memref<320xf32, #tpu.memory_space<hbm>>)
      tpu.yield
    }) : () -> ()
    return
  }
}

module attributes {stable_mosaic.version = 14 : i64} {
  func.func @_proj_body(%arg0: memref<10000x128xf32, #tpu.memory_space<vmem>>, %arg1: memref<128x128xf32, #tpu.memory_space<vmem>>, %arg2: memref<128x128xf32, #tpu.memory_space<vmem>>, %arg3: memref<10000x128xf32, #tpu.memory_space<vmem>>, %arg4: memref<10000x128xf32, #tpu.memory_space<vmem>>) attributes {dimension_semantics = [], scalar_prefetch = 0 : i64, scratch_operands = 0 : i64, tpu.core_type = #tpu.core_type<tc>} {
    %get3A = arith.constant 0 : index
    %get3A_0 = arith.constant 0 : index
    %get3A_1 = vector.load %arg0[%get3A, %get3A_0] : memref<10000x128xf32, #tpu.memory_space<vmem>>, vector<10000x128xf32>
    %get3A_2 = arith.constant 0 : index
    %get3A_3 = arith.constant 0 : index
    %get3A_4 = vector.load %arg1[%get3A_2, %get3A_3] : memref<128x128xf32, #tpu.memory_space<vmem>>, vector<128x128xf32>
    %dot_general3A = arith.constant dense<0.000000e+00> : vector<10000x128xf32>
    %dot_general3A_5 = tpu.matmul %get3A_1, %get3A_4, %dot_general3A {dimension_numbers = #tpu.dot_dimension_numbers<[1], [0], [0], [1], [0, 0, 1, 1], [], []>, transpose_lhs_hint = false} : vector<10000x128xf32>, vector<128x128xf32>, vector<10000x128xf32> -> vector<10000x128xf32>
    %swap3A = arith.constant 0 : index
    %swap3A_6 = arith.constant 0 : index
    %swap3A_7 = vector.load %arg3[%swap3A, %swap3A_6] : memref<10000x128xf32, #tpu.memory_space<vmem>>, vector<10000x128xf32>
    tpu.vector_store %arg3[%swap3A, %swap3A_6], %dot_general3A_5 {strides = array<i32>} : memref<10000x128xf32, #tpu.memory_space<vmem>>, vector<10000x128xf32>,
    %get3A_8 = arith.constant 0 : index
    %get3A_9 = arith.constant 0 : index
    %get3A_10 = vector.load %arg2[%get3A_8, %get3A_9] : memref<128x128xf32, #tpu.memory_space<vmem>>, vector<128x128xf32>
    %dot_general3A_11 = arith.constant dense<0.000000e+00> : vector<10000x128xf32>
    %dot_general3A_12 = tpu.matmul %get3A_1, %get3A_10, %dot_general3A_11 {dimension_numbers = #tpu.dot_dimension_numbers<[1], [0], [0], [1], [0, 0, 1, 1], [], []>, transpose_lhs_hint = false} : vector<10000x128xf32>, vector<128x128xf32>, vector<10000x128xf32> -> vector<10000x128xf32>
    %swap3A_13 = arith.constant 0 : index
    %swap3A_14 = arith.constant 0 : index
    %swap3A_15 = vector.load %arg4[%swap3A_13, %swap3A_14] : memref<10000x128xf32, #tpu.memory_space<vmem>>, vector<10000x128xf32>
    tpu.vector_store %arg4[%swap3A_13, %swap3A_14], %dot_general3A_12 {strides = array<i32>} : memref<10000x128xf32, #tpu.memory_space<vmem>>, vector<10000x128xf32>,
    return
  }
}

module attributes {stable_mosaic.version = 14 : i64} {
  func.func @_final_body(%arg0: memref<10240x128xf32, #tpu.memory_space<vmem>>, %arg1: memref<10240x1xf32, #tpu.memory_space<vmem>>, %arg2: memref<1x10000xi32, #tpu.memory_space<vmem>>, %arg3: memref<1x128xf32, #tpu.memory_space<vmem>>, %arg4: memref<128x64xf32, #tpu.memory_space<vmem>>, %arg5: memref<1x64xf32, #tpu.memory_space<vmem>>, %arg6: memref<64x64xf32, #tpu.memory_space<vmem>>) attributes {dimension_semantics = [], scalar_prefetch = 0 : i64, scratch_operands = 0 : i64, tpu.core_type = #tpu.core_type<tc>} {
    %get3A = arith.constant 0 : index
    %get3A_0 = arith.constant 0 : index
    %get3A_1 = vector.load %arg0[%get3A, %get3A_0] : memref<10240x128xf32, #tpu.memory_space<vmem>>, vector<10000x128xf32>
    %get3A_2 = arith.constant 0 : index
    %get3A_3 = arith.constant 0 : index
    %get3A_4 = vector.load %arg1[%get3A_2, %get3A_3] : memref<10240x1xf32, #tpu.memory_space<vmem>>, vector<10000x1xf32>
    %add3A = arith.constant 1.000000e-16 : f32
    %add3A_5 = vector.broadcast %add3A : f32 to vector<10000x1xf32>
    %add3A_6 = arith.addf %get3A_4, %add3A_5 : vector<10000x1xf32>
    %div3A = vector.broadcast %add3A_6 : vector<10000x1xf32> to vector<10000x128xf32>
    %div3A_7 = arith.divf %get3A_1, %div3A : vector<10000x128xf32>
    %get3A_8 = arith.constant 0 : index
    %get3A_9 = arith.constant 0 : index
    %get3A_10 = vector.load %arg3[%get3A_8, %get3A_9] : memref<1x128xf32, #tpu.memory_space<vmem>>, vector<1x128xf32>
    %add3A_11 = vector.broadcast %get3A_10 : vector<1x128xf32> to vector<10000x128xf32>
    %add3A_12 = arith.addf %div3A_7, %add3A_11 : vector<10000x128xf32>
    %iota3A = tpu.iota {dimensions = array<i32: 0>} : vector<64x10000xi32>
    %get3A_13 = arith.constant 0 : index
    %get3A_14 = arith.constant 0 : index
    %get3A_15 = vector.load %arg2[%get3A_13, %get3A_14] : memref<1x10000xi32, #tpu.memory_space<vmem>>, vector<1x10000xi32>
    %eq3A = vector.broadcast %get3A_15 : vector<1x10000xi32> to vector<64x10000xi32>
    %eq3A_16 = arith.cmpi eq, %eq3A, %iota3A : vector<64x10000xi32>
    %convert_element_type3A = arith.extui %eq3A_16 : vector<64x10000xi1> to vector<64x10000xi32>
    %convert_element_type3A_17 = arith.sitofp %convert_element_type3A : vector<64x10000xi32> to vector<64x10000xf32>
    %dot_general3A = arith.constant dense<0.000000e+00> : vector<64x128xf32>
    %dot_general3A_18 = tpu.matmul %convert_element_type3A_17, %add3A_12, %dot_general3A {dimension_numbers = #tpu.dot_dimension_numbers<[1], [0], [0], [1], [0, 0, 1, 1], [], []>, transpose_lhs_hint = false} : vector<64x10000xf32>, vector<10000x128xf32>, vector<64x128xf32> -> vector<64x128xf32>
    %broadcast_in_dim3A = arith.constant 1.000000e+00 : f32
    %broadcast_in_dim3A_19 = vector.broadcast %broadcast_in_dim3A : f32 to vector<10000x1xf32>
    %dot_general3A_20 = arith.constant dense<0.000000e+00> : vector<64x1xf32>
    %dot_general3A_21 = tpu.matmul %convert_element_type3A_17, %broadcast_in_dim3A_19, %dot_general3A_20 {dimension_numbers = #tpu.dot_dimension_numbers<[1], [0], [0], [1], [0, 0, 1, 1], [], []>, transpose_lhs_hint = false} : vector<64x10000xf32>, vector<10000x1xf32>, vector<64x1xf32> -> vector<64x1xf32>
    %max3A = arith.constant 1.000000e+00 : f32
    %max3A_22 = vector.broadcast %max3A : f32 to vector<64x1xf32>
    %max3A_23 = arith.maximumf %dot_general3A_21, %max3A_22 : vector<64x1xf32>
    %div3A_24 = vector.broadcast %max3A_23 : vector<64x1xf32> to vector<64x128xf32>
    %div3A_25 = arith.divf %dot_general3A_18, %div3A_24 : vector<64x128xf32>
    %gt3A = arith.constant 0.000000e+00 : f32
    %gt3A_26 = vector.broadcast %gt3A : f32 to vector<64x128xf32>
    %gt3A_27 = arith.cmpf ogt, %div3A_25, %gt3A_26 : vector<64x128xf32>
    %mul3A = arith.constant 0.00999999977 : f32
    %mul3A_28 = vector.broadcast %mul3A : f32 to vector<64x128xf32>
    %mul3A_29 = arith.mulf %mul3A_28, %div3A_25 : vector<64x128xf32>
    %select_n3A = arith.select %gt3A_27, %div3A_25, %mul3A_29 : vector<64x128xi1>, vector<64x128xf32>
    %get3A_30 = arith.constant 0 : index
    %get3A_31 = arith.constant 0 : index
    %get3A_32 = vector.load %arg4[%get3A_30, %get3A_31] : memref<128x64xf32, #tpu.memory_space<vmem>>, vector<128x64xf32>
    %dot_general3A_33 = arith.constant dense<0.000000e+00> : vector<64x64xf32>
    %dot_general3A_34 = tpu.matmul %select_n3A, %get3A_32, %dot_general3A_33 {dimension_numbers = #tpu.dot_dimension_numbers<[1], [0], [0], [1], [0, 0, 1, 1], [], []>, transpose_lhs_hint = false} : vector<64x128xf32>, vector<128x64xf32>, vector<64x64xf32> -> vector<64x64xf32>
    %get3A_35 = arith.constant 0 : index
    %get3A_36 = arith.constant 0 : index
    %get3A_37 = vector.load %arg5[%get3A_35, %get3A_36] : memref<1x64xf32, #tpu.memory_space<vmem>>, vector<1x64xf32>
    %add3A_38 = vector.broadcast %get3A_37 : vector<1x64xf32> to vector<64x64xf32>
    %add3A_39 = arith.addf %dot_general3A_34, %add3A_38 : vector<64x64xf32>
    %swap3A = arith.constant 0 : index
    %swap3A_40 = arith.constant 0 : index
    %swap3A_41 = vector.load %arg6[%swap3A, %swap3A_40] : memref<64x64xf32, #tpu.memory_space<vmem>>, vector<64x64xf32>
    tpu.vector_store %arg6[%swap3A, %swap3A_40], %add3A_39 {strides = array<i32>} : memref<64x64xf32, #tpu.memory_space<vmem>>, vector<64x64xf32>,
    return
  }
}

</mosaic_0001>

<sc_bundles>
// kernel: kernel.5.cloned.1.call-start
scs
__scs_entry_jumppad:
0x0: {  	(pc) =	sbr.rel $0x88, $3  }
0x1: {  	(tag) =	ssettag $0x0;
	lr =	simm.s32 $0x1  }
0x2: {  	[smem:$0x3F98] =	sst lr;
	_ =	strace $0xD0000000  }
0x3: {  	_ = 	snop  }
0x4: {  	_ = 	snop  }
0x5: {  	_ = 	snop  }
0x6: {  	_ = 	snop  }
0x7: {  	_ = 	snop  }
__scs_overlays_trampoline_lowered:
0x8: {  	[smem:$0x3FA7] =	sst s0  }
0x9: {  	[smem:$0x3FA8] =	sst s1  }
0xa: {  	[smem:$0x3FA9] =	sst s2  }
0xb: {  	[smem:$0x3FAA] =	sst s3  }
0xc: {  	[smem:$0x3FAB] =	sst s4  }
0xd: {  	[smem:$0x3FAC] =	sst s5  }
0xe: {  	[smem:$0x3FAD] =	sst s6  }
0xf: {  	[smem:$0x3FAE] =	sst s7  }
0x10: {  	[smem:$0x3FAF] =	sst s8  }
0x11: {  	[smem:$0x3FB0] =	sst s9;
	s0 =	simm.s32 @!p0 $0x0  }
0x12: {  	s1 =	sld [smem:$0x3F96];
	s0 =	simm.s32 @p0 $0x1  }
0x13: {  	[smem:$0x3FB1] =	sst s0;
	s0 =	simm.s32 @!p1 $0x0  }
0x14: {  	s2 =	sld [smem:$0x3F95];
	s0 =	simm.s32 @p1 $0x1  }
0x15: {  	[smem:$0x3FB2] =	sst s0;
	s0 =	simm.s32 @!p2 $0x0  }
0x16: {  	s3 =	sld [smem:$0x3FDB];
	s0 =	simm.s32 @p2 $0x1  }
0x17: {  	s4 =	simm.s32 $0x1BF5;
	[smem:$0x3FB4] =	sst s0  }
0x18: {  	s0 =	sld [smem:$0x3F97];
	_ =	swait.ge [sflag:s4], $0x0  }
0x19: {  	s7 =	sld [smem:$0x3F98]  }
0x1a: {  	s8 =	sadd.s32 $0xFFFFE003, lr  }
0x1b: {  	s9 =	sadd.s32 $0xFFFFFEF7, lr;
	s5 =	simm.s32 $0xFFFFFFFF;
	p2 =	slt.u32 s8, $0xFFFFF086  }
0x1c: {  	p1 =	slt.u32 s9, $0xF7A;
	s5 =	simm.s32 @!p2 $0x0  }
0x1d: {  	s5 =	simm.s32 @p1 $0x1;
	p0 =	seq.s32 s7, s2  }
0x1e: {  	s7 =	smul.u32 @!p0 $0xF7A, s2;
	p2 =	seq.s32 @!p0 s5, $0x0  }
0x1f: {  	s9 =	smul.u32 $0xF7A, s1;
	s8 =	simm.s32 @!p0 $0x1BF5;
	p2 =	por !p2, p0  }
0x20: {  	[sflag:s8] =	ssyncset.s32 @!p0 $0xFFFFF086;
	s6 =	sadd.s32 @!p0 s3, s7;
	s7 =	simm.s32 @!p0 $0x108  }
0x21: {  	s3 =	sadd.s32 s3, s9;
	s6 =	sadd.s32 @!p0 $0x88, s6;
	s7 =	simm.s32 @p2 $0x1082  }
0x22: {  	[simem:s7], [sflag:s8] =	dma.local @!p0 [hbm:s6], $0xF7A  }
0x23: {  	s9 =	sor.u32 $0xD0000000, s2;
	s6 =	simm.s32 $0x108;
	_ =	swait.ge @!p0 [sflag:s8], $0x0  }
0x24: {  	s3 =	sadd.s32 $0x88, s3;
	s6 =	simm.s32 @!p1 $0x1082;
	[sflag:s4] =	ssyncset.s32 $0xFFFFF086  }
0x25: {  	[simem:s6], [sflag:s4] =	dma.local [hbm:s3], $0xF7A  }
0x26: {  	[smem:$0x3F98] =	sst s1;
	(tag) =	ssettag s2;
	_ =	strace s9  }
0x27: {  	s1 =	sld [smem:$0x3FA8]  }
0x28: {  	s2 =	sld [smem:$0x3FA9]  }
0x29: {  	s4 =	sld [smem:$0x3FAB]  }
0x2a: {  	p0 =	seq.s32 s5, $0x0;
	s5 =	sld [smem:$0x3FAC]  }
0x2b: {  	s6 =	sld [smem:$0x3FAD]  }
0x2c: {  	s7 =	sld [smem:$0x3FAE]  }
0x2d: {  	s3 =	simm.s32 $0x108;
	s8 =	sld [smem:$0x3FAF]  }
0x2e: {  	s3 =	simm.s32 @!p0 $0x1082;
	s9 =	sld [smem:$0x3FB0]  }
0x2f: {  	lr =	sadd.s32 s0, s3;
	s0 =	sld [smem:$0x3FA7]  }
0x30: {  	s3 =	sld [smem:$0x3FAA]  }
0x31: {  	[smem:$0x3FB3] =	sst s10  }
0x32: {  	s10 =	sld [smem:$0x3FB1];
	_ =	sdelay $0x3  }
0x33: {  	p0 =	seq.s32 s10, $0x1;
	s10 =	sld [smem:$0x3FB3];
	_ =	sdelay $0x3  }
0x34: {  	[smem:$0x3FB3] =	sst s10  }
0x35: {  	s10 =	sld [smem:$0x3FB2];
	_ =	sdelay $0x3  }
0x36: {  	p1 =	seq.s32 s10, $0x1;
	s10 =	sld [smem:$0x3FB3];
	_ =	sdelay $0x3  }
0x37: {  	[smem:$0x3FB3] =	sst s10  }
0x38: {  	s10 =	sld [smem:$0x3FB4]  }
0x39: {  	_ = 	snop;
	(pc) =	sbr.ind lr, $3  }
0x3a: {  	_ = 	snop  }
0x3b: {  	_ = 	snop  }
0x3c: {  	p2 =	seq.s32 s10, $0x1;
	s10 =	sld [smem:$0x3FB3]  }
0x3d: {  	_ =	shalt  }
0x3e: {  	_ =	shalt  }
0x3f: {  	_ =	shalt  }
0x40: {  	_ =	shalt  }
0x41: {  	_ =	shalt  }
0x42: {  	_ =	shalt  }
0x43: {  	_ =	shalt  }
0x44: {  	_ =	shalt  }
0x45: {  	_ =	shalt  }
0x46: {  	_ =	shalt  }
0x47: {  	_ =	shalt  }
0x48: {  	_ =	shalt  }
0x49: {  	_ =	shalt  }
0x4a: {  	_ =	shalt  }
0x4b: {  	_ =	shalt  }
0x4c: {  	_ =	shalt  }
0x4d: {  	_ =	shalt  }
0x4e: {  	_ =	shalt  }
0x4f: {  	_ =	shalt  }
0x50: {  	_ =	shalt  }
0x51: {  	_ =	shalt  }
0x52: {  	_ =	shalt  }
0x53: {  	_ =	shalt  }
0x54: {  	_ =	shalt  }
0x55: {  	_ =	shalt  }
0x56: {  	_ =	shalt  }
0x57: {  	_ =	shalt  }
0x58: {  	_ =	shalt  }
0x59: {  	_ =	shalt  }
0x5a: {  	_ =	shalt  }
0x5b: {  	_ =	shalt  }
0x5c: {  	_ =	shalt  }
0x5d: {  	_ =	shalt  }
0x5e: {  	_ =	shalt  }
0x5f: {  	_ =	shalt  }
0x60: {  	_ =	shalt  }
0x61: {  	_ =	shalt  }
0x62: {  	_ =	shalt  }
0x63: {  	_ =	shalt  }
0x64: {  	_ =	shalt  }
0x65: {  	_ =	shalt  }
0x66: {  	_ =	shalt  }
0x67: {  	_ =	shalt  }
0x68: {  	_ =	shalt  }
0x69: {  	_ =	shalt  }
0x6a: {  	_ =	shalt  }
0x6b: {  	_ =	shalt  }
0x6c: {  	_ =	shalt  }
0x6d: {  	_ =	shalt  }
0x6e: {  	_ =	shalt  }
0x6f: {  	_ =	shalt  }
0x70: {  	_ =	shalt  }
0x71: {  	_ =	shalt  }
0x72: {  	_ =	shalt  }
0x73: {  	_ =	shalt  }
0x74: {  	_ =	shalt  }
0x75: {  	_ =	shalt  }
0x76: {  	_ =	shalt  }
0x77: {  	_ =	shalt  }
0x78: {  	_ =	shalt  }
0x79: {  	_ =	shalt  }
0x7a: {  	_ =	shalt  }
0x7b: {  	_ =	shalt  }
0x7c: {  	_ =	shalt  }
0x7d: {  	_ =	shalt  }
0x7e: {  	_ =	shalt  }
0x7f: {  	_ =	shalt  }
0x80: {  	_ =	shalt  }
0x81: {  	_ =	shalt  }
0x82: {  	_ =	shalt  }
0x83: {  	_ =	shalt  }
0x84: {  	_ =	shalt  }
0x85: {  	_ =	shalt  }
0x86: {  	_ =	shalt  }
0x87: {  	_ =	shalt  }
.Lfunc_end0:
.L_simem_size_0:
called_computation_lowered:
.L_overlay_start_0:
0x88: {  	s2 =	sld [smem:$0x3FD9]  }
0x89: {  	s3 =	sld [smem:$0x3FFE];
	_ =	sdelay $0x1  }
0x8a: {  	s1 =	srdreg.scid  }
0x8b: {  	s0 =	sand.u32 $0x1, s1  }
0x8c: {  	s17 =	sshll.u32 s0, $0xA;
	s2 =	sadd.s32 s3, s2  }
0x8d: {  	s2 =	sadd.s32 s2, s17  }
0x8e: {  	[smem:$0x3FBF] =	sst s2  }
0x8f: {  	_ = 	snop  }
0x90: {  	s2 =	sld [smem:$0x3FC4];
	(tm) =	ssettm $0x1  }
0x91: {  	s18 =	sld [smem:$0x3FFB];
	_ =	sdelay $0x3  }
0x92: {  	_ =	strace s18  }
0x93: {  	s3 =	sld [smem:$0x3FFC];
	_ =	sdelay $0x3  }
0x94: {  	_ =	strace s3  }
0x95: {  	s3 =	sld [smem:$0x3FFD];
	_ =	sdelay $0x3  }
0x96: {  	_ =	strace s3  }
0x97: {  	_ =	strace $0x8FFFFFFF  }
0x98: {  	s19 =	sld [smem:$0x3FDB];
	_ =	sdelay $0x1  }
0x99: {  	s4 =	simm.s32 $_scs_section_size  }
0x9a: {  	s5 =	simm.s32 $_size__tile_overlayer_lowered;
	s6 =	simm.s32 $_tile_overlayer_lowered  }
0x9b: {  	s22 =	simm.s32 $0x1BFF;
	s21 =	sshll.u32 s6, $0x1;
	s3 =	sadd.s32 s4, s19  }
0x9c: {  	s7 =	simm.s32 $0x0;
	s20 =	sshll.u32 s5, $0x1;
	s5 =	sadd.s32 s21, s3  }
0x9d: {  	[timem:s7], [sflag:s22] =	dma.local [hbm:s5], s20  }
0x9e: {  	_ =	swait.ge [sflag:s22], s20  }
0x9f: {  	s4 =	ssub.s32 $0x0, s20;
	[sflag:s22] =	ssyncset.done $0x0  }
0xa0: {  	[sflag:s22] =	ssyncadd.s32 s4;
	_ =	sdelay $0x1  }
0xa1: {  	s23 =	simm.s32 $0x1B8B  }
0xa2: {  	_ =	swait.ge [sflag:s23], $0x1  }
0xa3: {  	[sflag:s23] =	ssyncset.done $0x0  }
0xa4: {  	s25 =	simm.s32 $0x1B8E;
	s24 =	sld [smem:$0x3FFE];
	[sflag:s23] =	ssyncadd.s32 $0xFFFFFFFF  }
0xa5: {  	s26 =	simm.s32 $execute0_lowered;
	[smem:$0x3FD2] =	sst s25  }
0xa6: {  	s5 =	sshll.u32 s26, $0x1;
	_ =	strace $0x80000046;
	[dreg:$0x1] =	wrdreg $0xFFFFFFFF  }
0xa7: {  	s28 =	simm.s32 $_size_execute0_lowered;
	s3 =	sadd.s32 s3, s5;
	[dreg:$0x0] =	wrdreg $0x0  }
0xa8: {  	s5 =	sshll.u32 s28, $0x1;
	[dreg:$0x2] =	wrdreg s3  }
0xa9: {  	[dreg:$0x3] =	wrdreg s5  }
0xaa: {  	[dreg:$0x4] =	wrdreg $0xC0  }
0xab: {  	_ =	task [dreg:s7], $0x5FFFF  }
0xac: {  	[dreg:$0x1] =	wrdreg $0xFFFFFFFF  }
0xad: {  	[dreg:$0x0] =	wrdreg $0x60  }
0xae: {  	[dreg:$0x2] =	wrdreg s24  }
0xaf: {  	[dreg:$0x3] =	wrdreg s2  }
0xb0: {  	[dreg:$0x4] =	wrdreg $0x9  }
0xb1: {  	_ =	task.clear_ibuf [dreg:s7], $0x5FFFF;
	_ =	strace $0x90000046  }
0xb2: {  	s29 =	simm.s32 $0x9;
	_ =	strace $0x80000048  }
0xb3: {  	_ =	swait.ge [sflag:s29], $0x1  }
0xb4: {  	[sflag:s29] =	ssyncadd.s32 $0xFFFFFFFF  }
0xb5: {  	_ =	strace $0x90000048  }
0xb6: {  	_ =	sfence  }
0xb7: {  	s30 =	sld [smem:$0x0];
	_ =	sdelay $0x2  }
0xb8: {  	s31 =	sshll.u32 s1, $0xD;
	s1 =	sshrl.u32 s1, $0x2  }
0xb9: {  	s3 =	sand.u32 $0x4000, s31;
	s1 =	sadd.s32 s1, s30  }
0xba: {  	s0 =	sor.u32 s3, s0;
	s1 =	sshll.u32 s1, $0x11  }
0xbb: {  	s0 =	sor.u32 s1, s0  }
0xbc: {  	s0 =	sadd.s32 $0x8F2B, s0  }
0xbd: {  	[sflag:s0] =	ssyncadd.remote.s32 $0x1  }
0xbe: {  	_ =	sfence.sel $0xFFFF  }
0xbf: {  	[dreg:$0x0] =	wrdreg $0xFFFFFFFF;
	(pc) =	sbr.abs _section_cstart, $3  }
0xc0: {  	[dreg:$0x1] =	wrdreg $0xFFFFFFFF  }
0xc1: {  	_ =	task.clear_ibuf [dreg:s7], $0x2FFFF;
	_ =	strace $0x9FFFFFFF  }
0xc2: {  	(tm) =	ssettm $0x7FFFFFFF  }
0xc3: {  	_ =	shalt  }
tec
execute0_lowered:
.L_overlay_start_1:
0x0: {  	(tag) =	ssettag $0x1  }
0x1: {  	s0 =	srdreg.scid;
	v3 =	vlaneseq.u32  }
0x2: {  	s1 =	stileid.u32;
	s3 =	rddreg [dreg:$0x0];
	v1 =	vimm.f32 $0.0e+00;
	v2 =	vimm.s32 $0x0;
	v4 =	vor.u32 $0x10, v3  }
0x3: {  	s4 =	simm.s32 $0x0;
	s12 =	simm.s32 $0x2;
	s13 =	simm.s32 $0x7300;
	v5 =	vor.u32 $0x20, v3;
	v6 =	vmul.u32 $0x80, v3;
	v7 =	vor.u32 $0x30, v3  }
0x4: {  	s14 =	simm.s32 $0xC80;
	s15 =	simm.s32 $0x1900;
	s16 =	simm.s32 $0x2580;
	v8 =	vor.u32 $0x40, v3;
	v9 =	vor.u32 $0x50, v3;
	v10 =	vor.u32 $0x60, v3  }
0x5: {  	s17 =	simm.s32 $0x1;
	s18 =	simm.s32 $0x80;
	s19 =	simm.s32 $0x3200;
	v11 =	vor.u32 $0x70, v3;
	v12 =	vor.u32 $0x1, v6;
	v13 =	vor.u32 $0x2, v6  }
0x6: {  	s20 =	simm.s32 $0x3300;
	s21 =	simm.s32 $0x3280;
	s22 =	simm.s32 $0x11300;
	v14 =	vor.u32 $0x3, v6;
	v15 =	vor.u32 $0x4, v6;
	v16 =	vor.u32 $0x5, v6  }
0x7: {  	s23 =	simm.s32 $0x15300;
	s24 =	simm.s32 $0x1F400;
	s25 =	simm.s32 $0x15400;
	v17 =	vor.u32 $0x6, v6;
	v18 =	vor.u32 $0x7, v6;
	v19 =	vor.u32 $0x8, v6  }
0x8: {  	s26 =	simm.s32 $0x0;
	s0 =	sand.u32 $0x1, s0;
	s1 =	sshll.u32 s1, $0x1;
	v20 =	vor.u32 $0x9, v6;
	v21 =	vor.u32 $0xA, v6;
	v22 =	vor.u32 $0xB, v6  }
0x9: {  	s28 =	simm.s32 $0x0;
	s31 =	simm.s32 $0x0;
	s1 =	sor.u32 s0, s1;
	v23 =	vor.u32 $0xC, v6;
	v24 =	vor.u32 $0xD, v6;
	v25 =	vor.u32 $0xE, v6  }
0xa: {  	[smem:$0x7FF] =	sst s4;
	s4 =	sadd.s32 $0x15000, s3;
	s2 =	smul.u32 $0x140, s1;
	v26 =	vor.u32 $0xF, v6;
	v27 =	vor.u32 $0x800, v6;
	v28 =	vor.u32 $0x801, v6  }
.Ltmp0:
0xb: {  	s5 =	sadd.s32 $0xB200, s3;
	s0 =	ssub.s32 $0x2, s0;
	v29 =	vor.u32 $0x802, v6;
	v30 =	vor.u32 $0x803, v6;
	v31 =	vor.u32 $0x804, v6;
	(pc) =	sbr.rel .LBB2_1-.Ltmp0, $4  }
0xc: {  	s6 =	sadd.s32 $0x1400, s3;
	s1 =	smul.u32 $0x1400, s1;
	s30 =	sshrl.u32 s0, $0x1;
	v32 =	vor.u32 $0x805, v6;
	v33 =	vor.u32 $0x806, v6;
	v34 =	vor.u32 $0x807, v6  }
0xd: {  	_ =	strace $0x80000047;
	v35 =	vor.u32 $0x808, v6;
	v36 =	vor.u32 $0x809, v6;
	s0 =	ssub.s32 s0, s30;
	v0 =	vmov s2;
	s2 =	sshrl.u32 s2, $0x3  }
0xe: {  	v37 =	vor.u32 $0x80A, v6;
	v38 =	vor.u32 $0x80B, v6;
	v39 =	vor.u32 $0x80C, v6;
	s1 =	sadd.s32 s1, s3;
	s10 =	smax.u32 s0, $0x1;
	s2 =	sadd.s32 s2, s3  }
0xf: {  	v40 =	vor.u32 $0x80D, v6;
	v41 =	vor.u32 $0x80E, v6;
	v42 =	vor.u32 $0x80F, v6;
	s7 =	sadd.s32 $0x3C200, s1;
	s8 =	sadd.s32 $0x64800, s1;
	s9 =	sadd.s32 $0x64200, s2  }
.LBB2_16:
0x10: {  	s0 =	simm.s32 $0x0  }
0x11: {  	[hbm4b:s8+s0] =	stream.linear.scatter [tilespmem:s25], [sflag:$0x2], $0xA000, $0x38;
	[tilespmem:$0x1F580] =	vst v63  }
0x12: {  	s26 =	sadd.s32 $0x1, s26;
	_ =	swait.ge [sflag:s12], $0xA000  }
0x13: {  	p0 =	sne.s32 s26, s10;
	[sflag:s12] =	ssyncset.done $0x0  }
.Ltmp1:
0x14: {  	[sflag:s12] =	ssyncadd.s32 $0xFFFF6000;
	(pc) =	sbr.rel @!p0 .LBB2_17-.Ltmp1, $4  }
0x15: {  	[hbm4b:s9+s0] =	stream.linear.scatter [tilespmem:s24], [sflag:$0x2], $0x140, $0x38;
	[tilespmem:$0x1F580] =	vst v63  }
0x16: {  	_ =	swait.ge [sflag:s12], $0x140  }
0x17: {  	[sflag:s12] =	ssyncset.done $0x0  }
0x18: {  	[sflag:s12] =	ssyncadd.s32 $0xFFFFFEC0  }
.LBB2_1:
0x19: {  	s0 =	simm.s32 $0x40;
	s1 =	simm.s32 $0x0  }
.LBB2_2:
0x1a: {  	p0 =	sne.s32 s0, $0x27FC0;
	[tilespmem:s1+$0x15400] =	vst v1;
	s1 =	smov.u32 s0;
	s0 =	sadd.s32 $0x40, s0  }
.Ltmp2:
0x1b: {  	(pc) =	sbr.rel @p0 .LBB2_2-.Ltmp2, $2  }
0x1c: {  	_ =	sdelay $0x2  }
0x1d: {  	s1 =	sshra.s32 s1, $0x2  }
0x1e: {  	[tilespmem:s1+$0x15400] =	vst v1  }
0x1f: {  	[tilespmem:$0x1F400] =	vst v1  }
0x20: {  	[tilespmem:$0x1F410] =	vst v1  }
0x21: {  	[tilespmem:$0x1F420] =	vst v1  }
0x22: {  	[tilespmem:$0x1F430] =	vst v1  }
0x23: {  	[tilespmem:$0x1F440] =	vst v1  }
0x24: {  	[tilespmem:$0x1F450] =	vst v1  }
0x25: {  	[tilespmem:$0x1F460] =	vst v1  }
0x26: {  	[tilespmem:$0x1F470] =	vst v1  }
0x27: {  	[tilespmem:$0x1F480] =	vst v1  }
0x28: {  	[tilespmem:$0x1F490] =	vst v1  }
0x29: {  	[tilespmem:$0x1F4A0] =	vst v1  }
0x2a: {  	[tilespmem:$0x1F4B0] =	vst v1  }
0x2b: {  	[tilespmem:$0x1F4C0] =	vst v1  }
0x2c: {  	[tilespmem:$0x1F4D0] =	vst v1  }
0x2d: {  	[tilespmem:$0x1F4E0] =	vst v1  }
0x2e: {  	[tilespmem:$0x1F4F0] =	vst v1  }
0x2f: {  	[tilespmem:$0x1F500] =	vst v1  }
0x30: {  	[tilespmem:$0x1F510] =	vst v1  }
0x31: {  	[tilespmem:$0x1F520] =	vst v1  }
0x32: {  	s0 =	simm.s32 $0x40;
	s1 =	simm.s32 $0x0;
	[tilespmem:$0x1F530] =	vst v1  }
.LBB2_4:
0x33: {  	p0 =	sne.s32 s0, $0x31C0;
	[tilespmem:s1+$0x1900] =	vst v2;
	s2 =	smov.u32 s0;
	s0 =	sadd.s32 $0x40, s0  }
.Ltmp3:
0x34: {  	[tilespmem:s1+$0x2580] =	vst v2;
	(pc) =	sbr.rel @p0 .LBB2_4-.Ltmp3, $2  }
0x35: {  	_ =	sdelay $0x2  }
0x36: {  	s1 =	sshra.s32 s2, $0x2  }
0x37: {  	[tilespmem:s1+$0x1900] =	vst v2  }
0x38: {  	[tilespmem:s1+$0x2580] =	vst v2;
	s0 =	rddreg [dreg:$0x1];
	s30 =	simm.s32 $0x15380  }
0x39: {  	[tilespmem:s30], [sflag:$0x2] =	stream.linear.gather [hbm4b:s0+s28], $0x80, $0x38;
	[tilespmem:$0x1F580] =	vst v63  }
0x3a: {  	_ =	swait.ge [sflag:s12], $0x80  }
0x3b: {  	[sflag:s12] =	ssyncset.done $0x0  }
0x3c: {  	[sflag:s12] =	ssyncadd.s32 $0xFFFFFF80  }
0x3d: {  	[tilespmem:s13], [sflag:$0x2] =	stream.linear.gather [hbm4b:s7+s28], $0xA000, $0x38;
	[tilespmem:$0x1F580] =	vst v63  }
0x3e: {  	_ =	swait.ge [sflag:s12], $0xA000  }
0x3f: {  	[sflag:s12] =	ssyncset.done $0x0  }
0x40: {  	[sflag:s12] =	ssyncadd.s32 $0xFFFF6000  }
0x41: {  	v43 =	vld [tilespmem:$0x15380]  }
0x42: {  	v44 =	vld [tilespmem:$0x15390]  }
0x43: {  	v45 =	vld [tilespmem:$0x153A0]  }
.Ltmp4:
0x44: {  	v46 =	vld [tilespmem:$0x153B0];
	(pc) =	sbr.rel .LBB2_6-.Ltmp4, $4  }
0x45: {  	v47 =	vld [tilespmem:$0x153C0]  }
0x46: {  	v48 =	vld [tilespmem:$0x153D0]  }
0x47: {  	v49 =	vld [tilespmem:$0x153E0]  }
0x48: {  	s29 =	simm.s32 $0x0;
	v50 =	vld [tilespmem:$0x153F0]  }
.LBB2_15:
0x49: {  	s29 =	sadd.s32 $0x1, s29  }
0x4a: {  	p0 =	sne.s32 s29, $0x64  }
.Ltmp5:
0x4b: {  	_ = 	snop;
	(pc) =	sbr.rel @!p0 .LBB2_16-.Ltmp5, $1  }
0x4c: {  	_ =	sdelay $0x3  }
.LBB2_6:
0x4d: {  	s0 =	smul.u32 $0x190, s29;
	_ =	sdelay $0x1  }
0x4e: {  	s1 =	sadd.s32 s5, s0  }
0x4f: {  	[tilespmem:s28], [sflag:$0x2] =	stream.linear.gather [hbm4b:s1+s28], $0xC80, $0x38;
	[tilespmem:$0x1F580] =	vst v63  }
0x50: {  	_ =	swait.ge [sflag:s12], $0xC80  }
0x51: {  	[sflag:s12] =	ssyncset.done $0x0  }
0x52: {  	s0 =	sadd.s32 s6, s0;
	[sflag:s12] =	ssyncadd.s32 $0xFFFFF380  }
0x53: {  	[tilespmem:s14], [sflag:$0x2] =	stream.linear.gather [hbm4b:s0+s28], $0xC80, $0x38;
	[tilespmem:$0x1F580] =	vst v63  }
0x54: {  	_ =	swait.ge [sflag:s12], $0xC80  }
0x55: {  	[sflag:s12] =	ssyncset.done $0x0  }
0x56: {  	s30 =	simm.s32 $0x0;
	[sflag:s12] =	ssyncadd.s32 $0xFFFFF380  }
0x57: {  	v51 =	vld [tilespmem:s30+$0xC80];
	_ =	sdelay $0x4  }
0x58: {  	v52 =	vsub.s32 v51, v0  }
0x59: {  	vm0 =	vlt.u32 v52, $0x140  }
0x5a: {  	v52 =	vsel vm0, $0x1, v2  }
0x5b: {  	(xrf0) =	vadd.scan.msk.s32 $0xffff, v52;
	_ =	sdelay $0x5  }
0x5c: {  	v52, _, _ =	vpop (xrf0)  }
0x5d: {  	v54 =	vxor.u32 $0x80000000, v52  }
0x5e: {  	v53 =	vsel vm0, $0xFFFFFFFF, v2;
	(xrf0) =	vmax.scan.msk.u32 $0xffff, v54  }
0x5f: {  	v53 =	vadd.s32 s28, v53  }
0x60: {  	v62 =	vld [tilespmem:s30+$0x0];
	v52 =	vadd.s32 v52, v53;
	_ =	sdelay $0x3  }
0x61: {  	v63, _, _ =	vpop (xrf0)  }
0x62: {  	[tilespmem:v52+s15+$0x0] =	vst.idx.msk vm0, v62;
	(v2sf) =	vpush v63, $0xF  }
0x63: {  	s2 =	simm.s32 $0x80;
	s1 =	simm.s32 $0x0;
	s0 =	simm.s32 $0x10;
	[tilespmem:v52+s16+$0x0] =	vst.idx.msk vm0, v51  }
.LBB2_7:
0x64: {  	p0 =	sne.s32 s2, $0x31C0;
	v51 =	vld [tilespmem:s0+$0xC80];
	_ =	sdelay $0x4  }
0x65: {  	v52 =	vsub.s32 v51, v0  }
0x66: {  	vm0 =	vlt.u32 v52, $0x140  }
0x67: {  	v52 =	vsel vm0, $0xFFFFFFFF, v2;
	v53 =	vsel vm0, $0x1, v2  }
0x68: {  	(xrf0) =	vadd.scan.msk.s32 $0xffff, v53;
	_ =	sdelay $0x4  }
0x69: {  	s3 =	spop (v2sf)  }
0x6a: {  	v53, _, _ =	vpop (xrf0);
	s1 =	sadd.s32 s3, s1  }
0x6b: {  	v54 =	vxor.u32 $0x80000000, v53;
	s1 =	sadd.s32 $0x80000000, s1  }
0x6c: {  	v52 =	vadd.s32 s1, v52;
	(xrf0) =	vmax.scan.msk.u32 $0xffff, v54  }
0x6d: {  	v54 =	vld [tilespmem:s0+$0x0];
	v52 =	vadd.s32 v53, v52;
	_ =	sdelay $0x2  }
.Ltmp6:
0x6e: {  	(pc) =	sbr.rel @p0 .LBB2_7-.Ltmp6, $4  }
0x6f: {  	_ = 	snop  }
0x70: {  	[tilespmem:v52+s15+$0x0] =	vst.idx.msk vm0, v54;
	v53, _, _ =	vpop (xrf0)  }
0x71: {  	[tilespmem:v52+s16+$0x0] =	vst.idx.msk vm0, v51;
	(v2sf) =	vpush v53, $0xF  }
0x72: {  	s0 =	sshra.s32 s2, $0x2;
	s2 =	sadd.s32 $0x40, s2  }
0x73: {  	v51 =	vld [tilespmem:s0+$0xC80];
	_ =	sdelay $0x4  }
0x74: {  	v52 =	vsub.s32 v51, v0  }
0x75: {  	vm0 =	vlt.u32 v52, $0x140  }
0x76: {  	v52 =	vsel vm0, $0x1, v2  }
0x77: {  	(xrf0) =	vadd.scan.msk.s32 $0xffff, v52;
	_ =	sdelay $0x5  }
0x78: {  	v52, _, _ =	vpop (xrf0)  }
0x79: {  	v53 =	vxor.u32 $0x80000000, v52  }
0x7a: {  	(xrf0) =	vmax.scan.msk.u32 $0xffff, v53;
	_ =	sdelay $0x5  }
0x7b: {  	v53, _, _ =	vpop (xrf0)  }
0x7c: {  	(v2sf) =	vpush v53, $0xF;
	_ =	sdelay $0xc  }
0x7d: {  	s2 =	spop (v2sf)  }
0x7e: {  	s1 =	sadd.s32 s2, s1  }
0x7f: {  	s2 =	sadd.s32 $0x80000000, s1;
	s3 =	spop (v2sf)  }
0x80: {  	s1 =	sadd.s32 s3, s2  }
0x81: {  	s1 =	sadd.s32 $0x80000000, s1  }
0x82: {  	s3 =	sadd.s32 $0x7F, s1  }
0x83: {  	s11 =	sand.u32 $0x7F, s3  }
0x84: {  	p1 =	slt.s32 s3, $0x1;
	p0 =	sne.s32 s11, $0x0;
	s11 =	sshra.s32 s3, $0x1F  }
0x85: {  	v54 =	vld [tilespmem:s0+$0x0];
	v63 =	vsel vm0, $0xFFFFFFFF, v2;
	s0 =	sshrl.u32 s11, $0x19;
	p0 =	por !p1, !p0  }
0x86: {  	v53 =	vadd.s32 s2, v63;
	s2 =	simm.s32 $0x1;
	s0 =	sadd.s32 s0, s3;
	p0 =	por !p0, !p0  }
0x87: {  	s0 =	sshra.s32 s0, $0x7;
	s2 =	simm.s32 @!p0 $0x0  }
0x88: {  	v52 =	vadd.s32 v52, v53;
	s30 =	ssub.s32 s0, s2  }
0x89: {  	p0 =	slt.s32 s30, $0x1  }
.Ltmp7:
0x8a: {  	_ = 	snop;
	(pc) =	sbr.rel @p0 .LBB2_15-.Ltmp7, $3  }
0x8b: {  	_ =	sdelay $0x1  }
0x8c: {  	[tilespmem:v52+s15+$0x0] =	vst.idx.msk vm0, v54  }
0x8d: {  	[tilespmem:v52+s16+$0x0] =	vst.idx.msk vm0, v51  }
0x8e: {  	v51 =	vmov s1;
	s1 =	simm.s32 $0x0  }
.LBB2_10:
0x8f: {  	s0 =	sshll.u32 s1, $0x7  }
0x90: {  	v52 =	vld [tilespmem:s0+$0x1900];
	_ =	sdelay $0x4  }
0x91: {  	[tilespmem:$0x3200] =	vst v52  }
0x92: {  	v52 =	vld [tilespmem:s0+$0x2580];
	_ =	sdelay $0x4  }
0x93: {  	v52 =	vsub.s32 v52, v0  }
0x94: {  	vm0 =	vgt.s32 v52, $0x0  }
0x95: {  	v52 =	vnsel vm0, $0x0, v52  }
0x96: {  	v52 =	vmin.u32 v52, $0x13F  }
0x97: {  	[tilespmem:$0x3280] =	vst v52  }
0x98: {  	v52 =	vld [tilespmem:s0+$0x1910];
	_ =	sdelay $0x4  }
0x99: {  	[tilespmem:$0x3210] =	vst v52  }
0x9a: {  	v52 =	vld [tilespmem:s0+$0x2590];
	_ =	sdelay $0x4  }
0x9b: {  	v52 =	vsub.s32 v52, v0  }
0x9c: {  	vm9 =	vgt.s32 v52, $0x0  }
0x9d: {  	v52 =	vnsel vm9, $0x0, v52  }
0x9e: {  	v52 =	vmin.u32 v52, $0x13F  }
0x9f: {  	[tilespmem:$0x3290] =	vst v52  }
0xa0: {  	v52 =	vld [tilespmem:s0+$0x1920];
	_ =	sdelay $0x4  }
0xa1: {  	[tilespmem:$0x3220] =	vst v52  }
0xa2: {  	v52 =	vld [tilespmem:s0+$0x25A0];
	_ =	sdelay $0x4  }
0xa3: {  	v52 =	vsub.s32 v52, v0  }
0xa4: {  	vm10 =	vgt.s32 v52, $0x0  }
0xa5: {  	v52 =	vnsel vm10, $0x0, v52  }
0xa6: {  	v52 =	vmin.u32 v52, $0x13F  }
0xa7: {  	[tilespmem:$0x32A0] =	vst v52  }
0xa8: {  	v52 =	vld [tilespmem:s0+$0x1930];
	_ =	sdelay $0x4  }
0xa9: {  	[tilespmem:$0x3230] =	vst v52  }
0xaa: {  	v52 =	vld [tilespmem:s0+$0x25B0];
	_ =	sdelay $0x4  }
0xab: {  	v52 =	vsub.s32 v52, v0  }
0xac: {  	vm11 =	vgt.s32 v52, $0x0  }
0xad: {  	v52 =	vnsel vm11, $0x0, v52  }
0xae: {  	v52 =	vmin.u32 v52, $0x13F  }
0xaf: {  	[tilespmem:$0x32B0] =	vst v52  }
0xb0: {  	v52 =	vld [tilespmem:s0+$0x1940];
	_ =	sdelay $0x4  }
0xb1: {  	[tilespmem:$0x3240] =	vst v52  }
0xb2: {  	v52 =	vld [tilespmem:s0+$0x25C0];
	_ =	sdelay $0x4  }
0xb3: {  	v52 =	vsub.s32 v52, v0  }
0xb4: {  	vm12 =	vgt.s32 v52, $0x0  }
0xb5: {  	v52 =	vnsel vm12, $0x0, v52  }
0xb6: {  	v52 =	vmin.u32 v52, $0x13F  }
0xb7: {  	[tilespmem:$0x32C0] =	vst v52  }
0xb8: {  	v52 =	vld [tilespmem:s0+$0x1950];
	_ =	sdelay $0x4  }
0xb9: {  	[tilespmem:$0x3250] =	vst v52  }
0xba: {  	v52 =	vld [tilespmem:s0+$0x25D0];
	_ =	sdelay $0x4  }
0xbb: {  	v52 =	vsub.s32 v52, v0  }
0xbc: {  	vm13 =	vgt.s32 v52, $0x0  }
0xbd: {  	v52 =	vnsel vm13, $0x0, v52  }
0xbe: {  	v52 =	vmin.u32 v52, $0x13F  }
0xbf: {  	[tilespmem:$0x32D0] =	vst v52  }
0xc0: {  	v52 =	vld [tilespmem:s0+$0x1960];
	_ =	sdelay $0x4  }
0xc1: {  	[tilespmem:$0x3260] =	vst v52  }
0xc2: {  	v52 =	vld [tilespmem:s0+$0x25E0];
	_ =	sdelay $0x4  }
0xc3: {  	v52 =	vsub.s32 v52, v0  }
0xc4: {  	vm14 =	vgt.s32 v52, $0x0  }
0xc5: {  	v52 =	vnsel vm14, $0x0, v52  }
0xc6: {  	v52 =	vmin.u32 v52, $0x13F  }
0xc7: {  	[tilespmem:$0x32E0] =	vst v52  }
0xc8: {  	v52 =	vld [tilespmem:s0+$0x1970];
	_ =	sdelay $0x4  }
0xc9: {  	[tilespmem:$0x3270] =	vst v52  }
0xca: {  	v52 =	vld [tilespmem:s0+$0x25F0];
	_ =	sdelay $0x4  }
0xcb: {  	v52 =	vsub.s32 v52, v0  }
0xcc: {  	vm15 =	vgt.s32 v52, $0x0  }
0xcd: {  	v52 =	vnsel vm15, $0x0, v52  }
0xce: {  	v52 =	vmin.u32 v52, $0x13F  }
0xcf: {  	v62 =	vmov s31;
	[tilespmem:$0x32F0] =	vst v52  }
0xd0: {  	[tilespmem:s20], [sflag:$0x1] =	stream.indirect.gather [hbm4b:s4+s18], $0x80, s19, s18, $0xb8;
	[tilespmem:$0x1F580] =	vst v63  }
0xd1: {  	_ =	swait.ge [sflag:s17], $0x4000  }
0xd2: {  	[sflag:s17] =	ssyncset.done $0x0  }
0xd3: {  	[sflag:s17] =	ssyncadd.s32 $0xFFFFC000  }
0xd4: {  	v52 =	vld.idx.msk [tilespmem:v62+s21+$0x0], $0xffff;
	_ =	sdelay $0x4  }
0xd5: {  	v52 =	vshll.u32 v52, $0x7  }
0xd6: {  	v53 =	vor.u32 v3, v52;
	_ =	sdelay $0x1  }
0xd7: {  	v54 =	vor.u32 v4, v52  }
0xd8: {  	s2 =	simm.s32 $0x3340  }
0xd9: {  	v56 =	vld [tilespmem:s2+$0xFFFFFFC0];
	v55 =	vor.u32 v5, v52  }
0xda: {  	v57 =	vor.u32 v7, v52;
	v53 =	vld.idx.msk [tilespmem:v53+s13+$0x0], $0xffff  }
0xdb: {  	v58 =	vld [tilespmem:s2+$0xFFFFFFD0]  }
0xdc: {  	v59 =	vor.u32 v8, v52;
	v54 =	vld.idx.msk [tilespmem:v54+s13+$0x0], $0xffff  }
0xdd: {  	v60 =	vld [tilespmem:s2+$0xFFFFFFE0]  }
0xde: {  	v61 =	vor.u32 v9, v52;
	v55 =	vld.idx.msk [tilespmem:v55+s13+$0x0], $0xffff  }
0xdf: {  	v53 =	vadd.f32 v56, v53;
	v56 =	vld.idx.msk [tilespmem:v57+s13+$0x0], $0xffff  }
0xe0: {  	v62 =	vor.u32 v10, v52;
	v57 =	vld [tilespmem:s2+$0xFFFFFFF0]  }
0xe1: {  	v54 =	vadd.f32 v58, v54;
	v58 =	vld.idx.msk [tilespmem:v59+s13+$0x0], $0xffff;
	v63 =	vmul.f32 $2.000000030e-01, v53  }
0xe2: {  	v52 =	vor.u32 v11, v52;
	v59 =	vld [tilespmem:s2+$0x0]  }
0xe3: {  	v55 =	vadd.f32 v60, v55;
	v60 =	vld.idx.msk [tilespmem:v61+s13+$0x0], $0xffff;
	v53 =	vmax.f32 v53, v63;
	v63 =	vmul.f32 $2.000000030e-01, v54  }
0xe4: {  	v61 =	vld [tilespmem:s2+$0x10];
	v53 =	vmul.f32 v53, v43  }
0xe5: {  	v56 =	vadd.f32 v57, v56;
	v57 =	vld.idx.msk [tilespmem:v62+s13+$0x0], $0xffff;
	v54 =	vmax.f32 v54, v63;
	v63 =	vmul.f32 $2.000000030e-01, v55  }
0xe6: {  	v62 =	vld [tilespmem:s2+$0x20];
	v53 =	vadd.f32 $0.0e+00, v53;
	v54 =	vmul.f32 v54, v44  }
0xe7: {  	v52 =	vld.idx.msk [tilespmem:v52+s13+$0x0], $0xffff;
	v58 =	vadd.f32 v59, v58;
	v55 =	vmax.f32 v55, v63;
	v63 =	vmul.f32 $2.000000030e-01, v56  }
0xe8: {  	v53 =	vadd.f32 v54, v53;
	v54 =	vmul.f32 v55, v45;
	v55 =	vld [tilespmem:s2+$0x30]  }
0xe9: {  	v60 =	vadd.f32 v61, v60;
	v59 =	vmul.f32 $2.000000030e-01, v58;
	v56 =	vmax.f32 v56, v63  }
0xea: {  	v53 =	vadd.f32 v54, v53;
	v54 =	vmul.f32 v56, v46  }
0xeb: {  	v61 =	vmul.f32 $2.000000030e-01, v60;
	v63 =	vmax.f32 v58, v59;
	v57 =	vadd.f32 v62, v57  }
0xec: {  	v62 =	vmul.f32 v63, v47;
	v53 =	vadd.f32 v54, v53  }
0xed: {  	v63 =	vmax.f32 v60, v61;
	v60 =	vmul.f32 $2.000000030e-01, v57;
	v52 =	vadd.f32 v55, v52  }
0xee: {  	v61 =	vmul.f32 v63, v48;
	v53 =	vadd.f32 v62, v53  }
0xef: {  	v62 =	vmax.f32 v57, v60;
	v63 =	vmul.f32 $2.000000030e-01, v52  }
0xf0: {  	v58 =	vmul.f32 v62, v49;
	v53 =	vadd.f32 v61, v53  }
0xf1: {  	s11 =	simm.s32 $0x1;
	v52 =	vmax.f32 v52, v63  }
0xf2: {  	v59 =	vmov s11;
	v53 =	vadd.f32 v58, v53;
	v52 =	vmul.f32 v52, v50;
	_ =	sdelay $0x1  }
0xf3: {  	v52 =	vadd.f32 v52, v53  }
0xf4: {  	s2 =	simm.s32 $0x11300  }
0xf5: {  	[tilespmem:s2+$0x0] =	vst v52  }
0xf6: {  	v52 =	vld.idx.msk [tilespmem:v59+s21+$0x0], $0xffff;
	_ =	sdelay $0x4  }
0xf7: {  	v52 =	vshll.u32 v52, $0x7  }
0xf8: {  	v60 =	vor.u32 v3, v52;
	_ =	sdelay $0x1  }
0xf9: {  	v61 =	vor.u32 v4, v52  }
0xfa: {  	s11 =	simm.s32 $0x33C0;
	v62 =	vor.u32 v5, v52  }
0xfb: {  	v56 =	vld [tilespmem:s11+$0xFFFFFFC0]  }
0xfc: {  	v57 =	vor.u32 v7, v52;
	v53 =	vld.idx.msk [tilespmem:v60+s13+$0x0], $0xffff  }
0xfd: {  	v58 =	vld [tilespmem:s11+$0xFFFFFFD0]  }
0xfe: {  	v59 =	vor.u32 v8, v52;
	v54 =	vld.idx.msk [tilespmem:v61+s13+$0x0], $0xffff  }
0xff: {  	v55 =	vld.idx.msk [tilespmem:v62+s13+$0x0], $0xffff  }
0x100: {  	v60 =	vld [tilespmem:s11+$0xFFFFFFE0];
	v61 =	vor.u32 v9, v52  }
0x101: {  	v53 =	vadd.f32 v56, v53;
	v56 =	vld.idx.msk [tilespmem:v57+s13+$0x0], $0xffff  }
0x102: {  	v62 =	vor.u32 v10, v52;
	v57 =	vld [tilespmem:s11+$0xFFFFFFF0]  }
0x103: {  	v54 =	vadd.f32 v58, v54;
	v58 =	vld.idx.msk [tilespmem:v59+s13+$0x0], $0xffff;
	v63 =	vmul.f32 $2.000000030e-01, v53  }
0x104: {  	v52 =	vor.u32 v11, v52;
	v59 =	vld [tilespmem:s11+$0x0]  }
0x105: {  	v55 =	vadd.f32 v60, v55;
	v60 =	vld.idx.msk [tilespmem:v61+s13+$0x0], $0xffff;
	v53 =	vmax.f32 v53, v63;
	v63 =	vmul.f32 $2.000000030e-01, v54  }
0x106: {  	v61 =	vld [tilespmem:s11+$0x10];
	v53 =	vmul.f32 v53, v43  }
0x107: {  	v56 =	vadd.f32 v57, v56;
	v57 =	vld.idx.msk [tilespmem:v62+s13+$0x0], $0xffff;
	v54 =	vmax.f32 v54, v63;
	v63 =	vmul.f32 $2.000000030e-01, v55  }
0x108: {  	v62 =	vld [tilespmem:s11+$0x20];
	v53 =	vadd.f32 $0.0e+00, v53;
	v54 =	vmul.f32 v54, v44  }
0x109: {  	v52 =	vld.idx.msk [tilespmem:v52+s13+$0x0], $0xffff;
	v58 =	vadd.f32 v59, v58;
	v55 =	vmax.f32 v55, v63;
	v63 =	vmul.f32 $2.000000030e-01, v56  }
0x10a: {  	v53 =	vadd.f32 v54, v53;
	v54 =	vmul.f32 v55, v45;
	v55 =	vld [tilespmem:s11+$0x30]  }
0x10b: {  	v60 =	vadd.f32 v61, v60;
	v59 =	vmul.f32 $2.000000030e-01, v58;
	v56 =	vmax.f32 v56, v63  }
0x10c: {  	v53 =	vadd.f32 v54, v53;
	v54 =	vmul.f32 v56, v46  }
0x10d: {  	v61 =	vmul.f32 $2.000000030e-01, v60;
	v63 =	vmax.f32 v58, v59;
	v57 =	vadd.f32 v62, v57  }
0x10e: {  	v63 =	vmul.f32 v63, v47;
	v53 =	vadd.f32 v54, v53  }
0x10f: {  	v61 =	vmax.f32 v60, v61;
	v62 =	vmul.f32 $2.000000030e-01, v57;
	v52 =	vadd.f32 v55, v52  }
0x110: {  	v53 =	vadd.f32 v63, v53;
	v63 =	vmul.f32 v61, v48  }
0x111: {  	v60 =	vmax.f32 v57, v62;
	v61 =	vmul.f32 $2.000000030e-01, v52  }
0x112: {  	v62 =	vmul.f32 v60, v49;
	v53 =	vadd.f32 v63, v53  }
0x113: {  	s3 =	simm.s32 $0x2;
	v63 =	vmax.f32 v52, v61  }
0x114: {  	v52 =	vmov s3;
	s3 =	simm.s32 $0x3;
	v53 =	vadd.f32 v62, v53;
	v54 =	vmul.f32 v63, v50  }
.LBB2_11:
0x115: {  	p0 =	sne.s32 s3, $0x7F  }
0x116: {  	v53 =	vadd.f32 v54, v53  }
0x117: {  	s2 =	sadd.s32 $0x80, s2  }
0x118: {  	[tilespmem:s2+$0x0] =	vst v53  }
0x119: {  	v52 =	vld.idx.msk [tilespmem:v52+s21+$0x0], $0xffff;
	_ =	sdelay $0x5  }
0x11a: {  	v52 =	vshll.u32 v52, $0x7  }
0x11b: {  	v53 =	vor.u32 v3, v52;
	_ =	sdelay $0x1  }
0x11c: {  	v54 =	vor.u32 v4, v52;
	_ =	sdelay $0x1  }
0x11d: {  	v55 =	vor.u32 v5, v52  }
0x11e: {  	s11 =	sadd.s32 $0x80, s11;
	v53 =	vld.idx.msk [tilespmem:v53+s13+$0x0], $0xffff  }
0x11f: {  	v57 =	vor.u32 v7, v52;
	v56 =	vld [tilespmem:s11+$0xFFFFFFC0]  }
0x120: {  	v54 =	vld.idx.msk [tilespmem:v54+s13+$0x0], $0xffff  }
0x121: {  	v59 =	vor.u32 v8, v52;
	v58 =	vld [tilespmem:s11+$0xFFFFFFD0]  }
0x122: {  	v55 =	vld.idx.msk [tilespmem:v55+s13+$0x0], $0xffff  }
0x123: {  	v61 =	vor.u32 v9, v52;
	v60 =	vld [tilespmem:s11+$0xFFFFFFE0]  }
0x124: {  	v53 =	vadd.f32 v56, v53;
	v56 =	vld.idx.msk [tilespmem:v57+s13+$0x0], $0xffff  }
0x125: {  	v62 =	vor.u32 v10, v52;
	v57 =	vld [tilespmem:s11+$0xFFFFFFF0]  }
0x126: {  	v63 =	vmul.f32 $2.000000030e-01, v53;
	v54 =	vadd.f32 v58, v54;
	v58 =	vld.idx.msk [tilespmem:v59+s13+$0x0], $0xffff  }
0x127: {  	v52 =	vor.u32 v11, v52;
	v59 =	vld [tilespmem:s11+$0x0]  }
0x128: {  	v53 =	vmax.f32 v53, v63;
	v63 =	vmul.f32 $2.000000030e-01, v54;
	v55 =	vadd.f32 v60, v55;
	v60 =	vld.idx.msk [tilespmem:v61+s13+$0x0], $0xffff  }
0x129: {  	v53 =	vmul.f32 v53, v43;
	v61 =	vld [tilespmem:s11+$0x10]  }
0x12a: {  	v54 =	vmax.f32 v54, v63;
	v63 =	vmul.f32 $2.000000030e-01, v55;
	v56 =	vadd.f32 v57, v56;
	v57 =	vld.idx.msk [tilespmem:v62+s13+$0x0], $0xffff  }
0x12b: {  	v53 =	vadd.f32 $0.0e+00, v53;
	v54 =	vmul.f32 v54, v44;
	v62 =	vld [tilespmem:s11+$0x20]  }
0x12c: {  	v55 =	vmax.f32 v55, v63;
	v63 =	vmul.f32 $2.000000030e-01, v56;
	v58 =	vadd.f32 v59, v58;
	v52 =	vld.idx.msk [tilespmem:v52+s13+$0x0], $0xffff  }
0x12d: {  	v53 =	vadd.f32 v54, v53;
	v54 =	vmul.f32 v55, v45;
	v55 =	vld [tilespmem:s11+$0x30]  }
0x12e: {  	v56 =	vmax.f32 v56, v63;
	v59 =	vmul.f32 $2.000000030e-01, v58;
	v60 =	vadd.f32 v61, v60  }
0x12f: {  	v53 =	vadd.f32 v54, v53;
	v54 =	vmul.f32 v56, v46  }
0x130: {  	v56 =	vmax.f32 v58, v59;
	v58 =	vmul.f32 $2.000000030e-01, v60;
	v57 =	vadd.f32 v62, v57  }
0x131: {  	v53 =	vadd.f32 v54, v53;
	v54 =	vmul.f32 v56, v47  }
0x132: {  	v56 =	vmax.f32 v60, v58;
	v58 =	vmul.f32 $2.000000030e-01, v57;
	v52 =	vadd.f32 v55, v52  }
.Ltmp8:
0x133: {  	v53 =	vadd.f32 v54, v53;
	v54 =	vmul.f32 v56, v48;
	(pc) =	sbr.rel @p0 .LBB2_11-.Ltmp8, $4  }
0x134: {  	v55 =	vmax.f32 v57, v58;
	v56 =	vmul.f32 $2.000000030e-01, v52  }
0x135: {  	v53 =	vadd.f32 v54, v53;
	v54 =	vmul.f32 v55, v49  }
0x136: {  	v55 =	vmax.f32 v52, v56  }
0x137: {  	v52 =	vmov s3;
	s3 =	sadd.s32 $0x1, s3;
	v53 =	vadd.f32 v54, v53;
	v54 =	vmul.f32 v55, v50  }
0x138: {  	_ = 	snop  }
0x139: {  	v53 =	vadd.f32 v54, v53  }
0x13a: {  	s2 =	sadd.s32 $0x80, s2  }
0x13b: {  	[tilespmem:s2+$0x0] =	vst v53  }
0x13c: {  	v52 =	vld.idx.msk [tilespmem:v52+s21+$0x0], $0xffff;
	_ =	sdelay $0x4  }
0x13d: {  	v52 =	vshll.u32 v52, $0x7  }
0x13e: {  	v61 =	vor.u32 v3, v52;
	_ =	sdelay $0x1  }
0x13f: {  	v62 =	vor.u32 v4, v52  }
0x140: {  	s3 =	sadd.s32 $0x80, s11  }
0x141: {  	v56 =	vld [tilespmem:s3+$0xFFFFFFC0];
	v55 =	vor.u32 v5, v52  }
0x142: {  	v57 =	vor.u32 v7, v52;
	v53 =	vld.idx.msk [tilespmem:v61+s13+$0x0], $0xffff  }
0x143: {  	v58 =	vld [tilespmem:s3+$0xFFFFFFD0]  }
0x144: {  	v59 =	vor.u32 v8, v52;
	v54 =	vld.idx.msk [tilespmem:v62+s13+$0x0], $0xffff  }
0x145: {  	v60 =	vld [tilespmem:s3+$0xFFFFFFE0]  }
0x146: {  	v55 =	vld.idx.msk [tilespmem:v55+s13+$0x0], $0xffff;
	v61 =	vor.u32 v9, v52  }
0x147: {  	v53 =	vadd.f32 v56, v53;
	v56 =	vld.idx.msk [tilespmem:v57+s13+$0x0], $0xffff  }
0x148: {  	v62 =	vor.u32 v10, v52;
	v57 =	vld [tilespmem:s3+$0xFFFFFFF0]  }
0x149: {  	v54 =	vadd.f32 v58, v54;
	v58 =	vld.idx.msk [tilespmem:v59+s13+$0x0], $0xffff;
	v63 =	vmul.f32 $2.000000030e-01, v53  }
0x14a: {  	v52 =	vor.u32 v11, v52;
	v59 =	vld [tilespmem:s3+$0x0]  }
0x14b: {  	v55 =	vadd.f32 v60, v55;
	v60 =	vld.idx.msk [tilespmem:v61+s13+$0x0], $0xffff;
	v53 =	vmax.f32 v53, v63;
	v63 =	vmul.f32 $2.000000030e-01, v54  }
0x14c: {  	v61 =	vld [tilespmem:s3+$0x10];
	v53 =	vmul.f32 v53, v43  }
0x14d: {  	v56 =	vadd.f32 v57, v56;
	v57 =	vld.idx.msk [tilespmem:v62+s13+$0x0], $0xffff;
	v54 =	vmax.f32 v54, v63;
	v63 =	vmul.f32 $2.000000030e-01, v55  }
0x14e: {  	v62 =	vld [tilespmem:s3+$0x20];
	v53 =	vadd.f32 $0.0e+00, v53;
	v54 =	vmul.f32 v54, v44  }
0x14f: {  	v52 =	vld.idx.msk [tilespmem:v52+s13+$0x0], $0xffff;
	v58 =	vadd.f32 v59, v58;
	v55 =	vmax.f32 v55, v63;
	v63 =	vmul.f32 $2.000000030e-01, v56  }
0x150: {  	v53 =	vadd.f32 v54, v53;
	v54 =	vmul.f32 v55, v45;
	v55 =	vld [tilespmem:s3+$0x30]  }
0x151: {  	v60 =	vadd.f32 v61, v60;
	v59 =	vmul.f32 $2.000000030e-01, v58;
	v56 =	vmax.f32 v56, v63  }
0x152: {  	v53 =	vadd.f32 v54, v53;
	v54 =	vmul.f32 v56, v46  }
0x153: {  	v61 =	vmul.f32 $2.000000030e-01, v60;
	v63 =	vmax.f32 v58, v59;
	v57 =	vadd.f32 v62, v57  }
0x154: {  	v62 =	vmul.f32 v63, v47;
	v53 =	vadd.f32 v54, v53  }
0x155: {  	v63 =	vmax.f32 v60, v61;
	v60 =	vmul.f32 $2.000000030e-01, v57;
	v52 =	vadd.f32 v55, v52  }
0x156: {  	v61 =	vmul.f32 v63, v48;
	v53 =	vadd.f32 v62, v53  }
0x157: {  	v62 =	vmax.f32 v57, v60;
	v63 =	vmul.f32 $2.000000030e-01, v52  }
0x158: {  	v59 =	vmul.f32 v62, v49;
	v53 =	vadd.f32 v61, v53  }
0x159: {  	v52 =	vmax.f32 v52, v63  }
0x15a: {  	v53 =	vadd.f32 v59, v53;
	v52 =	vmul.f32 v52, v50;
	_ =	sdelay $0x1  }
0x15b: {  	v52 =	vadd.f32 v52, v53  }
0x15c: {  	s2 =	sadd.s32 $0x80, s2  }
0x15d: {  	[tilespmem:s2+$0x0] =	vst v52  }
0x15e: {  	v52 =	vld.idx.msk [tilespmem:v6+s22+$0x0], $0xffff;
	_ =	sdelay $0x1  }
0x15f: {  	v60 =	vld.idx.msk [tilespmem:v12+s22+$0x0], $0xffff;
	_ =	sdelay $0x1  }
0x160: {  	v61 =	vld.idx.msk [tilespmem:v13+s22+$0x0], $0xffff  }
0x161: {  	v52 =	vadd.f32 $0.0e+00, v52  }
0x162: {  	v62 =	vld.idx.msk [tilespmem:v14+s22+$0x0], $0xffff  }
0x163: {  	v52 =	vadd.f32 v60, v52  }
0x164: {  	v63 =	vld.idx.msk [tilespmem:v15+s22+$0x0], $0xffff  }
0x165: {  	v52 =	vadd.f32 v61, v52  }
0x166: {  	v57 =	vld.idx.msk [tilespmem:v16+s22+$0x0], $0xffff  }
0x167: {  	v52 =	vadd.f32 v62, v52  }
0x168: {  	v58 =	vld.idx.msk [tilespmem:v17+s22+$0x0], $0xffff  }
0x169: {  	v52 =	vadd.f32 v63, v52  }
0x16a: {  	v59 =	vld.idx.msk [tilespmem:v18+s22+$0x0], $0xffff  }
0x16b: {  	v52 =	vadd.f32 v57, v52  }
0x16c: {  	v60 =	vld.idx.msk [tilespmem:v19+s22+$0x0], $0xffff  }
0x16d: {  	v52 =	vadd.f32 v58, v52  }
0x16e: {  	v61 =	vld.idx.msk [tilespmem:v20+s22+$0x0], $0xffff  }
0x16f: {  	v52 =	vadd.f32 v59, v52  }
0x170: {  	v62 =	vld.idx.msk [tilespmem:v21+s22+$0x0], $0xffff  }
0x171: {  	v52 =	vadd.f32 v60, v52  }
0x172: {  	v63 =	vld.idx.msk [tilespmem:v22+s22+$0x0], $0xffff  }
0x173: {  	v52 =	vadd.f32 v61, v52  }
0x174: {  	v57 =	vld.idx.msk [tilespmem:v23+s22+$0x0], $0xffff  }
0x175: {  	v52 =	vadd.f32 v62, v52  }
0x176: {  	v58 =	vld.idx.msk [tilespmem:v24+s22+$0x0], $0xffff  }
0x177: {  	v52 =	vadd.f32 v63, v52  }
0x178: {  	v59 =	vld.idx.msk [tilespmem:v25+s22+$0x0], $0xffff  }
0x179: {  	v52 =	vadd.f32 v57, v52  }
0x17a: {  	v60 =	vld.idx.msk [tilespmem:v26+s22+$0x0], $0xffff  }
0x17b: {  	v52 =	vadd.f32 v58, v52;
	_ =	sdelay $0x1  }
0x17c: {  	v52 =	vadd.f32 v59, v52;
	_ =	sdelay $0x1  }
0x17d: {  	v52 =	vadd.f32 v60, v52;
	_ =	sdelay $0x1  }
0x17e: {  	v52 =	vmul.f32 $1.562500000e-02, v52;
	_ =	sdelay $0x1  }
0x17f: {  	v61 =	vmul.f32 $8.333333770e-03, v52;
	_ =	sdelay $0x1  }
0x180: {  	v53 =	vadd.f32 $4.166666790e-02, v61;
	_ =	sdelay $0x1  }
0x181: {  	v53 =	vmul.f32 v53, v52;
	_ =	sdelay $0x1  }
0x182: {  	v53 =	vadd.f32 $1.666666720e-01, v53;
	_ =	sdelay $0x1  }
0x183: {  	v53 =	vmul.f32 v53, v52;
	_ =	sdelay $0x1  }
0x184: {  	v53 =	vadd.f32 $5.000000000e-01, v53;
	_ =	sdelay $0x1  }
0x185: {  	v53 =	vmul.f32 v53, v52;
	_ =	sdelay $0x1  }
0x186: {  	v53 =	vadd.f32 $1.000000000e+00, v53;
	_ =	sdelay $0x1  }
0x187: {  	v52 =	vmul.f32 v53, v52;
	_ =	sdelay $0x1  }
0x188: {  	v52 =	vadd.f32 $1.000000000e+00, v52;
	_ =	sdelay $0x1  }
0x189: {  	v52 =	vmul.f32 v52, v52;
	_ =	sdelay $0x1  }
0x18a: {  	v52 =	vmul.f32 v52, v52;
	_ =	sdelay $0x1  }
0x18b: {  	v52 =	vmul.f32 v52, v52;
	_ =	sdelay $0x1  }
0x18c: {  	v52 =	vmul.f32 v52, v52;
	_ =	sdelay $0x1  }
0x18d: {  	v52 =	vmul.f32 v52, v52;
	_ =	sdelay $0x1  }
0x18e: {  	v62 =	vor.u32 s0, v3;
	v52 =	vmul.f32 v52, v52  }
0x18f: {  	vm0 =	vlt.s32 v62, v51  }
0x190: {  	v52 =	vnsel vm0, $0x0, v52  }
0x191: {  	[tilespmem:$0x15300] =	vst v52  }
0x192: {  	v52 =	vld.idx.msk [tilespmem:v27+s22+$0x0], $0xffff;
	_ =	sdelay $0x1  }
0x193: {  	v63 =	vld.idx.msk [tilespmem:v28+s22+$0x0], $0xffff;
	_ =	sdelay $0x1  }
0x194: {  	v57 =	vld.idx.msk [tilespmem:v29+s22+$0x0], $0xffff  }
0x195: {  	v52 =	vadd.f32 $0.0e+00, v52  }
0x196: {  	v58 =	vld.idx.msk [tilespmem:v30+s22+$0x0], $0xffff  }
0x197: {  	v52 =	vadd.f32 v63, v52  }
0x198: {  	v59 =	vld.idx.msk [tilespmem:v31+s22+$0x0], $0xffff  }
0x199: {  	v52 =	vadd.f32 v57, v52  }
0x19a: {  	v60 =	vld.idx.msk [tilespmem:v32+s22+$0x0], $0xffff  }
0x19b: {  	v52 =	vadd.f32 v58, v52  }
0x19c: {  	v61 =	vld.idx.msk [tilespmem:v33+s22+$0x0], $0xffff  }
0x19d: {  	v52 =	vadd.f32 v59, v52  }
0x19e: {  	v62 =	vld.idx.msk [tilespmem:v34+s22+$0x0], $0xffff  }
0x19f: {  	v52 =	vadd.f32 v60, v52  }
0x1a0: {  	v63 =	vld.idx.msk [tilespmem:v35+s22+$0x0], $0xffff  }
0x1a1: {  	v52 =	vadd.f32 v61, v52  }
0x1a2: {  	v57 =	vld.idx.msk [tilespmem:v36+s22+$0x0], $0xffff  }
0x1a3: {  	v52 =	vadd.f32 v62, v52  }
0x1a4: {  	v58 =	vld.idx.msk [tilespmem:v37+s22+$0x0], $0xffff  }
0x1a5: {  	v52 =	vadd.f32 v63, v52  }
0x1a6: {  	v59 =	vld.idx.msk [tilespmem:v38+s22+$0x0], $0xffff  }
0x1a7: {  	v52 =	vadd.f32 v57, v52  }
0x1a8: {  	v60 =	vld.idx.msk [tilespmem:v39+s22+$0x0], $0xffff  }
0x1a9: {  	v52 =	vadd.f32 v58, v52  }
0x1aa: {  	v61 =	vld.idx.msk [tilespmem:v40+s22+$0x0], $0xffff  }
0x1ab: {  	v52 =	vadd.f32 v59, v52  }
0x1ac: {  	v62 =	vld.idx.msk [tilespmem:v41+s22+$0x0], $0xffff  }
0x1ad: {  	v52 =	vadd.f32 v60, v52  }
0x1ae: {  	v63 =	vld.idx.msk [tilespmem:v42+s22+$0x0], $0xffff  }
0x1af: {  	v52 =	vadd.f32 v61, v52;
	_ =	sdelay $0x1  }
0x1b0: {  	v52 =	vadd.f32 v62, v52;
	_ =	sdelay $0x1  }
0x1b1: {  	v52 =	vadd.f32 v63, v52;
	_ =	sdelay $0x1  }
0x1b2: {  	v52 =	vmul.f32 $1.562500000e-02, v52;
	_ =	sdelay $0x1  }
0x1b3: {  	v57 =	vmul.f32 $8.333333770e-03, v52;
	_ =	sdelay $0x1  }
0x1b4: {  	v53 =	vadd.f32 $4.166666790e-02, v57;
	_ =	sdelay $0x1  }
0x1b5: {  	v53 =	vmul.f32 v53, v52;
	_ =	sdelay $0x1  }
0x1b6: {  	v53 =	vadd.f32 $1.666666720e-01, v53;
	_ =	sdelay $0x1  }
0x1b7: {  	v53 =	vmul.f32 v53, v52;
	_ =	sdelay $0x1  }
0x1b8: {  	v53 =	vadd.f32 $5.000000000e-01, v53;
	_ =	sdelay $0x1  }
0x1b9: {  	v53 =	vmul.f32 v53, v52;
	_ =	sdelay $0x1  }
0x1ba: {  	v53 =	vadd.f32 $1.000000000e+00, v53;
	_ =	sdelay $0x1  }
0x1bb: {  	v52 =	vmul.f32 v53, v52;
	_ =	sdelay $0x1  }
0x1bc: {  	v52 =	vadd.f32 $1.000000000e+00, v52;
	_ =	sdelay $0x1  }
0x1bd: {  	v52 =	vmul.f32 v52, v52;
	_ =	sdelay $0x1  }
0x1be: {  	v52 =	vmul.f32 v52, v52;
	_ =	sdelay $0x1  }
0x1bf: {  	v52 =	vmul.f32 v52, v52;
	_ =	sdelay $0x1  }
0x1c0: {  	v52 =	vmul.f32 v52, v52;
	_ =	sdelay $0x1  }
0x1c1: {  	v52 =	vmul.f32 v52, v52  }
0x1c2: {  	v58 =	vor.u32 $0x1000, v6  }
0x1c3: {  	v59 =	vor.u32 s0, v4;
	v52 =	vmul.f32 v52, v52  }
0x1c4: {  	vm9 =	vlt.s32 v59, v51;
	v60 =	vor.u32 $0x1001, v6  }
0x1c5: {  	v52 =	vnsel vm9, $0x0, v52  }
0x1c6: {  	v61 =	vor.u32 $0x1002, v6;
	[tilespmem:$0x15310] =	vst v52  }
0x1c7: {  	v53 =	vld.idx.msk [tilespmem:v58+s22+$0x0], $0xffff  }
0x1c8: {  	v62 =	vor.u32 $0x1003, v6  }
0x1c9: {  	v54 =	vld.idx.msk [tilespmem:v60+s22+$0x0], $0xffff  }
0x1ca: {  	v63 =	vor.u32 $0x1004, v6  }
0x1cb: {  	v52 =	vld.idx.msk [tilespmem:v61+s22+$0x0], $0xffff  }
0x1cc: {  	v60 =	vor.u32 $0x1005, v6;
	v53 =	vadd.f32 $0.0e+00, v53  }
0x1cd: {  	v55 =	vld.idx.msk [tilespmem:v62+s22+$0x0], $0xffff  }
0x1ce: {  	v61 =	vor.u32 $0x1006, v6;
	v53 =	vadd.f32 v54, v53  }
0x1cf: {  	v56 =	vld.idx.msk [tilespmem:v63+s22+$0x0], $0xffff  }
0x1d0: {  	v62 =	vor.u32 $0x1007, v6;
	v52 =	vadd.f32 v52, v53  }
0x1d1: {  	v57 =	vld.idx.msk [tilespmem:v60+s22+$0x0], $0xffff  }
0x1d2: {  	v63 =	vor.u32 $0x1008, v6;
	v52 =	vadd.f32 v55, v52  }
0x1d3: {  	v54 =	vld.idx.msk [tilespmem:v61+s22+$0x0], $0xffff  }
0x1d4: {  	v60 =	vor.u32 $0x1009, v6;
	v52 =	vadd.f32 v56, v52  }
0x1d5: {  	v53 =	vld.idx.msk [tilespmem:v62+s22+$0x0], $0xffff  }
0x1d6: {  	v61 =	vor.u32 $0x100A, v6;
	v52 =	vadd.f32 v57, v52  }
0x1d7: {  	v55 =	vld.idx.msk [tilespmem:v63+s22+$0x0], $0xffff  }
0x1d8: {  	v62 =	vor.u32 $0x100B, v6;
	v52 =	vadd.f32 v54, v52  }
0x1d9: {  	v56 =	vld.idx.msk [tilespmem:v60+s22+$0x0], $0xffff  }
0x1da: {  	v63 =	vor.u32 $0x100C, v6;
	v52 =	vadd.f32 v53, v52  }
0x1db: {  	v57 =	vld.idx.msk [tilespmem:v61+s22+$0x0], $0xffff  }
0x1dc: {  	v60 =	vor.u32 $0x100D, v6;
	v52 =	vadd.f32 v55, v52  }
0x1dd: {  	v54 =	vld.idx.msk [tilespmem:v62+s22+$0x0], $0xffff  }
0x1de: {  	v61 =	vor.u32 $0x100E, v6;
	v52 =	vadd.f32 v56, v52  }
0x1df: {  	v53 =	vld.idx.msk [tilespmem:v63+s22+$0x0], $0xffff  }
0x1e0: {  	v62 =	vor.u32 $0x100F, v6;
	v52 =	vadd.f32 v57, v52  }
0x1e1: {  	v55 =	vld.idx.msk [tilespmem:v60+s22+$0x0], $0xffff  }
0x1e2: {  	v52 =	vadd.f32 v54, v52  }
0x1e3: {  	v63 =	vld.idx.msk [tilespmem:v61+s22+$0x0], $0xffff  }
0x1e4: {  	v52 =	vadd.f32 v53, v52  }
0x1e5: {  	v56 =	vld.idx.msk [tilespmem:v62+s22+$0x0], $0xffff  }
0x1e6: {  	v52 =	vadd.f32 v55, v52;
	_ =	sdelay $0x1  }
0x1e7: {  	v52 =	vadd.f32 v63, v52;
	_ =	sdelay $0x1  }
0x1e8: {  	v52 =	vadd.f32 v56, v52;
	_ =	sdelay $0x1  }
0x1e9: {  	v52 =	vmul.f32 $1.562500000e-02, v52;
	_ =	sdelay $0x1  }
0x1ea: {  	v57 =	vmul.f32 $8.333333770e-03, v52;
	_ =	sdelay $0x1  }
0x1eb: {  	v53 =	vadd.f32 $4.166666790e-02, v57;
	_ =	sdelay $0x1  }
0x1ec: {  	v53 =	vmul.f32 v53, v52;
	_ =	sdelay $0x1  }
0x1ed: {  	v53 =	vadd.f32 $1.666666720e-01, v53;
	_ =	sdelay $0x1  }
0x1ee: {  	v53 =	vmul.f32 v53, v52;
	_ =	sdelay $0x1  }
0x1ef: {  	v53 =	vadd.f32 $5.000000000e-01, v53;
	_ =	sdelay $0x1  }
0x1f0: {  	v53 =	vmul.f32 v53, v52;
	_ =	sdelay $0x1  }
0x1f1: {  	v53 =	vadd.f32 $1.000000000e+00, v53;
	_ =	sdelay $0x1  }
0x1f2: {  	v52 =	vmul.f32 v53, v52;
	_ =	sdelay $0x1  }
0x1f3: {  	v52 =	vadd.f32 $1.000000000e+00, v52;
	_ =	sdelay $0x1  }
0x1f4: {  	v52 =	vmul.f32 v52, v52;
	_ =	sdelay $0x1  }
0x1f5: {  	v52 =	vmul.f32 v52, v52;
	_ =	sdelay $0x1  }
0x1f6: {  	v52 =	vmul.f32 v52, v52;
	_ =	sdelay $0x1  }
0x1f7: {  	v52 =	vmul.f32 v52, v52;
	_ =	sdelay $0x1  }
0x1f8: {  	v52 =	vmul.f32 v52, v52  }
0x1f9: {  	v58 =	vor.u32 $0x1800, v6  }
0x1fa: {  	v59 =	vor.u32 s0, v5;
	v52 =	vmul.f32 v52, v52  }
0x1fb: {  	vm10 =	vlt.s32 v59, v51;
	v60 =	vor.u32 $0x1801, v6  }
0x1fc: {  	v52 =	vnsel vm10, $0x0, v52  }
0x1fd: {  	v61 =	vor.u32 $0x1802, v6;
	[tilespmem:$0x15320] =	vst v52  }
0x1fe: {  	v53 =	vld.idx.msk [tilespmem:v58+s22+$0x0], $0xffff  }
0x1ff: {  	v62 =	vor.u32 $0x1803, v6  }
0x200: {  	v54 =	vld.idx.msk [tilespmem:v60+s22+$0x0], $0xffff  }
0x201: {  	v63 =	vor.u32 $0x1804, v6  }
0x202: {  	v52 =	vld.idx.msk [tilespmem:v61+s22+$0x0], $0xffff  }
0x203: {  	v60 =	vor.u32 $0x1805, v6;
	v53 =	vadd.f32 $0.0e+00, v53  }
0x204: {  	v55 =	vld.idx.msk [tilespmem:v62+s22+$0x0], $0xffff  }
0x205: {  	v61 =	vor.u32 $0x1806, v6;
	v53 =	vadd.f32 v54, v53  }
0x206: {  	v56 =	vld.idx.msk [tilespmem:v63+s22+$0x0], $0xffff  }
0x207: {  	v62 =	vor.u32 $0x1807, v6;
	v52 =	vadd.f32 v52, v53  }
0x208: {  	v57 =	vld.idx.msk [tilespmem:v60+s22+$0x0], $0xffff  }
0x209: {  	v63 =	vor.u32 $0x1808, v6;
	v52 =	vadd.f32 v55, v52  }
0x20a: {  	v54 =	vld.idx.msk [tilespmem:v61+s22+$0x0], $0xffff  }
0x20b: {  	v60 =	vor.u32 $0x1809, v6;
	v52 =	vadd.f32 v56, v52  }
0x20c: {  	v53 =	vld.idx.msk [tilespmem:v62+s22+$0x0], $0xffff  }
0x20d: {  	v61 =	vor.u32 $0x180A, v6;
	v52 =	vadd.f32 v57, v52  }
0x20e: {  	v55 =	vld.idx.msk [tilespmem:v63+s22+$0x0], $0xffff  }
0x20f: {  	v62 =	vor.u32 $0x180B, v6;
	v52 =	vadd.f32 v54, v52  }
0x210: {  	v56 =	vld.idx.msk [tilespmem:v60+s22+$0x0], $0xffff  }
0x211: {  	v63 =	vor.u32 $0x180C, v6;
	v52 =	vadd.f32 v53, v52  }
0x212: {  	v57 =	vld.idx.msk [tilespmem:v61+s22+$0x0], $0xffff  }
0x213: {  	v60 =	vor.u32 $0x180D, v6;
	v52 =	vadd.f32 v55, v52  }
0x214: {  	v54 =	vld.idx.msk [tilespmem:v62+s22+$0x0], $0xffff  }
0x215: {  	v61 =	vor.u32 $0x180E, v6;
	v52 =	vadd.f32 v56, v52  }
0x216: {  	v53 =	vld.idx.msk [tilespmem:v63+s22+$0x0], $0xffff  }
0x217: {  	v62 =	vor.u32 $0x180F, v6;
	v52 =	vadd.f32 v57, v52  }
0x218: {  	v55 =	vld.idx.msk [tilespmem:v60+s22+$0x0], $0xffff  }
0x219: {  	v52 =	vadd.f32 v54, v52  }
0x21a: {  	v63 =	vld.idx.msk [tilespmem:v61+s22+$0x0], $0xffff  }
0x21b: {  	v52 =	vadd.f32 v53, v52  }
0x21c: {  	v56 =	vld.idx.msk [tilespmem:v62+s22+$0x0], $0xffff  }
0x21d: {  	v52 =	vadd.f32 v55, v52;
	_ =	sdelay $0x1  }
0x21e: {  	v52 =	vadd.f32 v63, v52;
	_ =	sdelay $0x1  }
0x21f: {  	v52 =	vadd.f32 v56, v52;
	_ =	sdelay $0x1  }
0x220: {  	v52 =	vmul.f32 $1.562500000e-02, v52;
	_ =	sdelay $0x1  }
0x221: {  	v57 =	vmul.f32 $8.333333770e-03, v52;
	_ =	sdelay $0x1  }
0x222: {  	v53 =	vadd.f32 $4.166666790e-02, v57;
	_ =	sdelay $0x1  }
0x223: {  	v53 =	vmul.f32 v53, v52;
	_ =	sdelay $0x1  }
0x224: {  	v53 =	vadd.f32 $1.666666720e-01, v53;
	_ =	sdelay $0x1  }
0x225: {  	v53 =	vmul.f32 v53, v52;
	_ =	sdelay $0x1  }
0x226: {  	v53 =	vadd.f32 $5.000000000e-01, v53;
	_ =	sdelay $0x1  }
0x227: {  	v53 =	vmul.f32 v53, v52;
	_ =	sdelay $0x1  }
0x228: {  	v53 =	vadd.f32 $1.000000000e+00, v53;
	_ =	sdelay $0x1  }
0x229: {  	v52 =	vmul.f32 v53, v52;
	_ =	sdelay $0x1  }
0x22a: {  	v52 =	vadd.f32 $1.000000000e+00, v52;
	_ =	sdelay $0x1  }
0x22b: {  	v52 =	vmul.f32 v52, v52;
	_ =	sdelay $0x1  }
0x22c: {  	v52 =	vmul.f32 v52, v52;
	_ =	sdelay $0x1  }
0x22d: {  	v52 =	vmul.f32 v52, v52;
	_ =	sdelay $0x1  }
0x22e: {  	v52 =	vmul.f32 v52, v52;
	_ =	sdelay $0x1  }
0x22f: {  	v52 =	vmul.f32 v52, v52  }
0x230: {  	v58 =	vor.u32 $0x2000, v6  }
0x231: {  	v59 =	vor.u32 s0, v7;
	v52 =	vmul.f32 v52, v52  }
0x232: {  	vm11 =	vlt.s32 v59, v51;
	v60 =	vor.u32 $0x2001, v6  }
0x233: {  	v52 =	vnsel vm11, $0x0, v52  }
0x234: {  	v61 =	vor.u32 $0x2002, v6;
	[tilespmem:$0x15330] =	vst v52  }
0x235: {  	v53 =	vld.idx.msk [tilespmem:v58+s22+$0x0], $0xffff  }
0x236: {  	v62 =	vor.u32 $0x2003, v6  }
0x237: {  	v54 =	vld.idx.msk [tilespmem:v60+s22+$0x0], $0xffff  }
0x238: {  	v63 =	vor.u32 $0x2004, v6  }
0x239: {  	v52 =	vld.idx.msk [tilespmem:v61+s22+$0x0], $0xffff  }
0x23a: {  	v60 =	vor.u32 $0x2005, v6;
	v53 =	vadd.f32 $0.0e+00, v53  }
0x23b: {  	v55 =	vld.idx.msk [tilespmem:v62+s22+$0x0], $0xffff  }
0x23c: {  	v61 =	vor.u32 $0x2006, v6;
	v53 =	vadd.f32 v54, v53  }
0x23d: {  	v56 =	vld.idx.msk [tilespmem:v63+s22+$0x0], $0xffff  }
0x23e: {  	v62 =	vor.u32 $0x2007, v6;
	v52 =	vadd.f32 v52, v53  }
0x23f: {  	v57 =	vld.idx.msk [tilespmem:v60+s22+$0x0], $0xffff  }
0x240: {  	v63 =	vor.u32 $0x2008, v6;
	v52 =	vadd.f32 v55, v52  }
0x241: {  	v54 =	vld.idx.msk [tilespmem:v61+s22+$0x0], $0xffff  }
0x242: {  	v60 =	vor.u32 $0x2009, v6;
	v52 =	vadd.f32 v56, v52  }
0x243: {  	v53 =	vld.idx.msk [tilespmem:v62+s22+$0x0], $0xffff  }
0x244: {  	v61 =	vor.u32 $0x200A, v6;
	v52 =	vadd.f32 v57, v52  }
0x245: {  	v55 =	vld.idx.msk [tilespmem:v63+s22+$0x0], $0xffff  }
0x246: {  	v62 =	vor.u32 $0x200B, v6;
	v52 =	vadd.f32 v54, v52  }
0x247: {  	v56 =	vld.idx.msk [tilespmem:v60+s22+$0x0], $0xffff  }
0x248: {  	v63 =	vor.u32 $0x200C, v6;
	v52 =	vadd.f32 v53, v52  }
0x249: {  	v57 =	vld.idx.msk [tilespmem:v61+s22+$0x0], $0xffff  }
0x24a: {  	v60 =	vor.u32 $0x200D, v6;
	v52 =	vadd.f32 v55, v52  }
0x24b: {  	v54 =	vld.idx.msk [tilespmem:v62+s22+$0x0], $0xffff  }
0x24c: {  	v61 =	vor.u32 $0x200E, v6;
	v52 =	vadd.f32 v56, v52  }
0x24d: {  	v53 =	vld.idx.msk [tilespmem:v63+s22+$0x0], $0xffff  }
0x24e: {  	v62 =	vor.u32 $0x200F, v6;
	v52 =	vadd.f32 v57, v52  }
0x24f: {  	v55 =	vld.idx.msk [tilespmem:v60+s22+$0x0], $0xffff  }
0x250: {  	v52 =	vadd.f32 v54, v52  }
0x251: {  	v63 =	vld.idx.msk [tilespmem:v61+s22+$0x0], $0xffff  }
0x252: {  	v52 =	vadd.f32 v53, v52  }
0x253: {  	v56 =	vld.idx.msk [tilespmem:v62+s22+$0x0], $0xffff  }
0x254: {  	v52 =	vadd.f32 v55, v52;
	_ =	sdelay $0x1  }
0x255: {  	v52 =	vadd.f32 v63, v52;
	_ =	sdelay $0x1  }
0x256: {  	v52 =	vadd.f32 v56, v52;
	_ =	sdelay $0x1  }
0x257: {  	v52 =	vmul.f32 $1.562500000e-02, v52;
	_ =	sdelay $0x1  }
0x258: {  	v57 =	vmul.f32 $8.333333770e-03, v52;
	_ =	sdelay $0x1  }
0x259: {  	v53 =	vadd.f32 $4.166666790e-02, v57;
	_ =	sdelay $0x1  }
0x25a: {  	v53 =	vmul.f32 v53, v52;
	_ =	sdelay $0x1  }
0x25b: {  	v53 =	vadd.f32 $1.666666720e-01, v53;
	_ =	sdelay $0x1  }
0x25c: {  	v53 =	vmul.f32 v53, v52;
	_ =	sdelay $0x1  }
0x25d: {  	v53 =	vadd.f32 $5.000000000e-01, v53;
	_ =	sdelay $0x1  }
0x25e: {  	v53 =	vmul.f32 v53, v52;
	_ =	sdelay $0x1  }
0x25f: {  	v53 =	vadd.f32 $1.000000000e+00, v53;
	_ =	sdelay $0x1  }
0x260: {  	v52 =	vmul.f32 v53, v52;
	_ =	sdelay $0x1  }
0x261: {  	v52 =	vadd.f32 $1.000000000e+00, v52;
	_ =	sdelay $0x1  }
0x262: {  	v52 =	vmul.f32 v52, v52;
	_ =	sdelay $0x1  }
0x263: {  	v52 =	vmul.f32 v52, v52;
	_ =	sdelay $0x1  }
0x264: {  	v52 =	vmul.f32 v52, v52;
	_ =	sdelay $0x1  }
0x265: {  	v52 =	vmul.f32 v52, v52;
	_ =	sdelay $0x1  }
0x266: {  	v52 =	vmul.f32 v52, v52  }
0x267: {  	v58 =	vor.u32 $0x2800, v6  }
0x268: {  	v59 =	vor.u32 s0, v8;
	v52 =	vmul.f32 v52, v52  }
0x269: {  	vm12 =	vlt.s32 v59, v51;
	v60 =	vor.u32 $0x2801, v6  }
0x26a: {  	v52 =	vnsel vm12, $0x0, v52  }
0x26b: {  	v61 =	vor.u32 $0x2802, v6;
	[tilespmem:$0x15340] =	vst v52  }
0x26c: {  	v53 =	vld.idx.msk [tilespmem:v58+s22+$0x0], $0xffff  }
0x26d: {  	v62 =	vor.u32 $0x2803, v6  }
0x26e: {  	v54 =	vld.idx.msk [tilespmem:v60+s22+$0x0], $0xffff  }
0x26f: {  	v63 =	vor.u32 $0x2804, v6  }
0x270: {  	v52 =	vld.idx.msk [tilespmem:v61+s22+$0x0], $0xffff  }
0x271: {  	v60 =	vor.u32 $0x2805, v6;
	v53 =	vadd.f32 $0.0e+00, v53  }
0x272: {  	v55 =	vld.idx.msk [tilespmem:v62+s22+$0x0], $0xffff  }
0x273: {  	v61 =	vor.u32 $0x2806, v6;
	v53 =	vadd.f32 v54, v53  }
0x274: {  	v56 =	vld.idx.msk [tilespmem:v63+s22+$0x0], $0xffff  }
0x275: {  	v62 =	vor.u32 $0x2807, v6;
	v52 =	vadd.f32 v52, v53  }
0x276: {  	v57 =	vld.idx.msk [tilespmem:v60+s22+$0x0], $0xffff  }
0x277: {  	v63 =	vor.u32 $0x2808, v6;
	v52 =	vadd.f32 v55, v52  }
0x278: {  	v54 =	vld.idx.msk [tilespmem:v61+s22+$0x0], $0xffff  }
0x279: {  	v60 =	vor.u32 $0x2809, v6;
	v52 =	vadd.f32 v56, v52  }
0x27a: {  	v53 =	vld.idx.msk [tilespmem:v62+s22+$0x0], $0xffff  }
0x27b: {  	v61 =	vor.u32 $0x280A, v6;
	v52 =	vadd.f32 v57, v52  }
0x27c: {  	v55 =	vld.idx.msk [tilespmem:v63+s22+$0x0], $0xffff  }
0x27d: {  	v62 =	vor.u32 $0x280B, v6;
	v52 =	vadd.f32 v54, v52  }
0x27e: {  	v56 =	vld.idx.msk [tilespmem:v60+s22+$0x0], $0xffff  }
0x27f: {  	v63 =	vor.u32 $0x280C, v6;
	v52 =	vadd.f32 v53, v52  }
0x280: {  	v57 =	vld.idx.msk [tilespmem:v61+s22+$0x0], $0xffff  }
0x281: {  	v60 =	vor.u32 $0x280D, v6;
	v52 =	vadd.f32 v55, v52  }
0x282: {  	v54 =	vld.idx.msk [tilespmem:v62+s22+$0x0], $0xffff  }
0x283: {  	v61 =	vor.u32 $0x280E, v6;
	v52 =	vadd.f32 v56, v52  }
0x284: {  	v53 =	vld.idx.msk [tilespmem:v63+s22+$0x0], $0xffff  }
0x285: {  	v62 =	vor.u32 $0x280F, v6;
	v52 =	vadd.f32 v57, v52  }
0x286: {  	v55 =	vld.idx.msk [tilespmem:v60+s22+$0x0], $0xffff  }
0x287: {  	v52 =	vadd.f32 v54, v52  }
0x288: {  	v63 =	vld.idx.msk [tilespmem:v61+s22+$0x0], $0xffff  }
0x289: {  	v52 =	vadd.f32 v53, v52  }
0x28a: {  	v56 =	vld.idx.msk [tilespmem:v62+s22+$0x0], $0xffff  }
0x28b: {  	v52 =	vadd.f32 v55, v52;
	_ =	sdelay $0x1  }
0x28c: {  	v52 =	vadd.f32 v63, v52;
	_ =	sdelay $0x1  }
0x28d: {  	v52 =	vadd.f32 v56, v52;
	_ =	sdelay $0x1  }
0x28e: {  	v52 =	vmul.f32 $1.562500000e-02, v52;
	_ =	sdelay $0x1  }
0x28f: {  	v57 =	vmul.f32 $8.333333770e-03, v52;
	_ =	sdelay $0x1  }
0x290: {  	v53 =	vadd.f32 $4.166666790e-02, v57;
	_ =	sdelay $0x1  }
0x291: {  	v53 =	vmul.f32 v53, v52;
	_ =	sdelay $0x1  }
0x292: {  	v53 =	vadd.f32 $1.666666720e-01, v53;
	_ =	sdelay $0x1  }
0x293: {  	v53 =	vmul.f32 v53, v52;
	_ =	sdelay $0x1  }
0x294: {  	v53 =	vadd.f32 $5.000000000e-01, v53;
	_ =	sdelay $0x1  }
0x295: {  	v53 =	vmul.f32 v53, v52;
	_ =	sdelay $0x1  }
0x296: {  	v53 =	vadd.f32 $1.000000000e+00, v53;
	_ =	sdelay $0x1  }
0x297: {  	v52 =	vmul.f32 v53, v52;
	_ =	sdelay $0x1  }
0x298: {  	v52 =	vadd.f32 $1.000000000e+00, v52;
	_ =	sdelay $0x1  }
0x299: {  	v52 =	vmul.f32 v52, v52;
	_ =	sdelay $0x1  }
0x29a: {  	v52 =	vmul.f32 v52, v52;
	_ =	sdelay $0x1  }
0x29b: {  	v52 =	vmul.f32 v52, v52;
	_ =	sdelay $0x1  }
0x29c: {  	v52 =	vmul.f32 v52, v52;
	_ =	sdelay $0x1  }
0x29d: {  	v52 =	vmul.f32 v52, v52  }
0x29e: {  	v58 =	vor.u32 $0x3000, v6  }
0x29f: {  	v59 =	vor.u32 s0, v9;
	v52 =	vmul.f32 v52, v52  }
0x2a0: {  	vm13 =	vlt.s32 v59, v51;
	v60 =	vor.u32 $0x3001, v6  }
0x2a1: {  	v52 =	vnsel vm13, $0x0, v52  }
0x2a2: {  	v61 =	vor.u32 $0x3002, v6;
	[tilespmem:$0x15350] =	vst v52  }
0x2a3: {  	v53 =	vld.idx.msk [tilespmem:v58+s22+$0x0], $0xffff  }
0x2a4: {  	v62 =	vor.u32 $0x3003, v6  }
0x2a5: {  	v54 =	vld.idx.msk [tilespmem:v60+s22+$0x0], $0xffff  }
0x2a6: {  	v63 =	vor.u32 $0x3004, v6  }
0x2a7: {  	v52 =	vld.idx.msk [tilespmem:v61+s22+$0x0], $0xffff  }
0x2a8: {  	v60 =	vor.u32 $0x3005, v6;
	v53 =	vadd.f32 $0.0e+00, v53  }
0x2a9: {  	v55 =	vld.idx.msk [tilespmem:v62+s22+$0x0], $0xffff  }
0x2aa: {  	v61 =	vor.u32 $0x3006, v6;
	v53 =	vadd.f32 v54, v53  }
0x2ab: {  	v56 =	vld.idx.msk [tilespmem:v63+s22+$0x0], $0xffff  }
0x2ac: {  	v62 =	vor.u32 $0x3007, v6;
	v52 =	vadd.f32 v52, v53  }
0x2ad: {  	v57 =	vld.idx.msk [tilespmem:v60+s22+$0x0], $0xffff  }
0x2ae: {  	v63 =	vor.u32 $0x3008, v6;
	v52 =	vadd.f32 v55, v52  }
0x2af: {  	v54 =	vld.idx.msk [tilespmem:v61+s22+$0x0], $0xffff  }
0x2b0: {  	v60 =	vor.u32 $0x3009, v6;
	v52 =	vadd.f32 v56, v52  }
0x2b1: {  	v53 =	vld.idx.msk [tilespmem:v62+s22+$0x0], $0xffff  }
0x2b2: {  	v61 =	vor.u32 $0x300A, v6;
	v52 =	vadd.f32 v57, v52  }
0x2b3: {  	v55 =	vld.idx.msk [tilespmem:v63+s22+$0x0], $0xffff  }
0x2b4: {  	v62 =	vor.u32 $0x300B, v6;
	v52 =	vadd.f32 v54, v52  }
0x2b5: {  	v56 =	vld.idx.msk [tilespmem:v60+s22+$0x0], $0xffff  }
0x2b6: {  	v63 =	vor.u32 $0x300C, v6;
	v52 =	vadd.f32 v53, v52  }
0x2b7: {  	v57 =	vld.idx.msk [tilespmem:v61+s22+$0x0], $0xffff  }
0x2b8: {  	v60 =	vor.u32 $0x300D, v6;
	v52 =	vadd.f32 v55, v52  }
0x2b9: {  	v54 =	vld.idx.msk [tilespmem:v62+s22+$0x0], $0xffff  }
0x2ba: {  	v61 =	vor.u32 $0x300E, v6;
	v52 =	vadd.f32 v56, v52  }
0x2bb: {  	v53 =	vld.idx.msk [tilespmem:v63+s22+$0x0], $0xffff  }
0x2bc: {  	v62 =	vor.u32 $0x300F, v6;
	v52 =	vadd.f32 v57, v52  }
0x2bd: {  	v55 =	vld.idx.msk [tilespmem:v60+s22+$0x0], $0xffff  }
0x2be: {  	v52 =	vadd.f32 v54, v52  }
0x2bf: {  	v63 =	vld.idx.msk [tilespmem:v61+s22+$0x0], $0xffff  }
0x2c0: {  	v52 =	vadd.f32 v53, v52  }
0x2c1: {  	v57 =	vld.idx.msk [tilespmem:v62+s22+$0x0], $0xffff  }
0x2c2: {  	v52 =	vadd.f32 v55, v52;
	_ =	sdelay $0x1  }
0x2c3: {  	v52 =	vadd.f32 v63, v52;
	_ =	sdelay $0x1  }
0x2c4: {  	v52 =	vadd.f32 v57, v52;
	_ =	sdelay $0x1  }
0x2c5: {  	v52 =	vmul.f32 $1.562500000e-02, v52;
	_ =	sdelay $0x1  }
0x2c6: {  	v58 =	vmul.f32 $8.333333770e-03, v52;
	_ =	sdelay $0x1  }
0x2c7: {  	v53 =	vadd.f32 $4.166666790e-02, v58;
	_ =	sdelay $0x1  }
0x2c8: {  	v53 =	vmul.f32 v53, v52;
	_ =	sdelay $0x1  }
0x2c9: {  	v53 =	vadd.f32 $1.666666720e-01, v53;
	_ =	sdelay $0x1  }
0x2ca: {  	v53 =	vmul.f32 v53, v52;
	_ =	sdelay $0x1  }
0x2cb: {  	v53 =	vadd.f32 $5.000000000e-01, v53;
	_ =	sdelay $0x1  }
0x2cc: {  	v53 =	vmul.f32 v53, v52;
	_ =	sdelay $0x1  }
0x2cd: {  	v53 =	vadd.f32 $1.000000000e+00, v53;
	_ =	sdelay $0x1  }
0x2ce: {  	v52 =	vmul.f32 v53, v52;
	_ =	sdelay $0x1  }
0x2cf: {  	v52 =	vadd.f32 $1.000000000e+00, v52;
	_ =	sdelay $0x1  }
0x2d0: {  	v52 =	vmul.f32 v52, v52;
	_ =	sdelay $0x1  }
0x2d1: {  	v52 =	vmul.f32 v52, v52;
	_ =	sdelay $0x1  }
0x2d2: {  	v52 =	vmul.f32 v52, v52;
	_ =	sdelay $0x1  }
0x2d3: {  	v52 =	vmul.f32 v52, v52;
	_ =	sdelay $0x1  }
0x2d4: {  	v52 =	vmul.f32 v52, v52  }
0x2d5: {  	v59 =	vor.u32 $0x3800, v6  }
0x2d6: {  	v60 =	vor.u32 s0, v10;
	v52 =	vmul.f32 v52, v52  }
0x2d7: {  	v61 =	vor.u32 $0x3801, v6;
	vm14 =	vlt.s32 v60, v51  }
0x2d8: {  	v52 =	vnsel vm14, $0x0, v52  }
0x2d9: {  	v62 =	vor.u32 $0x3802, v6;
	[tilespmem:$0x15360] =	vst v52  }
0x2da: {  	v53 =	vld.idx.msk [tilespmem:v59+s22+$0x0], $0xffff  }
0x2db: {  	v63 =	vor.u32 $0x3803, v6  }
0x2dc: {  	v54 =	vld.idx.msk [tilespmem:v61+s22+$0x0], $0xffff  }
0x2dd: {  	v60 =	vor.u32 $0x3804, v6  }
0x2de: {  	v52 =	vld.idx.msk [tilespmem:v62+s22+$0x0], $0xffff  }
0x2df: {  	v61 =	vor.u32 $0x3805, v6;
	v53 =	vadd.f32 $0.0e+00, v53  }
0x2e0: {  	v55 =	vld.idx.msk [tilespmem:v63+s22+$0x0], $0xffff  }
0x2e1: {  	v62 =	vor.u32 $0x3806, v6;
	v53 =	vadd.f32 v54, v53  }
0x2e2: {  	v56 =	vld.idx.msk [tilespmem:v60+s22+$0x0], $0xffff  }
0x2e3: {  	v63 =	vor.u32 $0x3807, v6;
	v52 =	vadd.f32 v52, v53  }
0x2e4: {  	v57 =	vld.idx.msk [tilespmem:v61+s22+$0x0], $0xffff  }
0x2e5: {  	v60 =	vor.u32 $0x3808, v6;
	v52 =	vadd.f32 v55, v52  }
0x2e6: {  	v54 =	vld.idx.msk [tilespmem:v62+s22+$0x0], $0xffff  }
0x2e7: {  	v61 =	vor.u32 $0x3809, v6;
	v52 =	vadd.f32 v56, v52  }
0x2e8: {  	v53 =	vld.idx.msk [tilespmem:v63+s22+$0x0], $0xffff  }
0x2e9: {  	v62 =	vor.u32 $0x380A, v6;
	v52 =	vadd.f32 v57, v52  }
0x2ea: {  	v55 =	vld.idx.msk [tilespmem:v60+s22+$0x0], $0xffff  }
0x2eb: {  	v63 =	vor.u32 $0x380B, v6;
	v52 =	vadd.f32 v54, v52  }
0x2ec: {  	v56 =	vld.idx.msk [tilespmem:v61+s22+$0x0], $0xffff  }
0x2ed: {  	v60 =	vor.u32 $0x380C, v6;
	v52 =	vadd.f32 v53, v52  }
0x2ee: {  	v57 =	vld.idx.msk [tilespmem:v62+s22+$0x0], $0xffff  }
0x2ef: {  	v61 =	vor.u32 $0x380D, v6;
	v52 =	vadd.f32 v55, v52  }
0x2f0: {  	v54 =	vld.idx.msk [tilespmem:v63+s22+$0x0], $0xffff  }
0x2f1: {  	v62 =	vor.u32 $0x380E, v6;
	v52 =	vadd.f32 v56, v52  }
0x2f2: {  	v53 =	vld.idx.msk [tilespmem:v60+s22+$0x0], $0xffff  }
0x2f3: {  	v63 =	vor.u32 $0x380F, v6;
	v52 =	vadd.f32 v57, v52  }
0x2f4: {  	v55 =	vld.idx.msk [tilespmem:v61+s22+$0x0], $0xffff  }
0x2f5: {  	v52 =	vadd.f32 v54, v52  }
0x2f6: {  	v58 =	vld.idx.msk [tilespmem:v62+s22+$0x0], $0xffff  }
0x2f7: {  	v52 =	vadd.f32 v53, v52  }
0x2f8: {  	v59 =	vld.idx.msk [tilespmem:v63+s22+$0x0], $0xffff  }
0x2f9: {  	v52 =	vadd.f32 v55, v52;
	_ =	sdelay $0x1  }
0x2fa: {  	v52 =	vadd.f32 v58, v52;
	_ =	sdelay $0x1  }
0x2fb: {  	v52 =	vadd.f32 v59, v52;
	_ =	sdelay $0x1  }
0x2fc: {  	v52 =	vmul.f32 $1.562500000e-02, v52;
	_ =	sdelay $0x1  }
0x2fd: {  	v60 =	vmul.f32 $8.333333770e-03, v52;
	_ =	sdelay $0x1  }
0x2fe: {  	v53 =	vadd.f32 $4.166666790e-02, v60;
	_ =	sdelay $0x1  }
0x2ff: {  	v53 =	vmul.f32 v53, v52;
	_ =	sdelay $0x1  }
0x300: {  	v53 =	vadd.f32 $1.666666720e-01, v53;
	_ =	sdelay $0x1  }
0x301: {  	v53 =	vmul.f32 v53, v52;
	_ =	sdelay $0x1  }
0x302: {  	v53 =	vadd.f32 $5.000000000e-01, v53;
	_ =	sdelay $0x1  }
0x303: {  	v53 =	vmul.f32 v53, v52;
	_ =	sdelay $0x1  }
0x304: {  	v53 =	vadd.f32 $1.000000000e+00, v53;
	_ =	sdelay $0x1  }
0x305: {  	v52 =	vmul.f32 v53, v52;
	_ =	sdelay $0x1  }
0x306: {  	v52 =	vadd.f32 $1.000000000e+00, v52;
	_ =	sdelay $0x1  }
0x307: {  	v52 =	vmul.f32 v52, v52;
	_ =	sdelay $0x1  }
0x308: {  	v52 =	vmul.f32 v52, v52;
	_ =	sdelay $0x1  }
0x309: {  	v52 =	vmul.f32 v52, v52;
	_ =	sdelay $0x1  }
0x30a: {  	v52 =	vmul.f32 v52, v52;
	_ =	sdelay $0x1  }
0x30b: {  	s3 =	simm.s32 $0x0;
	v52 =	vmul.f32 v52, v52  }
0x30c: {  	v61 =	vmov s3  }
0x30d: {  	v62 =	vor.u32 s0, v11;
	v52 =	vmul.f32 v52, v52  }
0x30e: {  	vm15 =	vlt.s32 v62, v51  }
0x30f: {  	v52 =	vnsel vm15, $0x0, v52  }
0x310: {  	[tilespmem:$0x15370] =	vst v52  }
0x311: {  	v52 =	vld.idx.msk [tilespmem:v61+s21+$0x0], $0xffff;
	_ =	sdelay $0x2  }
0x312: {  	v54 =	vld.idx.msk [tilespmem:v61+s23+$0x0], $0xffff;
	_ =	sdelay $0x4  }
0x313: {  	s0 =	simm.s32 $0x3340;
	[tilespmem:v52+s24+$0x0] =	vst.idx.add.f32.msk $0x1, v54  }
0x314: {  	v63 =	vld [tilespmem:s0+$0xFFFFFFC0]  }
0x315: {  	v52 =	vshll.u32 v52, $0x7  }
0x316: {  	v57 =	vor.u32 v3, v52;
	_ =	sdelay $0x2  }
0x317: {  	v53 =	vmul.f32 v63, v54;
	_ =	sdelay $0x1  }
0x318: {  	[tilespmem:v57+s25+$0x0] =	vst.idx.add.f32.msk $0xffff, v53  }
0x319: {  	v53 =	vld [tilespmem:s0+$0xFFFFFFD0];
	_ =	sdelay $0x1  }
0x31a: {  	v58 =	vor.u32 v4, v52;
	_ =	sdelay $0x2  }
0x31b: {  	v53 =	vmul.f32 v53, v54;
	_ =	sdelay $0x1  }
0x31c: {  	[tilespmem:v58+s25+$0x0] =	vst.idx.add.f32.msk $0xffff, v53  }
0x31d: {  	v53 =	vld [tilespmem:s0+$0xFFFFFFE0];
	_ =	sdelay $0x1  }
0x31e: {  	v59 =	vor.u32 v5, v52;
	_ =	sdelay $0x2  }
0x31f: {  	v53 =	vmul.f32 v53, v54;
	_ =	sdelay $0x1  }
0x320: {  	[tilespmem:v59+s25+$0x0] =	vst.idx.add.f32.msk $0xffff, v53  }
0x321: {  	v53 =	vld [tilespmem:s0+$0xFFFFFFF0];
	_ =	sdelay $0x1  }
0x322: {  	v60 =	vor.u32 v7, v52;
	_ =	sdelay $0x2  }
0x323: {  	v53 =	vmul.f32 v53, v54;
	_ =	sdelay $0x1  }
0x324: {  	[tilespmem:v60+s25+$0x0] =	vst.idx.add.f32.msk $0xffff, v53  }
0x325: {  	v53 =	vld [tilespmem:s0+$0x0];
	_ =	sdelay $0x1  }
0x326: {  	v61 =	vor.u32 v8, v52;
	_ =	sdelay $0x2  }
0x327: {  	v53 =	vmul.f32 v53, v54;
	_ =	sdelay $0x1  }
0x328: {  	[tilespmem:v61+s25+$0x0] =	vst.idx.add.f32.msk $0xffff, v53  }
0x329: {  	v53 =	vld [tilespmem:s0+$0x10];
	_ =	sdelay $0x1  }
0x32a: {  	v62 =	vor.u32 v9, v52;
	_ =	sdelay $0x2  }
0x32b: {  	v53 =	vmul.f32 v53, v54;
	_ =	sdelay $0x1  }
0x32c: {  	[tilespmem:v62+s25+$0x0] =	vst.idx.add.f32.msk $0xffff, v53  }
0x32d: {  	v53 =	vld [tilespmem:s0+$0x20];
	_ =	sdelay $0x1  }
0x32e: {  	v63 =	vor.u32 v10, v52;
	_ =	sdelay $0x2  }
0x32f: {  	v53 =	vmul.f32 v53, v54;
	_ =	sdelay $0x1  }
0x330: {  	[tilespmem:v63+s25+$0x0] =	vst.idx.add.f32.msk $0xffff, v53  }
0x331: {  	v55 =	vld [tilespmem:s0+$0x30];
	_ =	sdelay $0x1  }
0x332: {  	s11 =	simm.s32 $0x1;
	v53 =	vor.u32 v11, v52  }
0x333: {  	v52 =	vmov s11;
	_ =	sdelay $0x1  }
0x334: {  	s2 =	simm.s32 $0x2;
	v54 =	vmul.f32 v55, v54  }
.LBB2_13:
0x335: {  	p0 =	sne.s32 s2, $0x7F  }
0x336: {  	s0 =	sadd.s32 $0x80, s0;
	s3 =	smov.u32 s2;
	s2 =	sadd.s32 $0x1, s2;
	[tilespmem:v53+s25+$0x0] =	vst.idx.add.f32.msk $0xffff, v54  }
0x337: {  	v53 =	vld.idx.msk [tilespmem:v52+s21+$0x0], $0xffff;
	_ =	sdelay $0x1  }
0x338: {  	v54 =	vld.idx.msk [tilespmem:v52+s23+$0x0], $0xffff;
	_ =	sdelay $0x3  }
0x339: {  	v52 =	vshll.u32 v53, $0x7;
	_ =	sdelay $0x1  }
0x33a: {  	[tilespmem:v53+s24+$0x0] =	vst.idx.add.f32.msk $0x1, v54  }
0x33b: {  	v53 =	vld [tilespmem:s0+$0xFFFFFFC0];
	_ =	sdelay $0x1  }
0x33c: {  	v55 =	vor.u32 v3, v52;
	_ =	sdelay $0x2  }
0x33d: {  	v53 =	vmul.f32 v53, v54;
	_ =	sdelay $0x1  }
0x33e: {  	[tilespmem:v55+s25+$0x0] =	vst.idx.add.f32.msk $0xffff, v53  }
0x33f: {  	v53 =	vld [tilespmem:s0+$0xFFFFFFD0];
	_ =	sdelay $0x1  }
0x340: {  	v55 =	vor.u32 v4, v52;
	_ =	sdelay $0x2  }
0x341: {  	v53 =	vmul.f32 v53, v54;
	_ =	sdelay $0x1  }
0x342: {  	[tilespmem:v55+s25+$0x0] =	vst.idx.add.f32.msk $0xffff, v53  }
0x343: {  	v53 =	vld [tilespmem:s0+$0xFFFFFFE0];
	_ =	sdelay $0x1  }
0x344: {  	v55 =	vor.u32 v5, v52;
	_ =	sdelay $0x2  }
0x345: {  	v53 =	vmul.f32 v53, v54;
	_ =	sdelay $0x1  }
0x346: {  	[tilespmem:v55+s25+$0x0] =	vst.idx.add.f32.msk $0xffff, v53  }
0x347: {  	v53 =	vld [tilespmem:s0+$0xFFFFFFF0];
	_ =	sdelay $0x1  }
0x348: {  	v55 =	vor.u32 v7, v52;
	_ =	sdelay $0x2  }
0x349: {  	v53 =	vmul.f32 v53, v54;
	_ =	sdelay $0x1  }
0x34a: {  	[tilespmem:v55+s25+$0x0] =	vst.idx.add.f32.msk $0xffff, v53  }
0x34b: {  	v53 =	vld [tilespmem:s0+$0x0];
	_ =	sdelay $0x1  }
0x34c: {  	v55 =	vor.u32 v8, v52;
	_ =	sdelay $0x2  }
0x34d: {  	v53 =	vmul.f32 v53, v54;
	_ =	sdelay $0x1  }
0x34e: {  	[tilespmem:v55+s25+$0x0] =	vst.idx.add.f32.msk $0xffff, v53  }
0x34f: {  	v53 =	vld [tilespmem:s0+$0x10];
	_ =	sdelay $0x1  }
0x350: {  	v55 =	vor.u32 v9, v52;
	_ =	sdelay $0x2  }
0x351: {  	v53 =	vmul.f32 v53, v54;
	_ =	sdelay $0x1  }
0x352: {  	[tilespmem:v55+s25+$0x0] =	vst.idx.add.f32.msk $0xffff, v53  }
0x353: {  	v53 =	vld [tilespmem:s0+$0x20];
	_ =	sdelay $0x1  }
0x354: {  	v55 =	vor.u32 v10, v52;
	_ =	sdelay $0x2  }
0x355: {  	v53 =	vmul.f32 v53, v54;
	_ =	sdelay $0x1  }
0x356: {  	[tilespmem:v55+s25+$0x0] =	vst.idx.add.f32.msk $0xffff, v53  }
0x357: {  	v55 =	vld [tilespmem:s0+$0x30]  }
.Ltmp9:
0x358: {  	(pc) =	sbr.rel @p0 .LBB2_13-.Ltmp9, $3  }
0x359: {  	v53 =	vor.u32 v11, v52  }
0x35a: {  	v52 =	vmov s3;
	_ =	sdelay $0x1  }
0x35b: {  	v54 =	vmul.f32 v55, v54  }
0x35c: {  	_ =	sdelay $0x3  }
0x35d: {  	[tilespmem:v53+s25+$0x0] =	vst.idx.add.f32.msk $0xffff, v54  }
0x35e: {  	v53 =	vld.idx.msk [tilespmem:v52+s21+$0x0], $0xffff;
	_ =	sdelay $0x2  }
0x35f: {  	v57 =	vld.idx.msk [tilespmem:v52+s23+$0x0], $0xffff;
	_ =	sdelay $0x4  }
0x360: {  	s0 =	sadd.s32 $0x80, s0;
	[tilespmem:v53+s24+$0x0] =	vst.idx.add.f32.msk $0x1, v57  }
0x361: {  	v54 =	vld [tilespmem:s0+$0xFFFFFFC0]  }
0x362: {  	v53 =	vshll.u32 v53, $0x7  }
0x363: {  	v55 =	vor.u32 v3, v53;
	_ =	sdelay $0x2  }
0x364: {  	v54 =	vmul.f32 v54, v57;
	_ =	sdelay $0x1  }
0x365: {  	[tilespmem:v55+s25+$0x0] =	vst.idx.add.f32.msk $0xffff, v54  }
0x366: {  	v54 =	vld [tilespmem:s0+$0xFFFFFFD0];
	_ =	sdelay $0x1  }
0x367: {  	v58 =	vor.u32 v4, v53;
	_ =	sdelay $0x2  }
0x368: {  	v54 =	vmul.f32 v54, v57;
	_ =	sdelay $0x1  }
0x369: {  	[tilespmem:v58+s25+$0x0] =	vst.idx.add.f32.msk $0xffff, v54  }
0x36a: {  	v54 =	vld [tilespmem:s0+$0xFFFFFFE0];
	_ =	sdelay $0x1  }
0x36b: {  	v59 =	vor.u32 v5, v53;
	_ =	sdelay $0x2  }
0x36c: {  	v54 =	vmul.f32 v54, v57;
	_ =	sdelay $0x1  }
0x36d: {  	[tilespmem:v59+s25+$0x0] =	vst.idx.add.f32.msk $0xffff, v54  }
0x36e: {  	v54 =	vld [tilespmem:s0+$0xFFFFFFF0];
	_ =	sdelay $0x1  }
0x36f: {  	v60 =	vor.u32 v7, v53;
	_ =	sdelay $0x2  }
0x370: {  	v54 =	vmul.f32 v54, v57;
	_ =	sdelay $0x1  }
0x371: {  	[tilespmem:v60+s25+$0x0] =	vst.idx.add.f32.msk $0xffff, v54  }
0x372: {  	v54 =	vld [tilespmem:s0+$0x0];
	_ =	sdelay $0x1  }
0x373: {  	v61 =	vor.u32 v8, v53;
	_ =	sdelay $0x2  }
0x374: {  	v54 =	vmul.f32 v54, v57;
	_ =	sdelay $0x1  }
0x375: {  	[tilespmem:v61+s25+$0x0] =	vst.idx.add.f32.msk $0xffff, v54  }
0x376: {  	v54 =	vld [tilespmem:s0+$0x10];
	_ =	sdelay $0x1  }
0x377: {  	v62 =	vor.u32 v9, v53;
	_ =	sdelay $0x2  }
0x378: {  	v54 =	vmul.f32 v54, v57;
	_ =	sdelay $0x1  }
0x379: {  	[tilespmem:v62+s25+$0x0] =	vst.idx.add.f32.msk $0xffff, v54  }
0x37a: {  	v54 =	vld [tilespmem:s0+$0x20];
	_ =	sdelay $0x1  }
0x37b: {  	v63 =	vor.u32 v10, v53;
	_ =	sdelay $0x2  }
0x37c: {  	v54 =	vmul.f32 v54, v57;
	_ =	sdelay $0x1  }
0x37d: {  	[tilespmem:v63+s25+$0x0] =	vst.idx.add.f32.msk $0xffff, v54  }
0x37e: {  	v54 =	vld [tilespmem:s0+$0x30]  }
0x37f: {  	s1 =	sadd.s32 $0x1, s1  }
0x380: {  	p0 =	sne.s32 s1, s30;
	v53 =	vor.u32 v11, v53  }
.Ltmp10:
0x381: {  	_ = 	snop;
	(pc) =	sbr.rel @p0 .LBB2_10-.Ltmp10, $4  }
.Ltmp11:
0x382: {  	_ = 	snop;
	(pc) =	sbr.rel @!p0 .LBB2_15-.Ltmp11, $4  }
0x383: {  	v52 =	vmul.f32 v54, v57  }
0x384: {  	_ = 	snop  }
0x385: {  	[tilespmem:v53+s25+$0x0] =	vst.idx.add.f32.msk $0xffff, v52  }
0x386: {  	_ = 	snop  }
.LBB2_17:
0x387: {  	_ =	sfence.sel $0x180000  }
0x388: {  	[bflag:$0x0] =	sbarrier.arrive $0xFFFF  }
0x389: {  	_ =	strace $0x90000047  }
0x38a: {  	s0 =	stileid.u32;
	[bflag:$0x2] =	sbarrier.arrive $0xFFFF  }
0x38b: {  	p0 =	sne.s32 s0, $0x0;
	s0 =	rddreg [dreg:$0x2]  }
0x38c: {  	s0 =	sadd.s32 @!p0 $0x100000, s0  }
0x38d: {  	[sflag:s0] =	ssyncadd.tile.s32 @!p0 $0x1;
	_ =	shalt  }
.Lfunc_end2:
_tile_overlayer_lowered:
.L_overlay_start_2:
0x38e: {  	(tag) =	ssettag $0x2  }
0x38f: {  	s0 =	rddreg [dreg:$0x0];
	s2 =	stileid.u32  }
0x390: {  	s1 =	rddreg [dreg:$0x1];
	p0 =	sne.s32 s2, $0x0  }
0x391: {  	s3 =	rddreg [dreg:$0x2];
	[bflag:$0x3] =	sbarrier.arrive $0xFFFF;
	s2 =	simm.s32 @!p0 $0x1C02  }
0x392: {  	[timem:s3], [sflag:s2] =	dma.local @!p0 [hbm:s0], s1  }
0x393: {  	s0 =	simm.s32 @!p0 $0x2  }
0x394: {  	_ =	swait.ge @!p0 [sflag:s0], s1  }
0x395: {  	s1 =	ssub.s32 @!p0 $0x0, s1;
	[sflag:s0] =	ssyncset.done @!p0 $0x0  }
0x396: {  	[sflag:s0] =	ssyncadd.s32 @!p0 s1  }
0x397: {  	[bflag:$0x3] =	sbarrier.arrive $0xFFFF  }
0x398: {  	_ =	shalt  }

</sc_bundles>
